<compile_context>
chip_gen: v7x
topology: tpu7x:2x2x1
jax: 0.10.2.dev20260603
libtpu: 0.0.44.dev20260713+nightly
codegen_flags: <defaults>
</compile_context>

<pallas_src>
import functools

import numpy as np
import jax
import jax.numpy as jnp
from jax import lax
from jax.experimental import pallas as pl
from jax.experimental.pallas import tpu as pltpu
from jax.experimental.pallas import tpu_sc as plsc

_B = 2
_N = 8192
_RADII = [[0.2, 0.8], [0.8, 1.6], [1.6, 4.8], [4.8, 6.4]]
_NSAMPLE = [16, 32]
_MAXT = (3.0, 3.0, 2.0)


def _fps(xyz_b, m):
    bsz, n, _ = xyz_b.shape
    nr = n // 128
    planes = xyz_b.transpose(0, 2, 1).reshape(bsz, 3, nr, 128)

    def body(pl_ref, rows_ref, o_ref, d_sc):
        xyz_p = [(pl_ref[b, 0], pl_ref[b, 1], pl_ref[b, 2])
                 for b in range(bsz)]
        flat = (lax.broadcasted_iota(jnp.int32, (nr, 128), 0) * 128
                + lax.broadcasted_iota(jnp.int32, (nr, 128), 1))
        for b in range(bsz):
            d_sc[b] = jnp.full((nr, 128), 1e10, jnp.float32)

        def step(i, fars):
            new_f = []
            for b in range(bsz):
                x, y, z = xyz_p[b]
                row = rows_ref[b, pl.ds(fars[b], 1), :]
                o_ref[b, pl.ds(i, 1), :] = row
                d = ((x - row[0, 0]) ** 2 + (y - row[0, 1]) ** 2
                     + (z - row[0, 2]) ** 2)
                dist = jnp.minimum(d_sc[b], d)
                d_sc[b] = dist
                mx = jnp.max(dist)
                new_f.append(jnp.min(jnp.where(dist == mx, flat,
                                               jnp.int32(n))))
            return tuple(new_f)

        lax.fori_loop(0, m, step, tuple(jnp.int32(0) for _ in range(bsz)))

    return pl.pallas_call(
        body,
        grid=(1,),
        in_specs=[pl.BlockSpec((bsz, 3, nr, 128), lambda g: (0, 0, 0, 0)),
                  pl.BlockSpec((bsz, n, 3), lambda g: (0, 0, 0))],
        out_specs=pl.BlockSpec((bsz, m, 3), lambda g: (0, 0, 0)),
        out_shape=jax.ShapeDtypeStruct((bsz, m, 3), jnp.float32),
        scratch_shapes=[pltpu.VMEM((bsz, nr, 128), jnp.float32)],
    )(planes, xyz_b)


def _knn(q, keys, r2max, k=32):
    bsz, s, _ = q.shape
    n = keys.shape[1]
    kp = keys.transpose(0, 2, 1)
    sb = 32

    def body(q_ref, k_ref, gi_ref, dv_ref, d_sc):
        qv = q_ref[0]
        kx = k_ref[0, 0:1, :]
        ky = k_ref[0, 1:2, :]
        kz = k_ref[0, 2:3, :]
        d_sc[...] = ((qv[:, 0:1] - kx) ** 2 + (qv[:, 1:2] - ky) ** 2
                     + (qv[:, 2:3] - kz) ** 2)
        lane_k = lax.broadcasted_iota(jnp.int32, (sb, k), 1)
        flat = lax.broadcasted_iota(jnp.int32, (sb, n), 1)

        def cond(carry):
            t, _, _, mprev = carry
            return (t < k) & ((t == 0) | (jnp.min(mprev) <= r2max))

        def step(carry):
            t, gi, dv, _ = carry
            d = d_sc[...]
            m = jnp.min(d, axis=1, keepdims=True)
            sel = jnp.min(jnp.where(d == m, flat, jnp.int32(n)),
                          axis=1, keepdims=True)
            gi = jnp.where(lane_k == t, sel, gi)
            dv = jnp.where(lane_k == t, m, dv)
            d_sc[...] = jnp.where(flat == sel, jnp.float32(np.inf), d)
            return t + 1, gi, dv, m

        _, gi, dv, _ = lax.while_loop(
            cond, step,
            (jnp.int32(0), jnp.zeros((sb, k), jnp.int32),
             jnp.full((sb, k), np.inf, jnp.float32),
             jnp.zeros((sb, 1), jnp.float32)))
        gi_ref[0] = gi
        dv_ref[0] = dv

    return pl.pallas_call(
        body,
        grid=(bsz, s // sb),
        in_specs=[pl.BlockSpec((1, sb, 3), lambda b, i: (b, i, 0)),
                  pl.BlockSpec((1, 3, n), lambda b, i: (b, 0, 0))],
        out_specs=[pl.BlockSpec((1, sb, k), lambda b, i: (b, i, 0)),
                   pl.BlockSpec((1, sb, k), lambda b, i: (b, i, 0))],
        out_shape=[jax.ShapeDtypeStruct((bsz, s, k), jnp.int32),
                   jax.ShapeDtypeStruct((bsz, s, k), jnp.float32)],
        scratch_shapes=[pltpu.VMEM((sb, n), jnp.float32)],
    )(q, kp)


def _gather_rows(table, idx):
    v, d = table.shape
    m = idx.shape[0]
    nw = 32
    b_per_w = m // nw
    rpc = 128
    nch = b_per_w // rpc
    mesh = plsc.VectorSubcoreMesh(core_axis_name="c", subcore_axis_name="s")

    @functools.partial(
        pl.kernel, mesh=mesh,
        out_type=jax.ShapeDtypeStruct((m, d), jnp.float32),
        scratch_types=[pltpu.VMEM((rpc,), jnp.int32),
                       pltpu.VMEM((rpc, d), jnp.float32),
                       pltpu.SemaphoreType.DMA],
        compiler_params=pltpu.CompilerParams(use_tc_tiling_on_sc=False),
    )
    def k(table_hbm, idx_hbm, out_hbm, idx_v, rows_v, sem):
        wid = lax.axis_index("s") * 2 + lax.axis_index("c")
        base = wid * b_per_w

        def chunk(ci, carry):
            off = base + ci * rpc
            pltpu.sync_copy(idx_hbm.at[pl.ds(off, rpc)], idx_v)
            pltpu.async_copy(table_hbm.at[idx_v], rows_v, sem).wait()
            pltpu.sync_copy(rows_v, out_hbm.at[pl.ds(off, rpc)])
            return carry

        lax.fori_loop(0, nch, chunk, 0)

    return k(table, idx)


def _gather(xyz, feats, gi, dpad):
    bsz, n, _ = xyz.shape
    _, s, kk = gi.shape
    tab = jnp.concatenate([xyz, feats], axis=-1)
    c = tab.shape[-1]
    tab = jnp.pad(tab, ((0, 0), (0, 0), (0, dpad - c)))
    tab2 = tab.reshape(bsz * n, dpad)
    offs = (jnp.arange(bsz, dtype=jnp.int32) * n)[:, None, None]
    flat_idx = (gi + offs).reshape(bsz * s * kk)
    out = _gather_rows(tab2, flat_idx)
    return out.reshape(bsz, s, kk, dpad)


def _sa_mlp(gath, ctr, dv, p, cin, radii):
    bsz, s, kk, dp = gath.shape
    sb = 64
    ws, shapes = [], []
    for layers in p['scales']:
        for (w, b) in layers:
            ws.append(w)
            ws.append(b.reshape(1, -1))
    wa, ba = p['agg']
    ws.append(wa)
    ws.append(ba.reshape(1, -1))
    cout = wa.shape[1]
    nlay = [len(layers) for layers in p['scales']]

    def body(g_ref, c_ref, dv_ref, *refs):
        o_ref = refs[-1]
        wr = refs[:-1]
        g = g_ref[0]
        cc = c_ref[0]
        dvv = dv_ref[0]
        rel = g[:, :, 0:3] - cc[:, None, :]
        feat = g[:, :, 3:3 + cin]
        inp = jnp.concatenate([rel, feat], axis=-1)
        outs = []
        wi = 0
        for si, r in enumerate(radii):
            ns = _NSAMPLE[si]
            x = inp[:, :ns, :].reshape(sb * ns, cin + 3)
            for _ in range(nlay[si]):
                w = wr[wi][...]
                b = wr[wi + 1][...]
                wi += 2
                x = jnp.maximum(
                    jnp.dot(x, w, preferred_element_type=jnp.float32) + b, 0.0)
            ck = x.shape[1]
            x3 = x.reshape(sb, ns, ck)
            r2 = np.float32(r * r)
            valid = dvv[:, :ns] <= r2
            acc = x3[:, 0, :]
            for t in range(1, ns):
                vt = valid[:, t:t + 1]
                acc = jnp.maximum(acc, jnp.where(vt, x3[:, t, :], 0.0))
            outs.append(acc)
        cat = jnp.concatenate(outs, axis=-1)
        w = wr[wi][...]
        b = wr[wi + 1][...]
        o_ref[0] = jnp.maximum(
            jnp.dot(cat, w, preferred_element_type=jnp.float32) + b, 0.0)

    w_specs = [pl.BlockSpec(w.shape, lambda b, i: (0,) * w.ndim) for w in ws]
    return pl.pallas_call(
        body,
        grid=(bsz, s // sb),
        in_specs=[pl.BlockSpec((1, sb, kk, dp), lambda b, i: (b, i, 0, 0)),
                  pl.BlockSpec((1, sb, 3), lambda b, i: (b, i, 0)),
                  pl.BlockSpec((1, sb, kk), lambda b, i: (b, i, 0))] + w_specs,
        out_specs=pl.BlockSpec((1, sb, cout), lambda b, i: (b, i, 0)),
        out_shape=jax.ShapeDtypeStruct((bsz, s, cout), jnp.float32),
    )(gath, ctr, dv, *ws)


def _vote(xyz, feats, p):
    bsz, s, c = feats.shape
    w1, b1 = p['mlp']
    wr, br = p['reg']
    wr3 = wr[:, :3]
    br3 = br[:3].reshape(1, 3)
    b1r = b1.reshape(1, -1)

    def body(x_ref, f_ref, w1_ref, b1_ref, wr_ref, br_ref, c_ref, o_ref):
        f = f_ref[0]
        f1 = jnp.maximum(
            jnp.dot(f, w1_ref[...], preferred_element_type=jnp.float32)
            + b1_ref[...], 0.0)
        off = jnp.dot(f1, wr_ref[...], preferred_element_type=jnp.float32) \
            + br_ref[...]
        lane3 = lax.broadcasted_iota(jnp.int32, (1, 3), 1)
        mt = jnp.where(lane3 == 2, jnp.float32(2.0), jnp.float32(3.0))
        lim = jnp.clip(off, -mt, mt)
        c_ref[0] = x_ref[0] + lim
        o_ref[0] = off

    return pl.pallas_call(
        body,
        grid=(bsz,),
        in_specs=[pl.BlockSpec((1, s, 3), lambda b: (b, 0, 0)),
                  pl.BlockSpec((1, s, c), lambda b: (b, 0, 0)),
                  pl.BlockSpec(w1.shape, lambda b: (0, 0)),
                  pl.BlockSpec(b1r.shape, lambda b: (0, 0)),
                  pl.BlockSpec(wr3.shape, lambda b: (0, 0)),
                  pl.BlockSpec(br3.shape, lambda b: (0, 0))],
        out_specs=[pl.BlockSpec((1, s, 3), lambda b: (b, 0, 0)),
                   pl.BlockSpec((1, s, 3), lambda b: (b, 0, 0))],
        out_shape=[jax.ShapeDtypeStruct((bsz, s, 3), jnp.float32),
                   jax.ShapeDtypeStruct((bsz, s, 3), jnp.float32)],
    )(xyz, feats, w1, b1r, wr3, br3)


def kernel(points, params):
    xyz0 = points[:, 1:4].reshape(_B, _N, 3)
    feat0 = points[:, 4:].reshape(_B, _N, -1)
    sa = params['sa']

    nx1 = _fps(xyz0, 2048)
    nx2 = _fps(nx1, 512)
    nx3 = _fps(nx2, 256)
    gi1, dv1 = _knn(nx1, xyz0, np.float32(_RADII[0][1] ** 2))
    gi2, dv2 = _knn(nx2, nx1, np.float32(_RADII[1][1] ** 2))
    gi3, dv3 = _knn(nx3, nx2, np.float32(_RADII[2][1] ** 2))

    ga1 = _gather(xyz0, feat0, gi1, 16)
    f1 = _sa_mlp(ga1, nx1, dv1, sa[0], 1, _RADII[0])
    ga2 = _gather(nx1, f1, gi2, 80)
    f2 = _sa_mlp(ga2, nx2, dv2, sa[1], 64, _RADII[1])
    ga3 = _gather(nx2, f2, gi3, 144)
    f3 = _sa_mlp(ga3, nx3, dv3, sa[2], 128, _RADII[2])

    centers, offs = _vote(nx3, f3, params['vote'])
    gi4, dv4 = _knn(centers, nx3, np.float32(_RADII[3][1] ** 2))
    ga4 = _gather(nx3, f3, gi4, 272)
    cf = _sa_mlp(ga4, centers, dv4, sa[3], 256, _RADII[3])

    s = centers.shape[1]
    bidx = jnp.repeat(jnp.arange(_B, dtype=jnp.float32), s)[:, None]
    centers_cat = jnp.concatenate([bidx, centers.reshape(-1, 3)], axis=1)
    origin_cat = jnp.concatenate([bidx, nx3.reshape(-1, 3)], axis=1)
    off_cat = jnp.concatenate([bidx, offs.reshape(-1, 3)], axis=1)
    cf2 = cf.reshape(_B * s, -1)
    return centers_cat, origin_cat, off_cat, cf2

# --- scband reference (transcript-rebuilt; emitter-appended) ---
"""Pipeline reference for scband-multi-scale-ssdbackbone-51247549776295 (READ-ONLY COPY).

The authoritative reference and input builder live on the scoring server;
editing this copy changes nothing except your own understanding.
"""

import jax, jax.numpy as jnp
import numpy as np

B = 2
N = 8192
LAYER_TYPES = ['SA', 'SA', 'SA', 'VOTE', 'SA']
LAYER_INPUT = [0, 1, 2, 3, 3]
CTR_INDEX = [-1, -1, -1, -1, 4]
NPOINT = [2048, 512, 256, None, 256]
RADII = [[0.2, 0.8], [0.8, 1.6], [1.6, 4.8], None, [4.8, 6.4]]
NSAMPLE = [[16, 32], [16, 32], [16, 32], None, [16, 32]]
SCALE_MLPS = [
    [[1, 16, 16, 32], [1, 32, 32, 64]],
    [[64, 64, 64, 128], [64, 96, 96, 128]],
    [[128, 128, 128, 256], [128, 256, 256, 256]],
    [[256, 256, 256, 512], [256, 512, 512, 512]],
]
AGG_CH = [64, 128, 256, 512]
MAX_TRANSLATE = jnp.array([3.0, 3.0, 2.0], dtype=jnp.float32)


def _lin(key, cin, cout):
    kw, _ = jax.random.split(key)
    return (jax.random.normal(kw, (cin, cout), dtype=jnp.float32) * 0.05,
            jnp.zeros((cout,), dtype=jnp.float32))


def setup_inputs(seed: int = 0):
    key = jax.random.key(seed)
    k_xyz, k_int, k_p = jax.random.split(key, 3)
    lo = jnp.array([0.0, -40.0, -3.0], dtype=jnp.float32)
    hi = jnp.array([70.4, 40.0, 1.0], dtype=jnp.float32)
    xyz = jax.random.uniform(k_xyz, (B * N, 3), dtype=jnp.float32) * (hi - lo) + lo
    inten = jax.random.uniform(k_int, (B * N, 1), dtype=jnp.float32)
    bidx = jnp.repeat(jnp.arange(B, dtype=jnp.float32), N)[:, None]
    points = jnp.concatenate([bidx, xyz, inten], axis=1)
    sa_params = []
    kk = k_p
    for li, scales in enumerate(SCALE_MLPS):
        sc_params = []
        cat_ch = 0
        for mlp in scales:
            layers = []
            cin = mlp[0] + 3  # use_xyz=True
            for cout in mlp[1:]:
                kk, ksub = jax.random.split(kk)
                layers.append(_lin(ksub, cin, cout))
                cin = cout
            cat_ch += cin
            sc_params.append(layers)
        kk, ksub = jax.random.split(kk)
        sa_params.append({'scales': sc_params, 'agg': _lin(ksub, cat_ch, AGG_CH[li])})
    kk, k1 = jax.random.split(kk)
    kk, k2 = jax.random.split(kk)
    vote_params = {'mlp': _lin(k1, 256, 128), 'reg': _lin(k2, 128, 3 + 128)}
    params = {'sa': sa_params, 'vote': vote_params}
    return {'points': points, 'params': params}


def fps(xyz, npoint):
    n = xyz.shape[0]

    def body(i, state):
        dist, farthest, idxs = state
        idxs = idxs.at[i].set(farthest)
        centroid = xyz[farthest]
        d = jnp.sum((xyz - centroid) ** 2, axis=1)
        dist = jnp.minimum(dist, d)
        farthest = jnp.argmax(dist).astype(jnp.int32)
        return (dist, farthest, idxs)

    dist0 = jnp.full((n,), 1e10, dtype=jnp.float32)
    idxs0 = jnp.zeros((npoint,), dtype=jnp.int32)
    _, _, idxs = jax.lax.fori_loop(0, npoint, body, (dist0, jnp.int32(0), idxs0))
    return idxs


def sa_msg(xyz, feats, npoint, radii, nsamples, p, ctr_xyz):
    if ctr_xyz is None:
        idx = fps(jax.lax.stop_gradient(xyz), npoint)
        new_xyz = jnp.take(xyz, idx, axis=0)
    else:
        new_xyz = ctr_xyz
    nq = jax.lax.stop_gradient(new_xyz)
    kq = jax.lax.stop_gradient(xyz)
    d = jnp.sum((nq[:, None, :] - kq[None, :, :]) ** 2, axis=-1)  # [S, N]
    outs = []
    for r, ns, layers in zip(radii, nsamples, p['scales']):
        neg_vals, gidx = jax.lax.top_k(-d, ns)  # ns nearest neighbors
        mask = (-neg_vals) > (r * r)  # ball-query: outside radius -> replicate nearest
        gidx = jnp.where(mask, gidx[:, :1], gidx)
        g = jnp.concatenate([jnp.take(xyz, gidx, axis=0) - new_xyz[:, None, :],
                             jnp.take(feats, gidx, axis=0)], axis=-1)
        for (W, b) in layers:
            g = jax.nn.relu(g @ W + b)
        outs.append(jnp.max(g, axis=1))
    cat = jnp.concatenate(outs, axis=-1)
    W, b = p['agg']
    return new_xyz, jax.nn.relu(cat @ W + b)


def vote_layer(xyz, feats, p):
    W, b = p['mlp']
    f1 = jax.nn.relu(feats @ W + b)
    Wr, br = p['reg']
    off = f1 @ Wr + br
    ctr_off = off[:, :3]
    new_f = off[:, 3:]
    lim = jnp.clip(ctr_off, -MAX_TRANSLATE, MAX_TRANSLATE)
    return xyz + lim, new_f, ctr_off


def _single(xyz, feats, params):
    enc_xyz = [xyz]
    enc_f = [feats]
    centers = None
    centers_origin = None
    ctr_offsets = None
    sa_i = 0
    for i in range(len(LAYER_TYPES)):
        xin = enc_xyz[LAYER_INPUT[i]]
        fin = enc_f[LAYER_INPUT[i]]
        if LAYER_TYPES[i] == 'SA':
            ctr = enc_xyz[CTR_INDEX[i]] if CTR_INDEX[i] != -1 else None
            nx, nf = sa_msg(xin, fin, NPOINT[i], RADII[i], NSAMPLE[i], params['sa'][sa_i], ctr)
            sa_i += 1
        else:
            nx, nf, ctr_offsets = vote_layer(xin, fin, params['vote'])
            centers = nx
            centers_origin = xin
        enc_xyz.append(nx)
        enc_f.append(nf)
    return centers, centers_origin, ctr_offsets, enc_f[-1]


def reference(points, params):
    xyz = points[:, 1:4].reshape(B, N, 3)
    feats = points[:, 4:].reshape(B, N, -1)
    centers, centers_origin, ctr_offsets, center_features = jax.vmap(
        lambda x, f: _single(x, f, params))(xyz, feats)
    s = centers.shape[1]
    bidx = jnp.repeat(jnp.arange(B, dtype=jnp.float32), s)[:, None]
    centers_cat = jnp.concatenate([bidx, centers.reshape(-1, 3)], axis=1)
    origin_cat = jnp.concatenate([bidx, centers_origin.reshape(-1, 3)], axis=1)
    off_cat = jnp.concatenate([bidx, ctr_offsets.reshape(-1, 3)], axis=1)
    cf = center_features.reshape(B * center_features.shape[1], -1)
    return centers_cat, origin_cat, off_cat, cf

if __name__ == "__main__":
    import jax
    _d = setup_inputs()
    print(jax.jit(kernel)(*tuple(_d.values())))

</pallas_src>

<mosaic_0001>
#map = affine_map<(d0, d1) -> (0, 0)>
#map1 = affine_map<(d0, d1) -> (0)>
module attributes {stable_mosaic.version = 14 : i64} {
  func.func @k(%arg0: i32, %arg1: i32, %arg2: memref<4096x80xf32, #tpu.memory_space<hbm>>, %arg3: memref<32768xi32, #tpu.memory_space<hbm>>, %arg4: memref<32768x80xf32, #tpu.memory_space<hbm>>, %arg5: memref<128xi32, #tpu.memory_space<vmem>>, %arg6: memref<128x80xf32, #tpu.memory_space<vmem>>, %arg7: memref<!tpu.dma_semaphore, #tpu.memory_space<semaphore_mem>>) attributes {dimension_semantics = [#tpu.dimension_semantics<core_parallel>, #tpu.dimension_semantics<subcore_parallel>], iteration_bounds = array<i64: 2, 16>, scalar_prefetch = 0 : i64, scratch_operands = 3 : i64, tpu.core_type = #tpu.core_type<sc_vector_subcore>, window_params = [{transform_indices = #map}, {transform_indices = #map1}, {transform_indices = #map}]} {
    %mul3A = arith.constant 2 : i32
    %mul3A_0 = arith.muli %arg1, %mul3A : i32
    %add3A = arith.addi %mul3A_0, %arg0 : i32
    %mul3A_1 = arith.constant 1024 : i32
    %mul3A_2 = arith.muli %add3A, %mul3A_1 : i32
    %scan3A = arith.constant 0 : i32
    %scan3A_3 = arith.constant 0 : i32
    %scan3A_4 = arith.constant 8 : i32
    %scan3A_5 = arith.addi %scan3A_3, %scan3A_4 : i32
    %scan3A_6 = arith.constant 1 : i32
    scf.for %scan3A_8 = %scan3A_3 to %scan3A_5 step %scan3A_6  : i32 {
      %mul3A_9 = arith.constant 128 : i32
      %mul3A_10 = arith.muli %scan3A_8, %mul3A_9 : i32
      %add3A_11 = arith.addi %mul3A_2, %mul3A_10 : i32
      "tpu.region"() ({
        %run_scoped3A = tpu.sem_alloc : memref<!tpu.dma_semaphore, #tpu.memory_space<semaphore_mem>>
        %dma_start3A_16 = tpu.memref_slice %arg3[%add3A_11] : memref<32768xi32, #tpu.memory_space<hbm>> -> memref<128xi32, #tpu.memory_space<hbm>>
        %dma_start3A_17 = tpu.memref_slice %arg3[%add3A_11] : memref<32768xi32, #tpu.memory_space<hbm>> -> memref<128xi32, #tpu.memory_space<hbm>>
        tpu.enqueue_dma source(%dma_start3A_17 : memref<128xi32, #tpu.memory_space<hbm>>) target(%arg5 : memref<128xi32, #tpu.memory_space<vmem>>) target_semaphore(%run_scoped3A : memref<!tpu.dma_semaphore, #tpu.memory_space<semaphore_mem>>)
        %dma_wait3A_18 = tpu.memref_slice %arg3[%add3A_11] : memref<32768xi32, #tpu.memory_space<hbm>> -> memref<128xi32, #tpu.memory_space<hbm>>
        %dma_wait3A_19 = tpu.memref_slice %arg3[%add3A_11] : memref<32768xi32, #tpu.memory_space<hbm>> -> memref<128xi32, #tpu.memory_space<hbm>>
        tpu.wait_dma2 semaphore(%run_scoped3A : memref<!tpu.dma_semaphore, #tpu.memory_space<semaphore_mem>>) src(%dma_wait3A_19 : memref<128xi32, #tpu.memory_space<hbm>>) dst(%arg5 : memref<128xi32, #tpu.memory_space<vmem>>)
        tpu.yield
      }) : () -> ()
      %dma_start3A = arith.constant 0 : i32
      %dma_start3A_12 = arith.constant 0 : i32
      %dma_start3A_13 = tpu.memref_slice %arg2[%dma_start3A, %dma_start3A_12] : memref<4096x80xf32, #tpu.memory_space<hbm>> -> memref<4096x80xf32, #tpu.memory_space<hbm>>
      tpu.enqueue_indirect_dma source(%dma_start3A_13 : memref<4096x80xf32, #tpu.memory_space<hbm>>) target(%arg6 : memref<128x80xf32, #tpu.memory_space<vmem>>) offsets(%arg5 : memref<128xi32, #tpu.memory_space<vmem>>) semaphore(%arg7 : memref<!tpu.dma_semaphore, #tpu.memory_space<semaphore_mem>>)
      %dma_wait3A = arith.constant 0 : i32
      %dma_wait3A_14 = arith.constant 0 : i32
      %dma_wait3A_15 = tpu.memref_slice %arg2[%dma_wait3A, %dma_wait3A_14] : memref<4096x80xf32, #tpu.memory_space<hbm>> -> memref<4096x80xf32, #tpu.memory_space<hbm>>
      tpu.wait_indirect_dma semaphore(%arg7 : memref<!tpu.dma_semaphore, #tpu.memory_space<semaphore_mem>>) src(%dma_wait3A_15 : memref<4096x80xf32, #tpu.memory_space<hbm>>) dst(%arg6 : memref<128x80xf32, #tpu.memory_space<vmem>>)
      "tpu.region"() ({
        %run_scoped3A = tpu.sem_alloc : memref<!tpu.dma_semaphore, #tpu.memory_space<semaphore_mem>>
        %dma_start3A_16 = arith.constant 0 : i32
        %dma_start3A_17 = tpu.memref_slice %arg4[%add3A_11, %dma_start3A_16] : memref<32768x80xf32, #tpu.memory_space<hbm>> -> memref<128x80xf32, #tpu.memory_space<hbm>>
        %dma_start3A_18 = arith.constant 0 : i32
        %dma_start3A_19 = tpu.memref_slice %arg4[%add3A_11, %dma_start3A_18] : memref<32768x80xf32, #tpu.memory_space<hbm>> -> memref<128x80xf32, #tpu.memory_space<hbm>>
        tpu.enqueue_dma source(%arg6 : memref<128x80xf32, #tpu.memory_space<vmem>>) target(%dma_start3A_19 : memref<128x80xf32, #tpu.memory_space<hbm>>) target_semaphore(%run_scoped3A : memref<!tpu.dma_semaphore, #tpu.memory_space<semaphore_mem>>)
        %dma_wait3A_20 = arith.constant 0 : i32
        %dma_wait3A_21 = tpu.memref_slice %arg4[%add3A_11, %dma_wait3A_20] : memref<32768x80xf32, #tpu.memory_space<hbm>> -> memref<128x80xf32, #tpu.memory_space<hbm>>
        %dma_wait3A_22 = arith.constant 0 : i32
        %dma_wait3A_23 = tpu.memref_slice %arg4[%add3A_11, %dma_wait3A_22] : memref<32768x80xf32, #tpu.memory_space<hbm>> -> memref<128x80xf32, #tpu.memory_space<hbm>>
        tpu.wait_dma2 semaphore(%run_scoped3A : memref<!tpu.dma_semaphore, #tpu.memory_space<semaphore_mem>>) src(%arg6 : memref<128x80xf32, #tpu.memory_space<vmem>>) dst(%dma_wait3A_23 : memref<128x80xf32, #tpu.memory_space<hbm>>)
        tpu.yield
      }) : () -> ()
    }
    %scan3A_7 = arith.constant 8 : i32
    return
  }
}

#map = affine_map<(d0, d1) -> (0, 0)>
#map1 = affine_map<(d0, d1) -> (0)>
module attributes {stable_mosaic.version = 14 : i64} {
  func.func @k(%arg0: i32, %arg1: i32, %arg2: memref<16384x16xf32, #tpu.memory_space<hbm>>, %arg3: memref<131072xi32, #tpu.memory_space<hbm>>, %arg4: memref<131072x16xf32, #tpu.memory_space<hbm>>, %arg5: memref<128xi32, #tpu.memory_space<vmem>>, %arg6: memref<128x16xf32, #tpu.memory_space<vmem>>, %arg7: memref<!tpu.dma_semaphore, #tpu.memory_space<semaphore_mem>>) attributes {dimension_semantics = [#tpu.dimension_semantics<core_parallel>, #tpu.dimension_semantics<subcore_parallel>], iteration_bounds = array<i64: 2, 16>, scalar_prefetch = 0 : i64, scratch_operands = 3 : i64, tpu.core_type = #tpu.core_type<sc_vector_subcore>, window_params = [{transform_indices = #map}, {transform_indices = #map1}, {transform_indices = #map}]} {
    %mul3A = arith.constant 2 : i32
    %mul3A_0 = arith.muli %arg1, %mul3A : i32
    %add3A = arith.addi %mul3A_0, %arg0 : i32
    %mul3A_1 = arith.constant 4096 : i32
    %mul3A_2 = arith.muli %add3A, %mul3A_1 : i32
    %scan3A = arith.constant 0 : i32
    %scan3A_3 = arith.constant 0 : i32
    %scan3A_4 = arith.constant 32 : i32
    %scan3A_5 = arith.addi %scan3A_3, %scan3A_4 : i32
    %scan3A_6 = arith.constant 1 : i32
    scf.for %scan3A_8 = %scan3A_3 to %scan3A_5 step %scan3A_6  : i32 {
      %mul3A_9 = arith.constant 128 : i32
      %mul3A_10 = arith.muli %scan3A_8, %mul3A_9 : i32
      %add3A_11 = arith.addi %mul3A_2, %mul3A_10 : i32
      "tpu.region"() ({
        %run_scoped3A = tpu.sem_alloc : memref<!tpu.dma_semaphore, #tpu.memory_space<semaphore_mem>>
        %dma_start3A_16 = tpu.memref_slice %arg3[%add3A_11] : memref<131072xi32, #tpu.memory_space<hbm>> -> memref<128xi32, #tpu.memory_space<hbm>>
        %dma_start3A_17 = tpu.memref_slice %arg3[%add3A_11] : memref<131072xi32, #tpu.memory_space<hbm>> -> memref<128xi32, #tpu.memory_space<hbm>>
        tpu.enqueue_dma source(%dma_start3A_17 : memref<128xi32, #tpu.memory_space<hbm>>) target(%arg5 : memref<128xi32, #tpu.memory_space<vmem>>) target_semaphore(%run_scoped3A : memref<!tpu.dma_semaphore, #tpu.memory_space<semaphore_mem>>)
        %dma_wait3A_18 = tpu.memref_slice %arg3[%add3A_11] : memref<131072xi32, #tpu.memory_space<hbm>> -> memref<128xi32, #tpu.memory_space<hbm>>
        %dma_wait3A_19 = tpu.memref_slice %arg3[%add3A_11] : memref<131072xi32, #tpu.memory_space<hbm>> -> memref<128xi32, #tpu.memory_space<hbm>>
        tpu.wait_dma2 semaphore(%run_scoped3A : memref<!tpu.dma_semaphore, #tpu.memory_space<semaphore_mem>>) src(%dma_wait3A_19 : memref<128xi32, #tpu.memory_space<hbm>>) dst(%arg5 : memref<128xi32, #tpu.memory_space<vmem>>)
        tpu.yield
      }) : () -> ()
      %dma_start3A = arith.constant 0 : i32
      %dma_start3A_12 = arith.constant 0 : i32
      %dma_start3A_13 = tpu.memref_slice %arg2[%dma_start3A, %dma_start3A_12] : memref<16384x16xf32, #tpu.memory_space<hbm>> -> memref<16384x16xf32, #tpu.memory_space<hbm>>
      tpu.enqueue_indirect_dma source(%dma_start3A_13 : memref<16384x16xf32, #tpu.memory_space<hbm>>) target(%arg6 : memref<128x16xf32, #tpu.memory_space<vmem>>) offsets(%arg5 : memref<128xi32, #tpu.memory_space<vmem>>) semaphore(%arg7 : memref<!tpu.dma_semaphore, #tpu.memory_space<semaphore_mem>>)
      %dma_wait3A = arith.constant 0 : i32
      %dma_wait3A_14 = arith.constant 0 : i32
      %dma_wait3A_15 = tpu.memref_slice %arg2[%dma_wait3A, %dma_wait3A_14] : memref<16384x16xf32, #tpu.memory_space<hbm>> -> memref<16384x16xf32, #tpu.memory_space<hbm>>
      tpu.wait_indirect_dma semaphore(%arg7 : memref<!tpu.dma_semaphore, #tpu.memory_space<semaphore_mem>>) src(%dma_wait3A_15 : memref<16384x16xf32, #tpu.memory_space<hbm>>) dst(%arg6 : memref<128x16xf32, #tpu.memory_space<vmem>>)
      "tpu.region"() ({
        %run_scoped3A = tpu.sem_alloc : memref<!tpu.dma_semaphore, #tpu.memory_space<semaphore_mem>>
        %dma_start3A_16 = arith.constant 0 : i32
        %dma_start3A_17 = tpu.memref_slice %arg4[%add3A_11, %dma_start3A_16] : memref<131072x16xf32, #tpu.memory_space<hbm>> -> memref<128x16xf32, #tpu.memory_space<hbm>>
        %dma_start3A_18 = arith.constant 0 : i32
        %dma_start3A_19 = tpu.memref_slice %arg4[%add3A_11, %dma_start3A_18] : memref<131072x16xf32, #tpu.memory_space<hbm>> -> memref<128x16xf32, #tpu.memory_space<hbm>>
        tpu.enqueue_dma source(%arg6 : memref<128x16xf32, #tpu.memory_space<vmem>>) target(%dma_start3A_19 : memref<128x16xf32, #tpu.memory_space<hbm>>) target_semaphore(%run_scoped3A : memref<!tpu.dma_semaphore, #tpu.memory_space<semaphore_mem>>)
        %dma_wait3A_20 = arith.constant 0 : i32
        %dma_wait3A_21 = tpu.memref_slice %arg4[%add3A_11, %dma_wait3A_20] : memref<131072x16xf32, #tpu.memory_space<hbm>> -> memref<128x16xf32, #tpu.memory_space<hbm>>
        %dma_wait3A_22 = arith.constant 0 : i32
        %dma_wait3A_23 = tpu.memref_slice %arg4[%add3A_11, %dma_wait3A_22] : memref<131072x16xf32, #tpu.memory_space<hbm>> -> memref<128x16xf32, #tpu.memory_space<hbm>>
        tpu.wait_dma2 semaphore(%run_scoped3A : memref<!tpu.dma_semaphore, #tpu.memory_space<semaphore_mem>>) src(%arg6 : memref<128x16xf32, #tpu.memory_space<vmem>>) dst(%dma_wait3A_23 : memref<128x16xf32, #tpu.memory_space<hbm>>)
        tpu.yield
      }) : () -> ()
    }
    %scan3A_7 = arith.constant 32 : i32
    return
  }
}

#map = affine_map<(d0, d1) -> (0, 0)>
#map1 = affine_map<(d0, d1) -> (0)>
module attributes {stable_mosaic.version = 14 : i64} {
  func.func @k(%arg0: i32, %arg1: i32, %arg2: memref<512x272xf32, #tpu.memory_space<hbm>>, %arg3: memref<16384xi32, #tpu.memory_space<hbm>>, %arg4: memref<16384x272xf32, #tpu.memory_space<hbm>>, %arg5: memref<128xi32, #tpu.memory_space<vmem>>, %arg6: memref<128x272xf32, #tpu.memory_space<vmem>>, %arg7: memref<!tpu.dma_semaphore, #tpu.memory_space<semaphore_mem>>) attributes {dimension_semantics = [#tpu.dimension_semantics<core_parallel>, #tpu.dimension_semantics<subcore_parallel>], iteration_bounds = array<i64: 2, 16>, scalar_prefetch = 0 : i64, scratch_operands = 3 : i64, tpu.core_type = #tpu.core_type<sc_vector_subcore>, window_params = [{transform_indices = #map}, {transform_indices = #map1}, {transform_indices = #map}]} {
    %mul3A = arith.constant 2 : i32
    %mul3A_0 = arith.muli %arg1, %mul3A : i32
    %add3A = arith.addi %mul3A_0, %arg0 : i32
    %mul3A_1 = arith.constant 512 : i32
    %mul3A_2 = arith.muli %add3A, %mul3A_1 : i32
    %scan3A = arith.constant 0 : i32
    %scan3A_3 = arith.constant 0 : i32
    %scan3A_4 = arith.constant 4 : i32
    %scan3A_5 = arith.addi %scan3A_3, %scan3A_4 : i32
    %scan3A_6 = arith.constant 1 : i32
    scf.for %scan3A_8 = %scan3A_3 to %scan3A_5 step %scan3A_6  : i32 {
      %mul3A_9 = arith.constant 128 : i32
      %mul3A_10 = arith.muli %scan3A_8, %mul3A_9 : i32
      %add3A_11 = arith.addi %mul3A_2, %mul3A_10 : i32
      "tpu.region"() ({
        %run_scoped3A = tpu.sem_alloc : memref<!tpu.dma_semaphore, #tpu.memory_space<semaphore_mem>>
        %dma_start3A_16 = tpu.memref_slice %arg3[%add3A_11] : memref<16384xi32, #tpu.memory_space<hbm>> -> memref<128xi32, #tpu.memory_space<hbm>>
        %dma_start3A_17 = tpu.memref_slice %arg3[%add3A_11] : memref<16384xi32, #tpu.memory_space<hbm>> -> memref<128xi32, #tpu.memory_space<hbm>>
        tpu.enqueue_dma source(%dma_start3A_17 : memref<128xi32, #tpu.memory_space<hbm>>) target(%arg5 : memref<128xi32, #tpu.memory_space<vmem>>) target_semaphore(%run_scoped3A : memref<!tpu.dma_semaphore, #tpu.memory_space<semaphore_mem>>)
        %dma_wait3A_18 = tpu.memref_slice %arg3[%add3A_11] : memref<16384xi32, #tpu.memory_space<hbm>> -> memref<128xi32, #tpu.memory_space<hbm>>
        %dma_wait3A_19 = tpu.memref_slice %arg3[%add3A_11] : memref<16384xi32, #tpu.memory_space<hbm>> -> memref<128xi32, #tpu.memory_space<hbm>>
        tpu.wait_dma2 semaphore(%run_scoped3A : memref<!tpu.dma_semaphore, #tpu.memory_space<semaphore_mem>>) src(%dma_wait3A_19 : memref<128xi32, #tpu.memory_space<hbm>>) dst(%arg5 : memref<128xi32, #tpu.memory_space<vmem>>)
        tpu.yield
      }) : () -> ()
      %dma_start3A = arith.constant 0 : i32
      %dma_start3A_12 = arith.constant 0 : i32
      %dma_start3A_13 = tpu.memref_slice %arg2[%dma_start3A, %dma_start3A_12] : memref<512x272xf32, #tpu.memory_space<hbm>> -> memref<512x272xf32, #tpu.memory_space<hbm>>
      tpu.enqueue_indirect_dma source(%dma_start3A_13 : memref<512x272xf32, #tpu.memory_space<hbm>>) target(%arg6 : memref<128x272xf32, #tpu.memory_space<vmem>>) offsets(%arg5 : memref<128xi32, #tpu.memory_space<vmem>>) semaphore(%arg7 : memref<!tpu.dma_semaphore, #tpu.memory_space<semaphore_mem>>)
      %dma_wait3A = arith.constant 0 : i32
      %dma_wait3A_14 = arith.constant 0 : i32
      %dma_wait3A_15 = tpu.memref_slice %arg2[%dma_wait3A, %dma_wait3A_14] : memref<512x272xf32, #tpu.memory_space<hbm>> -> memref<512x272xf32, #tpu.memory_space<hbm>>
      tpu.wait_indirect_dma semaphore(%arg7 : memref<!tpu.dma_semaphore, #tpu.memory_space<semaphore_mem>>) src(%dma_wait3A_15 : memref<512x272xf32, #tpu.memory_space<hbm>>) dst(%arg6 : memref<128x272xf32, #tpu.memory_space<vmem>>)
      "tpu.region"() ({
        %run_scoped3A = tpu.sem_alloc : memref<!tpu.dma_semaphore, #tpu.memory_space<semaphore_mem>>
        %dma_start3A_16 = arith.constant 0 : i32
        %dma_start3A_17 = tpu.memref_slice %arg4[%add3A_11, %dma_start3A_16] : memref<16384x272xf32, #tpu.memory_space<hbm>> -> memref<128x272xf32, #tpu.memory_space<hbm>>
        %dma_start3A_18 = arith.constant 0 : i32
        %dma_start3A_19 = tpu.memref_slice %arg4[%add3A_11, %dma_start3A_18] : memref<16384x272xf32, #tpu.memory_space<hbm>> -> memref<128x272xf32, #tpu.memory_space<hbm>>
        tpu.enqueue_dma source(%arg6 : memref<128x272xf32, #tpu.memory_space<vmem>>) target(%dma_start3A_19 : memref<128x272xf32, #tpu.memory_space<hbm>>) target_semaphore(%run_scoped3A : memref<!tpu.dma_semaphore, #tpu.memory_space<semaphore_mem>>)
        %dma_wait3A_20 = arith.constant 0 : i32
        %dma_wait3A_21 = tpu.memref_slice %arg4[%add3A_11, %dma_wait3A_20] : memref<16384x272xf32, #tpu.memory_space<hbm>> -> memref<128x272xf32, #tpu.memory_space<hbm>>
        %dma_wait3A_22 = arith.constant 0 : i32
        %dma_wait3A_23 = tpu.memref_slice %arg4[%add3A_11, %dma_wait3A_22] : memref<16384x272xf32, #tpu.memory_space<hbm>> -> memref<128x272xf32, #tpu.memory_space<hbm>>
        tpu.wait_dma2 semaphore(%run_scoped3A : memref<!tpu.dma_semaphore, #tpu.memory_space<semaphore_mem>>) src(%arg6 : memref<128x272xf32, #tpu.memory_space<vmem>>) dst(%dma_wait3A_23 : memref<128x272xf32, #tpu.memory_space<hbm>>)
        tpu.yield
      }) : () -> ()
    }
    %scan3A_7 = arith.constant 4 : i32
    return
  }
}

#map = affine_map<(d0, d1) -> (0, 0)>
#map1 = affine_map<(d0, d1) -> (0)>
module attributes {stable_mosaic.version = 14 : i64} {
  func.func @k(%arg0: i32, %arg1: i32, %arg2: memref<1024x144xf32, #tpu.memory_space<hbm>>, %arg3: memref<16384xi32, #tpu.memory_space<hbm>>, %arg4: memref<16384x144xf32, #tpu.memory_space<hbm>>, %arg5: memref<128xi32, #tpu.memory_space<vmem>>, %arg6: memref<128x144xf32, #tpu.memory_space<vmem>>, %arg7: memref<!tpu.dma_semaphore, #tpu.memory_space<semaphore_mem>>) attributes {dimension_semantics = [#tpu.dimension_semantics<core_parallel>, #tpu.dimension_semantics<subcore_parallel>], iteration_bounds = array<i64: 2, 16>, scalar_prefetch = 0 : i64, scratch_operands = 3 : i64, tpu.core_type = #tpu.core_type<sc_vector_subcore>, window_params = [{transform_indices = #map}, {transform_indices = #map1}, {transform_indices = #map}]} {
    %mul3A = arith.constant 2 : i32
    %mul3A_0 = arith.muli %arg1, %mul3A : i32
    %add3A = arith.addi %mul3A_0, %arg0 : i32
    %mul3A_1 = arith.constant 512 : i32
    %mul3A_2 = arith.muli %add3A, %mul3A_1 : i32
    %scan3A = arith.constant 0 : i32
    %scan3A_3 = arith.constant 0 : i32
    %scan3A_4 = arith.constant 4 : i32
    %scan3A_5 = arith.addi %scan3A_3, %scan3A_4 : i32
    %scan3A_6 = arith.constant 1 : i32
    scf.for %scan3A_8 = %scan3A_3 to %scan3A_5 step %scan3A_6  : i32 {
      %mul3A_9 = arith.constant 128 : i32
      %mul3A_10 = arith.muli %scan3A_8, %mul3A_9 : i32
      %add3A_11 = arith.addi %mul3A_2, %mul3A_10 : i32
      "tpu.region"() ({
        %run_scoped3A = tpu.sem_alloc : memref<!tpu.dma_semaphore, #tpu.memory_space<semaphore_mem>>
        %dma_start3A_16 = tpu.memref_slice %arg3[%add3A_11] : memref<16384xi32, #tpu.memory_space<hbm>> -> memref<128xi32, #tpu.memory_space<hbm>>
        %dma_start3A_17 = tpu.memref_slice %arg3[%add3A_11] : memref<16384xi32, #tpu.memory_space<hbm>> -> memref<128xi32, #tpu.memory_space<hbm>>
        tpu.enqueue_dma source(%dma_start3A_17 : memref<128xi32, #tpu.memory_space<hbm>>) target(%arg5 : memref<128xi32, #tpu.memory_space<vmem>>) target_semaphore(%run_scoped3A : memref<!tpu.dma_semaphore, #tpu.memory_space<semaphore_mem>>)
        %dma_wait3A_18 = tpu.memref_slice %arg3[%add3A_11] : memref<16384xi32, #tpu.memory_space<hbm>> -> memref<128xi32, #tpu.memory_space<hbm>>
        %dma_wait3A_19 = tpu.memref_slice %arg3[%add3A_11] : memref<16384xi32, #tpu.memory_space<hbm>> -> memref<128xi32, #tpu.memory_space<hbm>>
        tpu.wait_dma2 semaphore(%run_scoped3A : memref<!tpu.dma_semaphore, #tpu.memory_space<semaphore_mem>>) src(%dma_wait3A_19 : memref<128xi32, #tpu.memory_space<hbm>>) dst(%arg5 : memref<128xi32, #tpu.memory_space<vmem>>)
        tpu.yield
      }) : () -> ()
      %dma_start3A = arith.constant 0 : i32
      %dma_start3A_12 = arith.constant 0 : i32
      %dma_start3A_13 = tpu.memref_slice %arg2[%dma_start3A, %dma_start3A_12] : memref<1024x144xf32, #tpu.memory_space<hbm>> -> memref<1024x144xf32, #tpu.memory_space<hbm>>
      tpu.enqueue_indirect_dma source(%dma_start3A_13 : memref<1024x144xf32, #tpu.memory_space<hbm>>) target(%arg6 : memref<128x144xf32, #tpu.memory_space<vmem>>) offsets(%arg5 : memref<128xi32, #tpu.memory_space<vmem>>) semaphore(%arg7 : memref<!tpu.dma_semaphore, #tpu.memory_space<semaphore_mem>>)
      %dma_wait3A = arith.constant 0 : i32
      %dma_wait3A_14 = arith.constant 0 : i32
      %dma_wait3A_15 = tpu.memref_slice %arg2[%dma_wait3A, %dma_wait3A_14] : memref<1024x144xf32, #tpu.memory_space<hbm>> -> memref<1024x144xf32, #tpu.memory_space<hbm>>
      tpu.wait_indirect_dma semaphore(%arg7 : memref<!tpu.dma_semaphore, #tpu.memory_space<semaphore_mem>>) src(%dma_wait3A_15 : memref<1024x144xf32, #tpu.memory_space<hbm>>) dst(%arg6 : memref<128x144xf32, #tpu.memory_space<vmem>>)
      "tpu.region"() ({
        %run_scoped3A = tpu.sem_alloc : memref<!tpu.dma_semaphore, #tpu.memory_space<semaphore_mem>>
        %dma_start3A_16 = arith.constant 0 : i32
        %dma_start3A_17 = tpu.memref_slice %arg4[%add3A_11, %dma_start3A_16] : memref<16384x144xf32, #tpu.memory_space<hbm>> -> memref<128x144xf32, #tpu.memory_space<hbm>>
        %dma_start3A_18 = arith.constant 0 : i32
        %dma_start3A_19 = tpu.memref_slice %arg4[%add3A_11, %dma_start3A_18] : memref<16384x144xf32, #tpu.memory_space<hbm>> -> memref<128x144xf32, #tpu.memory_space<hbm>>
        tpu.enqueue_dma source(%arg6 : memref<128x144xf32, #tpu.memory_space<vmem>>) target(%dma_start3A_19 : memref<128x144xf32, #tpu.memory_space<hbm>>) target_semaphore(%run_scoped3A : memref<!tpu.dma_semaphore, #tpu.memory_space<semaphore_mem>>)
        %dma_wait3A_20 = arith.constant 0 : i32
        %dma_wait3A_21 = tpu.memref_slice %arg4[%add3A_11, %dma_wait3A_20] : memref<16384x144xf32, #tpu.memory_space<hbm>> -> memref<128x144xf32, #tpu.memory_space<hbm>>
        %dma_wait3A_22 = arith.constant 0 : i32
        %dma_wait3A_23 = tpu.memref_slice %arg4[%add3A_11, %dma_wait3A_22] : memref<16384x144xf32, #tpu.memory_space<hbm>> -> memref<128x144xf32, #tpu.memory_space<hbm>>
        tpu.wait_dma2 semaphore(%run_scoped3A : memref<!tpu.dma_semaphore, #tpu.memory_space<semaphore_mem>>) src(%arg6 : memref<128x144xf32, #tpu.memory_space<vmem>>) dst(%dma_wait3A_23 : memref<128x144xf32, #tpu.memory_space<hbm>>)
        tpu.yield
      }) : () -> ()
    }
    %scan3A_7 = arith.constant 4 : i32
    return
  }
}

module attributes {stable_mosaic.version = 14 : i64} {
  func.func @body(%arg0: i32, %arg1: memref<2x3x64x128xf32, #tpu.memory_space<vmem>>, %arg2: memref<2x8192x3xf32, #tpu.memory_space<vmem>>, %arg3: memref<2x2048x3xf32, #tpu.memory_space<vmem>>, %arg4: memref<2x64x128xf32, #tpu.memory_space<vmem>>) attributes {dimension_semantics = [#tpu.dimension_semantics<arbitrary>], iteration_bounds = array<i64: 1>, scalar_prefetch = 0 : i64, scratch_operands = 1 : i64, tpu.core_type = #tpu.core_type<tc>, window_params = [{pipeline_mode = #tpu.pipeline_mode<synchronous>, transform_indices = @transform_0, window_bounds = array<i64: 2, 3, 64, 128>}, {pipeline_mode = #tpu.pipeline_mode<synchronous>, transform_indices = @transform_1, window_bounds = array<i64: 2, 8192, 3>}, {pipeline_mode = #tpu.pipeline_mode<synchronous>, transform_indices = @transform_2, window_bounds = array<i64: 2, 2048, 3>}]} {
    %get3A = arith.constant 0 : index
    %get3A_0 = arith.constant 0 : index
    %get3A_1 = arith.constant 0 : index
    %get3A_2 = arith.constant 0 : index
    %get3A_3 = vector.load %arg1[%get3A, %get3A_0, %get3A_1, %get3A_2] : memref<2x3x64x128xf32, #tpu.memory_space<vmem>>, vector<1x1x64x128xf32>
    %get3A_4 = vector.shape_cast %get3A_3 : vector<1x1x64x128xf32> to vector<64x128xf32>
    %get3A_5 = arith.constant 0 : index
    %get3A_6 = arith.constant 1 : index
    %get3A_7 = arith.constant 0 : index
    %get3A_8 = arith.constant 0 : index
    %get3A_9 = vector.load %arg1[%get3A_5, %get3A_6, %get3A_7, %get3A_8] : memref<2x3x64x128xf32, #tpu.memory_space<vmem>>, vector<1x1x64x128xf32>
    %get3A_10 = vector.shape_cast %get3A_9 : vector<1x1x64x128xf32> to vector<64x128xf32>
    %get3A_11 = arith.constant 0 : index
    %get3A_12 = arith.constant 2 : index
    %get3A_13 = arith.constant 0 : index
    %get3A_14 = arith.constant 0 : index
    %get3A_15 = vector.load %arg1[%get3A_11, %get3A_12, %get3A_13, %get3A_14] : memref<2x3x64x128xf32, #tpu.memory_space<vmem>>, vector<1x1x64x128xf32>
    %get3A_16 = vector.shape_cast %get3A_15 : vector<1x1x64x128xf32> to vector<64x128xf32>
    %get3A_17 = arith.constant 1 : index
    %get3A_18 = arith.constant 0 : index
    %get3A_19 = arith.constant 0 : index
    %get3A_20 = arith.constant 0 : index
    %get3A_21 = vector.load %arg1[%get3A_17, %get3A_18, %get3A_19, %get3A_20] : memref<2x3x64x128xf32, #tpu.memory_space<vmem>>, vector<1x1x64x128xf32>
    %get3A_22 = vector.shape_cast %get3A_21 : vector<1x1x64x128xf32> to vector<64x128xf32>
    %get3A_23 = arith.constant 1 : index
    %get3A_24 = arith.constant 1 : index
    %get3A_25 = arith.constant 0 : index
    %get3A_26 = arith.constant 0 : index
    %get3A_27 = vector.load %arg1[%get3A_23, %get3A_24, %get3A_25, %get3A_26] : memref<2x3x64x128xf32, #tpu.memory_space<vmem>>, vector<1x1x64x128xf32>
    %get3A_28 = vector.shape_cast %get3A_27 : vector<1x1x64x128xf32> to vector<64x128xf32>
    %get3A_29 = arith.constant 1 : index
    %get3A_30 = arith.constant 2 : index
    %get3A_31 = arith.constant 0 : index
    %get3A_32 = arith.constant 0 : index
    %get3A_33 = vector.load %arg1[%get3A_29, %get3A_30, %get3A_31, %get3A_32] : memref<2x3x64x128xf32, #tpu.memory_space<vmem>>, vector<1x1x64x128xf32>
    %get3A_34 = vector.shape_cast %get3A_33 : vector<1x1x64x128xf32> to vector<64x128xf32>
    %iota3A = tpu.iota {dimensions = array<i32: 0>} : vector<64x128xi32>
    %mul3A = arith.constant 128 : i32
    %mul3A_35 = vector.broadcast %mul3A : i32 to vector<64x128xi32>
    %mul3A_36 = arith.muli %iota3A, %mul3A_35 : vector<64x128xi32>
    %iota3A_37 = tpu.iota {dimensions = array<i32: 1>} : vector<64x128xi32>
    %add3A = arith.addi %mul3A_36, %iota3A_37 : vector<64x128xi32>
    %broadcast_in_dim3A = arith.constant 1.000000e+10 : f32
    %broadcast_in_dim3A_38 = vector.broadcast %broadcast_in_dim3A : f32 to vector<64x128xf32>
    %swap3A = arith.constant 0 : index
    %swap3A_39 = arith.constant 0 : index
    %swap3A_40 = arith.constant 0 : index
    %swap3A_41 = vector.load %arg4[%swap3A, %swap3A_39, %swap3A_40] : memref<2x64x128xf32, #tpu.memory_space<vmem>>, vector<1x64x128xf32>
    %swap3A_42 = vector.shape_cast %swap3A_41 : vector<1x64x128xf32> to vector<64x128xf32>
    %swap3A_43 = vector.shape_cast %broadcast_in_dim3A_38 : vector<64x128xf32> to vector<1x64x128xf32>
    tpu.vector_store %arg4[%swap3A, %swap3A_39, %swap3A_40], %swap3A_43 {strides = array<i32>} : memref<2x64x128xf32, #tpu.memory_space<vmem>>, vector<1x64x128xf32>,
    %broadcast_in_dim3A_44 = arith.constant 1.000000e+10 : f32
    %broadcast_in_dim3A_45 = vector.broadcast %broadcast_in_dim3A_44 : f32 to vector<64x128xf32>
    %swap3A_46 = arith.constant 1 : index
    %swap3A_47 = arith.constant 0 : index
    %swap3A_48 = arith.constant 0 : index
    %swap3A_49 = vector.load %arg4[%swap3A_46, %swap3A_47, %swap3A_48] : memref<2x64x128xf32, #tpu.memory_space<vmem>>, vector<1x64x128xf32>
    %swap3A_50 = vector.shape_cast %swap3A_49 : vector<1x64x128xf32> to vector<64x128xf32>
    %swap3A_51 = vector.shape_cast %broadcast_in_dim3A_45 : vector<64x128xf32> to vector<1x64x128xf32>
    tpu.vector_store %arg4[%swap3A_46, %swap3A_47, %swap3A_48], %swap3A_51 {strides = array<i32>} : memref<2x64x128xf32, #tpu.memory_space<vmem>>, vector<1x64x128xf32>,
    %scan3A = arith.constant 0 : i32
    %scan3A_52 = arith.constant 0 : i32
    %scan3A_53 = arith.constant 0 : i32
    %scan3A_54 = arith.constant 2048 : i32
    %scan3A_55 = arith.addi %scan3A_53, %scan3A_54 : i32
    %scan3A_56 = arith.constant 1 : i32
    %scan3A_57:2 = scf.for %scan3A_59 = %scan3A_53 to %scan3A_55 step %scan3A_56 iter_args(%scan3A_60 = %scan3A, %scan3A_61 = %scan3A_52) -> (i32, i32)  : i32 {
      %get3A_62 = arith.constant 0 : index
      %get3A_63 = arith.index_cast %scan3A_60 : i32 to index
      %get3A_64 = arith.constant 0 : index
      %get3A_65 = vector.load %arg2[%get3A_62, %get3A_63, %get3A_64] : memref<2x8192x3xf32, #tpu.memory_space<vmem>>, vector<1x1x3xf32>
      %get3A_66 = vector.shape_cast %get3A_65 : vector<1x1x3xf32> to vector<1x3xf32>
      %swap3A_67 = arith.constant 0 : index
      %swap3A_68 = arith.index_cast %scan3A_59 : i32 to index
      %swap3A_69 = arith.constant 0 : index
      %swap3A_70 = vector.load %arg3[%swap3A_67, %swap3A_68, %swap3A_69] : memref<2x2048x3xf32, #tpu.memory_space<vmem>>, vector<1x1x3xf32>
      %swap3A_71 = vector.shape_cast %swap3A_70 : vector<1x1x3xf32> to vector<1x3xf32>
      %swap3A_72 = vector.shape_cast %get3A_66 : vector<1x3xf32> to vector<1x1x3xf32>
      tpu.vector_store %arg3[%swap3A_67, %swap3A_68, %swap3A_69], %swap3A_72 {strides = array<i32>} : memref<2x2048x3xf32, #tpu.memory_space<vmem>>, vector<1x1x3xf32>,
      %slice3A = vector.extract_strided_slice %get3A_66 {offsets = [0, 0], sizes = [1, 1], strides = [1, 1]} : vector<1x3xf32> to vector<1x1xf32>
      %squeeze3A = vector.extract %slice3A[0, 0] : f32 from vector<1x1xf32>
      %sub3A = vector.broadcast %squeeze3A : f32 to vector<64x128xf32>
      %sub3A_73 = arith.subf %get3A_4, %sub3A : vector<64x128xf32>
      %integer_pow3A = arith.mulf %sub3A_73, %sub3A_73 : vector<64x128xf32>
      %slice3A_74 = vector.extract_strided_slice %get3A_66 {offsets = [0, 1], sizes = [1, 1], strides = [1, 1]} : vector<1x3xf32> to vector<1x1xf32>
      %squeeze3A_75 = vector.extract %slice3A_74[0, 0] : f32 from vector<1x1xf32>
      %sub3A_76 = vector.broadcast %squeeze3A_75 : f32 to vector<64x128xf32>
      %sub3A_77 = arith.subf %get3A_10, %sub3A_76 : vector<64x128xf32>
      %integer_pow3A_78 = arith.mulf %sub3A_77, %sub3A_77 : vector<64x128xf32>
      %add3A_79 = arith.addf %integer_pow3A, %integer_pow3A_78 : vector<64x128xf32>
      %slice3A_80 = vector.extract_strided_slice %get3A_66 {offsets = [0, 2], sizes = [1, 1], strides = [1, 1]} : vector<1x3xf32> to vector<1x1xf32>
      %squeeze3A_81 = vector.extract %slice3A_80[0, 0] : f32 from vector<1x1xf32>
      %sub3A_82 = vector.broadcast %squeeze3A_81 : f32 to vector<64x128xf32>
      %sub3A_83 = arith.subf %get3A_16, %sub3A_82 : vector<64x128xf32>
      %integer_pow3A_84 = arith.mulf %sub3A_83, %sub3A_83 : vector<64x128xf32>
      %add3A_85 = arith.addf %add3A_79, %integer_pow3A_84 : vector<64x128xf32>
      %get3A_86 = arith.constant 0 : index
      %get3A_87 = arith.constant 0 : index
      %get3A_88 = arith.constant 0 : index
      %get3A_89 = vector.load %arg4[%get3A_86, %get3A_87, %get3A_88] : memref<2x64x128xf32, #tpu.memory_space<vmem>>, vector<1x64x128xf32>
      %get3A_90 = vector.shape_cast %get3A_89 : vector<1x64x128xf32> to vector<64x128xf32>
      %min3A = arith.minimumf %get3A_90, %add3A_85 : vector<64x128xf32>
      %swap3A_91 = arith.constant 0 : index
      %swap3A_92 = arith.constant 0 : index
      %swap3A_93 = arith.constant 0 : index
      %swap3A_94 = vector.load %arg4[%swap3A_91, %swap3A_92, %swap3A_93] : memref<2x64x128xf32, #tpu.memory_space<vmem>>, vector<1x64x128xf32>
      %swap3A_95 = vector.shape_cast %swap3A_94 : vector<1x64x128xf32> to vector<64x128xf32>
      %swap3A_96 = vector.shape_cast %min3A : vector<64x128xf32> to vector<1x64x128xf32>
      tpu.vector_store %arg4[%swap3A_91, %swap3A_92, %swap3A_93], %swap3A_96 {strides = array<i32>} : memref<2x64x128xf32, #tpu.memory_space<vmem>>, vector<1x64x128xf32>,
      %reduce_max3A = vector.shape_cast %min3A : vector<64x128xf32> to vector<1x64x128xf32>
      %reduce_max3A_97 = arith.constant dense<0xFF800000> : vector<1xf32>
      %reduce_max3A_98 = vector.multi_reduction <maximumf>, %reduce_max3A, %reduce_max3A_97 [1, 2] : vector<1x64x128xf32> to vector<1xf32>
      %reduce_max3A_99 = vector.shape_cast %reduce_max3A_98 : vector<1xf32> to vector<1x1x1xf32>
      %reduce_max3A_100 = vector.extract %reduce_max3A_99[0, 0, 0] : f32 from vector<1x1x1xf32>
      %eq3A = vector.broadcast %reduce_max3A_100 : f32 to vector<64x128xf32>
      %eq3A_101 = arith.cmpf oeq, %min3A, %eq3A : vector<64x128xf32>
      %jit3A = arith.constant 8192 : i32
      %broadcast_in_dim3A_102 = vector.broadcast %jit3A : i32 to vector<64x128xi32>
      %select_n3A = arith.select %eq3A_101, %add3A, %broadcast_in_dim3A_102 : vector<64x128xi1>, vector<64x128xi32>
      %reduce_min3A = vector.shape_cast %select_n3A : vector<64x128xi32> to vector<1x64x128xi32>
      %reduce_min3A_103 = arith.constant dense<2147483647> : vector<1xi32>
      %reduce_min3A_104 = vector.multi_reduction <minsi>, %reduce_min3A, %reduce_min3A_103 [1, 2] : vector<1x64x128xi32> to vector<1xi32>
      %reduce_min3A_105 = vector.shape_cast %reduce_min3A_104 : vector<1xi32> to vector<1x1x1xi32>
      %reduce_min3A_106 = vector.extract %reduce_min3A_105[0, 0, 0] : i32 from vector<1x1x1xi32>
      %get3A_107 = arith.constant 1 : index
      %get3A_108 = arith.index_cast %scan3A_61 : i32 to index
      %get3A_109 = arith.constant 0 : index
      %get3A_110 = vector.load %arg2[%get3A_107, %get3A_108, %get3A_109] : memref<2x8192x3xf32, #tpu.memory_space<vmem>>, vector<1x1x3xf32>
      %get3A_111 = vector.shape_cast %get3A_110 : vector<1x1x3xf32> to vector<1x3xf32>
      %swap3A_112 = arith.constant 1 : index
      %swap3A_113 = arith.index_cast %scan3A_59 : i32 to index
      %swap3A_114 = arith.constant 0 : index
      %swap3A_115 = vector.load %arg3[%swap3A_112, %swap3A_113, %swap3A_114] : memref<2x2048x3xf32, #tpu.memory_space<vmem>>, vector<1x1x3xf32>
      %swap3A_116 = vector.shape_cast %swap3A_115 : vector<1x1x3xf32> to vector<1x3xf32>
      %swap3A_117 = vector.shape_cast %get3A_111 : vector<1x3xf32> to vector<1x1x3xf32>
      tpu.vector_store %arg3[%swap3A_112, %swap3A_113, %swap3A_114], %swap3A_117 {strides = array<i32>} : memref<2x2048x3xf32, #tpu.memory_space<vmem>>, vector<1x1x3xf32>,
      %slice3A_118 = vector.extract_strided_slice %get3A_111 {offsets = [0, 0], sizes = [1, 1], strides = [1, 1]} : vector<1x3xf32> to vector<1x1xf32>
      %squeeze3A_119 = vector.extract %slice3A_118[0, 0] : f32 from vector<1x1xf32>
      %sub3A_120 = vector.broadcast %squeeze3A_119 : f32 to vector<64x128xf32>
      %sub3A_121 = arith.subf %get3A_22, %sub3A_120 : vector<64x128xf32>
      %integer_pow3A_122 = arith.mulf %sub3A_121, %sub3A_121 : vector<64x128xf32>
      %slice3A_123 = vector.extract_strided_slice %get3A_111 {offsets = [0, 1], sizes = [1, 1], strides = [1, 1]} : vector<1x3xf32> to vector<1x1xf32>
      %squeeze3A_124 = vector.extract %slice3A_123[0, 0] : f32 from vector<1x1xf32>
      %sub3A_125 = vector.broadcast %squeeze3A_124 : f32 to vector<64x128xf32>
      %sub3A_126 = arith.subf %get3A_28, %sub3A_125 : vector<64x128xf32>
      %integer_pow3A_127 = arith.mulf %sub3A_126, %sub3A_126 : vector<64x128xf32>
      %add3A_128 = arith.addf %integer_pow3A_122, %integer_pow3A_127 : vector<64x128xf32>
      %slice3A_129 = vector.extract_strided_slice %get3A_111 {offsets = [0, 2], sizes = [1, 1], strides = [1, 1]} : vector<1x3xf32> to vector<1x1xf32>
      %squeeze3A_130 = vector.extract %slice3A_129[0, 0] : f32 from vector<1x1xf32>
      %sub3A_131 = vector.broadcast %squeeze3A_130 : f32 to vector<64x128xf32>
      %sub3A_132 = arith.subf %get3A_34, %sub3A_131 : vector<64x128xf32>
      %integer_pow3A_133 = arith.mulf %sub3A_132, %sub3A_132 : vector<64x128xf32>
      %add3A_134 = arith.addf %add3A_128, %integer_pow3A_133 : vector<64x128xf32>
      %get3A_135 = arith.constant 1 : index
      %get3A_136 = arith.constant 0 : index
      %get3A_137 = arith.constant 0 : index
      %get3A_138 = vector.load %arg4[%get3A_135, %get3A_136, %get3A_137] : memref<2x64x128xf32, #tpu.memory_space<vmem>>, vector<1x64x128xf32>
      %get3A_139 = vector.shape_cast %get3A_138 : vector<1x64x128xf32> to vector<64x128xf32>
      %min3A_140 = arith.minimumf %get3A_139, %add3A_134 : vector<64x128xf32>
      %swap3A_141 = arith.constant 1 : index
      %swap3A_142 = arith.constant 0 : index
      %swap3A_143 = arith.constant 0 : index
      %swap3A_144 = vector.load %arg4[%swap3A_141, %swap3A_142, %swap3A_143] : memref<2x64x128xf32, #tpu.memory_space<vmem>>, vector<1x64x128xf32>
      %swap3A_145 = vector.shape_cast %swap3A_144 : vector<1x64x128xf32> to vector<64x128xf32>
      %swap3A_146 = vector.shape_cast %min3A_140 : vector<64x128xf32> to vector<1x64x128xf32>
      tpu.vector_store %arg4[%swap3A_141, %swap3A_142, %swap3A_143], %swap3A_146 {strides = array<i32>} : memref<2x64x128xf32, #tpu.memory_space<vmem>>, vector<1x64x128xf32>,
      %reduce_max3A_147 = vector.shape_cast %min3A_140 : vector<64x128xf32> to vector<1x64x128xf32>
      %reduce_max3A_148 = arith.constant dense<0xFF800000> : vector<1xf32>
      %reduce_max3A_149 = vector.multi_reduction <maximumf>, %reduce_max3A_147, %reduce_max3A_148 [1, 2] : vector<1x64x128xf32> to vector<1xf32>
      %reduce_max3A_150 = vector.shape_cast %reduce_max3A_149 : vector<1xf32> to vector<1x1x1xf32>
      %reduce_max3A_151 = vector.extract %reduce_max3A_150[0, 0, 0] : f32 from vector<1x1x1xf32>
      %eq3A_152 = vector.broadcast %reduce_max3A_151 : f32 to vector<64x128xf32>
      %eq3A_153 = arith.cmpf oeq, %min3A_140, %eq3A_152 : vector<64x128xf32>
      %jit3A_154 = arith.constant 8192 : i32
      %broadcast_in_dim3A_155 = vector.broadcast %jit3A_154 : i32 to vector<64x128xi32>
      %select_n3A_156 = arith.select %eq3A_153, %add3A, %broadcast_in_dim3A_155 : vector<64x128xi1>, vector<64x128xi32>
      %reduce_min3A_157 = vector.shape_cast %select_n3A_156 : vector<64x128xi32> to vector<1x64x128xi32>
      %reduce_min3A_158 = arith.constant dense<2147483647> : vector<1xi32>
      %reduce_min3A_159 = vector.multi_reduction <minsi>, %reduce_min3A_157, %reduce_min3A_158 [1, 2] : vector<1x64x128xi32> to vector<1xi32>
      %reduce_min3A_160 = vector.shape_cast %reduce_min3A_159 : vector<1xi32> to vector<1x1x1xi32>
      %reduce_min3A_161 = vector.extract %reduce_min3A_160[0, 0, 0] : i32 from vector<1x1x1xi32>
      scf.yield %reduce_min3A_106, %reduce_min3A_161 : i32, i32
    }
    %scan3A_58 = arith.constant 2048 : i32
    return
  }
  func.func @transform_0(%arg0: i32) -> (i32, i32, i32, i32) {
    %c0_i32 = arith.constant 0 : i32
    %c0_i32_0 = arith.constant 0 : i32
    %c0_i32_1 = arith.constant 0 : i32
    %c0_i32_2 = arith.constant 0 : i32
    %c0_i32_3 = arith.constant 0 : i32
    return %c0_i32, %c0_i32_0, %c0_i32_1, %c0_i32_2 : i32, i32, i32, i32
  }
  func.func @transform_1(%arg0: i32) -> (i32, i32, i32) {
    %c0_i32 = arith.constant 0 : i32
    %c0_i32_0 = arith.constant 0 : i32
    %c0_i32_1 = arith.constant 0 : i32
    %c0_i32_2 = arith.constant 0 : i32
    return %c0_i32, %c0_i32_0, %c0_i32_1 : i32, i32, i32
  }
  func.func @transform_2(%arg0: i32) -> (i32, i32, i32) {
    %c0_i32 = arith.constant 0 : i32
    %c0_i32_0 = arith.constant 0 : i32
    %c0_i32_1 = arith.constant 0 : i32
    %c0_i32_2 = arith.constant 0 : i32
    return %c0_i32, %c0_i32_0, %c0_i32_1 : i32, i32, i32
  }
}

module attributes {stable_mosaic.version = 14 : i64} {
  func.func @body(%arg0: i32, %arg1: i32, %arg2: memref<1x32x3xf32, #tpu.memory_space<vmem>>, %arg3: memref<1x3x8192xf32, #tpu.memory_space<vmem>>, %arg4: memref<1x32x32xi32, #tpu.memory_space<vmem>>, %arg5: memref<1x32x32xf32, #tpu.memory_space<vmem>>, %arg6: memref<32x8192xf32, #tpu.memory_space<vmem>>) attributes {dimension_semantics = [#tpu.dimension_semantics<arbitrary>, #tpu.dimension_semantics<arbitrary>], iteration_bounds = array<i64: 2, 64>, scalar_prefetch = 0 : i64, scratch_operands = 1 : i64, tpu.core_type = #tpu.core_type<tc>, window_params = [{transform_indices = @transform_0, window_bounds = array<i64: 1, 32, 3>}, {transform_indices = @transform_1, window_bounds = array<i64: 1, 3, 8192>}, {transform_indices = @transform_2, window_bounds = array<i64: 1, 32, 32>}, {transform_indices = @transform_3, window_bounds = array<i64: 1, 32, 32>}]} {
    %get3A = arith.constant 0 : index
    %get3A_0 = arith.constant 0 : index
    %get3A_1 = arith.constant 0 : index
    %get3A_2 = vector.load %arg2[%get3A, %get3A_0, %get3A_1] : memref<1x32x3xf32, #tpu.memory_space<vmem>>, vector<1x32x3xf32>
    %get3A_3 = vector.shape_cast %get3A_2 : vector<1x32x3xf32> to vector<32x3xf32>
    %get3A_4 = arith.constant 0 : index
    %get3A_5 = arith.constant 0 : index
    %get3A_6 = arith.constant 0 : index
    %get3A_7 = vector.load %arg3[%get3A_4, %get3A_5, %get3A_6] : memref<1x3x8192xf32, #tpu.memory_space<vmem>>, vector<1x1x8192xf32>
    %get3A_8 = vector.shape_cast %get3A_7 : vector<1x1x8192xf32> to vector<1x8192xf32>
    %get3A_9 = arith.constant 0 : index
    %get3A_10 = arith.constant 1 : index
    %get3A_11 = arith.constant 0 : index
    %get3A_12 = vector.load %arg3[%get3A_9, %get3A_10, %get3A_11] : memref<1x3x8192xf32, #tpu.memory_space<vmem>>, vector<1x1x8192xf32>
    %get3A_13 = vector.shape_cast %get3A_12 : vector<1x1x8192xf32> to vector<1x8192xf32>
    %get3A_14 = arith.constant 0 : index
    %get3A_15 = arith.constant 2 : index
    %get3A_16 = arith.constant 0 : index
    %get3A_17 = vector.load %arg3[%get3A_14, %get3A_15, %get3A_16] : memref<1x3x8192xf32, #tpu.memory_space<vmem>>, vector<1x1x8192xf32>
    %get3A_18 = vector.shape_cast %get3A_17 : vector<1x1x8192xf32> to vector<1x8192xf32>
    %slice3A = vector.extract_strided_slice %get3A_3 {offsets = [0, 0], sizes = [32, 1], strides = [1, 1]} : vector<32x3xf32> to vector<32x1xf32>
    %sub3A = vector.broadcast %slice3A : vector<32x1xf32> to vector<32x8192xf32>
    %sub3A_19 = vector.broadcast %get3A_8 : vector<1x8192xf32> to vector<32x8192xf32>
    %sub3A_20 = arith.subf %sub3A, %sub3A_19 : vector<32x8192xf32>
    %integer_pow3A = arith.mulf %sub3A_20, %sub3A_20 : vector<32x8192xf32>
    %slice3A_21 = vector.extract_strided_slice %get3A_3 {offsets = [0, 1], sizes = [32, 1], strides = [1, 1]} : vector<32x3xf32> to vector<32x1xf32>
    %sub3A_22 = vector.broadcast %slice3A_21 : vector<32x1xf32> to vector<32x8192xf32>
    %sub3A_23 = vector.broadcast %get3A_13 : vector<1x8192xf32> to vector<32x8192xf32>
    %sub3A_24 = arith.subf %sub3A_22, %sub3A_23 : vector<32x8192xf32>
    %integer_pow3A_25 = arith.mulf %sub3A_24, %sub3A_24 : vector<32x8192xf32>
    %add3A = arith.addf %integer_pow3A, %integer_pow3A_25 : vector<32x8192xf32>
    %slice3A_26 = vector.extract_strided_slice %get3A_3 {offsets = [0, 2], sizes = [32, 1], strides = [1, 1]} : vector<32x3xf32> to vector<32x1xf32>
    %sub3A_27 = vector.broadcast %slice3A_26 : vector<32x1xf32> to vector<32x8192xf32>
    %sub3A_28 = vector.broadcast %get3A_18 : vector<1x8192xf32> to vector<32x8192xf32>
    %sub3A_29 = arith.subf %sub3A_27, %sub3A_28 : vector<32x8192xf32>
    %integer_pow3A_30 = arith.mulf %sub3A_29, %sub3A_29 : vector<32x8192xf32>
    %add3A_31 = arith.addf %add3A, %integer_pow3A_30 : vector<32x8192xf32>
    %swap3A = arith.constant 0 : index
    %swap3A_32 = arith.constant 0 : index
    %swap3A_33 = vector.load %arg6[%swap3A, %swap3A_32] : memref<32x8192xf32, #tpu.memory_space<vmem>>, vector<32x8192xf32>
    tpu.vector_store %arg6[%swap3A, %swap3A_32], %add3A_31 {strides = array<i32>} : memref<32x8192xf32, #tpu.memory_space<vmem>>, vector<32x8192xf32>,
    %iota3A = tpu.iota {dimensions = array<i32: 1>} : vector<32x32xi32>
    %iota3A_34 = tpu.iota {dimensions = array<i32: 1>} : vector<32x8192xi32>
    %broadcast_in_dim3A = arith.constant 0 : i32
    %broadcast_in_dim3A_35 = vector.broadcast %broadcast_in_dim3A : i32 to vector<32x32xi32>
    %broadcast_in_dim3A_36 = arith.constant 0x7F800000 : f32
    %broadcast_in_dim3A_37 = vector.broadcast %broadcast_in_dim3A_36 : f32 to vector<32x32xf32>
    %broadcast_in_dim3A_38 = arith.constant 0.000000e+00 : f32
    %broadcast_in_dim3A_39 = vector.broadcast %broadcast_in_dim3A_38 : f32 to vector<32x1xf32>
    %while3A = arith.constant 0 : i32
    %while3A_40:4 = scf.while (%while3A_53 = %while3A, %while3A_54 = %broadcast_in_dim3A_35, %while3A_55 = %broadcast_in_dim3A_37, %while3A_56 = %broadcast_in_dim3A_39) : (i32, vector<32x32xi32>, vector<32x32xf32>, vector<32x1xf32>) -> (i32, vector<32x32xi32>, vector<32x32xf32>, vector<32x1xf32>) {
      %lt3A = arith.constant 32 : i32
      %lt3A_57 = arith.cmpi slt, %while3A_53, %lt3A : i32
      %eq3A = arith.constant 0 : i32
      %eq3A_58 = arith.cmpi eq, %while3A_53, %eq3A : i32
      %reduce_min3A = vector.shape_cast %while3A_56 : vector<32x1xf32> to vector<1x32x1xf32>
      %reduce_min3A_59 = arith.constant dense<0x7F800000> : vector<1xf32>
      %reduce_min3A_60 = vector.multi_reduction <minimumf>, %reduce_min3A, %reduce_min3A_59 [1, 2] : vector<1x32x1xf32> to vector<1xf32>
      %reduce_min3A_61 = vector.shape_cast %reduce_min3A_60 : vector<1xf32> to vector<1x1x1xf32>
      %reduce_min3A_62 = vector.extract %reduce_min3A_61[0, 0, 0] : f32 from vector<1x1x1xf32>
      %le3A = arith.constant 6.400000e-01 : f32
      %le3A_63 = arith.cmpf ole, %reduce_min3A_62, %le3A : f32
      %or3A = arith.ori %eq3A_58, %le3A_63 : i1
      %and3A = arith.andi %lt3A_57, %or3A : i1
      scf.condition(%and3A) %while3A_53, %while3A_54, %while3A_55, %while3A_56 : i32, vector<32x32xi32>, vector<32x32xf32>, vector<32x1xf32>
    } do {
    ^bb0(%while3A_53: i32, %while3A_54: vector<32x32xi32>, %while3A_55: vector<32x32xf32>, %while3A_56: vector<32x1xf32>):
      %get3A_57 = arith.constant 0 : index
      %get3A_58 = arith.constant 0 : index
      %get3A_59 = vector.load %arg6[%get3A_57, %get3A_58] : memref<32x8192xf32, #tpu.memory_space<vmem>>, vector<32x8192xf32>
      %reduce_min3A = arith.constant dense<0x7F800000> : vector<32xf32>
      %reduce_min3A_60 = vector.multi_reduction <minimumf>, %get3A_59, %reduce_min3A [1] : vector<32x8192xf32> to vector<32xf32>
      %broadcast_in_dim3A_61 = vector.shape_cast %reduce_min3A_60 : vector<32xf32> to vector<32x1xf32>
      %eq3A = vector.broadcast %broadcast_in_dim3A_61 : vector<32x1xf32> to vector<32x8192xf32>
      %eq3A_62 = arith.cmpf oeq, %get3A_59, %eq3A : vector<32x8192xf32>
      %jit3A = arith.constant 8192 : i32
      %broadcast_in_dim3A_63 = vector.broadcast %jit3A : i32 to vector<32x8192xi32>
      %select_n3A = arith.select %eq3A_62, %iota3A_34, %broadcast_in_dim3A_63 : vector<32x8192xi1>, vector<32x8192xi32>
      %reduce_min3A_64 = arith.constant dense<2147483647> : vector<32xi32>
      %reduce_min3A_65 = vector.multi_reduction <minsi>, %select_n3A, %reduce_min3A_64 [1] : vector<32x8192xi32> to vector<32xi32>
      %broadcast_in_dim3A_66 = vector.shape_cast %reduce_min3A_65 : vector<32xi32> to vector<32x1xi32>
      %eq3A_67 = vector.broadcast %while3A_53 : i32 to vector<32x32xi32>
      %eq3A_68 = arith.cmpi eq, %iota3A, %eq3A_67 : vector<32x32xi32>
      %broadcast_in_dim3A_69 = vector.shape_cast %broadcast_in_dim3A_66 : vector<32x1xi32> to vector<32x1xi32>
      %broadcast_in_dim3A_70 = vector.broadcast %broadcast_in_dim3A_69 : vector<32x1xi32> to vector<32x32xi32>
      %select_n3A_71 = arith.select %eq3A_68, %broadcast_in_dim3A_70, %while3A_54 : vector<32x32xi1>, vector<32x32xi32>
      %eq3A_72 = vector.broadcast %while3A_53 : i32 to vector<32x32xi32>
      %eq3A_73 = arith.cmpi eq, %iota3A, %eq3A_72 : vector<32x32xi32>
      %broadcast_in_dim3A_74 = vector.shape_cast %broadcast_in_dim3A_61 : vector<32x1xf32> to vector<32x1xf32>
      %broadcast_in_dim3A_75 = vector.broadcast %broadcast_in_dim3A_74 : vector<32x1xf32> to vector<32x32xf32>
      %select_n3A_76 = arith.select %eq3A_73, %broadcast_in_dim3A_75, %while3A_55 : vector<32x32xi1>, vector<32x32xf32>
      %eq3A_77 = vector.broadcast %broadcast_in_dim3A_66 : vector<32x1xi32> to vector<32x8192xi32>
      %eq3A_78 = arith.cmpi eq, %iota3A_34, %eq3A_77 : vector<32x8192xi32>
      %jit3A_79 = arith.constant 0x7F800000 : f32
      %broadcast_in_dim3A_80 = vector.broadcast %jit3A_79 : f32 to vector<32x8192xf32>
      %select_n3A_81 = arith.select %eq3A_78, %broadcast_in_dim3A_80, %get3A_59 : vector<32x8192xi1>, vector<32x8192xf32>
      %swap3A_82 = arith.constant 0 : index
      %swap3A_83 = arith.constant 0 : index
      %swap3A_84 = vector.load %arg6[%swap3A_82, %swap3A_83] : memref<32x8192xf32, #tpu.memory_space<vmem>>, vector<32x8192xf32>
      tpu.vector_store %arg6[%swap3A_82, %swap3A_83], %select_n3A_81 {strides = array<i32>} : memref<32x8192xf32, #tpu.memory_space<vmem>>, vector<32x8192xf32>,
      %add3A_85 = arith.constant 1 : i32
      %add3A_86 = arith.addi %while3A_53, %add3A_85 : i32
      scf.yield %add3A_86, %select_n3A_71, %select_n3A_76, %broadcast_in_dim3A_61 : i32, vector<32x32xi32>, vector<32x32xf32>, vector<32x1xf32>
    }
    %swap3A_41 = arith.constant 0 : index
    %swap3A_42 = arith.constant 0 : index
    %swap3A_43 = arith.constant 0 : index
    %swap3A_44 = vector.load %arg4[%swap3A_41, %swap3A_42, %swap3A_43] : memref<1x32x32xi32, #tpu.memory_space<vmem>>, vector<1x32x32xi32>
    %swap3A_45 = vector.shape_cast %swap3A_44 : vector<1x32x32xi32> to vector<32x32xi32>
    %swap3A_46 = vector.shape_cast %while3A_40#1 : vector<32x32xi32> to vector<1x32x32xi32>
    tpu.vector_store %arg4[%swap3A_41, %swap3A_42, %swap3A_43], %swap3A_46 {strides = array<i32>} : memref<1x32x32xi32, #tpu.memory_space<vmem>>, vector<1x32x32xi32>,
    %swap3A_47 = arith.constant 0 : index
    %swap3A_48 = arith.constant 0 : index
    %swap3A_49 = arith.constant 0 : index
    %swap3A_50 = vector.load %arg5[%swap3A_47, %swap3A_48, %swap3A_49] : memref<1x32x32xf32, #tpu.memory_space<vmem>>, vector<1x32x32xf32>
    %swap3A_51 = vector.shape_cast %swap3A_50 : vector<1x32x32xf32> to vector<32x32xf32>
    %swap3A_52 = vector.shape_cast %while3A_40#2 : vector<32x32xf32> to vector<1x32x32xf32>
    tpu.vector_store %arg5[%swap3A_47, %swap3A_48, %swap3A_49], %swap3A_52 {strides = array<i32>} : memref<1x32x32xf32, #tpu.memory_space<vmem>>, vector<1x32x32xf32>,
    return
  }
  func.func @transform_0(%arg0: i32, %arg1: i32) -> (i32, i32, i32) {
    %c0_i32 = arith.constant 0 : i32
    %c0_i32_0 = arith.constant 0 : i32
    return %arg0, %arg1, %c0_i32 : i32, i32, i32
  }
  func.func @transform_1(%arg0: i32, %arg1: i32) -> (i32, i32, i32) {
    %c0_i32 = arith.constant 0 : i32
    %c0_i32_0 = arith.constant 0 : i32
    %c0_i32_1 = arith.constant 0 : i32
    return %arg0, %c0_i32, %c0_i32_0 : i32, i32, i32
  }
  func.func @transform_2(%arg0: i32, %arg1: i32) -> (i32, i32, i32) {
    %c0_i32 = arith.constant 0 : i32
    %c0_i32_0 = arith.constant 0 : i32
    return %arg0, %arg1, %c0_i32 : i32, i32, i32
  }
  func.func @transform_3(%arg0: i32, %arg1: i32) -> (i32, i32, i32) {
    %c0_i32 = arith.constant 0 : i32
    %c0_i32_0 = arith.constant 0 : i32
    return %arg0, %arg1, %c0_i32 : i32, i32, i32
  }
}

module attributes {stable_mosaic.version = 14 : i64} {
  func.func @body(%arg0: i32, %arg1: memref<2x3x16x128xf32, #tpu.memory_space<vmem>>, %arg2: memref<2x2048x3xf32, #tpu.memory_space<vmem>>, %arg3: memref<2x512x3xf32, #tpu.memory_space<vmem>>, %arg4: memref<2x16x128xf32, #tpu.memory_space<vmem>>) attributes {dimension_semantics = [#tpu.dimension_semantics<arbitrary>], iteration_bounds = array<i64: 1>, scalar_prefetch = 0 : i64, scratch_operands = 1 : i64, tpu.core_type = #tpu.core_type<tc>, window_params = [{pipeline_mode = #tpu.pipeline_mode<synchronous>, transform_indices = @transform_0, window_bounds = array<i64: 2, 3, 16, 128>}, {pipeline_mode = #tpu.pipeline_mode<synchronous>, transform_indices = @transform_1, window_bounds = array<i64: 2, 2048, 3>}, {pipeline_mode = #tpu.pipeline_mode<synchronous>, transform_indices = @transform_2, window_bounds = array<i64: 2, 512, 3>}]} {
    %get3A = arith.constant 0 : index
    %get3A_0 = arith.constant 0 : index
    %get3A_1 = arith.constant 0 : index
    %get3A_2 = arith.constant 0 : index
    %get3A_3 = vector.load %arg1[%get3A, %get3A_0, %get3A_1, %get3A_2] : memref<2x3x16x128xf32, #tpu.memory_space<vmem>>, vector<1x1x16x128xf32>
    %get3A_4 = vector.shape_cast %get3A_3 : vector<1x1x16x128xf32> to vector<16x128xf32>
    %get3A_5 = arith.constant 0 : index
    %get3A_6 = arith.constant 1 : index
    %get3A_7 = arith.constant 0 : index
    %get3A_8 = arith.constant 0 : index
    %get3A_9 = vector.load %arg1[%get3A_5, %get3A_6, %get3A_7, %get3A_8] : memref<2x3x16x128xf32, #tpu.memory_space<vmem>>, vector<1x1x16x128xf32>
    %get3A_10 = vector.shape_cast %get3A_9 : vector<1x1x16x128xf32> to vector<16x128xf32>
    %get3A_11 = arith.constant 0 : index
    %get3A_12 = arith.constant 2 : index
    %get3A_13 = arith.constant 0 : index
    %get3A_14 = arith.constant 0 : index
    %get3A_15 = vector.load %arg1[%get3A_11, %get3A_12, %get3A_13, %get3A_14] : memref<2x3x16x128xf32, #tpu.memory_space<vmem>>, vector<1x1x16x128xf32>
    %get3A_16 = vector.shape_cast %get3A_15 : vector<1x1x16x128xf32> to vector<16x128xf32>
    %get3A_17 = arith.constant 1 : index
    %get3A_18 = arith.constant 0 : index
    %get3A_19 = arith.constant 0 : index
    %get3A_20 = arith.constant 0 : index
    %get3A_21 = vector.load %arg1[%get3A_17, %get3A_18, %get3A_19, %get3A_20] : memref<2x3x16x128xf32, #tpu.memory_space<vmem>>, vector<1x1x16x128xf32>
    %get3A_22 = vector.shape_cast %get3A_21 : vector<1x1x16x128xf32> to vector<16x128xf32>
    %get3A_23 = arith.constant 1 : index
    %get3A_24 = arith.constant 1 : index
    %get3A_25 = arith.constant 0 : index
    %get3A_26 = arith.constant 0 : index
    %get3A_27 = vector.load %arg1[%get3A_23, %get3A_24, %get3A_25, %get3A_26] : memref<2x3x16x128xf32, #tpu.memory_space<vmem>>, vector<1x1x16x128xf32>
    %get3A_28 = vector.shape_cast %get3A_27 : vector<1x1x16x128xf32> to vector<16x128xf32>
    %get3A_29 = arith.constant 1 : index
    %get3A_30 = arith.constant 2 : index
    %get3A_31 = arith.constant 0 : index
    %get3A_32 = arith.constant 0 : index
    %get3A_33 = vector.load %arg1[%get3A_29, %get3A_30, %get3A_31, %get3A_32] : memref<2x3x16x128xf32, #tpu.memory_space<vmem>>, vector<1x1x16x128xf32>
    %get3A_34 = vector.shape_cast %get3A_33 : vector<1x1x16x128xf32> to vector<16x128xf32>
    %iota3A = tpu.iota {dimensions = array<i32: 0>} : vector<16x128xi32>
    %mul3A = arith.constant 128 : i32
    %mul3A_35 = vector.broadcast %mul3A : i32 to vector<16x128xi32>
    %mul3A_36 = arith.muli %iota3A, %mul3A_35 : vector<16x128xi32>
    %iota3A_37 = tpu.iota {dimensions = array<i32: 1>} : vector<16x128xi32>
    %add3A = arith.addi %mul3A_36, %iota3A_37 : vector<16x128xi32>
    %broadcast_in_dim3A = arith.constant 1.000000e+10 : f32
    %broadcast_in_dim3A_38 = vector.broadcast %broadcast_in_dim3A : f32 to vector<16x128xf32>
    %swap3A = arith.constant 0 : index
    %swap3A_39 = arith.constant 0 : index
    %swap3A_40 = arith.constant 0 : index
    %swap3A_41 = vector.load %arg4[%swap3A, %swap3A_39, %swap3A_40] : memref<2x16x128xf32, #tpu.memory_space<vmem>>, vector<1x16x128xf32>
    %swap3A_42 = vector.shape_cast %swap3A_41 : vector<1x16x128xf32> to vector<16x128xf32>
    %swap3A_43 = vector.shape_cast %broadcast_in_dim3A_38 : vector<16x128xf32> to vector<1x16x128xf32>
    tpu.vector_store %arg4[%swap3A, %swap3A_39, %swap3A_40], %swap3A_43 {strides = array<i32>} : memref<2x16x128xf32, #tpu.memory_space<vmem>>, vector<1x16x128xf32>,
    %broadcast_in_dim3A_44 = arith.constant 1.000000e+10 : f32
    %broadcast_in_dim3A_45 = vector.broadcast %broadcast_in_dim3A_44 : f32 to vector<16x128xf32>
    %swap3A_46 = arith.constant 1 : index
    %swap3A_47 = arith.constant 0 : index
    %swap3A_48 = arith.constant 0 : index
    %swap3A_49 = vector.load %arg4[%swap3A_46, %swap3A_47, %swap3A_48] : memref<2x16x128xf32, #tpu.memory_space<vmem>>, vector<1x16x128xf32>
    %swap3A_50 = vector.shape_cast %swap3A_49 : vector<1x16x128xf32> to vector<16x128xf32>
    %swap3A_51 = vector.shape_cast %broadcast_in_dim3A_45 : vector<16x128xf32> to vector<1x16x128xf32>
    tpu.vector_store %arg4[%swap3A_46, %swap3A_47, %swap3A_48], %swap3A_51 {strides = array<i32>} : memref<2x16x128xf32, #tpu.memory_space<vmem>>, vector<1x16x128xf32>,
    %scan3A = arith.constant 0 : i32
    %scan3A_52 = arith.constant 0 : i32
    %scan3A_53 = arith.constant 0 : i32
    %scan3A_54 = arith.constant 512 : i32
    %scan3A_55 = arith.addi %scan3A_53, %scan3A_54 : i32
    %scan3A_56 = arith.constant 1 : i32
    %scan3A_57:2 = scf.for %scan3A_59 = %scan3A_53 to %scan3A_55 step %scan3A_56 iter_args(%scan3A_60 = %scan3A, %scan3A_61 = %scan3A_52) -> (i32, i32)  : i32 {
      %get3A_62 = arith.constant 0 : index
      %get3A_63 = arith.index_cast %scan3A_60 : i32 to index
      %get3A_64 = arith.constant 0 : index
      %get3A_65 = vector.load %arg2[%get3A_62, %get3A_63, %get3A_64] : memref<2x2048x3xf32, #tpu.memory_space<vmem>>, vector<1x1x3xf32>
      %get3A_66 = vector.shape_cast %get3A_65 : vector<1x1x3xf32> to vector<1x3xf32>
      %swap3A_67 = arith.constant 0 : index
      %swap3A_68 = arith.index_cast %scan3A_59 : i32 to index
      %swap3A_69 = arith.constant 0 : index
      %swap3A_70 = vector.load %arg3[%swap3A_67, %swap3A_68, %swap3A_69] : memref<2x512x3xf32, #tpu.memory_space<vmem>>, vector<1x1x3xf32>
      %swap3A_71 = vector.shape_cast %swap3A_70 : vector<1x1x3xf32> to vector<1x3xf32>
      %swap3A_72 = vector.shape_cast %get3A_66 : vector<1x3xf32> to vector<1x1x3xf32>
      tpu.vector_store %arg3[%swap3A_67, %swap3A_68, %swap3A_69], %swap3A_72 {strides = array<i32>} : memref<2x512x3xf32, #tpu.memory_space<vmem>>, vector<1x1x3xf32>,
      %slice3A = vector.extract_strided_slice %get3A_66 {offsets = [0, 0], sizes = [1, 1], strides = [1, 1]} : vector<1x3xf32> to vector<1x1xf32>
      %squeeze3A = vector.extract %slice3A[0, 0] : f32 from vector<1x1xf32>
      %sub3A = vector.broadcast %squeeze3A : f32 to vector<16x128xf32>
      %sub3A_73 = arith.subf %get3A_4, %sub3A : vector<16x128xf32>
      %integer_pow3A = arith.mulf %sub3A_73, %sub3A_73 : vector<16x128xf32>
      %slice3A_74 = vector.extract_strided_slice %get3A_66 {offsets = [0, 1], sizes = [1, 1], strides = [1, 1]} : vector<1x3xf32> to vector<1x1xf32>
      %squeeze3A_75 = vector.extract %slice3A_74[0, 0] : f32 from vector<1x1xf32>
      %sub3A_76 = vector.broadcast %squeeze3A_75 : f32 to vector<16x128xf32>
      %sub3A_77 = arith.subf %get3A_10, %sub3A_76 : vector<16x128xf32>
      %integer_pow3A_78 = arith.mulf %sub3A_77, %sub3A_77 : vector<16x128xf32>
      %add3A_79 = arith.addf %integer_pow3A, %integer_pow3A_78 : vector<16x128xf32>
      %slice3A_80 = vector.extract_strided_slice %get3A_66 {offsets = [0, 2], sizes = [1, 1], strides = [1, 1]} : vector<1x3xf32> to vector<1x1xf32>
      %squeeze3A_81 = vector.extract %slice3A_80[0, 0] : f32 from vector<1x1xf32>
      %sub3A_82 = vector.broadcast %squeeze3A_81 : f32 to vector<16x128xf32>
      %sub3A_83 = arith.subf %get3A_16, %sub3A_82 : vector<16x128xf32>
      %integer_pow3A_84 = arith.mulf %sub3A_83, %sub3A_83 : vector<16x128xf32>
      %add3A_85 = arith.addf %add3A_79, %integer_pow3A_84 : vector<16x128xf32>
      %get3A_86 = arith.constant 0 : index
      %get3A_87 = arith.constant 0 : index
      %get3A_88 = arith.constant 0 : index
      %get3A_89 = vector.load %arg4[%get3A_86, %get3A_87, %get3A_88] : memref<2x16x128xf32, #tpu.memory_space<vmem>>, vector<1x16x128xf32>
      %get3A_90 = vector.shape_cast %get3A_89 : vector<1x16x128xf32> to vector<16x128xf32>
      %min3A = arith.minimumf %get3A_90, %add3A_85 : vector<16x128xf32>
      %swap3A_91 = arith.constant 0 : index
      %swap3A_92 = arith.constant 0 : index
      %swap3A_93 = arith.constant 0 : index
      %swap3A_94 = vector.load %arg4[%swap3A_91, %swap3A_92, %swap3A_93] : memref<2x16x128xf32, #tpu.memory_space<vmem>>, vector<1x16x128xf32>
      %swap3A_95 = vector.shape_cast %swap3A_94 : vector<1x16x128xf32> to vector<16x128xf32>
      %swap3A_96 = vector.shape_cast %min3A : vector<16x128xf32> to vector<1x16x128xf32>
      tpu.vector_store %arg4[%swap3A_91, %swap3A_92, %swap3A_93], %swap3A_96 {strides = array<i32>} : memref<2x16x128xf32, #tpu.memory_space<vmem>>, vector<1x16x128xf32>,
      %reduce_max3A = vector.shape_cast %min3A : vector<16x128xf32> to vector<1x16x128xf32>
      %reduce_max3A_97 = arith.constant dense<0xFF800000> : vector<1xf32>
      %reduce_max3A_98 = vector.multi_reduction <maximumf>, %reduce_max3A, %reduce_max3A_97 [1, 2] : vector<1x16x128xf32> to vector<1xf32>
      %reduce_max3A_99 = vector.shape_cast %reduce_max3A_98 : vector<1xf32> to vector<1x1x1xf32>
      %reduce_max3A_100 = vector.extract %reduce_max3A_99[0, 0, 0] : f32 from vector<1x1x1xf32>
      %eq3A = vector.broadcast %reduce_max3A_100 : f32 to vector<16x128xf32>
      %eq3A_101 = arith.cmpf oeq, %min3A, %eq3A : vector<16x128xf32>
      %jit3A = arith.constant 2048 : i32
      %broadcast_in_dim3A_102 = vector.broadcast %jit3A : i32 to vector<16x128xi32>
      %select_n3A = arith.select %eq3A_101, %add3A, %broadcast_in_dim3A_102 : vector<16x128xi1>, vector<16x128xi32>
      %reduce_min3A = vector.shape_cast %select_n3A : vector<16x128xi32> to vector<1x16x128xi32>
      %reduce_min3A_103 = arith.constant dense<2147483647> : vector<1xi32>
      %reduce_min3A_104 = vector.multi_reduction <minsi>, %reduce_min3A, %reduce_min3A_103 [1, 2] : vector<1x16x128xi32> to vector<1xi32>
      %reduce_min3A_105 = vector.shape_cast %reduce_min3A_104 : vector<1xi32> to vector<1x1x1xi32>
      %reduce_min3A_106 = vector.extract %reduce_min3A_105[0, 0, 0] : i32 from vector<1x1x1xi32>
      %get3A_107 = arith.constant 1 : index
      %get3A_108 = arith.index_cast %scan3A_61 : i32 to index
      %get3A_109 = arith.constant 0 : index
      %get3A_110 = vector.load %arg2[%get3A_107, %get3A_108, %get3A_109] : memref<2x2048x3xf32, #tpu.memory_space<vmem>>, vector<1x1x3xf32>
      %get3A_111 = vector.shape_cast %get3A_110 : vector<1x1x3xf32> to vector<1x3xf32>
      %swap3A_112 = arith.constant 1 : index
      %swap3A_113 = arith.index_cast %scan3A_59 : i32 to index
      %swap3A_114 = arith.constant 0 : index
      %swap3A_115 = vector.load %arg3[%swap3A_112, %swap3A_113, %swap3A_114] : memref<2x512x3xf32, #tpu.memory_space<vmem>>, vector<1x1x3xf32>
      %swap3A_116 = vector.shape_cast %swap3A_115 : vector<1x1x3xf32> to vector<1x3xf32>
      %swap3A_117 = vector.shape_cast %get3A_111 : vector<1x3xf32> to vector<1x1x3xf32>
      tpu.vector_store %arg3[%swap3A_112, %swap3A_113, %swap3A_114], %swap3A_117 {strides = array<i32>} : memref<2x512x3xf32, #tpu.memory_space<vmem>>, vector<1x1x3xf32>,
      %slice3A_118 = vector.extract_strided_slice %get3A_111 {offsets = [0, 0], sizes = [1, 1], strides = [1, 1]} : vector<1x3xf32> to vector<1x1xf32>
      %squeeze3A_119 = vector.extract %slice3A_118[0, 0] : f32 from vector<1x1xf32>
      %sub3A_120 = vector.broadcast %squeeze3A_119 : f32 to vector<16x128xf32>
      %sub3A_121 = arith.subf %get3A_22, %sub3A_120 : vector<16x128xf32>
      %integer_pow3A_122 = arith.mulf %sub3A_121, %sub3A_121 : vector<16x128xf32>
      %slice3A_123 = vector.extract_strided_slice %get3A_111 {offsets = [0, 1], sizes = [1, 1], strides = [1, 1]} : vector<1x3xf32> to vector<1x1xf32>
      %squeeze3A_124 = vector.extract %slice3A_123[0, 0] : f32 from vector<1x1xf32>
      %sub3A_125 = vector.broadcast %squeeze3A_124 : f32 to vector<16x128xf32>
      %sub3A_126 = arith.subf %get3A_28, %sub3A_125 : vector<16x128xf32>
      %integer_pow3A_127 = arith.mulf %sub3A_126, %sub3A_126 : vector<16x128xf32>
      %add3A_128 = arith.addf %integer_pow3A_122, %integer_pow3A_127 : vector<16x128xf32>
      %slice3A_129 = vector.extract_strided_slice %get3A_111 {offsets = [0, 2], sizes = [1, 1], strides = [1, 1]} : vector<1x3xf32> to vector<1x1xf32>
      %squeeze3A_130 = vector.extract %slice3A_129[0, 0] : f32 from vector<1x1xf32>
      %sub3A_131 = vector.broadcast %squeeze3A_130 : f32 to vector<16x128xf32>
      %sub3A_132 = arith.subf %get3A_34, %sub3A_131 : vector<16x128xf32>
      %integer_pow3A_133 = arith.mulf %sub3A_132, %sub3A_132 : vector<16x128xf32>
      %add3A_134 = arith.addf %add3A_128, %integer_pow3A_133 : vector<16x128xf32>
      %get3A_135 = arith.constant 1 : index
      %get3A_136 = arith.constant 0 : index
      %get3A_137 = arith.constant 0 : index
      %get3A_138 = vector.load %arg4[%get3A_135, %get3A_136, %get3A_137] : memref<2x16x128xf32, #tpu.memory_space<vmem>>, vector<1x16x128xf32>
      %get3A_139 = vector.shape_cast %get3A_138 : vector<1x16x128xf32> to vector<16x128xf32>
      %min3A_140 = arith.minimumf %get3A_139, %add3A_134 : vector<16x128xf32>
      %swap3A_141 = arith.constant 1 : index
      %swap3A_142 = arith.constant 0 : index
      %swap3A_143 = arith.constant 0 : index
      %swap3A_144 = vector.load %arg4[%swap3A_141, %swap3A_142, %swap3A_143] : memref<2x16x128xf32, #tpu.memory_space<vmem>>, vector<1x16x128xf32>
      %swap3A_145 = vector.shape_cast %swap3A_144 : vector<1x16x128xf32> to vector<16x128xf32>
      %swap3A_146 = vector.shape_cast %min3A_140 : vector<16x128xf32> to vector<1x16x128xf32>
      tpu.vector_store %arg4[%swap3A_141, %swap3A_142, %swap3A_143], %swap3A_146 {strides = array<i32>} : memref<2x16x128xf32, #tpu.memory_space<vmem>>, vector<1x16x128xf32>,
      %reduce_max3A_147 = vector.shape_cast %min3A_140 : vector<16x128xf32> to vector<1x16x128xf32>
      %reduce_max3A_148 = arith.constant dense<0xFF800000> : vector<1xf32>
      %reduce_max3A_149 = vector.multi_reduction <maximumf>, %reduce_max3A_147, %reduce_max3A_148 [1, 2] : vector<1x16x128xf32> to vector<1xf32>
      %reduce_max3A_150 = vector.shape_cast %reduce_max3A_149 : vector<1xf32> to vector<1x1x1xf32>
      %reduce_max3A_151 = vector.extract %reduce_max3A_150[0, 0, 0] : f32 from vector<1x1x1xf32>
      %eq3A_152 = vector.broadcast %reduce_max3A_151 : f32 to vector<16x128xf32>
      %eq3A_153 = arith.cmpf oeq, %min3A_140, %eq3A_152 : vector<16x128xf32>
      %jit3A_154 = arith.constant 2048 : i32
      %broadcast_in_dim3A_155 = vector.broadcast %jit3A_154 : i32 to vector<16x128xi32>
      %select_n3A_156 = arith.select %eq3A_153, %add3A, %broadcast_in_dim3A_155 : vector<16x128xi1>, vector<16x128xi32>
      %reduce_min3A_157 = vector.shape_cast %select_n3A_156 : vector<16x128xi32> to vector<1x16x128xi32>
      %reduce_min3A_158 = arith.constant dense<2147483647> : vector<1xi32>
      %reduce_min3A_159 = vector.multi_reduction <minsi>, %reduce_min3A_157, %reduce_min3A_158 [1, 2] : vector<1x16x128xi32> to vector<1xi32>
      %reduce_min3A_160 = vector.shape_cast %reduce_min3A_159 : vector<1xi32> to vector<1x1x1xi32>
      %reduce_min3A_161 = vector.extract %reduce_min3A_160[0, 0, 0] : i32 from vector<1x1x1xi32>
      scf.yield %reduce_min3A_106, %reduce_min3A_161 : i32, i32
    }
    %scan3A_58 = arith.constant 512 : i32
    return
  }
  func.func @transform_0(%arg0: i32) -> (i32, i32, i32, i32) {
    %c0_i32 = arith.constant 0 : i32
    %c0_i32_0 = arith.constant 0 : i32
    %c0_i32_1 = arith.constant 0 : i32
    %c0_i32_2 = arith.constant 0 : i32
    %c0_i32_3 = arith.constant 0 : i32
    return %c0_i32, %c0_i32_0, %c0_i32_1, %c0_i32_2 : i32, i32, i32, i32
  }
  func.func @transform_1(%arg0: i32) -> (i32, i32, i32) {
    %c0_i32 = arith.constant 0 : i32
    %c0_i32_0 = arith.constant 0 : i32
    %c0_i32_1 = arith.constant 0 : i32
    %c0_i32_2 = arith.constant 0 : i32
    return %c0_i32, %c0_i32_0, %c0_i32_1 : i32, i32, i32
  }
  func.func @transform_2(%arg0: i32) -> (i32, i32, i32) {
    %c0_i32 = arith.constant 0 : i32
    %c0_i32_0 = arith.constant 0 : i32
    %c0_i32_1 = arith.constant 0 : i32
    %c0_i32_2 = arith.constant 0 : i32
    return %c0_i32, %c0_i32_0, %c0_i32_1 : i32, i32, i32
  }
}

module attributes {stable_mosaic.version = 14 : i64} {
  func.func @body(%arg0: i32, %arg1: i32, %arg2: memref<1x32x3xf32, #tpu.memory_space<vmem>>, %arg3: memref<1x3x2048xf32, #tpu.memory_space<vmem>>, %arg4: memref<1x32x32xi32, #tpu.memory_space<vmem>>, %arg5: memref<1x32x32xf32, #tpu.memory_space<vmem>>, %arg6: memref<32x2048xf32, #tpu.memory_space<vmem>>) attributes {dimension_semantics = [#tpu.dimension_semantics<arbitrary>, #tpu.dimension_semantics<arbitrary>], iteration_bounds = array<i64: 2, 16>, scalar_prefetch = 0 : i64, scratch_operands = 1 : i64, tpu.core_type = #tpu.core_type<tc>, window_params = [{transform_indices = @transform_0, window_bounds = array<i64: 1, 32, 3>}, {transform_indices = @transform_1, window_bounds = array<i64: 1, 3, 2048>}, {transform_indices = @transform_2, window_bounds = array<i64: 1, 32, 32>}, {transform_indices = @transform_3, window_bounds = array<i64: 1, 32, 32>}]} {
    %get3A = arith.constant 0 : index
    %get3A_0 = arith.constant 0 : index
    %get3A_1 = arith.constant 0 : index
    %get3A_2 = vector.load %arg2[%get3A, %get3A_0, %get3A_1] : memref<1x32x3xf32, #tpu.memory_space<vmem>>, vector<1x32x3xf32>
    %get3A_3 = vector.shape_cast %get3A_2 : vector<1x32x3xf32> to vector<32x3xf32>
    %get3A_4 = arith.constant 0 : index
    %get3A_5 = arith.constant 0 : index
    %get3A_6 = arith.constant 0 : index
    %get3A_7 = vector.load %arg3[%get3A_4, %get3A_5, %get3A_6] : memref<1x3x2048xf32, #tpu.memory_space<vmem>>, vector<1x1x2048xf32>
    %get3A_8 = vector.shape_cast %get3A_7 : vector<1x1x2048xf32> to vector<1x2048xf32>
    %get3A_9 = arith.constant 0 : index
    %get3A_10 = arith.constant 1 : index
    %get3A_11 = arith.constant 0 : index
    %get3A_12 = vector.load %arg3[%get3A_9, %get3A_10, %get3A_11] : memref<1x3x2048xf32, #tpu.memory_space<vmem>>, vector<1x1x2048xf32>
    %get3A_13 = vector.shape_cast %get3A_12 : vector<1x1x2048xf32> to vector<1x2048xf32>
    %get3A_14 = arith.constant 0 : index
    %get3A_15 = arith.constant 2 : index
    %get3A_16 = arith.constant 0 : index
    %get3A_17 = vector.load %arg3[%get3A_14, %get3A_15, %get3A_16] : memref<1x3x2048xf32, #tpu.memory_space<vmem>>, vector<1x1x2048xf32>
    %get3A_18 = vector.shape_cast %get3A_17 : vector<1x1x2048xf32> to vector<1x2048xf32>
    %slice3A = vector.extract_strided_slice %get3A_3 {offsets = [0, 0], sizes = [32, 1], strides = [1, 1]} : vector<32x3xf32> to vector<32x1xf32>
    %sub3A = vector.broadcast %slice3A : vector<32x1xf32> to vector<32x2048xf32>
    %sub3A_19 = vector.broadcast %get3A_8 : vector<1x2048xf32> to vector<32x2048xf32>
    %sub3A_20 = arith.subf %sub3A, %sub3A_19 : vector<32x2048xf32>
    %integer_pow3A = arith.mulf %sub3A_20, %sub3A_20 : vector<32x2048xf32>
    %slice3A_21 = vector.extract_strided_slice %get3A_3 {offsets = [0, 1], sizes = [32, 1], strides = [1, 1]} : vector<32x3xf32> to vector<32x1xf32>
    %sub3A_22 = vector.broadcast %slice3A_21 : vector<32x1xf32> to vector<32x2048xf32>
    %sub3A_23 = vector.broadcast %get3A_13 : vector<1x2048xf32> to vector<32x2048xf32>
    %sub3A_24 = arith.subf %sub3A_22, %sub3A_23 : vector<32x2048xf32>
    %integer_pow3A_25 = arith.mulf %sub3A_24, %sub3A_24 : vector<32x2048xf32>
    %add3A = arith.addf %integer_pow3A, %integer_pow3A_25 : vector<32x2048xf32>
    %slice3A_26 = vector.extract_strided_slice %get3A_3 {offsets = [0, 2], sizes = [32, 1], strides = [1, 1]} : vector<32x3xf32> to vector<32x1xf32>
    %sub3A_27 = vector.broadcast %slice3A_26 : vector<32x1xf32> to vector<32x2048xf32>
    %sub3A_28 = vector.broadcast %get3A_18 : vector<1x2048xf32> to vector<32x2048xf32>
    %sub3A_29 = arith.subf %sub3A_27, %sub3A_28 : vector<32x2048xf32>
    %integer_pow3A_30 = arith.mulf %sub3A_29, %sub3A_29 : vector<32x2048xf32>
    %add3A_31 = arith.addf %add3A, %integer_pow3A_30 : vector<32x2048xf32>
    %swap3A = arith.constant 0 : index
    %swap3A_32 = arith.constant 0 : index
    %swap3A_33 = vector.load %arg6[%swap3A, %swap3A_32] : memref<32x2048xf32, #tpu.memory_space<vmem>>, vector<32x2048xf32>
    tpu.vector_store %arg6[%swap3A, %swap3A_32], %add3A_31 {strides = array<i32>} : memref<32x2048xf32, #tpu.memory_space<vmem>>, vector<32x2048xf32>,
    %iota3A = tpu.iota {dimensions = array<i32: 1>} : vector<32x32xi32>
    %iota3A_34 = tpu.iota {dimensions = array<i32: 1>} : vector<32x2048xi32>
    %broadcast_in_dim3A = arith.constant 0 : i32
    %broadcast_in_dim3A_35 = vector.broadcast %broadcast_in_dim3A : i32 to vector<32x32xi32>
    %broadcast_in_dim3A_36 = arith.constant 0x7F800000 : f32
    %broadcast_in_dim3A_37 = vector.broadcast %broadcast_in_dim3A_36 : f32 to vector<32x32xf32>
    %broadcast_in_dim3A_38 = arith.constant 0.000000e+00 : f32
    %broadcast_in_dim3A_39 = vector.broadcast %broadcast_in_dim3A_38 : f32 to vector<32x1xf32>
    %while3A = arith.constant 0 : i32
    %while3A_40:4 = scf.while (%while3A_53 = %while3A, %while3A_54 = %broadcast_in_dim3A_35, %while3A_55 = %broadcast_in_dim3A_37, %while3A_56 = %broadcast_in_dim3A_39) : (i32, vector<32x32xi32>, vector<32x32xf32>, vector<32x1xf32>) -> (i32, vector<32x32xi32>, vector<32x32xf32>, vector<32x1xf32>) {
      %lt3A = arith.constant 32 : i32
      %lt3A_57 = arith.cmpi slt, %while3A_53, %lt3A : i32
      %eq3A = arith.constant 0 : i32
      %eq3A_58 = arith.cmpi eq, %while3A_53, %eq3A : i32
      %reduce_min3A = vector.shape_cast %while3A_56 : vector<32x1xf32> to vector<1x32x1xf32>
      %reduce_min3A_59 = arith.constant dense<0x7F800000> : vector<1xf32>
      %reduce_min3A_60 = vector.multi_reduction <minimumf>, %reduce_min3A, %reduce_min3A_59 [1, 2] : vector<1x32x1xf32> to vector<1xf32>
      %reduce_min3A_61 = vector.shape_cast %reduce_min3A_60 : vector<1xf32> to vector<1x1x1xf32>
      %reduce_min3A_62 = vector.extract %reduce_min3A_61[0, 0, 0] : f32 from vector<1x1x1xf32>
      %le3A = arith.constant 2.560000e+00 : f32
      %le3A_63 = arith.cmpf ole, %reduce_min3A_62, %le3A : f32
      %or3A = arith.ori %eq3A_58, %le3A_63 : i1
      %and3A = arith.andi %lt3A_57, %or3A : i1
      scf.condition(%and3A) %while3A_53, %while3A_54, %while3A_55, %while3A_56 : i32, vector<32x32xi32>, vector<32x32xf32>, vector<32x1xf32>
    } do {
    ^bb0(%while3A_53: i32, %while3A_54: vector<32x32xi32>, %while3A_55: vector<32x32xf32>, %while3A_56: vector<32x1xf32>):
      %get3A_57 = arith.constant 0 : index
      %get3A_58 = arith.constant 0 : index
      %get3A_59 = vector.load %arg6[%get3A_57, %get3A_58] : memref<32x2048xf32, #tpu.memory_space<vmem>>, vector<32x2048xf32>
      %reduce_min3A = arith.constant dense<0x7F800000> : vector<32xf32>
      %reduce_min3A_60 = vector.multi_reduction <minimumf>, %get3A_59, %reduce_min3A [1] : vector<32x2048xf32> to vector<32xf32>
      %broadcast_in_dim3A_61 = vector.shape_cast %reduce_min3A_60 : vector<32xf32> to vector<32x1xf32>
      %eq3A = vector.broadcast %broadcast_in_dim3A_61 : vector<32x1xf32> to vector<32x2048xf32>
      %eq3A_62 = arith.cmpf oeq, %get3A_59, %eq3A : vector<32x2048xf32>
      %jit3A = arith.constant 2048 : i32
      %broadcast_in_dim3A_63 = vector.broadcast %jit3A : i32 to vector<32x2048xi32>
      %select_n3A = arith.select %eq3A_62, %iota3A_34, %broadcast_in_dim3A_63 : vector<32x2048xi1>, vector<32x2048xi32>
      %reduce_min3A_64 = arith.constant dense<2147483647> : vector<32xi32>
      %reduce_min3A_65 = vector.multi_reduction <minsi>, %select_n3A, %reduce_min3A_64 [1] : vector<32x2048xi32> to vector<32xi32>
      %broadcast_in_dim3A_66 = vector.shape_cast %reduce_min3A_65 : vector<32xi32> to vector<32x1xi32>
      %eq3A_67 = vector.broadcast %while3A_53 : i32 to vector<32x32xi32>
      %eq3A_68 = arith.cmpi eq, %iota3A, %eq3A_67 : vector<32x32xi32>
      %broadcast_in_dim3A_69 = vector.shape_cast %broadcast_in_dim3A_66 : vector<32x1xi32> to vector<32x1xi32>
      %broadcast_in_dim3A_70 = vector.broadcast %broadcast_in_dim3A_69 : vector<32x1xi32> to vector<32x32xi32>
      %select_n3A_71 = arith.select %eq3A_68, %broadcast_in_dim3A_70, %while3A_54 : vector<32x32xi1>, vector<32x32xi32>
      %eq3A_72 = vector.broadcast %while3A_53 : i32 to vector<32x32xi32>
      %eq3A_73 = arith.cmpi eq, %iota3A, %eq3A_72 : vector<32x32xi32>
      %broadcast_in_dim3A_74 = vector.shape_cast %broadcast_in_dim3A_61 : vector<32x1xf32> to vector<32x1xf32>
      %broadcast_in_dim3A_75 = vector.broadcast %broadcast_in_dim3A_74 : vector<32x1xf32> to vector<32x32xf32>
      %select_n3A_76 = arith.select %eq3A_73, %broadcast_in_dim3A_75, %while3A_55 : vector<32x32xi1>, vector<32x32xf32>
      %eq3A_77 = vector.broadcast %broadcast_in_dim3A_66 : vector<32x1xi32> to vector<32x2048xi32>
      %eq3A_78 = arith.cmpi eq, %iota3A_34, %eq3A_77 : vector<32x2048xi32>
      %jit3A_79 = arith.constant 0x7F800000 : f32
      %broadcast_in_dim3A_80 = vector.broadcast %jit3A_79 : f32 to vector<32x2048xf32>
      %select_n3A_81 = arith.select %eq3A_78, %broadcast_in_dim3A_80, %get3A_59 : vector<32x2048xi1>, vector<32x2048xf32>
      %swap3A_82 = arith.constant 0 : index
      %swap3A_83 = arith.constant 0 : index
      %swap3A_84 = vector.load %arg6[%swap3A_82, %swap3A_83] : memref<32x2048xf32, #tpu.memory_space<vmem>>, vector<32x2048xf32>
      tpu.vector_store %arg6[%swap3A_82, %swap3A_83], %select_n3A_81 {strides = array<i32>} : memref<32x2048xf32, #tpu.memory_space<vmem>>, vector<32x2048xf32>,
      %add3A_85 = arith.constant 1 : i32
      %add3A_86 = arith.addi %while3A_53, %add3A_85 : i32
      scf.yield %add3A_86, %select_n3A_71, %select_n3A_76, %broadcast_in_dim3A_61 : i32, vector<32x32xi32>, vector<32x32xf32>, vector<32x1xf32>
    }
    %swap3A_41 = arith.constant 0 : index
    %swap3A_42 = arith.constant 0 : index
    %swap3A_43 = arith.constant 0 : index
    %swap3A_44 = vector.load %arg4[%swap3A_41, %swap3A_42, %swap3A_43] : memref<1x32x32xi32, #tpu.memory_space<vmem>>, vector<1x32x32xi32>
    %swap3A_45 = vector.shape_cast %swap3A_44 : vector<1x32x32xi32> to vector<32x32xi32>
    %swap3A_46 = vector.shape_cast %while3A_40#1 : vector<32x32xi32> to vector<1x32x32xi32>
    tpu.vector_store %arg4[%swap3A_41, %swap3A_42, %swap3A_43], %swap3A_46 {strides = array<i32>} : memref<1x32x32xi32, #tpu.memory_space<vmem>>, vector<1x32x32xi32>,
    %swap3A_47 = arith.constant 0 : index
    %swap3A_48 = arith.constant 0 : index
    %swap3A_49 = arith.constant 0 : index
    %swap3A_50 = vector.load %arg5[%swap3A_47, %swap3A_48, %swap3A_49] : memref<1x32x32xf32, #tpu.memory_space<vmem>>, vector<1x32x32xf32>
    %swap3A_51 = vector.shape_cast %swap3A_50 : vector<1x32x32xf32> to vector<32x32xf32>
    %swap3A_52 = vector.shape_cast %while3A_40#2 : vector<32x32xf32> to vector<1x32x32xf32>
    tpu.vector_store %arg5[%swap3A_47, %swap3A_48, %swap3A_49], %swap3A_52 {strides = array<i32>} : memref<1x32x32xf32, #tpu.memory_space<vmem>>, vector<1x32x32xf32>,
    return
  }
  func.func @transform_0(%arg0: i32, %arg1: i32) -> (i32, i32, i32) {
    %c0_i32 = arith.constant 0 : i32
    %c0_i32_0 = arith.constant 0 : i32
    return %arg0, %arg1, %c0_i32 : i32, i32, i32
  }
  func.func @transform_1(%arg0: i32, %arg1: i32) -> (i32, i32, i32) {
    %c0_i32 = arith.constant 0 : i32
    %c0_i32_0 = arith.constant 0 : i32
    %c0_i32_1 = arith.constant 0 : i32
    return %arg0, %c0_i32, %c0_i32_0 : i32, i32, i32
  }
  func.func @transform_2(%arg0: i32, %arg1: i32) -> (i32, i32, i32) {
    %c0_i32 = arith.constant 0 : i32
    %c0_i32_0 = arith.constant 0 : i32
    return %arg0, %arg1, %c0_i32 : i32, i32, i32
  }
  func.func @transform_3(%arg0: i32, %arg1: i32) -> (i32, i32, i32) {
    %c0_i32 = arith.constant 0 : i32
    %c0_i32_0 = arith.constant 0 : i32
    return %arg0, %arg1, %c0_i32 : i32, i32, i32
  }
}

module attributes {stable_mosaic.version = 14 : i64} {
  func.func @body(%arg0: i32, %arg1: i32, %arg2: memref<1x64x32x16xf32, #tpu.memory_space<vmem>>, %arg3: memref<1x64x3xf32, #tpu.memory_space<vmem>>, %arg4: memref<1x64x32xf32, #tpu.memory_space<vmem>>, %arg5: memref<4x16xf32, #tpu.memory_space<vmem>>, %arg6: memref<1x16xf32, #tpu.memory_space<vmem>>, %arg7: memref<16x16xf32, #tpu.memory_space<vmem>>, %arg8: memref<1x16xf32, #tpu.memory_space<vmem>>, %arg9: memref<16x32xf32, #tpu.memory_space<vmem>>, %arg10: memref<1x32xf32, #tpu.memory_space<vmem>>, %arg11: memref<4x32xf32, #tpu.memory_space<vmem>>, %arg12: memref<1x32xf32, #tpu.memory_space<vmem>>, %arg13: memref<32x32xf32, #tpu.memory_space<vmem>>, %arg14: memref<1x32xf32, #tpu.memory_space<vmem>>, %arg15: memref<32x64xf32, #tpu.memory_space<vmem>>, %arg16: memref<1x64xf32, #tpu.memory_space<vmem>>, %arg17: memref<96x64xf32, #tpu.memory_space<vmem>>, %arg18: memref<1x64xf32, #tpu.memory_space<vmem>>, %arg19: memref<1x64x64xf32, #tpu.memory_space<vmem>>) attributes {dimension_semantics = [#tpu.dimension_semantics<arbitrary>, #tpu.dimension_semantics<arbitrary>], iteration_bounds = array<i64: 2, 32>, scalar_prefetch = 0 : i64, scratch_operands = 0 : i64, tpu.core_type = #tpu.core_type<tc>, window_params = [{transform_indices = @transform_0, window_bounds = array<i64: 1, 64, 32, 16>}, {transform_indices = @transform_1, window_bounds = array<i64: 1, 64, 3>}, {transform_indices = @transform_2, window_bounds = array<i64: 1, 64, 32>}, {pipeline_mode = #tpu.pipeline_mode<synchronous>, transform_indices = @transform_3, window_bounds = array<i64: 4, 16>}, {pipeline_mode = #tpu.pipeline_mode<synchronous>, transform_indices = @transform_4, window_bounds = array<i64: 1, 16>}, {pipeline_mode = #tpu.pipeline_mode<synchronous>, transform_indices = @transform_5, window_bounds = array<i64: 16, 16>}, {pipeline_mode = #tpu.pipeline_mode<synchronous>, transform_indices = @transform_6, window_bounds = array<i64: 1, 16>}, {pipeline_mode = #tpu.pipeline_mode<synchronous>, transform_indices = @transform_7, window_bounds = array<i64: 16, 32>}, {pipeline_mode = #tpu.pipeline_mode<synchronous>, transform_indices = @transform_8, window_bounds = array<i64: 1, 32>}, {pipeline_mode = #tpu.pipeline_mode<synchronous>, transform_indices = @transform_9, window_bounds = array<i64: 4, 32>}, {pipeline_mode = #tpu.pipeline_mode<synchronous>, transform_indices = @transform_10, window_bounds = array<i64: 1, 32>}, {pipeline_mode = #tpu.pipeline_mode<synchronous>, transform_indices = @transform_11, window_bounds = array<i64: 32, 32>}, {pipeline_mode = #tpu.pipeline_mode<synchronous>, transform_indices = @transform_12, window_bounds = array<i64: 1, 32>}, {pipeline_mode = #tpu.pipeline_mode<synchronous>, transform_indices = @transform_13, window_bounds = array<i64: 32, 64>}, {pipeline_mode = #tpu.pipeline_mode<synchronous>, transform_indices = @transform_14, window_bounds = array<i64: 1, 64>}, {pipeline_mode = #tpu.pipeline_mode<synchronous>, transform_indices = @transform_15, window_bounds = array<i64: 96, 64>}, {pipeline_mode = #tpu.pipeline_mode<synchronous>, transform_indices = @transform_16, window_bounds = array<i64: 1, 64>}, {transform_indices = @transform_17, window_bounds = array<i64: 1, 64, 64>}]} {
    %get3A = arith.constant 0 : index
    %get3A_0 = arith.constant 0 : index
    %get3A_1 = arith.constant 0 : index
    %get3A_2 = arith.constant 0 : index
    %get3A_3 = vector.load %arg2[%get3A, %get3A_0, %get3A_1, %get3A_2] : memref<1x64x32x16xf32, #tpu.memory_space<vmem>>, vector<1x64x32x16xf32>
    %get3A_4 = vector.shape_cast %get3A_3 : vector<1x64x32x16xf32> to vector<64x32x16xf32>
    %get3A_5 = arith.constant 0 : index
    %get3A_6 = arith.constant 0 : index
    %get3A_7 = arith.constant 0 : index
    %get3A_8 = vector.load %arg3[%get3A_5, %get3A_6, %get3A_7] : memref<1x64x3xf32, #tpu.memory_space<vmem>>, vector<1x64x3xf32>
    %get3A_9 = vector.shape_cast %get3A_8 : vector<1x64x3xf32> to vector<64x3xf32>
    %get3A_10 = arith.constant 0 : index
    %get3A_11 = arith.constant 0 : index
    %get3A_12 = arith.constant 0 : index
    %get3A_13 = vector.load %arg4[%get3A_10, %get3A_11, %get3A_12] : memref<1x64x32xf32, #tpu.memory_space<vmem>>, vector<1x64x32xf32>
    %get3A_14 = vector.shape_cast %get3A_13 : vector<1x64x32xf32> to vector<64x32xf32>
    %slice3A = vector.extract_strided_slice %get3A_4 {offsets = [0, 0, 0], sizes = [64, 32, 3], strides = [1, 1, 1]} : vector<64x32x16xf32> to vector<64x32x3xf32>
    %broadcast_in_dim3A = vector.shape_cast %get3A_9 : vector<64x3xf32> to vector<64x1x3xf32>
    %sub3A = vector.broadcast %broadcast_in_dim3A : vector<64x1x3xf32> to vector<64x32x3xf32>
    %sub3A_15 = arith.subf %slice3A, %sub3A : vector<64x32x3xf32>
    %slice3A_16 = vector.extract_strided_slice %get3A_4 {offsets = [0, 0, 3], sizes = [64, 32, 1], strides = [1, 1, 1]} : vector<64x32x16xf32> to vector<64x32x1xf32>
    %concatenate3A = tpu.concatenate %sub3A_15, %slice3A_16 in 2 : vector<64x32x3xf32>, vector<64x32x1xf32> -> vector<64x32x4xf32>
    %slice3A_17 = vector.extract_strided_slice %concatenate3A {offsets = [0, 0, 0], sizes = [64, 16, 4], strides = [1, 1, 1]} : vector<64x32x4xf32> to vector<64x16x4xf32>
    %reshape3A = vector.shape_cast %slice3A_17 : vector<64x16x4xf32> to vector<1024x4xf32>
    %get3A_18 = arith.constant 0 : index
    %get3A_19 = arith.constant 0 : index
    %get3A_20 = vector.load %arg5[%get3A_18, %get3A_19] : memref<4x16xf32, #tpu.memory_space<vmem>>, vector<4x16xf32>
    %get3A_21 = arith.constant 0 : index
    %get3A_22 = arith.constant 0 : index
    %get3A_23 = vector.load %arg6[%get3A_21, %get3A_22] : memref<1x16xf32, #tpu.memory_space<vmem>>, vector<1x16xf32>
    %dot_general3A = arith.constant dense<0.000000e+00> : vector<1024x16xf32>
    %dot_general3A_24 = tpu.matmul %reshape3A, %get3A_20, %dot_general3A {dimension_numbers = #tpu.dot_dimension_numbers<[1], [0], [0], [1], [0, 0, 1, 1], [], []>, transpose_lhs_hint = false} : vector<1024x4xf32>, vector<4x16xf32>, vector<1024x16xf32> -> vector<1024x16xf32>
    %add3A = vector.broadcast %get3A_23 : vector<1x16xf32> to vector<1024x16xf32>
    %add3A_25 = arith.addf %dot_general3A_24, %add3A : vector<1024x16xf32>
    %max3A = arith.constant 0.000000e+00 : f32
    %max3A_26 = vector.broadcast %max3A : f32 to vector<1024x16xf32>
    %max3A_27 = arith.maximumf %add3A_25, %max3A_26 : vector<1024x16xf32>
    %get3A_28 = arith.constant 0 : index
    %get3A_29 = arith.constant 0 : index
    %get3A_30 = vector.load %arg7[%get3A_28, %get3A_29] : memref<16x16xf32, #tpu.memory_space<vmem>>, vector<16x16xf32>
    %get3A_31 = arith.constant 0 : index
    %get3A_32 = arith.constant 0 : index
    %get3A_33 = vector.load %arg8[%get3A_31, %get3A_32] : memref<1x16xf32, #tpu.memory_space<vmem>>, vector<1x16xf32>
    %dot_general3A_34 = arith.constant dense<0.000000e+00> : vector<1024x16xf32>
    %dot_general3A_35 = tpu.matmul %max3A_27, %get3A_30, %dot_general3A_34 {dimension_numbers = #tpu.dot_dimension_numbers<[1], [0], [0], [1], [0, 0, 1, 1], [], []>, transpose_lhs_hint = false} : vector<1024x16xf32>, vector<16x16xf32>, vector<1024x16xf32> -> vector<1024x16xf32>
    %add3A_36 = vector.broadcast %get3A_33 : vector<1x16xf32> to vector<1024x16xf32>
    %add3A_37 = arith.addf %dot_general3A_35, %add3A_36 : vector<1024x16xf32>
    %max3A_38 = arith.constant 0.000000e+00 : f32
    %max3A_39 = vector.broadcast %max3A_38 : f32 to vector<1024x16xf32>
    %max3A_40 = arith.maximumf %add3A_37, %max3A_39 : vector<1024x16xf32>
    %get3A_41 = arith.constant 0 : index
    %get3A_42 = arith.constant 0 : index
    %get3A_43 = vector.load %arg9[%get3A_41, %get3A_42] : memref<16x32xf32, #tpu.memory_space<vmem>>, vector<16x32xf32>
    %get3A_44 = arith.constant 0 : index
    %get3A_45 = arith.constant 0 : index
    %get3A_46 = vector.load %arg10[%get3A_44, %get3A_45] : memref<1x32xf32, #tpu.memory_space<vmem>>, vector<1x32xf32>
    %dot_general3A_47 = arith.constant dense<0.000000e+00> : vector<1024x32xf32>
    %dot_general3A_48 = tpu.matmul %max3A_40, %get3A_43, %dot_general3A_47 {dimension_numbers = #tpu.dot_dimension_numbers<[1], [0], [0], [1], [0, 0, 1, 1], [], []>, transpose_lhs_hint = false} : vector<1024x16xf32>, vector<16x32xf32>, vector<1024x32xf32> -> vector<1024x32xf32>
    %add3A_49 = vector.broadcast %get3A_46 : vector<1x32xf32> to vector<1024x32xf32>
    %add3A_50 = arith.addf %dot_general3A_48, %add3A_49 : vector<1024x32xf32>
    %max3A_51 = arith.constant 0.000000e+00 : f32
    %max3A_52 = vector.broadcast %max3A_51 : f32 to vector<1024x32xf32>
    %max3A_53 = arith.maximumf %add3A_50, %max3A_52 : vector<1024x32xf32>
    %reshape3A_54 = vector.shape_cast %max3A_53 : vector<1024x32xf32> to vector<64x16x32xf32>
    %slice3A_55 = vector.extract_strided_slice %get3A_14 {offsets = [0, 0], sizes = [64, 16], strides = [1, 1]} : vector<64x32xf32> to vector<64x16xf32>
    %le3A = arith.constant 4.000000e-02 : f32
    %le3A_56 = vector.broadcast %le3A : f32 to vector<64x16xf32>
    %le3A_57 = arith.cmpf ole, %slice3A_55, %le3A_56 : vector<64x16xf32>
    %slice3A_58 = vector.extract_strided_slice %reshape3A_54 {offsets = [0, 0, 0], sizes = [64, 1, 32], strides = [1, 1, 1]} : vector<64x16x32xf32> to vector<64x1x32xf32>
    %squeeze3A = vector.shape_cast %slice3A_58 : vector<64x1x32xf32> to vector<64x32xf32>
    %slice3A_59 = vector.extract_strided_slice %le3A_57 {offsets = [0, 1], sizes = [64, 1], strides = [1, 1]} : vector<64x16xi1> to vector<64x1xi1>
    %slice3A_60 = vector.extract_strided_slice %reshape3A_54 {offsets = [0, 1, 0], sizes = [64, 1, 32], strides = [1, 1, 1]} : vector<64x16x32xf32> to vector<64x1x32xf32>
    %squeeze3A_61 = vector.shape_cast %slice3A_60 : vector<64x1x32xf32> to vector<64x32xf32>
    %jit3A = arith.constant 0.000000e+00 : f32
    %broadcast_in_dim3A_62 = vector.shape_cast %slice3A_59 : vector<64x1xi1> to vector<64x1xi1>
    %broadcast_in_dim3A_63 = vector.broadcast %broadcast_in_dim3A_62 : vector<64x1xi1> to vector<64x32xi1>
    %broadcast_in_dim3A_64 = vector.broadcast %jit3A : f32 to vector<64x32xf32>
    %select_n3A = arith.select %broadcast_in_dim3A_63, %squeeze3A_61, %broadcast_in_dim3A_64 : vector<64x32xi1>, vector<64x32xf32>
    %max3A_65 = arith.maximumf %squeeze3A, %select_n3A : vector<64x32xf32>
    %slice3A_66 = vector.extract_strided_slice %le3A_57 {offsets = [0, 2], sizes = [64, 1], strides = [1, 1]} : vector<64x16xi1> to vector<64x1xi1>
    %slice3A_67 = vector.extract_strided_slice %reshape3A_54 {offsets = [0, 2, 0], sizes = [64, 1, 32], strides = [1, 1, 1]} : vector<64x16x32xf32> to vector<64x1x32xf32>
    %squeeze3A_68 = vector.shape_cast %slice3A_67 : vector<64x1x32xf32> to vector<64x32xf32>
    %jit3A_69 = arith.constant 0.000000e+00 : f32
    %broadcast_in_dim3A_70 = vector.shape_cast %slice3A_66 : vector<64x1xi1> to vector<64x1xi1>
    %broadcast_in_dim3A_71 = vector.broadcast %broadcast_in_dim3A_70 : vector<64x1xi1> to vector<64x32xi1>
    %broadcast_in_dim3A_72 = vector.broadcast %jit3A_69 : f32 to vector<64x32xf32>
    %select_n3A_73 = arith.select %broadcast_in_dim3A_71, %squeeze3A_68, %broadcast_in_dim3A_72 : vector<64x32xi1>, vector<64x32xf32>
    %max3A_74 = arith.maximumf %max3A_65, %select_n3A_73 : vector<64x32xf32>
    %slice3A_75 = vector.extract_strided_slice %le3A_57 {offsets = [0, 3], sizes = [64, 1], strides = [1, 1]} : vector<64x16xi1> to vector<64x1xi1>
    %slice3A_76 = vector.extract_strided_slice %reshape3A_54 {offsets = [0, 3, 0], sizes = [64, 1, 32], strides = [1, 1, 1]} : vector<64x16x32xf32> to vector<64x1x32xf32>
    %squeeze3A_77 = vector.shape_cast %slice3A_76 : vector<64x1x32xf32> to vector<64x32xf32>
    %jit3A_78 = arith.constant 0.000000e+00 : f32
    %broadcast_in_dim3A_79 = vector.shape_cast %slice3A_75 : vector<64x1xi1> to vector<64x1xi1>
    %broadcast_in_dim3A_80 = vector.broadcast %broadcast_in_dim3A_79 : vector<64x1xi1> to vector<64x32xi1>
    %broadcast_in_dim3A_81 = vector.broadcast %jit3A_78 : f32 to vector<64x32xf32>
    %select_n3A_82 = arith.select %broadcast_in_dim3A_80, %squeeze3A_77, %broadcast_in_dim3A_81 : vector<64x32xi1>, vector<64x32xf32>
    %max3A_83 = arith.maximumf %max3A_74, %select_n3A_82 : vector<64x32xf32>
    %slice3A_84 = vector.extract_strided_slice %le3A_57 {offsets = [0, 4], sizes = [64, 1], strides = [1, 1]} : vector<64x16xi1> to vector<64x1xi1>
    %slice3A_85 = vector.extract_strided_slice %reshape3A_54 {offsets = [0, 4, 0], sizes = [64, 1, 32], strides = [1, 1, 1]} : vector<64x16x32xf32> to vector<64x1x32xf32>
    %squeeze3A_86 = vector.shape_cast %slice3A_85 : vector<64x1x32xf32> to vector<64x32xf32>
    %jit3A_87 = arith.constant 0.000000e+00 : f32
    %broadcast_in_dim3A_88 = vector.shape_cast %slice3A_84 : vector<64x1xi1> to vector<64x1xi1>
    %broadcast_in_dim3A_89 = vector.broadcast %broadcast_in_dim3A_88 : vector<64x1xi1> to vector<64x32xi1>
    %broadcast_in_dim3A_90 = vector.broadcast %jit3A_87 : f32 to vector<64x32xf32>
    %select_n3A_91 = arith.select %broadcast_in_dim3A_89, %squeeze3A_86, %broadcast_in_dim3A_90 : vector<64x32xi1>, vector<64x32xf32>
    %max3A_92 = arith.maximumf %max3A_83, %select_n3A_91 : vector<64x32xf32>
    %slice3A_93 = vector.extract_strided_slice %le3A_57 {offsets = [0, 5], sizes = [64, 1], strides = [1, 1]} : vector<64x16xi1> to vector<64x1xi1>
    %slice3A_94 = vector.extract_strided_slice %reshape3A_54 {offsets = [0, 5, 0], sizes = [64, 1, 32], strides = [1, 1, 1]} : vector<64x16x32xf32> to vector<64x1x32xf32>
    %squeeze3A_95 = vector.shape_cast %slice3A_94 : vector<64x1x32xf32> to vector<64x32xf32>
    %jit3A_96 = arith.constant 0.000000e+00 : f32
    %broadcast_in_dim3A_97 = vector.shape_cast %slice3A_93 : vector<64x1xi1> to vector<64x1xi1>
    %broadcast_in_dim3A_98 = vector.broadcast %broadcast_in_dim3A_97 : vector<64x1xi1> to vector<64x32xi1>
    %broadcast_in_dim3A_99 = vector.broadcast %jit3A_96 : f32 to vector<64x32xf32>
    %select_n3A_100 = arith.select %broadcast_in_dim3A_98, %squeeze3A_95, %broadcast_in_dim3A_99 : vector<64x32xi1>, vector<64x32xf32>
    %max3A_101 = arith.maximumf %max3A_92, %select_n3A_100 : vector<64x32xf32>
    %slice3A_102 = vector.extract_strided_slice %le3A_57 {offsets = [0, 6], sizes = [64, 1], strides = [1, 1]} : vector<64x16xi1> to vector<64x1xi1>
    %slice3A_103 = vector.extract_strided_slice %reshape3A_54 {offsets = [0, 6, 0], sizes = [64, 1, 32], strides = [1, 1, 1]} : vector<64x16x32xf32> to vector<64x1x32xf32>
    %squeeze3A_104 = vector.shape_cast %slice3A_103 : vector<64x1x32xf32> to vector<64x32xf32>
    %jit3A_105 = arith.constant 0.000000e+00 : f32
    %broadcast_in_dim3A_106 = vector.shape_cast %slice3A_102 : vector<64x1xi1> to vector<64x1xi1>
    %broadcast_in_dim3A_107 = vector.broadcast %broadcast_in_dim3A_106 : vector<64x1xi1> to vector<64x32xi1>
    %broadcast_in_dim3A_108 = vector.broadcast %jit3A_105 : f32 to vector<64x32xf32>
    %select_n3A_109 = arith.select %broadcast_in_dim3A_107, %squeeze3A_104, %broadcast_in_dim3A_108 : vector<64x32xi1>, vector<64x32xf32>
    %max3A_110 = arith.maximumf %max3A_101, %select_n3A_109 : vector<64x32xf32>
    %slice3A_111 = vector.extract_strided_slice %le3A_57 {offsets = [0, 7], sizes = [64, 1], strides = [1, 1]} : vector<64x16xi1> to vector<64x1xi1>
    %slice3A_112 = vector.extract_strided_slice %reshape3A_54 {offsets = [0, 7, 0], sizes = [64, 1, 32], strides = [1, 1, 1]} : vector<64x16x32xf32> to vector<64x1x32xf32>
    %squeeze3A_113 = vector.shape_cast %slice3A_112 : vector<64x1x32xf32> to vector<64x32xf32>
    %jit3A_114 = arith.constant 0.000000e+00 : f32
    %broadcast_in_dim3A_115 = vector.shape_cast %slice3A_111 : vector<64x1xi1> to vector<64x1xi1>
    %broadcast_in_dim3A_116 = vector.broadcast %broadcast_in_dim3A_115 : vector<64x1xi1> to vector<64x32xi1>
    %broadcast_in_dim3A_117 = vector.broadcast %jit3A_114 : f32 to vector<64x32xf32>
    %select_n3A_118 = arith.select %broadcast_in_dim3A_116, %squeeze3A_113, %broadcast_in_dim3A_117 : vector<64x32xi1>, vector<64x32xf32>
    %max3A_119 = arith.maximumf %max3A_110, %select_n3A_118 : vector<64x32xf32>
    %slice3A_120 = vector.extract_strided_slice %le3A_57 {offsets = [0, 8], sizes = [64, 1], strides = [1, 1]} : vector<64x16xi1> to vector<64x1xi1>
    %slice3A_121 = vector.extract_strided_slice %reshape3A_54 {offsets = [0, 8, 0], sizes = [64, 1, 32], strides = [1, 1, 1]} : vector<64x16x32xf32> to vector<64x1x32xf32>
    %squeeze3A_122 = vector.shape_cast %slice3A_121 : vector<64x1x32xf32> to vector<64x32xf32>
    %jit3A_123 = arith.constant 0.000000e+00 : f32
    %broadcast_in_dim3A_124 = vector.shape_cast %slice3A_120 : vector<64x1xi1> to vector<64x1xi1>
    %broadcast_in_dim3A_125 = vector.broadcast %broadcast_in_dim3A_124 : vector<64x1xi1> to vector<64x32xi1>
    %broadcast_in_dim3A_126 = vector.broadcast %jit3A_123 : f32 to vector<64x32xf32>
    %select_n3A_127 = arith.select %broadcast_in_dim3A_125, %squeeze3A_122, %broadcast_in_dim3A_126 : vector<64x32xi1>, vector<64x32xf32>
    %max3A_128 = arith.maximumf %max3A_119, %select_n3A_127 : vector<64x32xf32>
    %slice3A_129 = vector.extract_strided_slice %le3A_57 {offsets = [0, 9], sizes = [64, 1], strides = [1, 1]} : vector<64x16xi1> to vector<64x1xi1>
    %slice3A_130 = vector.extract_strided_slice %reshape3A_54 {offsets = [0, 9, 0], sizes = [64, 1, 32], strides = [1, 1, 1]} : vector<64x16x32xf32> to vector<64x1x32xf32>
    %squeeze3A_131 = vector.shape_cast %slice3A_130 : vector<64x1x32xf32> to vector<64x32xf32>
    %jit3A_132 = arith.constant 0.000000e+00 : f32
    %broadcast_in_dim3A_133 = vector.shape_cast %slice3A_129 : vector<64x1xi1> to vector<64x1xi1>
    %broadcast_in_dim3A_134 = vector.broadcast %broadcast_in_dim3A_133 : vector<64x1xi1> to vector<64x32xi1>
    %broadcast_in_dim3A_135 = vector.broadcast %jit3A_132 : f32 to vector<64x32xf32>
    %select_n3A_136 = arith.select %broadcast_in_dim3A_134, %squeeze3A_131, %broadcast_in_dim3A_135 : vector<64x32xi1>, vector<64x32xf32>
    %max3A_137 = arith.maximumf %max3A_128, %select_n3A_136 : vector<64x32xf32>
    %slice3A_138 = vector.extract_strided_slice %le3A_57 {offsets = [0, 10], sizes = [64, 1], strides = [1, 1]} : vector<64x16xi1> to vector<64x1xi1>
    %slice3A_139 = vector.extract_strided_slice %reshape3A_54 {offsets = [0, 10, 0], sizes = [64, 1, 32], strides = [1, 1, 1]} : vector<64x16x32xf32> to vector<64x1x32xf32>
    %squeeze3A_140 = vector.shape_cast %slice3A_139 : vector<64x1x32xf32> to vector<64x32xf32>
    %jit3A_141 = arith.constant 0.000000e+00 : f32
    %broadcast_in_dim3A_142 = vector.shape_cast %slice3A_138 : vector<64x1xi1> to vector<64x1xi1>
    %broadcast_in_dim3A_143 = vector.broadcast %broadcast_in_dim3A_142 : vector<64x1xi1> to vector<64x32xi1>
    %broadcast_in_dim3A_144 = vector.broadcast %jit3A_141 : f32 to vector<64x32xf32>
    %select_n3A_145 = arith.select %broadcast_in_dim3A_143, %squeeze3A_140, %broadcast_in_dim3A_144 : vector<64x32xi1>, vector<64x32xf32>
    %max3A_146 = arith.maximumf %max3A_137, %select_n3A_145 : vector<64x32xf32>
    %slice3A_147 = vector.extract_strided_slice %le3A_57 {offsets = [0, 11], sizes = [64, 1], strides = [1, 1]} : vector<64x16xi1> to vector<64x1xi1>
    %slice3A_148 = vector.extract_strided_slice %reshape3A_54 {offsets = [0, 11, 0], sizes = [64, 1, 32], strides = [1, 1, 1]} : vector<64x16x32xf32> to vector<64x1x32xf32>
    %squeeze3A_149 = vector.shape_cast %slice3A_148 : vector<64x1x32xf32> to vector<64x32xf32>
    %jit3A_150 = arith.constant 0.000000e+00 : f32
    %broadcast_in_dim3A_151 = vector.shape_cast %slice3A_147 : vector<64x1xi1> to vector<64x1xi1>
    %broadcast_in_dim3A_152 = vector.broadcast %broadcast_in_dim3A_151 : vector<64x1xi1> to vector<64x32xi1>
    %broadcast_in_dim3A_153 = vector.broadcast %jit3A_150 : f32 to vector<64x32xf32>
    %select_n3A_154 = arith.select %broadcast_in_dim3A_152, %squeeze3A_149, %broadcast_in_dim3A_153 : vector<64x32xi1>, vector<64x32xf32>
    %max3A_155 = arith.maximumf %max3A_146, %select_n3A_154 : vector<64x32xf32>
    %slice3A_156 = vector.extract_strided_slice %le3A_57 {offsets = [0, 12], sizes = [64, 1], strides = [1, 1]} : vector<64x16xi1> to vector<64x1xi1>
    %slice3A_157 = vector.extract_strided_slice %reshape3A_54 {offsets = [0, 12, 0], sizes = [64, 1, 32], strides = [1, 1, 1]} : vector<64x16x32xf32> to vector<64x1x32xf32>
    %squeeze3A_158 = vector.shape_cast %slice3A_157 : vector<64x1x32xf32> to vector<64x32xf32>
    %jit3A_159 = arith.constant 0.000000e+00 : f32
    %broadcast_in_dim3A_160 = vector.shape_cast %slice3A_156 : vector<64x1xi1> to vector<64x1xi1>
    %broadcast_in_dim3A_161 = vector.broadcast %broadcast_in_dim3A_160 : vector<64x1xi1> to vector<64x32xi1>
    %broadcast_in_dim3A_162 = vector.broadcast %jit3A_159 : f32 to vector<64x32xf32>
    %select_n3A_163 = arith.select %broadcast_in_dim3A_161, %squeeze3A_158, %broadcast_in_dim3A_162 : vector<64x32xi1>, vector<64x32xf32>
    %max3A_164 = arith.maximumf %max3A_155, %select_n3A_163 : vector<64x32xf32>
    %slice3A_165 = vector.extract_strided_slice %le3A_57 {offsets = [0, 13], sizes = [64, 1], strides = [1, 1]} : vector<64x16xi1> to vector<64x1xi1>
    %slice3A_166 = vector.extract_strided_slice %reshape3A_54 {offsets = [0, 13, 0], sizes = [64, 1, 32], strides = [1, 1, 1]} : vector<64x16x32xf32> to vector<64x1x32xf32>
    %squeeze3A_167 = vector.shape_cast %slice3A_166 : vector<64x1x32xf32> to vector<64x32xf32>
    %jit3A_168 = arith.constant 0.000000e+00 : f32
    %broadcast_in_dim3A_169 = vector.shape_cast %slice3A_165 : vector<64x1xi1> to vector<64x1xi1>
    %broadcast_in_dim3A_170 = vector.broadcast %broadcast_in_dim3A_169 : vector<64x1xi1> to vector<64x32xi1>
    %broadcast_in_dim3A_171 = vector.broadcast %jit3A_168 : f32 to vector<64x32xf32>
    %select_n3A_172 = arith.select %broadcast_in_dim3A_170, %squeeze3A_167, %broadcast_in_dim3A_171 : vector<64x32xi1>, vector<64x32xf32>
    %max3A_173 = arith.maximumf %max3A_164, %select_n3A_172 : vector<64x32xf32>
    %slice3A_174 = vector.extract_strided_slice %le3A_57 {offsets = [0, 14], sizes = [64, 1], strides = [1, 1]} : vector<64x16xi1> to vector<64x1xi1>
    %slice3A_175 = vector.extract_strided_slice %reshape3A_54 {offsets = [0, 14, 0], sizes = [64, 1, 32], strides = [1, 1, 1]} : vector<64x16x32xf32> to vector<64x1x32xf32>
    %squeeze3A_176 = vector.shape_cast %slice3A_175 : vector<64x1x32xf32> to vector<64x32xf32>
    %jit3A_177 = arith.constant 0.000000e+00 : f32
    %broadcast_in_dim3A_178 = vector.shape_cast %slice3A_174 : vector<64x1xi1> to vector<64x1xi1>
    %broadcast_in_dim3A_179 = vector.broadcast %broadcast_in_dim3A_178 : vector<64x1xi1> to vector<64x32xi1>
    %broadcast_in_dim3A_180 = vector.broadcast %jit3A_177 : f32 to vector<64x32xf32>
    %select_n3A_181 = arith.select %broadcast_in_dim3A_179, %squeeze3A_176, %broadcast_in_dim3A_180 : vector<64x32xi1>, vector<64x32xf32>
    %max3A_182 = arith.maximumf %max3A_173, %select_n3A_181 : vector<64x32xf32>
    %slice3A_183 = vector.extract_strided_slice %le3A_57 {offsets = [0, 15], sizes = [64, 1], strides = [1, 1]} : vector<64x16xi1> to vector<64x1xi1>
    %slice3A_184 = vector.extract_strided_slice %reshape3A_54 {offsets = [0, 15, 0], sizes = [64, 1, 32], strides = [1, 1, 1]} : vector<64x16x32xf32> to vector<64x1x32xf32>
    %squeeze3A_185 = vector.shape_cast %slice3A_184 : vector<64x1x32xf32> to vector<64x32xf32>
    %jit3A_186 = arith.constant 0.000000e+00 : f32
    %broadcast_in_dim3A_187 = vector.shape_cast %slice3A_183 : vector<64x1xi1> to vector<64x1xi1>
    %broadcast_in_dim3A_188 = vector.broadcast %broadcast_in_dim3A_187 : vector<64x1xi1> to vector<64x32xi1>
    %broadcast_in_dim3A_189 = vector.broadcast %jit3A_186 : f32 to vector<64x32xf32>
    %select_n3A_190 = arith.select %broadcast_in_dim3A_188, %squeeze3A_185, %broadcast_in_dim3A_189 : vector<64x32xi1>, vector<64x32xf32>
    %max3A_191 = arith.maximumf %max3A_182, %select_n3A_190 : vector<64x32xf32>
    %reshape3A_192 = vector.shape_cast %concatenate3A : vector<64x32x4xf32> to vector<2048x4xf32>
    %get3A_193 = arith.constant 0 : index
    %get3A_194 = arith.constant 0 : index
    %get3A_195 = vector.load %arg11[%get3A_193, %get3A_194] : memref<4x32xf32, #tpu.memory_space<vmem>>, vector<4x32xf32>
    %get3A_196 = arith.constant 0 : index
    %get3A_197 = arith.constant 0 : index
    %get3A_198 = vector.load %arg12[%get3A_196, %get3A_197] : memref<1x32xf32, #tpu.memory_space<vmem>>, vector<1x32xf32>
    %dot_general3A_199 = arith.constant dense<0.000000e+00> : vector<2048x32xf32>
    %dot_general3A_200 = tpu.matmul %reshape3A_192, %get3A_195, %dot_general3A_199 {dimension_numbers = #tpu.dot_dimension_numbers<[1], [0], [0], [1], [0, 0, 1, 1], [], []>, transpose_lhs_hint = false} : vector<2048x4xf32>, vector<4x32xf32>, vector<2048x32xf32> -> vector<2048x32xf32>
    %add3A_201 = vector.broadcast %get3A_198 : vector<1x32xf32> to vector<2048x32xf32>
    %add3A_202 = arith.addf %dot_general3A_200, %add3A_201 : vector<2048x32xf32>
    %max3A_203 = arith.constant 0.000000e+00 : f32
    %max3A_204 = vector.broadcast %max3A_203 : f32 to vector<2048x32xf32>
    %max3A_205 = arith.maximumf %add3A_202, %max3A_204 : vector<2048x32xf32>
    %get3A_206 = arith.constant 0 : index
    %get3A_207 = arith.constant 0 : index
    %get3A_208 = vector.load %arg13[%get3A_206, %get3A_207] : memref<32x32xf32, #tpu.memory_space<vmem>>, vector<32x32xf32>
    %get3A_209 = arith.constant 0 : index
    %get3A_210 = arith.constant 0 : index
    %get3A_211 = vector.load %arg14[%get3A_209, %get3A_210] : memref<1x32xf32, #tpu.memory_space<vmem>>, vector<1x32xf32>
    %dot_general3A_212 = arith.constant dense<0.000000e+00> : vector<2048x32xf32>
    %dot_general3A_213 = tpu.matmul %max3A_205, %get3A_208, %dot_general3A_212 {dimension_numbers = #tpu.dot_dimension_numbers<[1], [0], [0], [1], [0, 0, 1, 1], [], []>, transpose_lhs_hint = false} : vector<2048x32xf32>, vector<32x32xf32>, vector<2048x32xf32> -> vector<2048x32xf32>
    %add3A_214 = vector.broadcast %get3A_211 : vector<1x32xf32> to vector<2048x32xf32>
    %add3A_215 = arith.addf %dot_general3A_213, %add3A_214 : vector<2048x32xf32>
    %max3A_216 = arith.constant 0.000000e+00 : f32
    %max3A_217 = vector.broadcast %max3A_216 : f32 to vector<2048x32xf32>
    %max3A_218 = arith.maximumf %add3A_215, %max3A_217 : vector<2048x32xf32>
    %get3A_219 = arith.constant 0 : index
    %get3A_220 = arith.constant 0 : index
    %get3A_221 = vector.load %arg15[%get3A_219, %get3A_220] : memref<32x64xf32, #tpu.memory_space<vmem>>, vector<32x64xf32>
    %get3A_222 = arith.constant 0 : index
    %get3A_223 = arith.constant 0 : index
    %get3A_224 = vector.load %arg16[%get3A_222, %get3A_223] : memref<1x64xf32, #tpu.memory_space<vmem>>, vector<1x64xf32>
    %dot_general3A_225 = arith.constant dense<0.000000e+00> : vector<2048x64xf32>
    %dot_general3A_226 = tpu.matmul %max3A_218, %get3A_221, %dot_general3A_225 {dimension_numbers = #tpu.dot_dimension_numbers<[1], [0], [0], [1], [0, 0, 1, 1], [], []>, transpose_lhs_hint = false} : vector<2048x32xf32>, vector<32x64xf32>, vector<2048x64xf32> -> vector<2048x64xf32>
    %add3A_227 = vector.broadcast %get3A_224 : vector<1x64xf32> to vector<2048x64xf32>
    %add3A_228 = arith.addf %dot_general3A_226, %add3A_227 : vector<2048x64xf32>
    %max3A_229 = arith.constant 0.000000e+00 : f32
    %max3A_230 = vector.broadcast %max3A_229 : f32 to vector<2048x64xf32>
    %max3A_231 = arith.maximumf %add3A_228, %max3A_230 : vector<2048x64xf32>
    %reshape3A_232 = vector.shape_cast %max3A_231 : vector<2048x64xf32> to vector<64x32x64xf32>
    %le3A_233 = arith.constant 6.400000e-01 : f32
    %le3A_234 = vector.broadcast %le3A_233 : f32 to vector<64x32xf32>
    %le3A_235 = arith.cmpf ole, %get3A_14, %le3A_234 : vector<64x32xf32>
    %slice3A_236 = vector.extract_strided_slice %reshape3A_232 {offsets = [0, 0, 0], sizes = [64, 1, 64], strides = [1, 1, 1]} : vector<64x32x64xf32> to vector<64x1x64xf32>
    %squeeze3A_237 = vector.shape_cast %slice3A_236 : vector<64x1x64xf32> to vector<64x64xf32>
    %slice3A_238 = vector.extract_strided_slice %le3A_235 {offsets = [0, 1], sizes = [64, 1], strides = [1, 1]} : vector<64x32xi1> to vector<64x1xi1>
    %slice3A_239 = vector.extract_strided_slice %reshape3A_232 {offsets = [0, 1, 0], sizes = [64, 1, 64], strides = [1, 1, 1]} : vector<64x32x64xf32> to vector<64x1x64xf32>
    %squeeze3A_240 = vector.shape_cast %slice3A_239 : vector<64x1x64xf32> to vector<64x64xf32>
    %jit3A_241 = arith.constant 0.000000e+00 : f32
    %broadcast_in_dim3A_242 = vector.shape_cast %slice3A_238 : vector<64x1xi1> to vector<64x1xi1>
    %broadcast_in_dim3A_243 = vector.broadcast %broadcast_in_dim3A_242 : vector<64x1xi1> to vector<64x64xi1>
    %broadcast_in_dim3A_244 = vector.broadcast %jit3A_241 : f32 to vector<64x64xf32>
    %select_n3A_245 = arith.select %broadcast_in_dim3A_243, %squeeze3A_240, %broadcast_in_dim3A_244 : vector<64x64xi1>, vector<64x64xf32>
    %max3A_246 = arith.maximumf %squeeze3A_237, %select_n3A_245 : vector<64x64xf32>
    %slice3A_247 = vector.extract_strided_slice %le3A_235 {offsets = [0, 2], sizes = [64, 1], strides = [1, 1]} : vector<64x32xi1> to vector<64x1xi1>
    %slice3A_248 = vector.extract_strided_slice %reshape3A_232 {offsets = [0, 2, 0], sizes = [64, 1, 64], strides = [1, 1, 1]} : vector<64x32x64xf32> to vector<64x1x64xf32>
    %squeeze3A_249 = vector.shape_cast %slice3A_248 : vector<64x1x64xf32> to vector<64x64xf32>
    %jit3A_250 = arith.constant 0.000000e+00 : f32
    %broadcast_in_dim3A_251 = vector.shape_cast %slice3A_247 : vector<64x1xi1> to vector<64x1xi1>
    %broadcast_in_dim3A_252 = vector.broadcast %broadcast_in_dim3A_251 : vector<64x1xi1> to vector<64x64xi1>
    %broadcast_in_dim3A_253 = vector.broadcast %jit3A_250 : f32 to vector<64x64xf32>
    %select_n3A_254 = arith.select %broadcast_in_dim3A_252, %squeeze3A_249, %broadcast_in_dim3A_253 : vector<64x64xi1>, vector<64x64xf32>
    %max3A_255 = arith.maximumf %max3A_246, %select_n3A_254 : vector<64x64xf32>
    %slice3A_256 = vector.extract_strided_slice %le3A_235 {offsets = [0, 3], sizes = [64, 1], strides = [1, 1]} : vector<64x32xi1> to vector<64x1xi1>
    %slice3A_257 = vector.extract_strided_slice %reshape3A_232 {offsets = [0, 3, 0], sizes = [64, 1, 64], strides = [1, 1, 1]} : vector<64x32x64xf32> to vector<64x1x64xf32>
    %squeeze3A_258 = vector.shape_cast %slice3A_257 : vector<64x1x64xf32> to vector<64x64xf32>
    %jit3A_259 = arith.constant 0.000000e+00 : f32
    %broadcast_in_dim3A_260 = vector.shape_cast %slice3A_256 : vector<64x1xi1> to vector<64x1xi1>
    %broadcast_in_dim3A_261 = vector.broadcast %broadcast_in_dim3A_260 : vector<64x1xi1> to vector<64x64xi1>
    %broadcast_in_dim3A_262 = vector.broadcast %jit3A_259 : f32 to vector<64x64xf32>
    %select_n3A_263 = arith.select %broadcast_in_dim3A_261, %squeeze3A_258, %broadcast_in_dim3A_262 : vector<64x64xi1>, vector<64x64xf32>
    %max3A_264 = arith.maximumf %max3A_255, %select_n3A_263 : vector<64x64xf32>
    %slice3A_265 = vector.extract_strided_slice %le3A_235 {offsets = [0, 4], sizes = [64, 1], strides = [1, 1]} : vector<64x32xi1> to vector<64x1xi1>
    %slice3A_266 = vector.extract_strided_slice %reshape3A_232 {offsets = [0, 4, 0], sizes = [64, 1, 64], strides = [1, 1, 1]} : vector<64x32x64xf32> to vector<64x1x64xf32>
    %squeeze3A_267 = vector.shape_cast %slice3A_266 : vector<64x1x64xf32> to vector<64x64xf32>
    %jit3A_268 = arith.constant 0.000000e+00 : f32
    %broadcast_in_dim3A_269 = vector.shape_cast %slice3A_265 : vector<64x1xi1> to vector<64x1xi1>
    %broadcast_in_dim3A_270 = vector.broadcast %broadcast_in_dim3A_269 : vector<64x1xi1> to vector<64x64xi1>
    %broadcast_in_dim3A_271 = vector.broadcast %jit3A_268 : f32 to vector<64x64xf32>
    %select_n3A_272 = arith.select %broadcast_in_dim3A_270, %squeeze3A_267, %broadcast_in_dim3A_271 : vector<64x64xi1>, vector<64x64xf32>
    %max3A_273 = arith.maximumf %max3A_264, %select_n3A_272 : vector<64x64xf32>
    %slice3A_274 = vector.extract_strided_slice %le3A_235 {offsets = [0, 5], sizes = [64, 1], strides = [1, 1]} : vector<64x32xi1> to vector<64x1xi1>
    %slice3A_275 = vector.extract_strided_slice %reshape3A_232 {offsets = [0, 5, 0], sizes = [64, 1, 64], strides = [1, 1, 1]} : vector<64x32x64xf32> to vector<64x1x64xf32>
    %squeeze3A_276 = vector.shape_cast %slice3A_275 : vector<64x1x64xf32> to vector<64x64xf32>
    %jit3A_277 = arith.constant 0.000000e+00 : f32
    %broadcast_in_dim3A_278 = vector.shape_cast %slice3A_274 : vector<64x1xi1> to vector<64x1xi1>
    %broadcast_in_dim3A_279 = vector.broadcast %broadcast_in_dim3A_278 : vector<64x1xi1> to vector<64x64xi1>
    %broadcast_in_dim3A_280 = vector.broadcast %jit3A_277 : f32 to vector<64x64xf32>
    %select_n3A_281 = arith.select %broadcast_in_dim3A_279, %squeeze3A_276, %broadcast_in_dim3A_280 : vector<64x64xi1>, vector<64x64xf32>
    %max3A_282 = arith.maximumf %max3A_273, %select_n3A_281 : vector<64x64xf32>
    %slice3A_283 = vector.extract_strided_slice %le3A_235 {offsets = [0, 6], sizes = [64, 1], strides = [1, 1]} : vector<64x32xi1> to vector<64x1xi1>
    %slice3A_284 = vector.extract_strided_slice %reshape3A_232 {offsets = [0, 6, 0], sizes = [64, 1, 64], strides = [1, 1, 1]} : vector<64x32x64xf32> to vector<64x1x64xf32>
    %squeeze3A_285 = vector.shape_cast %slice3A_284 : vector<64x1x64xf32> to vector<64x64xf32>
    %jit3A_286 = arith.constant 0.000000e+00 : f32
    %broadcast_in_dim3A_287 = vector.shape_cast %slice3A_283 : vector<64x1xi1> to vector<64x1xi1>
    %broadcast_in_dim3A_288 = vector.broadcast %broadcast_in_dim3A_287 : vector<64x1xi1> to vector<64x64xi1>
    %broadcast_in_dim3A_289 = vector.broadcast %jit3A_286 : f32 to vector<64x64xf32>
    %select_n3A_290 = arith.select %broadcast_in_dim3A_288, %squeeze3A_285, %broadcast_in_dim3A_289 : vector<64x64xi1>, vector<64x64xf32>
    %max3A_291 = arith.maximumf %max3A_282, %select_n3A_290 : vector<64x64xf32>
    %slice3A_292 = vector.extract_strided_slice %le3A_235 {offsets = [0, 7], sizes = [64, 1], strides = [1, 1]} : vector<64x32xi1> to vector<64x1xi1>
    %slice3A_293 = vector.extract_strided_slice %reshape3A_232 {offsets = [0, 7, 0], sizes = [64, 1, 64], strides = [1, 1, 1]} : vector<64x32x64xf32> to vector<64x1x64xf32>
    %squeeze3A_294 = vector.shape_cast %slice3A_293 : vector<64x1x64xf32> to vector<64x64xf32>
    %jit3A_295 = arith.constant 0.000000e+00 : f32
    %broadcast_in_dim3A_296 = vector.shape_cast %slice3A_292 : vector<64x1xi1> to vector<64x1xi1>
    %broadcast_in_dim3A_297 = vector.broadcast %broadcast_in_dim3A_296 : vector<64x1xi1> to vector<64x64xi1>
    %broadcast_in_dim3A_298 = vector.broadcast %jit3A_295 : f32 to vector<64x64xf32>
    %select_n3A_299 = arith.select %broadcast_in_dim3A_297, %squeeze3A_294, %broadcast_in_dim3A_298 : vector<64x64xi1>, vector<64x64xf32>
    %max3A_300 = arith.maximumf %max3A_291, %select_n3A_299 : vector<64x64xf32>
    %slice3A_301 = vector.extract_strided_slice %le3A_235 {offsets = [0, 8], sizes = [64, 1], strides = [1, 1]} : vector<64x32xi1> to vector<64x1xi1>
    %slice3A_302 = vector.extract_strided_slice %reshape3A_232 {offsets = [0, 8, 0], sizes = [64, 1, 64], strides = [1, 1, 1]} : vector<64x32x64xf32> to vector<64x1x64xf32>
    %squeeze3A_303 = vector.shape_cast %slice3A_302 : vector<64x1x64xf32> to vector<64x64xf32>
    %jit3A_304 = arith.constant 0.000000e+00 : f32
    %broadcast_in_dim3A_305 = vector.shape_cast %slice3A_301 : vector<64x1xi1> to vector<64x1xi1>
    %broadcast_in_dim3A_306 = vector.broadcast %broadcast_in_dim3A_305 : vector<64x1xi1> to vector<64x64xi1>
    %broadcast_in_dim3A_307 = vector.broadcast %jit3A_304 : f32 to vector<64x64xf32>
    %select_n3A_308 = arith.select %broadcast_in_dim3A_306, %squeeze3A_303, %broadcast_in_dim3A_307 : vector<64x64xi1>, vector<64x64xf32>
    %max3A_309 = arith.maximumf %max3A_300, %select_n3A_308 : vector<64x64xf32>
    %slice3A_310 = vector.extract_strided_slice %le3A_235 {offsets = [0, 9], sizes = [64, 1], strides = [1, 1]} : vector<64x32xi1> to vector<64x1xi1>
    %slice3A_311 = vector.extract_strided_slice %reshape3A_232 {offsets = [0, 9, 0], sizes = [64, 1, 64], strides = [1, 1, 1]} : vector<64x32x64xf32> to vector<64x1x64xf32>
    %squeeze3A_312 = vector.shape_cast %slice3A_311 : vector<64x1x64xf32> to vector<64x64xf32>
    %jit3A_313 = arith.constant 0.000000e+00 : f32
    %broadcast_in_dim3A_314 = vector.shape_cast %slice3A_310 : vector<64x1xi1> to vector<64x1xi1>
    %broadcast_in_dim3A_315 = vector.broadcast %broadcast_in_dim3A_314 : vector<64x1xi1> to vector<64x64xi1>
    %broadcast_in_dim3A_316 = vector.broadcast %jit3A_313 : f32 to vector<64x64xf32>
    %select_n3A_317 = arith.select %broadcast_in_dim3A_315, %squeeze3A_312, %broadcast_in_dim3A_316 : vector<64x64xi1>, vector<64x64xf32>
    %max3A_318 = arith.maximumf %max3A_309, %select_n3A_317 : vector<64x64xf32>
    %slice3A_319 = vector.extract_strided_slice %le3A_235 {offsets = [0, 10], sizes = [64, 1], strides = [1, 1]} : vector<64x32xi1> to vector<64x1xi1>
    %slice3A_320 = vector.extract_strided_slice %reshape3A_232 {offsets = [0, 10, 0], sizes = [64, 1, 64], strides = [1, 1, 1]} : vector<64x32x64xf32> to vector<64x1x64xf32>
    %squeeze3A_321 = vector.shape_cast %slice3A_320 : vector<64x1x64xf32> to vector<64x64xf32>
    %jit3A_322 = arith.constant 0.000000e+00 : f32
    %broadcast_in_dim3A_323 = vector.shape_cast %slice3A_319 : vector<64x1xi1> to vector<64x1xi1>
    %broadcast_in_dim3A_324 = vector.broadcast %broadcast_in_dim3A_323 : vector<64x1xi1> to vector<64x64xi1>
    %broadcast_in_dim3A_325 = vector.broadcast %jit3A_322 : f32 to vector<64x64xf32>
    %select_n3A_326 = arith.select %broadcast_in_dim3A_324, %squeeze3A_321, %broadcast_in_dim3A_325 : vector<64x64xi1>, vector<64x64xf32>
    %max3A_327 = arith.maximumf %max3A_318, %select_n3A_326 : vector<64x64xf32>
    %slice3A_328 = vector.extract_strided_slice %le3A_235 {offsets = [0, 11], sizes = [64, 1], strides = [1, 1]} : vector<64x32xi1> to vector<64x1xi1>
    %slice3A_329 = vector.extract_strided_slice %reshape3A_232 {offsets = [0, 11, 0], sizes = [64, 1, 64], strides = [1, 1, 1]} : vector<64x32x64xf32> to vector<64x1x64xf32>
    %squeeze3A_330 = vector.shape_cast %slice3A_329 : vector<64x1x64xf32> to vector<64x64xf32>
    %jit3A_331 = arith.constant 0.000000e+00 : f32
    %broadcast_in_dim3A_332 = vector.shape_cast %slice3A_328 : vector<64x1xi1> to vector<64x1xi1>
    %broadcast_in_dim3A_333 = vector.broadcast %broadcast_in_dim3A_332 : vector<64x1xi1> to vector<64x64xi1>
    %broadcast_in_dim3A_334 = vector.broadcast %jit3A_331 : f32 to vector<64x64xf32>
    %select_n3A_335 = arith.select %broadcast_in_dim3A_333, %squeeze3A_330, %broadcast_in_dim3A_334 : vector<64x64xi1>, vector<64x64xf32>
    %max3A_336 = arith.maximumf %max3A_327, %select_n3A_335 : vector<64x64xf32>
    %slice3A_337 = vector.extract_strided_slice %le3A_235 {offsets = [0, 12], sizes = [64, 1], strides = [1, 1]} : vector<64x32xi1> to vector<64x1xi1>
    %slice3A_338 = vector.extract_strided_slice %reshape3A_232 {offsets = [0, 12, 0], sizes = [64, 1, 64], strides = [1, 1, 1]} : vector<64x32x64xf32> to vector<64x1x64xf32>
    %squeeze3A_339 = vector.shape_cast %slice3A_338 : vector<64x1x64xf32> to vector<64x64xf32>
    %jit3A_340 = arith.constant 0.000000e+00 : f32
    %broadcast_in_dim3A_341 = vector.shape_cast %slice3A_337 : vector<64x1xi1> to vector<64x1xi1>
    %broadcast_in_dim3A_342 = vector.broadcast %broadcast_in_dim3A_341 : vector<64x1xi1> to vector<64x64xi1>
    %broadcast_in_dim3A_343 = vector.broadcast %jit3A_340 : f32 to vector<64x64xf32>
    %select_n3A_344 = arith.select %broadcast_in_dim3A_342, %squeeze3A_339, %broadcast_in_dim3A_343 : vector<64x64xi1>, vector<64x64xf32>
    %max3A_345 = arith.maximumf %max3A_336, %select_n3A_344 : vector<64x64xf32>
    %slice3A_346 = vector.extract_strided_slice %le3A_235 {offsets = [0, 13], sizes = [64, 1], strides = [1, 1]} : vector<64x32xi1> to vector<64x1xi1>
    %slice3A_347 = vector.extract_strided_slice %reshape3A_232 {offsets = [0, 13, 0], sizes = [64, 1, 64], strides = [1, 1, 1]} : vector<64x32x64xf32> to vector<64x1x64xf32>
    %squeeze3A_348 = vector.shape_cast %slice3A_347 : vector<64x1x64xf32> to vector<64x64xf32>
    %jit3A_349 = arith.constant 0.000000e+00 : f32
    %broadcast_in_dim3A_350 = vector.shape_cast %slice3A_346 : vector<64x1xi1> to vector<64x1xi1>
    %broadcast_in_dim3A_351 = vector.broadcast %broadcast_in_dim3A_350 : vector<64x1xi1> to vector<64x64xi1>
    %broadcast_in_dim3A_352 = vector.broadcast %jit3A_349 : f32 to vector<64x64xf32>
    %select_n3A_353 = arith.select %broadcast_in_dim3A_351, %squeeze3A_348, %broadcast_in_dim3A_352 : vector<64x64xi1>, vector<64x64xf32>
    %max3A_354 = arith.maximumf %max3A_345, %select_n3A_353 : vector<64x64xf32>
    %slice3A_355 = vector.extract_strided_slice %le3A_235 {offsets = [0, 14], sizes = [64, 1], strides = [1, 1]} : vector<64x32xi1> to vector<64x1xi1>
    %slice3A_356 = vector.extract_strided_slice %reshape3A_232 {offsets = [0, 14, 0], sizes = [64, 1, 64], strides = [1, 1, 1]} : vector<64x32x64xf32> to vector<64x1x64xf32>
    %squeeze3A_357 = vector.shape_cast %slice3A_356 : vector<64x1x64xf32> to vector<64x64xf32>
    %jit3A_358 = arith.constant 0.000000e+00 : f32
    %broadcast_in_dim3A_359 = vector.shape_cast %slice3A_355 : vector<64x1xi1> to vector<64x1xi1>
    %broadcast_in_dim3A_360 = vector.broadcast %broadcast_in_dim3A_359 : vector<64x1xi1> to vector<64x64xi1>
    %broadcast_in_dim3A_361 = vector.broadcast %jit3A_358 : f32 to vector<64x64xf32>
    %select_n3A_362 = arith.select %broadcast_in_dim3A_360, %squeeze3A_357, %broadcast_in_dim3A_361 : vector<64x64xi1>, vector<64x64xf32>
    %max3A_363 = arith.maximumf %max3A_354, %select_n3A_362 : vector<64x64xf32>
    %slice3A_364 = vector.extract_strided_slice %le3A_235 {offsets = [0, 15], sizes = [64, 1], strides = [1, 1]} : vector<64x32xi1> to vector<64x1xi1>
    %slice3A_365 = vector.extract_strided_slice %reshape3A_232 {offsets = [0, 15, 0], sizes = [64, 1, 64], strides = [1, 1, 1]} : vector<64x32x64xf32> to vector<64x1x64xf32>
    %squeeze3A_366 = vector.shape_cast %slice3A_365 : vector<64x1x64xf32> to vector<64x64xf32>
    %jit3A_367 = arith.constant 0.000000e+00 : f32
    %broadcast_in_dim3A_368 = vector.shape_cast %slice3A_364 : vector<64x1xi1> to vector<64x1xi1>
    %broadcast_in_dim3A_369 = vector.broadcast %broadcast_in_dim3A_368 : vector<64x1xi1> to vector<64x64xi1>
    %broadcast_in_dim3A_370 = vector.broadcast %jit3A_367 : f32 to vector<64x64xf32>
    %select_n3A_371 = arith.select %broadcast_in_dim3A_369, %squeeze3A_366, %broadcast_in_dim3A_370 : vector<64x64xi1>, vector<64x64xf32>
    %max3A_372 = arith.maximumf %max3A_363, %select_n3A_371 : vector<64x64xf32>
    %slice3A_373 = vector.extract_strided_slice %le3A_235 {offsets = [0, 16], sizes = [64, 1], strides = [1, 1]} : vector<64x32xi1> to vector<64x1xi1>
    %slice3A_374 = vector.extract_strided_slice %reshape3A_232 {offsets = [0, 16, 0], sizes = [64, 1, 64], strides = [1, 1, 1]} : vector<64x32x64xf32> to vector<64x1x64xf32>
    %squeeze3A_375 = vector.shape_cast %slice3A_374 : vector<64x1x64xf32> to vector<64x64xf32>
    %jit3A_376 = arith.constant 0.000000e+00 : f32
    %broadcast_in_dim3A_377 = vector.shape_cast %slice3A_373 : vector<64x1xi1> to vector<64x1xi1>
    %broadcast_in_dim3A_378 = vector.broadcast %broadcast_in_dim3A_377 : vector<64x1xi1> to vector<64x64xi1>
    %broadcast_in_dim3A_379 = vector.broadcast %jit3A_376 : f32 to vector<64x64xf32>
    %select_n3A_380 = arith.select %broadcast_in_dim3A_378, %squeeze3A_375, %broadcast_in_dim3A_379 : vector<64x64xi1>, vector<64x64xf32>
    %max3A_381 = arith.maximumf %max3A_372, %select_n3A_380 : vector<64x64xf32>
    %slice3A_382 = vector.extract_strided_slice %le3A_235 {offsets = [0, 17], sizes = [64, 1], strides = [1, 1]} : vector<64x32xi1> to vector<64x1xi1>
    %slice3A_383 = vector.extract_strided_slice %reshape3A_232 {offsets = [0, 17, 0], sizes = [64, 1, 64], strides = [1, 1, 1]} : vector<64x32x64xf32> to vector<64x1x64xf32>
    %squeeze3A_384 = vector.shape_cast %slice3A_383 : vector<64x1x64xf32> to vector<64x64xf32>
    %jit3A_385 = arith.constant 0.000000e+00 : f32
    %broadcast_in_dim3A_386 = vector.shape_cast %slice3A_382 : vector<64x1xi1> to vector<64x1xi1>
    %broadcast_in_dim3A_387 = vector.broadcast %broadcast_in_dim3A_386 : vector<64x1xi1> to vector<64x64xi1>
    %broadcast_in_dim3A_388 = vector.broadcast %jit3A_385 : f32 to vector<64x64xf32>
    %select_n3A_389 = arith.select %broadcast_in_dim3A_387, %squeeze3A_384, %broadcast_in_dim3A_388 : vector<64x64xi1>, vector<64x64xf32>
    %max3A_390 = arith.maximumf %max3A_381, %select_n3A_389 : vector<64x64xf32>
    %slice3A_391 = vector.extract_strided_slice %le3A_235 {offsets = [0, 18], sizes = [64, 1], strides = [1, 1]} : vector<64x32xi1> to vector<64x1xi1>
    %slice3A_392 = vector.extract_strided_slice %reshape3A_232 {offsets = [0, 18, 0], sizes = [64, 1, 64], strides = [1, 1, 1]} : vector<64x32x64xf32> to vector<64x1x64xf32>
    %squeeze3A_393 = vector.shape_cast %slice3A_392 : vector<64x1x64xf32> to vector<64x64xf32>
    %jit3A_394 = arith.constant 0.000000e+00 : f32
    %broadcast_in_dim3A_395 = vector.shape_cast %slice3A_391 : vector<64x1xi1> to vector<64x1xi1>
    %broadcast_in_dim3A_396 = vector.broadcast %broadcast_in_dim3A_395 : vector<64x1xi1> to vector<64x64xi1>
    %broadcast_in_dim3A_397 = vector.broadcast %jit3A_394 : f32 to vector<64x64xf32>
    %select_n3A_398 = arith.select %broadcast_in_dim3A_396, %squeeze3A_393, %broadcast_in_dim3A_397 : vector<64x64xi1>, vector<64x64xf32>
    %max3A_399 = arith.maximumf %max3A_390, %select_n3A_398 : vector<64x64xf32>
    %slice3A_400 = vector.extract_strided_slice %le3A_235 {offsets = [0, 19], sizes = [64, 1], strides = [1, 1]} : vector<64x32xi1> to vector<64x1xi1>
    %slice3A_401 = vector.extract_strided_slice %reshape3A_232 {offsets = [0, 19, 0], sizes = [64, 1, 64], strides = [1, 1, 1]} : vector<64x32x64xf32> to vector<64x1x64xf32>
    %squeeze3A_402 = vector.shape_cast %slice3A_401 : vector<64x1x64xf32> to vector<64x64xf32>
    %jit3A_403 = arith.constant 0.000000e+00 : f32
    %broadcast_in_dim3A_404 = vector.shape_cast %slice3A_400 : vector<64x1xi1> to vector<64x1xi1>
    %broadcast_in_dim3A_405 = vector.broadcast %broadcast_in_dim3A_404 : vector<64x1xi1> to vector<64x64xi1>
    %broadcast_in_dim3A_406 = vector.broadcast %jit3A_403 : f32 to vector<64x64xf32>
    %select_n3A_407 = arith.select %broadcast_in_dim3A_405, %squeeze3A_402, %broadcast_in_dim3A_406 : vector<64x64xi1>, vector<64x64xf32>
    %max3A_408 = arith.maximumf %max3A_399, %select_n3A_407 : vector<64x64xf32>
    %slice3A_409 = vector.extract_strided_slice %le3A_235 {offsets = [0, 20], sizes = [64, 1], strides = [1, 1]} : vector<64x32xi1> to vector<64x1xi1>
    %slice3A_410 = vector.extract_strided_slice %reshape3A_232 {offsets = [0, 20, 0], sizes = [64, 1, 64], strides = [1, 1, 1]} : vector<64x32x64xf32> to vector<64x1x64xf32>
    %squeeze3A_411 = vector.shape_cast %slice3A_410 : vector<64x1x64xf32> to vector<64x64xf32>
    %jit3A_412 = arith.constant 0.000000e+00 : f32
    %broadcast_in_dim3A_413 = vector.shape_cast %slice3A_409 : vector<64x1xi1> to vector<64x1xi1>
    %broadcast_in_dim3A_414 = vector.broadcast %broadcast_in_dim3A_413 : vector<64x1xi1> to vector<64x64xi1>
    %broadcast_in_dim3A_415 = vector.broadcast %jit3A_412 : f32 to vector<64x64xf32>
    %select_n3A_416 = arith.select %broadcast_in_dim3A_414, %squeeze3A_411, %broadcast_in_dim3A_415 : vector<64x64xi1>, vector<64x64xf32>
    %max3A_417 = arith.maximumf %max3A_408, %select_n3A_416 : vector<64x64xf32>
    %slice3A_418 = vector.extract_strided_slice %le3A_235 {offsets = [0, 21], sizes = [64, 1], strides = [1, 1]} : vector<64x32xi1> to vector<64x1xi1>
    %slice3A_419 = vector.extract_strided_slice %reshape3A_232 {offsets = [0, 21, 0], sizes = [64, 1, 64], strides = [1, 1, 1]} : vector<64x32x64xf32> to vector<64x1x64xf32>
    %squeeze3A_420 = vector.shape_cast %slice3A_419 : vector<64x1x64xf32> to vector<64x64xf32>
    %jit3A_421 = arith.constant 0.000000e+00 : f32
    %broadcast_in_dim3A_422 = vector.shape_cast %slice3A_418 : vector<64x1xi1> to vector<64x1xi1>
    %broadcast_in_dim3A_423 = vector.broadcast %broadcast_in_dim3A_422 : vector<64x1xi1> to vector<64x64xi1>
    %broadcast_in_dim3A_424 = vector.broadcast %jit3A_421 : f32 to vector<64x64xf32>
    %select_n3A_425 = arith.select %broadcast_in_dim3A_423, %squeeze3A_420, %broadcast_in_dim3A_424 : vector<64x64xi1>, vector<64x64xf32>
    %max3A_426 = arith.maximumf %max3A_417, %select_n3A_425 : vector<64x64xf32>
    %slice3A_427 = vector.extract_strided_slice %le3A_235 {offsets = [0, 22], sizes = [64, 1], strides = [1, 1]} : vector<64x32xi1> to vector<64x1xi1>
    %slice3A_428 = vector.extract_strided_slice %reshape3A_232 {offsets = [0, 22, 0], sizes = [64, 1, 64], strides = [1, 1, 1]} : vector<64x32x64xf32> to vector<64x1x64xf32>
    %squeeze3A_429 = vector.shape_cast %slice3A_428 : vector<64x1x64xf32> to vector<64x64xf32>
    %jit3A_430 = arith.constant 0.000000e+00 : f32
    %broadcast_in_dim3A_431 = vector.shape_cast %slice3A_427 : vector<64x1xi1> to vector<64x1xi1>
    %broadcast_in_dim3A_432 = vector.broadcast %broadcast_in_dim3A_431 : vector<64x1xi1> to vector<64x64xi1>
    %broadcast_in_dim3A_433 = vector.broadcast %jit3A_430 : f32 to vector<64x64xf32>
    %select_n3A_434 = arith.select %broadcast_in_dim3A_432, %squeeze3A_429, %broadcast_in_dim3A_433 : vector<64x64xi1>, vector<64x64xf32>
    %max3A_435 = arith.maximumf %max3A_426, %select_n3A_434 : vector<64x64xf32>
    %slice3A_436 = vector.extract_strided_slice %le3A_235 {offsets = [0, 23], sizes = [64, 1], strides = [1, 1]} : vector<64x32xi1> to vector<64x1xi1>
    %slice3A_437 = vector.extract_strided_slice %reshape3A_232 {offsets = [0, 23, 0], sizes = [64, 1, 64], strides = [1, 1, 1]} : vector<64x32x64xf32> to vector<64x1x64xf32>
    %squeeze3A_438 = vector.shape_cast %slice3A_437 : vector<64x1x64xf32> to vector<64x64xf32>
    %jit3A_439 = arith.constant 0.000000e+00 : f32
    %broadcast_in_dim3A_440 = vector.shape_cast %slice3A_436 : vector<64x1xi1> to vector<64x1xi1>
    %broadcast_in_dim3A_441 = vector.broadcast %broadcast_in_dim3A_440 : vector<64x1xi1> to vector<64x64xi1>
    %broadcast_in_dim3A_442 = vector.broadcast %jit3A_439 : f32 to vector<64x64xf32>
    %select_n3A_443 = arith.select %broadcast_in_dim3A_441, %squeeze3A_438, %broadcast_in_dim3A_442 : vector<64x64xi1>, vector<64x64xf32>
    %max3A_444 = arith.maximumf %max3A_435, %select_n3A_443 : vector<64x64xf32>
    %slice3A_445 = vector.extract_strided_slice %le3A_235 {offsets = [0, 24], sizes = [64, 1], strides = [1, 1]} : vector<64x32xi1> to vector<64x1xi1>
    %slice3A_446 = vector.extract_strided_slice %reshape3A_232 {offsets = [0, 24, 0], sizes = [64, 1, 64], strides = [1, 1, 1]} : vector<64x32x64xf32> to vector<64x1x64xf32>
    %squeeze3A_447 = vector.shape_cast %slice3A_446 : vector<64x1x64xf32> to vector<64x64xf32>
    %jit3A_448 = arith.constant 0.000000e+00 : f32
    %broadcast_in_dim3A_449 = vector.shape_cast %slice3A_445 : vector<64x1xi1> to vector<64x1xi1>
    %broadcast_in_dim3A_450 = vector.broadcast %broadcast_in_dim3A_449 : vector<64x1xi1> to vector<64x64xi1>
    %broadcast_in_dim3A_451 = vector.broadcast %jit3A_448 : f32 to vector<64x64xf32>
    %select_n3A_452 = arith.select %broadcast_in_dim3A_450, %squeeze3A_447, %broadcast_in_dim3A_451 : vector<64x64xi1>, vector<64x64xf32>
    %max3A_453 = arith.maximumf %max3A_444, %select_n3A_452 : vector<64x64xf32>
    %slice3A_454 = vector.extract_strided_slice %le3A_235 {offsets = [0, 25], sizes = [64, 1], strides = [1, 1]} : vector<64x32xi1> to vector<64x1xi1>
    %slice3A_455 = vector.extract_strided_slice %reshape3A_232 {offsets = [0, 25, 0], sizes = [64, 1, 64], strides = [1, 1, 1]} : vector<64x32x64xf32> to vector<64x1x64xf32>
    %squeeze3A_456 = vector.shape_cast %slice3A_455 : vector<64x1x64xf32> to vector<64x64xf32>
    %jit3A_457 = arith.constant 0.000000e+00 : f32
    %broadcast_in_dim3A_458 = vector.shape_cast %slice3A_454 : vector<64x1xi1> to vector<64x1xi1>
    %broadcast_in_dim3A_459 = vector.broadcast %broadcast_in_dim3A_458 : vector<64x1xi1> to vector<64x64xi1>
    %broadcast_in_dim3A_460 = vector.broadcast %jit3A_457 : f32 to vector<64x64xf32>
    %select_n3A_461 = arith.select %broadcast_in_dim3A_459, %squeeze3A_456, %broadcast_in_dim3A_460 : vector<64x64xi1>, vector<64x64xf32>
    %max3A_462 = arith.maximumf %max3A_453, %select_n3A_461 : vector<64x64xf32>
    %slice3A_463 = vector.extract_strided_slice %le3A_235 {offsets = [0, 26], sizes = [64, 1], strides = [1, 1]} : vector<64x32xi1> to vector<64x1xi1>
    %slice3A_464 = vector.extract_strided_slice %reshape3A_232 {offsets = [0, 26, 0], sizes = [64, 1, 64], strides = [1, 1, 1]} : vector<64x32x64xf32> to vector<64x1x64xf32>
    %squeeze3A_465 = vector.shape_cast %slice3A_464 : vector<64x1x64xf32> to vector<64x64xf32>
    %jit3A_466 = arith.constant 0.000000e+00 : f32
    %broadcast_in_dim3A_467 = vector.shape_cast %slice3A_463 : vector<64x1xi1> to vector<64x1xi1>
    %broadcast_in_dim3A_468 = vector.broadcast %broadcast_in_dim3A_467 : vector<64x1xi1> to vector<64x64xi1>
    %broadcast_in_dim3A_469 = vector.broadcast %jit3A_466 : f32 to vector<64x64xf32>
    %select_n3A_470 = arith.select %broadcast_in_dim3A_468, %squeeze3A_465, %broadcast_in_dim3A_469 : vector<64x64xi1>, vector<64x64xf32>
    %max3A_471 = arith.maximumf %max3A_462, %select_n3A_470 : vector<64x64xf32>
    %slice3A_472 = vector.extract_strided_slice %le3A_235 {offsets = [0, 27], sizes = [64, 1], strides = [1, 1]} : vector<64x32xi1> to vector<64x1xi1>
    %slice3A_473 = vector.extract_strided_slice %reshape3A_232 {offsets = [0, 27, 0], sizes = [64, 1, 64], strides = [1, 1, 1]} : vector<64x32x64xf32> to vector<64x1x64xf32>
    %squeeze3A_474 = vector.shape_cast %slice3A_473 : vector<64x1x64xf32> to vector<64x64xf32>
    %jit3A_475 = arith.constant 0.000000e+00 : f32
    %broadcast_in_dim3A_476 = vector.shape_cast %slice3A_472 : vector<64x1xi1> to vector<64x1xi1>
    %broadcast_in_dim3A_477 = vector.broadcast %broadcast_in_dim3A_476 : vector<64x1xi1> to vector<64x64xi1>
    %broadcast_in_dim3A_478 = vector.broadcast %jit3A_475 : f32 to vector<64x64xf32>
    %select_n3A_479 = arith.select %broadcast_in_dim3A_477, %squeeze3A_474, %broadcast_in_dim3A_478 : vector<64x64xi1>, vector<64x64xf32>
    %max3A_480 = arith.maximumf %max3A_471, %select_n3A_479 : vector<64x64xf32>
    %slice3A_481 = vector.extract_strided_slice %le3A_235 {offsets = [0, 28], sizes = [64, 1], strides = [1, 1]} : vector<64x32xi1> to vector<64x1xi1>
    %slice3A_482 = vector.extract_strided_slice %reshape3A_232 {offsets = [0, 28, 0], sizes = [64, 1, 64], strides = [1, 1, 1]} : vector<64x32x64xf32> to vector<64x1x64xf32>
    %squeeze3A_483 = vector.shape_cast %slice3A_482 : vector<64x1x64xf32> to vector<64x64xf32>
    %jit3A_484 = arith.constant 0.000000e+00 : f32
    %broadcast_in_dim3A_485 = vector.shape_cast %slice3A_481 : vector<64x1xi1> to vector<64x1xi1>
    %broadcast_in_dim3A_486 = vector.broadcast %broadcast_in_dim3A_485 : vector<64x1xi1> to vector<64x64xi1>
    %broadcast_in_dim3A_487 = vector.broadcast %jit3A_484 : f32 to vector<64x64xf32>
    %select_n3A_488 = arith.select %broadcast_in_dim3A_486, %squeeze3A_483, %broadcast_in_dim3A_487 : vector<64x64xi1>, vector<64x64xf32>
    %max3A_489 = arith.maximumf %max3A_480, %select_n3A_488 : vector<64x64xf32>
    %slice3A_490 = vector.extract_strided_slice %le3A_235 {offsets = [0, 29], sizes = [64, 1], strides = [1, 1]} : vector<64x32xi1> to vector<64x1xi1>
    %slice3A_491 = vector.extract_strided_slice %reshape3A_232 {offsets = [0, 29, 0], sizes = [64, 1, 64], strides = [1, 1, 1]} : vector<64x32x64xf32> to vector<64x1x64xf32>
    %squeeze3A_492 = vector.shape_cast %slice3A_491 : vector<64x1x64xf32> to vector<64x64xf32>
    %jit3A_493 = arith.constant 0.000000e+00 : f32
    %broadcast_in_dim3A_494 = vector.shape_cast %slice3A_490 : vector<64x1xi1> to vector<64x1xi1>
    %broadcast_in_dim3A_495 = vector.broadcast %broadcast_in_dim3A_494 : vector<64x1xi1> to vector<64x64xi1>
    %broadcast_in_dim3A_496 = vector.broadcast %jit3A_493 : f32 to vector<64x64xf32>
    %select_n3A_497 = arith.select %broadcast_in_dim3A_495, %squeeze3A_492, %broadcast_in_dim3A_496 : vector<64x64xi1>, vector<64x64xf32>
    %max3A_498 = arith.maximumf %max3A_489, %select_n3A_497 : vector<64x64xf32>
    %slice3A_499 = vector.extract_strided_slice %le3A_235 {offsets = [0, 30], sizes = [64, 1], strides = [1, 1]} : vector<64x32xi1> to vector<64x1xi1>
    %slice3A_500 = vector.extract_strided_slice %reshape3A_232 {offsets = [0, 30, 0], sizes = [64, 1, 64], strides = [1, 1, 1]} : vector<64x32x64xf32> to vector<64x1x64xf32>
    %squeeze3A_501 = vector.shape_cast %slice3A_500 : vector<64x1x64xf32> to vector<64x64xf32>
    %jit3A_502 = arith.constant 0.000000e+00 : f32
    %broadcast_in_dim3A_503 = vector.shape_cast %slice3A_499 : vector<64x1xi1> to vector<64x1xi1>
    %broadcast_in_dim3A_504 = vector.broadcast %broadcast_in_dim3A_503 : vector<64x1xi1> to vector<64x64xi1>
    %broadcast_in_dim3A_505 = vector.broadcast %jit3A_502 : f32 to vector<64x64xf32>
    %select_n3A_506 = arith.select %broadcast_in_dim3A_504, %squeeze3A_501, %broadcast_in_dim3A_505 : vector<64x64xi1>, vector<64x64xf32>
    %max3A_507 = arith.maximumf %max3A_498, %select_n3A_506 : vector<64x64xf32>
    %slice3A_508 = vector.extract_strided_slice %le3A_235 {offsets = [0, 31], sizes = [64, 1], strides = [1, 1]} : vector<64x32xi1> to vector<64x1xi1>
    %slice3A_509 = vector.extract_strided_slice %reshape3A_232 {offsets = [0, 31, 0], sizes = [64, 1, 64], strides = [1, 1, 1]} : vector<64x32x64xf32> to vector<64x1x64xf32>
    %squeeze3A_510 = vector.shape_cast %slice3A_509 : vector<64x1x64xf32> to vector<64x64xf32>
    %jit3A_511 = arith.constant 0.000000e+00 : f32
    %broadcast_in_dim3A_512 = vector.shape_cast %slice3A_508 : vector<64x1xi1> to vector<64x1xi1>
    %broadcast_in_dim3A_513 = vector.broadcast %broadcast_in_dim3A_512 : vector<64x1xi1> to vector<64x64xi1>
    %broadcast_in_dim3A_514 = vector.broadcast %jit3A_511 : f32 to vector<64x64xf32>
    %select_n3A_515 = arith.select %broadcast_in_dim3A_513, %squeeze3A_510, %broadcast_in_dim3A_514 : vector<64x64xi1>, vector<64x64xf32>
    %max3A_516 = arith.maximumf %max3A_507, %select_n3A_515 : vector<64x64xf32>
    %concatenate3A_517 = tpu.concatenate %max3A_191, %max3A_516 in 1 : vector<64x32xf32>, vector<64x64xf32> -> vector<64x96xf32>
    %get3A_518 = arith.constant 0 : index
    %get3A_519 = arith.constant 0 : index
    %get3A_520 = vector.load %arg17[%get3A_518, %get3A_519] : memref<96x64xf32, #tpu.memory_space<vmem>>, vector<96x64xf32>
    %get3A_521 = arith.constant 0 : index
    %get3A_522 = arith.constant 0 : index
    %get3A_523 = vector.load %arg18[%get3A_521, %get3A_522] : memref<1x64xf32, #tpu.memory_space<vmem>>, vector<1x64xf32>
    %dot_general3A_524 = arith.constant dense<0.000000e+00> : vector<64x64xf32>
    %dot_general3A_525 = tpu.matmul %concatenate3A_517, %get3A_520, %dot_general3A_524 {dimension_numbers = #tpu.dot_dimension_numbers<[1], [0], [0], [1], [0, 0, 1, 1], [], []>, transpose_lhs_hint = false} : vector<64x96xf32>, vector<96x64xf32>, vector<64x64xf32> -> vector<64x64xf32>
    %add3A_526 = vector.broadcast %get3A_523 : vector<1x64xf32> to vector<64x64xf32>
    %add3A_527 = arith.addf %dot_general3A_525, %add3A_526 : vector<64x64xf32>
    %max3A_528 = arith.constant 0.000000e+00 : f32
    %max3A_529 = vector.broadcast %max3A_528 : f32 to vector<64x64xf32>
    %max3A_530 = arith.maximumf %add3A_527, %max3A_529 : vector<64x64xf32>
    %swap3A = arith.constant 0 : index
    %swap3A_531 = arith.constant 0 : index
    %swap3A_532 = arith.constant 0 : index
    %swap3A_533 = vector.load %arg19[%swap3A, %swap3A_531, %swap3A_532] : memref<1x64x64xf32, #tpu.memory_space<vmem>>, vector<1x64x64xf32>
    %swap3A_534 = vector.shape_cast %swap3A_533 : vector<1x64x64xf32> to vector<64x64xf32>
    %swap3A_535 = vector.shape_cast %max3A_530 : vector<64x64xf32> to vector<1x64x64xf32>
    tpu.vector_store %arg19[%swap3A, %swap3A_531, %swap3A_532], %swap3A_535 {strides = array<i32>} : memref<1x64x64xf32, #tpu.memory_space<vmem>>, vector<1x64x64xf32>,
    return
  }
  func.func @transform_0(%arg0: i32, %arg1: i32) -> (i32, i32, i32, i32) {
    %c0_i32 = arith.constant 0 : i32
    %c0_i32_0 = arith.constant 0 : i32
    %c0_i32_1 = arith.constant 0 : i32
    return %arg0, %arg1, %c0_i32, %c0_i32_0 : i32, i32, i32, i32
  }
  func.func @transform_1(%arg0: i32, %arg1: i32) -> (i32, i32, i32) {
    %c0_i32 = arith.constant 0 : i32
    %c0_i32_0 = arith.constant 0 : i32
    return %arg0, %arg1, %c0_i32 : i32, i32, i32
  }
  func.func @transform_2(%arg0: i32, %arg1: i32) -> (i32, i32, i32) {
    %c0_i32 = arith.constant 0 : i32
    %c0_i32_0 = arith.constant 0 : i32
    return %arg0, %arg1, %c0_i32 : i32, i32, i32
  }
  func.func @transform_3(%arg0: i32, %arg1: i32) -> (i32, i32) {
    %c0_i32 = arith.constant 0 : i32
    %c0_i32_0 = arith.constant 0 : i32
    %c0_i32_1 = arith.constant 0 : i32
    return %c0_i32, %c0_i32_0 : i32, i32
  }
  func.func @transform_4(%arg0: i32, %arg1: i32) -> (i32, i32) {
    %c0_i32 = arith.constant 0 : i32
    %c0_i32_0 = arith.constant 0 : i32
    %c0_i32_1 = arith.constant 0 : i32
    return %c0_i32, %c0_i32_0 : i32, i32
  }
  func.func @transform_5(%arg0: i32, %arg1: i32) -> (i32, i32) {
    %c0_i32 = arith.constant 0 : i32
    %c0_i32_0 = arith.constant 0 : i32
    %c0_i32_1 = arith.constant 0 : i32
    return %c0_i32, %c0_i32_0 : i32, i32
  }
  func.func @transform_6(%arg0: i32, %arg1: i32) -> (i32, i32) {
    %c0_i32 = arith.constant 0 : i32
    %c0_i32_0 = arith.constant 0 : i32
    %c0_i32_1 = arith.constant 0 : i32
    return %c0_i32, %c0_i32_0 : i32, i32
  }
  func.func @transform_7(%arg0: i32, %arg1: i32) -> (i32, i32) {
    %c0_i32 = arith.constant 0 : i32
    %c0_i32_0 = arith.constant 0 : i32
    %c0_i32_1 = arith.constant 0 : i32
    return %c0_i32, %c0_i32_0 : i32, i32
  }
  func.func @transform_8(%arg0: i32, %arg1: i32) -> (i32, i32) {
    %c0_i32 = arith.constant 0 : i32
    %c0_i32_0 = arith.constant 0 : i32
    %c0_i32_1 = arith.constant 0 : i32
    return %c0_i32, %c0_i32_0 : i32, i32
  }
  func.func @transform_9(%arg0: i32, %arg1: i32) -> (i32, i32) {
    %c0_i32 = arith.constant 0 : i32
    %c0_i32_0 = arith.constant 0 : i32
    %c0_i32_1 = arith.constant 0 : i32
    return %c0_i32, %c0_i32_0 : i32, i32
  }
  func.func @transform_10(%arg0: i32, %arg1: i32) -> (i32, i32) {
    %c0_i32 = arith.constant 0 : i32
    %c0_i32_0 = arith.constant 0 : i32
    %c0_i32_1 = arith.constant 0 : i32
    return %c0_i32, %c0_i32_0 : i32, i32
  }
  func.func @transform_11(%arg0: i32, %arg1: i32) -> (i32, i32) {
    %c0_i32 = arith.constant 0 : i32
    %c0_i32_0 = arith.constant 0 : i32
    %c0_i32_1 = arith.constant 0 : i32
    return %c0_i32, %c0_i32_0 : i32, i32
  }
  func.func @transform_12(%arg0: i32, %arg1: i32) -> (i32, i32) {
    %c0_i32 = arith.constant 0 : i32
    %c0_i32_0 = arith.constant 0 : i32
    %c0_i32_1 = arith.constant 0 : i32
    return %c0_i32, %c0_i32_0 : i32, i32
  }
  func.func @transform_13(%arg0: i32, %arg1: i32) -> (i32, i32) {
    %c0_i32 = arith.constant 0 : i32
    %c0_i32_0 = arith.constant 0 : i32
    %c0_i32_1 = arith.constant 0 : i32
    return %c0_i32, %c0_i32_0 : i32, i32
  }
  func.func @transform_14(%arg0: i32, %arg1: i32) -> (i32, i32) {
    %c0_i32 = arith.constant 0 : i32
    %c0_i32_0 = arith.constant 0 : i32
    %c0_i32_1 = arith.constant 0 : i32
    return %c0_i32, %c0_i32_0 : i32, i32
  }
  func.func @transform_15(%arg0: i32, %arg1: i32) -> (i32, i32) {
    %c0_i32 = arith.constant 0 : i32
    %c0_i32_0 = arith.constant 0 : i32
    %c0_i32_1 = arith.constant 0 : i32
    return %c0_i32, %c0_i32_0 : i32, i32
  }
  func.func @transform_16(%arg0: i32, %arg1: i32) -> (i32, i32) {
    %c0_i32 = arith.constant 0 : i32
    %c0_i32_0 = arith.constant 0 : i32
    %c0_i32_1 = arith.constant 0 : i32
    return %c0_i32, %c0_i32_0 : i32, i32
  }
  func.func @transform_17(%arg0: i32, %arg1: i32) -> (i32, i32, i32) {
    %c0_i32 = arith.constant 0 : i32
    %c0_i32_0 = arith.constant 0 : i32
    return %arg0, %arg1, %c0_i32 : i32, i32, i32
  }
}

module attributes {stable_mosaic.version = 14 : i64} {
  func.func @body(%arg0: i32, %arg1: memref<2x3x4x128xf32, #tpu.memory_space<vmem>>, %arg2: memref<2x512x3xf32, #tpu.memory_space<vmem>>, %arg3: memref<2x256x3xf32, #tpu.memory_space<vmem>>, %arg4: memref<2x4x128xf32, #tpu.memory_space<vmem>>) attributes {dimension_semantics = [#tpu.dimension_semantics<arbitrary>], iteration_bounds = array<i64: 1>, scalar_prefetch = 0 : i64, scratch_operands = 1 : i64, tpu.core_type = #tpu.core_type<tc>, window_params = [{pipeline_mode = #tpu.pipeline_mode<synchronous>, transform_indices = @transform_0, window_bounds = array<i64: 2, 3, 4, 128>}, {pipeline_mode = #tpu.pipeline_mode<synchronous>, transform_indices = @transform_1, window_bounds = array<i64: 2, 512, 3>}, {pipeline_mode = #tpu.pipeline_mode<synchronous>, transform_indices = @transform_2, window_bounds = array<i64: 2, 256, 3>}]} {
    %get3A = arith.constant 0 : index
    %get3A_0 = arith.constant 0 : index
    %get3A_1 = arith.constant 0 : index
    %get3A_2 = arith.constant 0 : index
    %get3A_3 = vector.load %arg1[%get3A, %get3A_0, %get3A_1, %get3A_2] : memref<2x3x4x128xf32, #tpu.memory_space<vmem>>, vector<1x1x4x128xf32>
    %get3A_4 = vector.shape_cast %get3A_3 : vector<1x1x4x128xf32> to vector<4x128xf32>
    %get3A_5 = arith.constant 0 : index
    %get3A_6 = arith.constant 1 : index
    %get3A_7 = arith.constant 0 : index
    %get3A_8 = arith.constant 0 : index
    %get3A_9 = vector.load %arg1[%get3A_5, %get3A_6, %get3A_7, %get3A_8] : memref<2x3x4x128xf32, #tpu.memory_space<vmem>>, vector<1x1x4x128xf32>
    %get3A_10 = vector.shape_cast %get3A_9 : vector<1x1x4x128xf32> to vector<4x128xf32>
    %get3A_11 = arith.constant 0 : index
    %get3A_12 = arith.constant 2 : index
    %get3A_13 = arith.constant 0 : index
    %get3A_14 = arith.constant 0 : index
    %get3A_15 = vector.load %arg1[%get3A_11, %get3A_12, %get3A_13, %get3A_14] : memref<2x3x4x128xf32, #tpu.memory_space<vmem>>, vector<1x1x4x128xf32>
    %get3A_16 = vector.shape_cast %get3A_15 : vector<1x1x4x128xf32> to vector<4x128xf32>
    %get3A_17 = arith.constant 1 : index
    %get3A_18 = arith.constant 0 : index
    %get3A_19 = arith.constant 0 : index
    %get3A_20 = arith.constant 0 : index
    %get3A_21 = vector.load %arg1[%get3A_17, %get3A_18, %get3A_19, %get3A_20] : memref<2x3x4x128xf32, #tpu.memory_space<vmem>>, vector<1x1x4x128xf32>
    %get3A_22 = vector.shape_cast %get3A_21 : vector<1x1x4x128xf32> to vector<4x128xf32>
    %get3A_23 = arith.constant 1 : index
    %get3A_24 = arith.constant 1 : index
    %get3A_25 = arith.constant 0 : index
    %get3A_26 = arith.constant 0 : index
    %get3A_27 = vector.load %arg1[%get3A_23, %get3A_24, %get3A_25, %get3A_26] : memref<2x3x4x128xf32, #tpu.memory_space<vmem>>, vector<1x1x4x128xf32>
    %get3A_28 = vector.shape_cast %get3A_27 : vector<1x1x4x128xf32> to vector<4x128xf32>
    %get3A_29 = arith.constant 1 : index
    %get3A_30 = arith.constant 2 : index
    %get3A_31 = arith.constant 0 : index
    %get3A_32 = arith.constant 0 : index
    %get3A_33 = vector.load %arg1[%get3A_29, %get3A_30, %get3A_31, %get3A_32] : memref<2x3x4x128xf32, #tpu.memory_space<vmem>>, vector<1x1x4x128xf32>
    %get3A_34 = vector.shape_cast %get3A_33 : vector<1x1x4x128xf32> to vector<4x128xf32>
    %iota3A = tpu.iota {dimensions = array<i32: 0>} : vector<4x128xi32>
    %mul3A = arith.constant 128 : i32
    %mul3A_35 = vector.broadcast %mul3A : i32 to vector<4x128xi32>
    %mul3A_36 = arith.muli %iota3A, %mul3A_35 : vector<4x128xi32>
    %iota3A_37 = tpu.iota {dimensions = array<i32: 1>} : vector<4x128xi32>
    %add3A = arith.addi %mul3A_36, %iota3A_37 : vector<4x128xi32>
    %broadcast_in_dim3A = arith.constant 1.000000e+10 : f32
    %broadcast_in_dim3A_38 = vector.broadcast %broadcast_in_dim3A : f32 to vector<4x128xf32>
    %swap3A = arith.constant 0 : index
    %swap3A_39 = arith.constant 0 : index
    %swap3A_40 = arith.constant 0 : index
    %swap3A_41 = vector.load %arg4[%swap3A, %swap3A_39, %swap3A_40] : memref<2x4x128xf32, #tpu.memory_space<vmem>>, vector<1x4x128xf32>
    %swap3A_42 = vector.shape_cast %swap3A_41 : vector<1x4x128xf32> to vector<4x128xf32>
    %swap3A_43 = vector.shape_cast %broadcast_in_dim3A_38 : vector<4x128xf32> to vector<1x4x128xf32>
    tpu.vector_store %arg4[%swap3A, %swap3A_39, %swap3A_40], %swap3A_43 {strides = array<i32>} : memref<2x4x128xf32, #tpu.memory_space<vmem>>, vector<1x4x128xf32>,
    %broadcast_in_dim3A_44 = arith.constant 1.000000e+10 : f32
    %broadcast_in_dim3A_45 = vector.broadcast %broadcast_in_dim3A_44 : f32 to vector<4x128xf32>
    %swap3A_46 = arith.constant 1 : index
    %swap3A_47 = arith.constant 0 : index
    %swap3A_48 = arith.constant 0 : index
    %swap3A_49 = vector.load %arg4[%swap3A_46, %swap3A_47, %swap3A_48] : memref<2x4x128xf32, #tpu.memory_space<vmem>>, vector<1x4x128xf32>
    %swap3A_50 = vector.shape_cast %swap3A_49 : vector<1x4x128xf32> to vector<4x128xf32>
    %swap3A_51 = vector.shape_cast %broadcast_in_dim3A_45 : vector<4x128xf32> to vector<1x4x128xf32>
    tpu.vector_store %arg4[%swap3A_46, %swap3A_47, %swap3A_48], %swap3A_51 {strides = array<i32>} : memref<2x4x128xf32, #tpu.memory_space<vmem>>, vector<1x4x128xf32>,
    %scan3A = arith.constant 0 : i32
    %scan3A_52 = arith.constant 0 : i32
    %scan3A_53 = arith.constant 0 : i32
    %scan3A_54 = arith.constant 256 : i32
    %scan3A_55 = arith.addi %scan3A_53, %scan3A_54 : i32
    %scan3A_56 = arith.constant 1 : i32
    %scan3A_57:2 = scf.for %scan3A_59 = %scan3A_53 to %scan3A_55 step %scan3A_56 iter_args(%scan3A_60 = %scan3A, %scan3A_61 = %scan3A_52) -> (i32, i32)  : i32 {
      %get3A_62 = arith.constant 0 : index
      %get3A_63 = arith.index_cast %scan3A_60 : i32 to index
      %get3A_64 = arith.constant 0 : index
      %get3A_65 = vector.load %arg2[%get3A_62, %get3A_63, %get3A_64] : memref<2x512x3xf32, #tpu.memory_space<vmem>>, vector<1x1x3xf32>
      %get3A_66 = vector.shape_cast %get3A_65 : vector<1x1x3xf32> to vector<1x3xf32>
      %swap3A_67 = arith.constant 0 : index
      %swap3A_68 = arith.index_cast %scan3A_59 : i32 to index
      %swap3A_69 = arith.constant 0 : index
      %swap3A_70 = vector.load %arg3[%swap3A_67, %swap3A_68, %swap3A_69] : memref<2x256x3xf32, #tpu.memory_space<vmem>>, vector<1x1x3xf32>
      %swap3A_71 = vector.shape_cast %swap3A_70 : vector<1x1x3xf32> to vector<1x3xf32>
      %swap3A_72 = vector.shape_cast %get3A_66 : vector<1x3xf32> to vector<1x1x3xf32>
      tpu.vector_store %arg3[%swap3A_67, %swap3A_68, %swap3A_69], %swap3A_72 {strides = array<i32>} : memref<2x256x3xf32, #tpu.memory_space<vmem>>, vector<1x1x3xf32>,
      %slice3A = vector.extract_strided_slice %get3A_66 {offsets = [0, 0], sizes = [1, 1], strides = [1, 1]} : vector<1x3xf32> to vector<1x1xf32>
      %squeeze3A = vector.extract %slice3A[0, 0] : f32 from vector<1x1xf32>
      %sub3A = vector.broadcast %squeeze3A : f32 to vector<4x128xf32>
      %sub3A_73 = arith.subf %get3A_4, %sub3A : vector<4x128xf32>
      %integer_pow3A = arith.mulf %sub3A_73, %sub3A_73 : vector<4x128xf32>
      %slice3A_74 = vector.extract_strided_slice %get3A_66 {offsets = [0, 1], sizes = [1, 1], strides = [1, 1]} : vector<1x3xf32> to vector<1x1xf32>
      %squeeze3A_75 = vector.extract %slice3A_74[0, 0] : f32 from vector<1x1xf32>
      %sub3A_76 = vector.broadcast %squeeze3A_75 : f32 to vector<4x128xf32>
      %sub3A_77 = arith.subf %get3A_10, %sub3A_76 : vector<4x128xf32>
      %integer_pow3A_78 = arith.mulf %sub3A_77, %sub3A_77 : vector<4x128xf32>
      %add3A_79 = arith.addf %integer_pow3A, %integer_pow3A_78 : vector<4x128xf32>
      %slice3A_80 = vector.extract_strided_slice %get3A_66 {offsets = [0, 2], sizes = [1, 1], strides = [1, 1]} : vector<1x3xf32> to vector<1x1xf32>
      %squeeze3A_81 = vector.extract %slice3A_80[0, 0] : f32 from vector<1x1xf32>
      %sub3A_82 = vector.broadcast %squeeze3A_81 : f32 to vector<4x128xf32>
      %sub3A_83 = arith.subf %get3A_16, %sub3A_82 : vector<4x128xf32>
      %integer_pow3A_84 = arith.mulf %sub3A_83, %sub3A_83 : vector<4x128xf32>
      %add3A_85 = arith.addf %add3A_79, %integer_pow3A_84 : vector<4x128xf32>
      %get3A_86 = arith.constant 0 : index
      %get3A_87 = arith.constant 0 : index
      %get3A_88 = arith.constant 0 : index
      %get3A_89 = vector.load %arg4[%get3A_86, %get3A_87, %get3A_88] : memref<2x4x128xf32, #tpu.memory_space<vmem>>, vector<1x4x128xf32>
      %get3A_90 = vector.shape_cast %get3A_89 : vector<1x4x128xf32> to vector<4x128xf32>
      %min3A = arith.minimumf %get3A_90, %add3A_85 : vector<4x128xf32>
      %swap3A_91 = arith.constant 0 : index
      %swap3A_92 = arith.constant 0 : index
      %swap3A_93 = arith.constant 0 : index
      %swap3A_94 = vector.load %arg4[%swap3A_91, %swap3A_92, %swap3A_93] : memref<2x4x128xf32, #tpu.memory_space<vmem>>, vector<1x4x128xf32>
      %swap3A_95 = vector.shape_cast %swap3A_94 : vector<1x4x128xf32> to vector<4x128xf32>
      %swap3A_96 = vector.shape_cast %min3A : vector<4x128xf32> to vector<1x4x128xf32>
      tpu.vector_store %arg4[%swap3A_91, %swap3A_92, %swap3A_93], %swap3A_96 {strides = array<i32>} : memref<2x4x128xf32, #tpu.memory_space<vmem>>, vector<1x4x128xf32>,
      %reduce_max3A = vector.shape_cast %min3A : vector<4x128xf32> to vector<1x4x128xf32>
      %reduce_max3A_97 = arith.constant dense<0xFF800000> : vector<1xf32>
      %reduce_max3A_98 = vector.multi_reduction <maximumf>, %reduce_max3A, %reduce_max3A_97 [1, 2] : vector<1x4x128xf32> to vector<1xf32>
      %reduce_max3A_99 = vector.shape_cast %reduce_max3A_98 : vector<1xf32> to vector<1x1x1xf32>
      %reduce_max3A_100 = vector.extract %reduce_max3A_99[0, 0, 0] : f32 from vector<1x1x1xf32>
      %eq3A = vector.broadcast %reduce_max3A_100 : f32 to vector<4x128xf32>
      %eq3A_101 = arith.cmpf oeq, %min3A, %eq3A : vector<4x128xf32>
      %jit3A = arith.constant 512 : i32
      %broadcast_in_dim3A_102 = vector.broadcast %jit3A : i32 to vector<4x128xi32>
      %select_n3A = arith.select %eq3A_101, %add3A, %broadcast_in_dim3A_102 : vector<4x128xi1>, vector<4x128xi32>
      %reduce_min3A = vector.shape_cast %select_n3A : vector<4x128xi32> to vector<1x4x128xi32>
      %reduce_min3A_103 = arith.constant dense<2147483647> : vector<1xi32>
      %reduce_min3A_104 = vector.multi_reduction <minsi>, %reduce_min3A, %reduce_min3A_103 [1, 2] : vector<1x4x128xi32> to vector<1xi32>
      %reduce_min3A_105 = vector.shape_cast %reduce_min3A_104 : vector<1xi32> to vector<1x1x1xi32>
      %reduce_min3A_106 = vector.extract %reduce_min3A_105[0, 0, 0] : i32 from vector<1x1x1xi32>
      %get3A_107 = arith.constant 1 : index
      %get3A_108 = arith.index_cast %scan3A_61 : i32 to index
      %get3A_109 = arith.constant 0 : index
      %get3A_110 = vector.load %arg2[%get3A_107, %get3A_108, %get3A_109] : memref<2x512x3xf32, #tpu.memory_space<vmem>>, vector<1x1x3xf32>
      %get3A_111 = vector.shape_cast %get3A_110 : vector<1x1x3xf32> to vector<1x3xf32>
      %swap3A_112 = arith.constant 1 : index
      %swap3A_113 = arith.index_cast %scan3A_59 : i32 to index
      %swap3A_114 = arith.constant 0 : index
      %swap3A_115 = vector.load %arg3[%swap3A_112, %swap3A_113, %swap3A_114] : memref<2x256x3xf32, #tpu.memory_space<vmem>>, vector<1x1x3xf32>
      %swap3A_116 = vector.shape_cast %swap3A_115 : vector<1x1x3xf32> to vector<1x3xf32>
      %swap3A_117 = vector.shape_cast %get3A_111 : vector<1x3xf32> to vector<1x1x3xf32>
      tpu.vector_store %arg3[%swap3A_112, %swap3A_113, %swap3A_114], %swap3A_117 {strides = array<i32>} : memref<2x256x3xf32, #tpu.memory_space<vmem>>, vector<1x1x3xf32>,
      %slice3A_118 = vector.extract_strided_slice %get3A_111 {offsets = [0, 0], sizes = [1, 1], strides = [1, 1]} : vector<1x3xf32> to vector<1x1xf32>
      %squeeze3A_119 = vector.extract %slice3A_118[0, 0] : f32 from vector<1x1xf32>
      %sub3A_120 = vector.broadcast %squeeze3A_119 : f32 to vector<4x128xf32>
      %sub3A_121 = arith.subf %get3A_22, %sub3A_120 : vector<4x128xf32>
      %integer_pow3A_122 = arith.mulf %sub3A_121, %sub3A_121 : vector<4x128xf32>
      %slice3A_123 = vector.extract_strided_slice %get3A_111 {offsets = [0, 1], sizes = [1, 1], strides = [1, 1]} : vector<1x3xf32> to vector<1x1xf32>
      %squeeze3A_124 = vector.extract %slice3A_123[0, 0] : f32 from vector<1x1xf32>
      %sub3A_125 = vector.broadcast %squeeze3A_124 : f32 to vector<4x128xf32>
      %sub3A_126 = arith.subf %get3A_28, %sub3A_125 : vector<4x128xf32>
      %integer_pow3A_127 = arith.mulf %sub3A_126, %sub3A_126 : vector<4x128xf32>
      %add3A_128 = arith.addf %integer_pow3A_122, %integer_pow3A_127 : vector<4x128xf32>
      %slice3A_129 = vector.extract_strided_slice %get3A_111 {offsets = [0, 2], sizes = [1, 1], strides = [1, 1]} : vector<1x3xf32> to vector<1x1xf32>
      %squeeze3A_130 = vector.extract %slice3A_129[0, 0] : f32 from vector<1x1xf32>
      %sub3A_131 = vector.broadcast %squeeze3A_130 : f32 to vector<4x128xf32>
      %sub3A_132 = arith.subf %get3A_34, %sub3A_131 : vector<4x128xf32>
      %integer_pow3A_133 = arith.mulf %sub3A_132, %sub3A_132 : vector<4x128xf32>
      %add3A_134 = arith.addf %add3A_128, %integer_pow3A_133 : vector<4x128xf32>
      %get3A_135 = arith.constant 1 : index
      %get3A_136 = arith.constant 0 : index
      %get3A_137 = arith.constant 0 : index
      %get3A_138 = vector.load %arg4[%get3A_135, %get3A_136, %get3A_137] : memref<2x4x128xf32, #tpu.memory_space<vmem>>, vector<1x4x128xf32>
      %get3A_139 = vector.shape_cast %get3A_138 : vector<1x4x128xf32> to vector<4x128xf32>
      %min3A_140 = arith.minimumf %get3A_139, %add3A_134 : vector<4x128xf32>
      %swap3A_141 = arith.constant 1 : index
      %swap3A_142 = arith.constant 0 : index
      %swap3A_143 = arith.constant 0 : index
      %swap3A_144 = vector.load %arg4[%swap3A_141, %swap3A_142, %swap3A_143] : memref<2x4x128xf32, #tpu.memory_space<vmem>>, vector<1x4x128xf32>
      %swap3A_145 = vector.shape_cast %swap3A_144 : vector<1x4x128xf32> to vector<4x128xf32>
      %swap3A_146 = vector.shape_cast %min3A_140 : vector<4x128xf32> to vector<1x4x128xf32>
      tpu.vector_store %arg4[%swap3A_141, %swap3A_142, %swap3A_143], %swap3A_146 {strides = array<i32>} : memref<2x4x128xf32, #tpu.memory_space<vmem>>, vector<1x4x128xf32>,
      %reduce_max3A_147 = vector.shape_cast %min3A_140 : vector<4x128xf32> to vector<1x4x128xf32>
      %reduce_max3A_148 = arith.constant dense<0xFF800000> : vector<1xf32>
      %reduce_max3A_149 = vector.multi_reduction <maximumf>, %reduce_max3A_147, %reduce_max3A_148 [1, 2] : vector<1x4x128xf32> to vector<1xf32>
      %reduce_max3A_150 = vector.shape_cast %reduce_max3A_149 : vector<1xf32> to vector<1x1x1xf32>
      %reduce_max3A_151 = vector.extract %reduce_max3A_150[0, 0, 0] : f32 from vector<1x1x1xf32>
      %eq3A_152 = vector.broadcast %reduce_max3A_151 : f32 to vector<4x128xf32>
      %eq3A_153 = arith.cmpf oeq, %min3A_140, %eq3A_152 : vector<4x128xf32>
      %jit3A_154 = arith.constant 512 : i32
      %broadcast_in_dim3A_155 = vector.broadcast %jit3A_154 : i32 to vector<4x128xi32>
      %select_n3A_156 = arith.select %eq3A_153, %add3A, %broadcast_in_dim3A_155 : vector<4x128xi1>, vector<4x128xi32>
      %reduce_min3A_157 = vector.shape_cast %select_n3A_156 : vector<4x128xi32> to vector<1x4x128xi32>
      %reduce_min3A_158 = arith.constant dense<2147483647> : vector<1xi32>
      %reduce_min3A_159 = vector.multi_reduction <minsi>, %reduce_min3A_157, %reduce_min3A_158 [1, 2] : vector<1x4x128xi32> to vector<1xi32>
      %reduce_min3A_160 = vector.shape_cast %reduce_min3A_159 : vector<1xi32> to vector<1x1x1xi32>
      %reduce_min3A_161 = vector.extract %reduce_min3A_160[0, 0, 0] : i32 from vector<1x1x1xi32>
      scf.yield %reduce_min3A_106, %reduce_min3A_161 : i32, i32
    }
    %scan3A_58 = arith.constant 256 : i32
    return
  }
  func.func @transform_0(%arg0: i32) -> (i32, i32, i32, i32) {
    %c0_i32 = arith.constant 0 : i32
    %c0_i32_0 = arith.constant 0 : i32
    %c0_i32_1 = arith.constant 0 : i32
    %c0_i32_2 = arith.constant 0 : i32
    %c0_i32_3 = arith.constant 0 : i32
    return %c0_i32, %c0_i32_0, %c0_i32_1, %c0_i32_2 : i32, i32, i32, i32
  }
  func.func @transform_1(%arg0: i32) -> (i32, i32, i32) {
    %c0_i32 = arith.constant 0 : i32
    %c0_i32_0 = arith.constant 0 : i32
    %c0_i32_1 = arith.constant 0 : i32
    %c0_i32_2 = arith.constant 0 : i32
    return %c0_i32, %c0_i32_0, %c0_i32_1 : i32, i32, i32
  }
  func.func @transform_2(%arg0: i32) -> (i32, i32, i32) {
    %c0_i32 = arith.constant 0 : i32
    %c0_i32_0 = arith.constant 0 : i32
    %c0_i32_1 = arith.constant 0 : i32
    %c0_i32_2 = arith.constant 0 : i32
    return %c0_i32, %c0_i32_0, %c0_i32_1 : i32, i32, i32
  }
}

module attributes {stable_mosaic.version = 14 : i64} {
  func.func @body(%arg0: i32, %arg1: i32, %arg2: memref<1x32x3xf32, #tpu.memory_space<vmem>>, %arg3: memref<1x3x512xf32, #tpu.memory_space<vmem>>, %arg4: memref<1x32x32xi32, #tpu.memory_space<vmem>>, %arg5: memref<1x32x32xf32, #tpu.memory_space<vmem>>, %arg6: memref<32x512xf32, #tpu.memory_space<vmem>>) attributes {dimension_semantics = [#tpu.dimension_semantics<arbitrary>, #tpu.dimension_semantics<arbitrary>], iteration_bounds = array<i64: 2, 8>, scalar_prefetch = 0 : i64, scratch_operands = 1 : i64, tpu.core_type = #tpu.core_type<tc>, window_params = [{transform_indices = @transform_0, window_bounds = array<i64: 1, 32, 3>}, {transform_indices = @transform_1, window_bounds = array<i64: 1, 3, 512>}, {transform_indices = @transform_2, window_bounds = array<i64: 1, 32, 32>}, {transform_indices = @transform_3, window_bounds = array<i64: 1, 32, 32>}]} {
    %get3A = arith.constant 0 : index
    %get3A_0 = arith.constant 0 : index
    %get3A_1 = arith.constant 0 : index
    %get3A_2 = vector.load %arg2[%get3A, %get3A_0, %get3A_1] : memref<1x32x3xf32, #tpu.memory_space<vmem>>, vector<1x32x3xf32>
    %get3A_3 = vector.shape_cast %get3A_2 : vector<1x32x3xf32> to vector<32x3xf32>
    %get3A_4 = arith.constant 0 : index
    %get3A_5 = arith.constant 0 : index
    %get3A_6 = arith.constant 0 : index
    %get3A_7 = vector.load %arg3[%get3A_4, %get3A_5, %get3A_6] : memref<1x3x512xf32, #tpu.memory_space<vmem>>, vector<1x1x512xf32>
    %get3A_8 = vector.shape_cast %get3A_7 : vector<1x1x512xf32> to vector<1x512xf32>
    %get3A_9 = arith.constant 0 : index
    %get3A_10 = arith.constant 1 : index
    %get3A_11 = arith.constant 0 : index
    %get3A_12 = vector.load %arg3[%get3A_9, %get3A_10, %get3A_11] : memref<1x3x512xf32, #tpu.memory_space<vmem>>, vector<1x1x512xf32>
    %get3A_13 = vector.shape_cast %get3A_12 : vector<1x1x512xf32> to vector<1x512xf32>
    %get3A_14 = arith.constant 0 : index
    %get3A_15 = arith.constant 2 : index
    %get3A_16 = arith.constant 0 : index
    %get3A_17 = vector.load %arg3[%get3A_14, %get3A_15, %get3A_16] : memref<1x3x512xf32, #tpu.memory_space<vmem>>, vector<1x1x512xf32>
    %get3A_18 = vector.shape_cast %get3A_17 : vector<1x1x512xf32> to vector<1x512xf32>
    %slice3A = vector.extract_strided_slice %get3A_3 {offsets = [0, 0], sizes = [32, 1], strides = [1, 1]} : vector<32x3xf32> to vector<32x1xf32>
    %sub3A = vector.broadcast %slice3A : vector<32x1xf32> to vector<32x512xf32>
    %sub3A_19 = vector.broadcast %get3A_8 : vector<1x512xf32> to vector<32x512xf32>
    %sub3A_20 = arith.subf %sub3A, %sub3A_19 : vector<32x512xf32>
    %integer_pow3A = arith.mulf %sub3A_20, %sub3A_20 : vector<32x512xf32>
    %slice3A_21 = vector.extract_strided_slice %get3A_3 {offsets = [0, 1], sizes = [32, 1], strides = [1, 1]} : vector<32x3xf32> to vector<32x1xf32>
    %sub3A_22 = vector.broadcast %slice3A_21 : vector<32x1xf32> to vector<32x512xf32>
    %sub3A_23 = vector.broadcast %get3A_13 : vector<1x512xf32> to vector<32x512xf32>
    %sub3A_24 = arith.subf %sub3A_22, %sub3A_23 : vector<32x512xf32>
    %integer_pow3A_25 = arith.mulf %sub3A_24, %sub3A_24 : vector<32x512xf32>
    %add3A = arith.addf %integer_pow3A, %integer_pow3A_25 : vector<32x512xf32>
    %slice3A_26 = vector.extract_strided_slice %get3A_3 {offsets = [0, 2], sizes = [32, 1], strides = [1, 1]} : vector<32x3xf32> to vector<32x1xf32>
    %sub3A_27 = vector.broadcast %slice3A_26 : vector<32x1xf32> to vector<32x512xf32>
    %sub3A_28 = vector.broadcast %get3A_18 : vector<1x512xf32> to vector<32x512xf32>
    %sub3A_29 = arith.subf %sub3A_27, %sub3A_28 : vector<32x512xf32>
    %integer_pow3A_30 = arith.mulf %sub3A_29, %sub3A_29 : vector<32x512xf32>
    %add3A_31 = arith.addf %add3A, %integer_pow3A_30 : vector<32x512xf32>
    %swap3A = arith.constant 0 : index
    %swap3A_32 = arith.constant 0 : index
    %swap3A_33 = vector.load %arg6[%swap3A, %swap3A_32] : memref<32x512xf32, #tpu.memory_space<vmem>>, vector<32x512xf32>
    tpu.vector_store %arg6[%swap3A, %swap3A_32], %add3A_31 {strides = array<i32>} : memref<32x512xf32, #tpu.memory_space<vmem>>, vector<32x512xf32>,
    %iota3A = tpu.iota {dimensions = array<i32: 1>} : vector<32x32xi32>
    %iota3A_34 = tpu.iota {dimensions = array<i32: 1>} : vector<32x512xi32>
    %broadcast_in_dim3A = arith.constant 0 : i32
    %broadcast_in_dim3A_35 = vector.broadcast %broadcast_in_dim3A : i32 to vector<32x32xi32>
    %broadcast_in_dim3A_36 = arith.constant 0x7F800000 : f32
    %broadcast_in_dim3A_37 = vector.broadcast %broadcast_in_dim3A_36 : f32 to vector<32x32xf32>
    %broadcast_in_dim3A_38 = arith.constant 0.000000e+00 : f32
    %broadcast_in_dim3A_39 = vector.broadcast %broadcast_in_dim3A_38 : f32 to vector<32x1xf32>
    %while3A = arith.constant 0 : i32
    %while3A_40:4 = scf.while (%while3A_53 = %while3A, %while3A_54 = %broadcast_in_dim3A_35, %while3A_55 = %broadcast_in_dim3A_37, %while3A_56 = %broadcast_in_dim3A_39) : (i32, vector<32x32xi32>, vector<32x32xf32>, vector<32x1xf32>) -> (i32, vector<32x32xi32>, vector<32x32xf32>, vector<32x1xf32>) {
      %lt3A = arith.constant 32 : i32
      %lt3A_57 = arith.cmpi slt, %while3A_53, %lt3A : i32
      %eq3A = arith.constant 0 : i32
      %eq3A_58 = arith.cmpi eq, %while3A_53, %eq3A : i32
      %reduce_min3A = vector.shape_cast %while3A_56 : vector<32x1xf32> to vector<1x32x1xf32>
      %reduce_min3A_59 = arith.constant dense<0x7F800000> : vector<1xf32>
      %reduce_min3A_60 = vector.multi_reduction <minimumf>, %reduce_min3A, %reduce_min3A_59 [1, 2] : vector<1x32x1xf32> to vector<1xf32>
      %reduce_min3A_61 = vector.shape_cast %reduce_min3A_60 : vector<1xf32> to vector<1x1x1xf32>
      %reduce_min3A_62 = vector.extract %reduce_min3A_61[0, 0, 0] : f32 from vector<1x1x1xf32>
      %le3A = arith.constant 2.304000e+01 : f32
      %le3A_63 = arith.cmpf ole, %reduce_min3A_62, %le3A : f32
      %or3A = arith.ori %eq3A_58, %le3A_63 : i1
      %and3A = arith.andi %lt3A_57, %or3A : i1
      scf.condition(%and3A) %while3A_53, %while3A_54, %while3A_55, %while3A_56 : i32, vector<32x32xi32>, vector<32x32xf32>, vector<32x1xf32>
    } do {
    ^bb0(%while3A_53: i32, %while3A_54: vector<32x32xi32>, %while3A_55: vector<32x32xf32>, %while3A_56: vector<32x1xf32>):
      %get3A_57 = arith.constant 0 : index
      %get3A_58 = arith.constant 0 : index
      %get3A_59 = vector.load %arg6[%get3A_57, %get3A_58] : memref<32x512xf32, #tpu.memory_space<vmem>>, vector<32x512xf32>
      %reduce_min3A = arith.constant dense<0x7F800000> : vector<32xf32>
      %reduce_min3A_60 = vector.multi_reduction <minimumf>, %get3A_59, %reduce_min3A [1] : vector<32x512xf32> to vector<32xf32>
      %broadcast_in_dim3A_61 = vector.shape_cast %reduce_min3A_60 : vector<32xf32> to vector<32x1xf32>
      %eq3A = vector.broadcast %broadcast_in_dim3A_61 : vector<32x1xf32> to vector<32x512xf32>
      %eq3A_62 = arith.cmpf oeq, %get3A_59, %eq3A : vector<32x512xf32>
      %jit3A = arith.constant 512 : i32
      %broadcast_in_dim3A_63 = vector.broadcast %jit3A : i32 to vector<32x512xi32>
      %select_n3A = arith.select %eq3A_62, %iota3A_34, %broadcast_in_dim3A_63 : vector<32x512xi1>, vector<32x512xi32>
      %reduce_min3A_64 = arith.constant dense<2147483647> : vector<32xi32>
      %reduce_min3A_65 = vector.multi_reduction <minsi>, %select_n3A, %reduce_min3A_64 [1] : vector<32x512xi32> to vector<32xi32>
      %broadcast_in_dim3A_66 = vector.shape_cast %reduce_min3A_65 : vector<32xi32> to vector<32x1xi32>
      %eq3A_67 = vector.broadcast %while3A_53 : i32 to vector<32x32xi32>
      %eq3A_68 = arith.cmpi eq, %iota3A, %eq3A_67 : vector<32x32xi32>
      %broadcast_in_dim3A_69 = vector.shape_cast %broadcast_in_dim3A_66 : vector<32x1xi32> to vector<32x1xi32>
      %broadcast_in_dim3A_70 = vector.broadcast %broadcast_in_dim3A_69 : vector<32x1xi32> to vector<32x32xi32>
      %select_n3A_71 = arith.select %eq3A_68, %broadcast_in_dim3A_70, %while3A_54 : vector<32x32xi1>, vector<32x32xi32>
      %eq3A_72 = vector.broadcast %while3A_53 : i32 to vector<32x32xi32>
      %eq3A_73 = arith.cmpi eq, %iota3A, %eq3A_72 : vector<32x32xi32>
      %broadcast_in_dim3A_74 = vector.shape_cast %broadcast_in_dim3A_61 : vector<32x1xf32> to vector<32x1xf32>
      %broadcast_in_dim3A_75 = vector.broadcast %broadcast_in_dim3A_74 : vector<32x1xf32> to vector<32x32xf32>
      %select_n3A_76 = arith.select %eq3A_73, %broadcast_in_dim3A_75, %while3A_55 : vector<32x32xi1>, vector<32x32xf32>
      %eq3A_77 = vector.broadcast %broadcast_in_dim3A_66 : vector<32x1xi32> to vector<32x512xi32>
      %eq3A_78 = arith.cmpi eq, %iota3A_34, %eq3A_77 : vector<32x512xi32>
      %jit3A_79 = arith.constant 0x7F800000 : f32
      %broadcast_in_dim3A_80 = vector.broadcast %jit3A_79 : f32 to vector<32x512xf32>
      %select_n3A_81 = arith.select %eq3A_78, %broadcast_in_dim3A_80, %get3A_59 : vector<32x512xi1>, vector<32x512xf32>
      %swap3A_82 = arith.constant 0 : index
      %swap3A_83 = arith.constant 0 : index
      %swap3A_84 = vector.load %arg6[%swap3A_82, %swap3A_83] : memref<32x512xf32, #tpu.memory_space<vmem>>, vector<32x512xf32>
      tpu.vector_store %arg6[%swap3A_82, %swap3A_83], %select_n3A_81 {strides = array<i32>} : memref<32x512xf32, #tpu.memory_space<vmem>>, vector<32x512xf32>,
      %add3A_85 = arith.constant 1 : i32
      %add3A_86 = arith.addi %while3A_53, %add3A_85 : i32
      scf.yield %add3A_86, %select_n3A_71, %select_n3A_76, %broadcast_in_dim3A_61 : i32, vector<32x32xi32>, vector<32x32xf32>, vector<32x1xf32>
    }
    %swap3A_41 = arith.constant 0 : index
    %swap3A_42 = arith.constant 0 : index
    %swap3A_43 = arith.constant 0 : index
    %swap3A_44 = vector.load %arg4[%swap3A_41, %swap3A_42, %swap3A_43] : memref<1x32x32xi32, #tpu.memory_space<vmem>>, vector<1x32x32xi32>
    %swap3A_45 = vector.shape_cast %swap3A_44 : vector<1x32x32xi32> to vector<32x32xi32>
    %swap3A_46 = vector.shape_cast %while3A_40#1 : vector<32x32xi32> to vector<1x32x32xi32>
    tpu.vector_store %arg4[%swap3A_41, %swap3A_42, %swap3A_43], %swap3A_46 {strides = array<i32>} : memref<1x32x32xi32, #tpu.memory_space<vmem>>, vector<1x32x32xi32>,
    %swap3A_47 = arith.constant 0 : index
    %swap3A_48 = arith.constant 0 : index
    %swap3A_49 = arith.constant 0 : index
    %swap3A_50 = vector.load %arg5[%swap3A_47, %swap3A_48, %swap3A_49] : memref<1x32x32xf32, #tpu.memory_space<vmem>>, vector<1x32x32xf32>
    %swap3A_51 = vector.shape_cast %swap3A_50 : vector<1x32x32xf32> to vector<32x32xf32>
    %swap3A_52 = vector.shape_cast %while3A_40#2 : vector<32x32xf32> to vector<1x32x32xf32>
    tpu.vector_store %arg5[%swap3A_47, %swap3A_48, %swap3A_49], %swap3A_52 {strides = array<i32>} : memref<1x32x32xf32, #tpu.memory_space<vmem>>, vector<1x32x32xf32>,
    return
  }
  func.func @transform_0(%arg0: i32, %arg1: i32) -> (i32, i32, i32) {
    %c0_i32 = arith.constant 0 : i32
    %c0_i32_0 = arith.constant 0 : i32
    return %arg0, %arg1, %c0_i32 : i32, i32, i32
  }
  func.func @transform_1(%arg0: i32, %arg1: i32) -> (i32, i32, i32) {
    %c0_i32 = arith.constant 0 : i32
    %c0_i32_0 = arith.constant 0 : i32
    %c0_i32_1 = arith.constant 0 : i32
    return %arg0, %c0_i32, %c0_i32_0 : i32, i32, i32
  }
  func.func @transform_2(%arg0: i32, %arg1: i32) -> (i32, i32, i32) {
    %c0_i32 = arith.constant 0 : i32
    %c0_i32_0 = arith.constant 0 : i32
    return %arg0, %arg1, %c0_i32 : i32, i32, i32
  }
  func.func @transform_3(%arg0: i32, %arg1: i32) -> (i32, i32, i32) {
    %c0_i32 = arith.constant 0 : i32
    %c0_i32_0 = arith.constant 0 : i32
    return %arg0, %arg1, %c0_i32 : i32, i32, i32
  }
}

module attributes {stable_mosaic.version = 14 : i64} {
  func.func @body(%arg0: i32, %arg1: i32, %arg2: memref<1x64x32x80xf32, #tpu.memory_space<vmem>>, %arg3: memref<1x64x3xf32, #tpu.memory_space<vmem>>, %arg4: memref<1x64x32xf32, #tpu.memory_space<vmem>>, %arg5: memref<67x64xf32, #tpu.memory_space<vmem>>, %arg6: memref<1x64xf32, #tpu.memory_space<vmem>>, %arg7: memref<64x64xf32, #tpu.memory_space<vmem>>, %arg8: memref<1x64xf32, #tpu.memory_space<vmem>>, %arg9: memref<64x128xf32, #tpu.memory_space<vmem>>, %arg10: memref<1x128xf32, #tpu.memory_space<vmem>>, %arg11: memref<67x96xf32, #tpu.memory_space<vmem>>, %arg12: memref<1x96xf32, #tpu.memory_space<vmem>>, %arg13: memref<96x96xf32, #tpu.memory_space<vmem>>, %arg14: memref<1x96xf32, #tpu.memory_space<vmem>>, %arg15: memref<96x128xf32, #tpu.memory_space<vmem>>, %arg16: memref<1x128xf32, #tpu.memory_space<vmem>>, %arg17: memref<256x128xf32, #tpu.memory_space<vmem>>, %arg18: memref<1x128xf32, #tpu.memory_space<vmem>>, %arg19: memref<1x64x128xf32, #tpu.memory_space<vmem>>) attributes {dimension_semantics = [#tpu.dimension_semantics<arbitrary>, #tpu.dimension_semantics<arbitrary>], iteration_bounds = array<i64: 2, 8>, scalar_prefetch = 0 : i64, scratch_operands = 0 : i64, tpu.core_type = #tpu.core_type<tc>, window_params = [{transform_indices = @transform_0, window_bounds = array<i64: 1, 64, 32, 80>}, {transform_indices = @transform_1, window_bounds = array<i64: 1, 64, 3>}, {transform_indices = @transform_2, window_bounds = array<i64: 1, 64, 32>}, {pipeline_mode = #tpu.pipeline_mode<synchronous>, transform_indices = @transform_3, window_bounds = array<i64: 67, 64>}, {pipeline_mode = #tpu.pipeline_mode<synchronous>, transform_indices = @transform_4, window_bounds = array<i64: 1, 64>}, {pipeline_mode = #tpu.pipeline_mode<synchronous>, transform_indices = @transform_5, window_bounds = array<i64: 64, 64>}, {pipeline_mode = #tpu.pipeline_mode<synchronous>, transform_indices = @transform_6, window_bounds = array<i64: 1, 64>}, {pipeline_mode = #tpu.pipeline_mode<synchronous>, transform_indices = @transform_7, window_bounds = array<i64: 64, 128>}, {pipeline_mode = #tpu.pipeline_mode<synchronous>, transform_indices = @transform_8, window_bounds = array<i64: 1, 128>}, {pipeline_mode = #tpu.pipeline_mode<synchronous>, transform_indices = @transform_9, window_bounds = array<i64: 67, 96>}, {pipeline_mode = #tpu.pipeline_mode<synchronous>, transform_indices = @transform_10, window_bounds = array<i64: 1, 96>}, {pipeline_mode = #tpu.pipeline_mode<synchronous>, transform_indices = @transform_11, window_bounds = array<i64: 96, 96>}, {pipeline_mode = #tpu.pipeline_mode<synchronous>, transform_indices = @transform_12, window_bounds = array<i64: 1, 96>}, {pipeline_mode = #tpu.pipeline_mode<synchronous>, transform_indices = @transform_13, window_bounds = array<i64: 96, 128>}, {pipeline_mode = #tpu.pipeline_mode<synchronous>, transform_indices = @transform_14, window_bounds = array<i64: 1, 128>}, {pipeline_mode = #tpu.pipeline_mode<synchronous>, transform_indices = @transform_15, window_bounds = array<i64: 256, 128>}, {pipeline_mode = #tpu.pipeline_mode<synchronous>, transform_indices = @transform_16, window_bounds = array<i64: 1, 128>}, {transform_indices = @transform_17, window_bounds = array<i64: 1, 64, 128>}]} {
    %get3A = arith.constant 0 : index
    %get3A_0 = arith.constant 0 : index
    %get3A_1 = arith.constant 0 : index
    %get3A_2 = arith.constant 0 : index
    %get3A_3 = vector.load %arg2[%get3A, %get3A_0, %get3A_1, %get3A_2] : memref<1x64x32x80xf32, #tpu.memory_space<vmem>>, vector<1x64x32x80xf32>
    %get3A_4 = vector.shape_cast %get3A_3 : vector<1x64x32x80xf32> to vector<64x32x80xf32>
    %get3A_5 = arith.constant 0 : index
    %get3A_6 = arith.constant 0 : index
    %get3A_7 = arith.constant 0 : index
    %get3A_8 = vector.load %arg3[%get3A_5, %get3A_6, %get3A_7] : memref<1x64x3xf32, #tpu.memory_space<vmem>>, vector<1x64x3xf32>
    %get3A_9 = vector.shape_cast %get3A_8 : vector<1x64x3xf32> to vector<64x3xf32>
    %get3A_10 = arith.constant 0 : index
    %get3A_11 = arith.constant 0 : index
    %get3A_12 = arith.constant 0 : index
    %get3A_13 = vector.load %arg4[%get3A_10, %get3A_11, %get3A_12] : memref<1x64x32xf32, #tpu.memory_space<vmem>>, vector<1x64x32xf32>
    %get3A_14 = vector.shape_cast %get3A_13 : vector<1x64x32xf32> to vector<64x32xf32>
    %slice3A = vector.extract_strided_slice %get3A_4 {offsets = [0, 0, 0], sizes = [64, 32, 3], strides = [1, 1, 1]} : vector<64x32x80xf32> to vector<64x32x3xf32>
    %broadcast_in_dim3A = vector.shape_cast %get3A_9 : vector<64x3xf32> to vector<64x1x3xf32>
    %sub3A = vector.broadcast %broadcast_in_dim3A : vector<64x1x3xf32> to vector<64x32x3xf32>
    %sub3A_15 = arith.subf %slice3A, %sub3A : vector<64x32x3xf32>
    %slice3A_16 = vector.extract_strided_slice %get3A_4 {offsets = [0, 0, 3], sizes = [64, 32, 64], strides = [1, 1, 1]} : vector<64x32x80xf32> to vector<64x32x64xf32>
    %concatenate3A = tpu.concatenate %sub3A_15, %slice3A_16 in 2 : vector<64x32x3xf32>, vector<64x32x64xf32> -> vector<64x32x67xf32>
    %slice3A_17 = vector.extract_strided_slice %concatenate3A {offsets = [0, 0, 0], sizes = [64, 16, 67], strides = [1, 1, 1]} : vector<64x32x67xf32> to vector<64x16x67xf32>
    %reshape3A = vector.shape_cast %slice3A_17 : vector<64x16x67xf32> to vector<1024x67xf32>
    %get3A_18 = arith.constant 0 : index
    %get3A_19 = arith.constant 0 : index
    %get3A_20 = vector.load %arg5[%get3A_18, %get3A_19] : memref<67x64xf32, #tpu.memory_space<vmem>>, vector<67x64xf32>
    %get3A_21 = arith.constant 0 : index
    %get3A_22 = arith.constant 0 : index
    %get3A_23 = vector.load %arg6[%get3A_21, %get3A_22] : memref<1x64xf32, #tpu.memory_space<vmem>>, vector<1x64xf32>
    %dot_general3A = arith.constant dense<0.000000e+00> : vector<1024x64xf32>
    %dot_general3A_24 = tpu.matmul %reshape3A, %get3A_20, %dot_general3A {dimension_numbers = #tpu.dot_dimension_numbers<[1], [0], [0], [1], [0, 0, 1, 1], [], []>, transpose_lhs_hint = false} : vector<1024x67xf32>, vector<67x64xf32>, vector<1024x64xf32> -> vector<1024x64xf32>
    %add3A = vector.broadcast %get3A_23 : vector<1x64xf32> to vector<1024x64xf32>
    %add3A_25 = arith.addf %dot_general3A_24, %add3A : vector<1024x64xf32>
    %max3A = arith.constant 0.000000e+00 : f32
    %max3A_26 = vector.broadcast %max3A : f32 to vector<1024x64xf32>
    %max3A_27 = arith.maximumf %add3A_25, %max3A_26 : vector<1024x64xf32>
    %get3A_28 = arith.constant 0 : index
    %get3A_29 = arith.constant 0 : index
    %get3A_30 = vector.load %arg7[%get3A_28, %get3A_29] : memref<64x64xf32, #tpu.memory_space<vmem>>, vector<64x64xf32>
    %get3A_31 = arith.constant 0 : index
    %get3A_32 = arith.constant 0 : index
    %get3A_33 = vector.load %arg8[%get3A_31, %get3A_32] : memref<1x64xf32, #tpu.memory_space<vmem>>, vector<1x64xf32>
    %dot_general3A_34 = arith.constant dense<0.000000e+00> : vector<1024x64xf32>
    %dot_general3A_35 = tpu.matmul %max3A_27, %get3A_30, %dot_general3A_34 {dimension_numbers = #tpu.dot_dimension_numbers<[1], [0], [0], [1], [0, 0, 1, 1], [], []>, transpose_lhs_hint = false} : vector<1024x64xf32>, vector<64x64xf32>, vector<1024x64xf32> -> vector<1024x64xf32>
    %add3A_36 = vector.broadcast %get3A_33 : vector<1x64xf32> to vector<1024x64xf32>
    %add3A_37 = arith.addf %dot_general3A_35, %add3A_36 : vector<1024x64xf32>
    %max3A_38 = arith.constant 0.000000e+00 : f32
    %max3A_39 = vector.broadcast %max3A_38 : f32 to vector<1024x64xf32>
    %max3A_40 = arith.maximumf %add3A_37, %max3A_39 : vector<1024x64xf32>
    %get3A_41 = arith.constant 0 : index
    %get3A_42 = arith.constant 0 : index
    %get3A_43 = vector.load %arg9[%get3A_41, %get3A_42] : memref<64x128xf32, #tpu.memory_space<vmem>>, vector<64x128xf32>
    %get3A_44 = arith.constant 0 : index
    %get3A_45 = arith.constant 0 : index
    %get3A_46 = vector.load %arg10[%get3A_44, %get3A_45] : memref<1x128xf32, #tpu.memory_space<vmem>>, vector<1x128xf32>
    %dot_general3A_47 = arith.constant dense<0.000000e+00> : vector<1024x128xf32>
    %dot_general3A_48 = tpu.matmul %max3A_40, %get3A_43, %dot_general3A_47 {dimension_numbers = #tpu.dot_dimension_numbers<[1], [0], [0], [1], [0, 0, 1, 1], [], []>, transpose_lhs_hint = false} : vector<1024x64xf32>, vector<64x128xf32>, vector<1024x128xf32> -> vector<1024x128xf32>
    %add3A_49 = vector.broadcast %get3A_46 : vector<1x128xf32> to vector<1024x128xf32>
    %add3A_50 = arith.addf %dot_general3A_48, %add3A_49 : vector<1024x128xf32>
    %max3A_51 = arith.constant 0.000000e+00 : f32
    %max3A_52 = vector.broadcast %max3A_51 : f32 to vector<1024x128xf32>
    %max3A_53 = arith.maximumf %add3A_50, %max3A_52 : vector<1024x128xf32>
    %reshape3A_54 = vector.shape_cast %max3A_53 : vector<1024x128xf32> to vector<64x16x128xf32>
    %slice3A_55 = vector.extract_strided_slice %get3A_14 {offsets = [0, 0], sizes = [64, 16], strides = [1, 1]} : vector<64x32xf32> to vector<64x16xf32>
    %le3A = arith.constant 6.400000e-01 : f32
    %le3A_56 = vector.broadcast %le3A : f32 to vector<64x16xf32>
    %le3A_57 = arith.cmpf ole, %slice3A_55, %le3A_56 : vector<64x16xf32>
    %slice3A_58 = vector.extract_strided_slice %reshape3A_54 {offsets = [0, 0, 0], sizes = [64, 1, 128], strides = [1, 1, 1]} : vector<64x16x128xf32> to vector<64x1x128xf32>
    %squeeze3A = vector.shape_cast %slice3A_58 : vector<64x1x128xf32> to vector<64x128xf32>
    %slice3A_59 = vector.extract_strided_slice %le3A_57 {offsets = [0, 1], sizes = [64, 1], strides = [1, 1]} : vector<64x16xi1> to vector<64x1xi1>
    %slice3A_60 = vector.extract_strided_slice %reshape3A_54 {offsets = [0, 1, 0], sizes = [64, 1, 128], strides = [1, 1, 1]} : vector<64x16x128xf32> to vector<64x1x128xf32>
    %squeeze3A_61 = vector.shape_cast %slice3A_60 : vector<64x1x128xf32> to vector<64x128xf32>
    %jit3A = arith.constant 0.000000e+00 : f32
    %broadcast_in_dim3A_62 = vector.shape_cast %slice3A_59 : vector<64x1xi1> to vector<64x1xi1>
    %broadcast_in_dim3A_63 = vector.broadcast %broadcast_in_dim3A_62 : vector<64x1xi1> to vector<64x128xi1>
    %broadcast_in_dim3A_64 = vector.broadcast %jit3A : f32 to vector<64x128xf32>
    %select_n3A = arith.select %broadcast_in_dim3A_63, %squeeze3A_61, %broadcast_in_dim3A_64 : vector<64x128xi1>, vector<64x128xf32>
    %max3A_65 = arith.maximumf %squeeze3A, %select_n3A : vector<64x128xf32>
    %slice3A_66 = vector.extract_strided_slice %le3A_57 {offsets = [0, 2], sizes = [64, 1], strides = [1, 1]} : vector<64x16xi1> to vector<64x1xi1>
    %slice3A_67 = vector.extract_strided_slice %reshape3A_54 {offsets = [0, 2, 0], sizes = [64, 1, 128], strides = [1, 1, 1]} : vector<64x16x128xf32> to vector<64x1x128xf32>
    %squeeze3A_68 = vector.shape_cast %slice3A_67 : vector<64x1x128xf32> to vector<64x128xf32>
    %jit3A_69 = arith.constant 0.000000e+00 : f32
    %broadcast_in_dim3A_70 = vector.shape_cast %slice3A_66 : vector<64x1xi1> to vector<64x1xi1>
    %broadcast_in_dim3A_71 = vector.broadcast %broadcast_in_dim3A_70 : vector<64x1xi1> to vector<64x128xi1>
    %broadcast_in_dim3A_72 = vector.broadcast %jit3A_69 : f32 to vector<64x128xf32>
    %select_n3A_73 = arith.select %broadcast_in_dim3A_71, %squeeze3A_68, %broadcast_in_dim3A_72 : vector<64x128xi1>, vector<64x128xf32>
    %max3A_74 = arith.maximumf %max3A_65, %select_n3A_73 : vector<64x128xf32>
    %slice3A_75 = vector.extract_strided_slice %le3A_57 {offsets = [0, 3], sizes = [64, 1], strides = [1, 1]} : vector<64x16xi1> to vector<64x1xi1>
    %slice3A_76 = vector.extract_strided_slice %reshape3A_54 {offsets = [0, 3, 0], sizes = [64, 1, 128], strides = [1, 1, 1]} : vector<64x16x128xf32> to vector<64x1x128xf32>
    %squeeze3A_77 = vector.shape_cast %slice3A_76 : vector<64x1x128xf32> to vector<64x128xf32>
    %jit3A_78 = arith.constant 0.000000e+00 : f32
    %broadcast_in_dim3A_79 = vector.shape_cast %slice3A_75 : vector<64x1xi1> to vector<64x1xi1>
    %broadcast_in_dim3A_80 = vector.broadcast %broadcast_in_dim3A_79 : vector<64x1xi1> to vector<64x128xi1>
    %broadcast_in_dim3A_81 = vector.broadcast %jit3A_78 : f32 to vector<64x128xf32>
    %select_n3A_82 = arith.select %broadcast_in_dim3A_80, %squeeze3A_77, %broadcast_in_dim3A_81 : vector<64x128xi1>, vector<64x128xf32>
    %max3A_83 = arith.maximumf %max3A_74, %select_n3A_82 : vector<64x128xf32>
    %slice3A_84 = vector.extract_strided_slice %le3A_57 {offsets = [0, 4], sizes = [64, 1], strides = [1, 1]} : vector<64x16xi1> to vector<64x1xi1>
    %slice3A_85 = vector.extract_strided_slice %reshape3A_54 {offsets = [0, 4, 0], sizes = [64, 1, 128], strides = [1, 1, 1]} : vector<64x16x128xf32> to vector<64x1x128xf32>
    %squeeze3A_86 = vector.shape_cast %slice3A_85 : vector<64x1x128xf32> to vector<64x128xf32>
    %jit3A_87 = arith.constant 0.000000e+00 : f32
    %broadcast_in_dim3A_88 = vector.shape_cast %slice3A_84 : vector<64x1xi1> to vector<64x1xi1>
    %broadcast_in_dim3A_89 = vector.broadcast %broadcast_in_dim3A_88 : vector<64x1xi1> to vector<64x128xi1>
    %broadcast_in_dim3A_90 = vector.broadcast %jit3A_87 : f32 to vector<64x128xf32>
    %select_n3A_91 = arith.select %broadcast_in_dim3A_89, %squeeze3A_86, %broadcast_in_dim3A_90 : vector<64x128xi1>, vector<64x128xf32>
    %max3A_92 = arith.maximumf %max3A_83, %select_n3A_91 : vector<64x128xf32>
    %slice3A_93 = vector.extract_strided_slice %le3A_57 {offsets = [0, 5], sizes = [64, 1], strides = [1, 1]} : vector<64x16xi1> to vector<64x1xi1>
    %slice3A_94 = vector.extract_strided_slice %reshape3A_54 {offsets = [0, 5, 0], sizes = [64, 1, 128], strides = [1, 1, 1]} : vector<64x16x128xf32> to vector<64x1x128xf32>
    %squeeze3A_95 = vector.shape_cast %slice3A_94 : vector<64x1x128xf32> to vector<64x128xf32>
    %jit3A_96 = arith.constant 0.000000e+00 : f32
    %broadcast_in_dim3A_97 = vector.shape_cast %slice3A_93 : vector<64x1xi1> to vector<64x1xi1>
    %broadcast_in_dim3A_98 = vector.broadcast %broadcast_in_dim3A_97 : vector<64x1xi1> to vector<64x128xi1>
    %broadcast_in_dim3A_99 = vector.broadcast %jit3A_96 : f32 to vector<64x128xf32>
    %select_n3A_100 = arith.select %broadcast_in_dim3A_98, %squeeze3A_95, %broadcast_in_dim3A_99 : vector<64x128xi1>, vector<64x128xf32>
    %max3A_101 = arith.maximumf %max3A_92, %select_n3A_100 : vector<64x128xf32>
    %slice3A_102 = vector.extract_strided_slice %le3A_57 {offsets = [0, 6], sizes = [64, 1], strides = [1, 1]} : vector<64x16xi1> to vector<64x1xi1>
    %slice3A_103 = vector.extract_strided_slice %reshape3A_54 {offsets = [0, 6, 0], sizes = [64, 1, 128], strides = [1, 1, 1]} : vector<64x16x128xf32> to vector<64x1x128xf32>
    %squeeze3A_104 = vector.shape_cast %slice3A_103 : vector<64x1x128xf32> to vector<64x128xf32>
    %jit3A_105 = arith.constant 0.000000e+00 : f32
    %broadcast_in_dim3A_106 = vector.shape_cast %slice3A_102 : vector<64x1xi1> to vector<64x1xi1>
    %broadcast_in_dim3A_107 = vector.broadcast %broadcast_in_dim3A_106 : vector<64x1xi1> to vector<64x128xi1>
    %broadcast_in_dim3A_108 = vector.broadcast %jit3A_105 : f32 to vector<64x128xf32>
    %select_n3A_109 = arith.select %broadcast_in_dim3A_107, %squeeze3A_104, %broadcast_in_dim3A_108 : vector<64x128xi1>, vector<64x128xf32>
    %max3A_110 = arith.maximumf %max3A_101, %select_n3A_109 : vector<64x128xf32>
    %slice3A_111 = vector.extract_strided_slice %le3A_57 {offsets = [0, 7], sizes = [64, 1], strides = [1, 1]} : vector<64x16xi1> to vector<64x1xi1>
    %slice3A_112 = vector.extract_strided_slice %reshape3A_54 {offsets = [0, 7, 0], sizes = [64, 1, 128], strides = [1, 1, 1]} : vector<64x16x128xf32> to vector<64x1x128xf32>
    %squeeze3A_113 = vector.shape_cast %slice3A_112 : vector<64x1x128xf32> to vector<64x128xf32>
    %jit3A_114 = arith.constant 0.000000e+00 : f32
    %broadcast_in_dim3A_115 = vector.shape_cast %slice3A_111 : vector<64x1xi1> to vector<64x1xi1>
    %broadcast_in_dim3A_116 = vector.broadcast %broadcast_in_dim3A_115 : vector<64x1xi1> to vector<64x128xi1>
    %broadcast_in_dim3A_117 = vector.broadcast %jit3A_114 : f32 to vector<64x128xf32>
    %select_n3A_118 = arith.select %broadcast_in_dim3A_116, %squeeze3A_113, %broadcast_in_dim3A_117 : vector<64x128xi1>, vector<64x128xf32>
    %max3A_119 = arith.maximumf %max3A_110, %select_n3A_118 : vector<64x128xf32>
    %slice3A_120 = vector.extract_strided_slice %le3A_57 {offsets = [0, 8], sizes = [64, 1], strides = [1, 1]} : vector<64x16xi1> to vector<64x1xi1>
    %slice3A_121 = vector.extract_strided_slice %reshape3A_54 {offsets = [0, 8, 0], sizes = [64, 1, 128], strides = [1, 1, 1]} : vector<64x16x128xf32> to vector<64x1x128xf32>
    %squeeze3A_122 = vector.shape_cast %slice3A_121 : vector<64x1x128xf32> to vector<64x128xf32>
    %jit3A_123 = arith.constant 0.000000e+00 : f32
    %broadcast_in_dim3A_124 = vector.shape_cast %slice3A_120 : vector<64x1xi1> to vector<64x1xi1>
    %broadcast_in_dim3A_125 = vector.broadcast %broadcast_in_dim3A_124 : vector<64x1xi1> to vector<64x128xi1>
    %broadcast_in_dim3A_126 = vector.broadcast %jit3A_123 : f32 to vector<64x128xf32>
    %select_n3A_127 = arith.select %broadcast_in_dim3A_125, %squeeze3A_122, %broadcast_in_dim3A_126 : vector<64x128xi1>, vector<64x128xf32>
    %max3A_128 = arith.maximumf %max3A_119, %select_n3A_127 : vector<64x128xf32>
    %slice3A_129 = vector.extract_strided_slice %le3A_57 {offsets = [0, 9], sizes = [64, 1], strides = [1, 1]} : vector<64x16xi1> to vector<64x1xi1>
    %slice3A_130 = vector.extract_strided_slice %reshape3A_54 {offsets = [0, 9, 0], sizes = [64, 1, 128], strides = [1, 1, 1]} : vector<64x16x128xf32> to vector<64x1x128xf32>
    %squeeze3A_131 = vector.shape_cast %slice3A_130 : vector<64x1x128xf32> to vector<64x128xf32>
    %jit3A_132 = arith.constant 0.000000e+00 : f32
    %broadcast_in_dim3A_133 = vector.shape_cast %slice3A_129 : vector<64x1xi1> to vector<64x1xi1>
    %broadcast_in_dim3A_134 = vector.broadcast %broadcast_in_dim3A_133 : vector<64x1xi1> to vector<64x128xi1>
    %broadcast_in_dim3A_135 = vector.broadcast %jit3A_132 : f32 to vector<64x128xf32>
    %select_n3A_136 = arith.select %broadcast_in_dim3A_134, %squeeze3A_131, %broadcast_in_dim3A_135 : vector<64x128xi1>, vector<64x128xf32>
    %max3A_137 = arith.maximumf %max3A_128, %select_n3A_136 : vector<64x128xf32>
    %slice3A_138 = vector.extract_strided_slice %le3A_57 {offsets = [0, 10], sizes = [64, 1], strides = [1, 1]} : vector<64x16xi1> to vector<64x1xi1>
    %slice3A_139 = vector.extract_strided_slice %reshape3A_54 {offsets = [0, 10, 0], sizes = [64, 1, 128], strides = [1, 1, 1]} : vector<64x16x128xf32> to vector<64x1x128xf32>
    %squeeze3A_140 = vector.shape_cast %slice3A_139 : vector<64x1x128xf32> to vector<64x128xf32>
    %jit3A_141 = arith.constant 0.000000e+00 : f32
    %broadcast_in_dim3A_142 = vector.shape_cast %slice3A_138 : vector<64x1xi1> to vector<64x1xi1>
    %broadcast_in_dim3A_143 = vector.broadcast %broadcast_in_dim3A_142 : vector<64x1xi1> to vector<64x128xi1>
    %broadcast_in_dim3A_144 = vector.broadcast %jit3A_141 : f32 to vector<64x128xf32>
    %select_n3A_145 = arith.select %broadcast_in_dim3A_143, %squeeze3A_140, %broadcast_in_dim3A_144 : vector<64x128xi1>, vector<64x128xf32>
    %max3A_146 = arith.maximumf %max3A_137, %select_n3A_145 : vector<64x128xf32>
    %slice3A_147 = vector.extract_strided_slice %le3A_57 {offsets = [0, 11], sizes = [64, 1], strides = [1, 1]} : vector<64x16xi1> to vector<64x1xi1>
    %slice3A_148 = vector.extract_strided_slice %reshape3A_54 {offsets = [0, 11, 0], sizes = [64, 1, 128], strides = [1, 1, 1]} : vector<64x16x128xf32> to vector<64x1x128xf32>
    %squeeze3A_149 = vector.shape_cast %slice3A_148 : vector<64x1x128xf32> to vector<64x128xf32>
    %jit3A_150 = arith.constant 0.000000e+00 : f32
    %broadcast_in_dim3A_151 = vector.shape_cast %slice3A_147 : vector<64x1xi1> to vector<64x1xi1>
    %broadcast_in_dim3A_152 = vector.broadcast %broadcast_in_dim3A_151 : vector<64x1xi1> to vector<64x128xi1>
    %broadcast_in_dim3A_153 = vector.broadcast %jit3A_150 : f32 to vector<64x128xf32>
    %select_n3A_154 = arith.select %broadcast_in_dim3A_152, %squeeze3A_149, %broadcast_in_dim3A_153 : vector<64x128xi1>, vector<64x128xf32>
    %max3A_155 = arith.maximumf %max3A_146, %select_n3A_154 : vector<64x128xf32>
    %slice3A_156 = vector.extract_strided_slice %le3A_57 {offsets = [0, 12], sizes = [64, 1], strides = [1, 1]} : vector<64x16xi1> to vector<64x1xi1>
    %slice3A_157 = vector.extract_strided_slice %reshape3A_54 {offsets = [0, 12, 0], sizes = [64, 1, 128], strides = [1, 1, 1]} : vector<64x16x128xf32> to vector<64x1x128xf32>
    %squeeze3A_158 = vector.shape_cast %slice3A_157 : vector<64x1x128xf32> to vector<64x128xf32>
    %jit3A_159 = arith.constant 0.000000e+00 : f32
    %broadcast_in_dim3A_160 = vector.shape_cast %slice3A_156 : vector<64x1xi1> to vector<64x1xi1>
    %broadcast_in_dim3A_161 = vector.broadcast %broadcast_in_dim3A_160 : vector<64x1xi1> to vector<64x128xi1>
    %broadcast_in_dim3A_162 = vector.broadcast %jit3A_159 : f32 to vector<64x128xf32>
    %select_n3A_163 = arith.select %broadcast_in_dim3A_161, %squeeze3A_158, %broadcast_in_dim3A_162 : vector<64x128xi1>, vector<64x128xf32>
    %max3A_164 = arith.maximumf %max3A_155, %select_n3A_163 : vector<64x128xf32>
    %slice3A_165 = vector.extract_strided_slice %le3A_57 {offsets = [0, 13], sizes = [64, 1], strides = [1, 1]} : vector<64x16xi1> to vector<64x1xi1>
    %slice3A_166 = vector.extract_strided_slice %reshape3A_54 {offsets = [0, 13, 0], sizes = [64, 1, 128], strides = [1, 1, 1]} : vector<64x16x128xf32> to vector<64x1x128xf32>
    %squeeze3A_167 = vector.shape_cast %slice3A_166 : vector<64x1x128xf32> to vector<64x128xf32>
    %jit3A_168 = arith.constant 0.000000e+00 : f32
    %broadcast_in_dim3A_169 = vector.shape_cast %slice3A_165 : vector<64x1xi1> to vector<64x1xi1>
    %broadcast_in_dim3A_170 = vector.broadcast %broadcast_in_dim3A_169 : vector<64x1xi1> to vector<64x128xi1>
    %broadcast_in_dim3A_171 = vector.broadcast %jit3A_168 : f32 to vector<64x128xf32>
    %select_n3A_172 = arith.select %broadcast_in_dim3A_170, %squeeze3A_167, %broadcast_in_dim3A_171 : vector<64x128xi1>, vector<64x128xf32>
    %max3A_173 = arith.maximumf %max3A_164, %select_n3A_172 : vector<64x128xf32>
    %slice3A_174 = vector.extract_strided_slice %le3A_57 {offsets = [0, 14], sizes = [64, 1], strides = [1, 1]} : vector<64x16xi1> to vector<64x1xi1>
    %slice3A_175 = vector.extract_strided_slice %reshape3A_54 {offsets = [0, 14, 0], sizes = [64, 1, 128], strides = [1, 1, 1]} : vector<64x16x128xf32> to vector<64x1x128xf32>
    %squeeze3A_176 = vector.shape_cast %slice3A_175 : vector<64x1x128xf32> to vector<64x128xf32>
    %jit3A_177 = arith.constant 0.000000e+00 : f32
    %broadcast_in_dim3A_178 = vector.shape_cast %slice3A_174 : vector<64x1xi1> to vector<64x1xi1>
    %broadcast_in_dim3A_179 = vector.broadcast %broadcast_in_dim3A_178 : vector<64x1xi1> to vector<64x128xi1>
    %broadcast_in_dim3A_180 = vector.broadcast %jit3A_177 : f32 to vector<64x128xf32>
    %select_n3A_181 = arith.select %broadcast_in_dim3A_179, %squeeze3A_176, %broadcast_in_dim3A_180 : vector<64x128xi1>, vector<64x128xf32>
    %max3A_182 = arith.maximumf %max3A_173, %select_n3A_181 : vector<64x128xf32>
    %slice3A_183 = vector.extract_strided_slice %le3A_57 {offsets = [0, 15], sizes = [64, 1], strides = [1, 1]} : vector<64x16xi1> to vector<64x1xi1>
    %slice3A_184 = vector.extract_strided_slice %reshape3A_54 {offsets = [0, 15, 0], sizes = [64, 1, 128], strides = [1, 1, 1]} : vector<64x16x128xf32> to vector<64x1x128xf32>
    %squeeze3A_185 = vector.shape_cast %slice3A_184 : vector<64x1x128xf32> to vector<64x128xf32>
    %jit3A_186 = arith.constant 0.000000e+00 : f32
    %broadcast_in_dim3A_187 = vector.shape_cast %slice3A_183 : vector<64x1xi1> to vector<64x1xi1>
    %broadcast_in_dim3A_188 = vector.broadcast %broadcast_in_dim3A_187 : vector<64x1xi1> to vector<64x128xi1>
    %broadcast_in_dim3A_189 = vector.broadcast %jit3A_186 : f32 to vector<64x128xf32>
    %select_n3A_190 = arith.select %broadcast_in_dim3A_188, %squeeze3A_185, %broadcast_in_dim3A_189 : vector<64x128xi1>, vector<64x128xf32>
    %max3A_191 = arith.maximumf %max3A_182, %select_n3A_190 : vector<64x128xf32>
    %reshape3A_192 = vector.shape_cast %concatenate3A : vector<64x32x67xf32> to vector<2048x67xf32>
    %get3A_193 = arith.constant 0 : index
    %get3A_194 = arith.constant 0 : index
    %get3A_195 = vector.load %arg11[%get3A_193, %get3A_194] : memref<67x96xf32, #tpu.memory_space<vmem>>, vector<67x96xf32>
    %get3A_196 = arith.constant 0 : index
    %get3A_197 = arith.constant 0 : index
    %get3A_198 = vector.load %arg12[%get3A_196, %get3A_197] : memref<1x96xf32, #tpu.memory_space<vmem>>, vector<1x96xf32>
    %dot_general3A_199 = arith.constant dense<0.000000e+00> : vector<2048x96xf32>
    %dot_general3A_200 = tpu.matmul %reshape3A_192, %get3A_195, %dot_general3A_199 {dimension_numbers = #tpu.dot_dimension_numbers<[1], [0], [0], [1], [0, 0, 1, 1], [], []>, transpose_lhs_hint = false} : vector<2048x67xf32>, vector<67x96xf32>, vector<2048x96xf32> -> vector<2048x96xf32>
    %add3A_201 = vector.broadcast %get3A_198 : vector<1x96xf32> to vector<2048x96xf32>
    %add3A_202 = arith.addf %dot_general3A_200, %add3A_201 : vector<2048x96xf32>
    %max3A_203 = arith.constant 0.000000e+00 : f32
    %max3A_204 = vector.broadcast %max3A_203 : f32 to vector<2048x96xf32>
    %max3A_205 = arith.maximumf %add3A_202, %max3A_204 : vector<2048x96xf32>
    %get3A_206 = arith.constant 0 : index
    %get3A_207 = arith.constant 0 : index
    %get3A_208 = vector.load %arg13[%get3A_206, %get3A_207] : memref<96x96xf32, #tpu.memory_space<vmem>>, vector<96x96xf32>
    %get3A_209 = arith.constant 0 : index
    %get3A_210 = arith.constant 0 : index
    %get3A_211 = vector.load %arg14[%get3A_209, %get3A_210] : memref<1x96xf32, #tpu.memory_space<vmem>>, vector<1x96xf32>
    %dot_general3A_212 = arith.constant dense<0.000000e+00> : vector<2048x96xf32>
    %dot_general3A_213 = tpu.matmul %max3A_205, %get3A_208, %dot_general3A_212 {dimension_numbers = #tpu.dot_dimension_numbers<[1], [0], [0], [1], [0, 0, 1, 1], [], []>, transpose_lhs_hint = false} : vector<2048x96xf32>, vector<96x96xf32>, vector<2048x96xf32> -> vector<2048x96xf32>
    %add3A_214 = vector.broadcast %get3A_211 : vector<1x96xf32> to vector<2048x96xf32>
    %add3A_215 = arith.addf %dot_general3A_213, %add3A_214 : vector<2048x96xf32>
    %max3A_216 = arith.constant 0.000000e+00 : f32
    %max3A_217 = vector.broadcast %max3A_216 : f32 to vector<2048x96xf32>
    %max3A_218 = arith.maximumf %add3A_215, %max3A_217 : vector<2048x96xf32>
    %get3A_219 = arith.constant 0 : index
    %get3A_220 = arith.constant 0 : index
    %get3A_221 = vector.load %arg15[%get3A_219, %get3A_220] : memref<96x128xf32, #tpu.memory_space<vmem>>, vector<96x128xf32>
    %get3A_222 = arith.constant 0 : index
    %get3A_223 = arith.constant 0 : index
    %get3A_224 = vector.load %arg16[%get3A_222, %get3A_223] : memref<1x128xf32, #tpu.memory_space<vmem>>, vector<1x128xf32>
    %dot_general3A_225 = arith.constant dense<0.000000e+00> : vector<2048x128xf32>
    %dot_general3A_226 = tpu.matmul %max3A_218, %get3A_221, %dot_general3A_225 {dimension_numbers = #tpu.dot_dimension_numbers<[1], [0], [0], [1], [0, 0, 1, 1], [], []>, transpose_lhs_hint = false} : vector<2048x96xf32>, vector<96x128xf32>, vector<2048x128xf32> -> vector<2048x128xf32>
    %add3A_227 = vector.broadcast %get3A_224 : vector<1x128xf32> to vector<2048x128xf32>
    %add3A_228 = arith.addf %dot_general3A_226, %add3A_227 : vector<2048x128xf32>
    %max3A_229 = arith.constant 0.000000e+00 : f32
    %max3A_230 = vector.broadcast %max3A_229 : f32 to vector<2048x128xf32>
    %max3A_231 = arith.maximumf %add3A_228, %max3A_230 : vector<2048x128xf32>
    %reshape3A_232 = vector.shape_cast %max3A_231 : vector<2048x128xf32> to vector<64x32x128xf32>
    %le3A_233 = arith.constant 2.560000e+00 : f32
    %le3A_234 = vector.broadcast %le3A_233 : f32 to vector<64x32xf32>
    %le3A_235 = arith.cmpf ole, %get3A_14, %le3A_234 : vector<64x32xf32>
    %slice3A_236 = vector.extract_strided_slice %reshape3A_232 {offsets = [0, 0, 0], sizes = [64, 1, 128], strides = [1, 1, 1]} : vector<64x32x128xf32> to vector<64x1x128xf32>
    %squeeze3A_237 = vector.shape_cast %slice3A_236 : vector<64x1x128xf32> to vector<64x128xf32>
    %slice3A_238 = vector.extract_strided_slice %le3A_235 {offsets = [0, 1], sizes = [64, 1], strides = [1, 1]} : vector<64x32xi1> to vector<64x1xi1>
    %slice3A_239 = vector.extract_strided_slice %reshape3A_232 {offsets = [0, 1, 0], sizes = [64, 1, 128], strides = [1, 1, 1]} : vector<64x32x128xf32> to vector<64x1x128xf32>
    %squeeze3A_240 = vector.shape_cast %slice3A_239 : vector<64x1x128xf32> to vector<64x128xf32>
    %jit3A_241 = arith.constant 0.000000e+00 : f32
    %broadcast_in_dim3A_242 = vector.shape_cast %slice3A_238 : vector<64x1xi1> to vector<64x1xi1>
    %broadcast_in_dim3A_243 = vector.broadcast %broadcast_in_dim3A_242 : vector<64x1xi1> to vector<64x128xi1>
    %broadcast_in_dim3A_244 = vector.broadcast %jit3A_241 : f32 to vector<64x128xf32>
    %select_n3A_245 = arith.select %broadcast_in_dim3A_243, %squeeze3A_240, %broadcast_in_dim3A_244 : vector<64x128xi1>, vector<64x128xf32>
    %max3A_246 = arith.maximumf %squeeze3A_237, %select_n3A_245 : vector<64x128xf32>
    %slice3A_247 = vector.extract_strided_slice %le3A_235 {offsets = [0, 2], sizes = [64, 1], strides = [1, 1]} : vector<64x32xi1> to vector<64x1xi1>
    %slice3A_248 = vector.extract_strided_slice %reshape3A_232 {offsets = [0, 2, 0], sizes = [64, 1, 128], strides = [1, 1, 1]} : vector<64x32x128xf32> to vector<64x1x128xf32>
    %squeeze3A_249 = vector.shape_cast %slice3A_248 : vector<64x1x128xf32> to vector<64x128xf32>
    %jit3A_250 = arith.constant 0.000000e+00 : f32
    %broadcast_in_dim3A_251 = vector.shape_cast %slice3A_247 : vector<64x1xi1> to vector<64x1xi1>
    %broadcast_in_dim3A_252 = vector.broadcast %broadcast_in_dim3A_251 : vector<64x1xi1> to vector<64x128xi1>
    %broadcast_in_dim3A_253 = vector.broadcast %jit3A_250 : f32 to vector<64x128xf32>
    %select_n3A_254 = arith.select %broadcast_in_dim3A_252, %squeeze3A_249, %broadcast_in_dim3A_253 : vector<64x128xi1>, vector<64x128xf32>
    %max3A_255 = arith.maximumf %max3A_246, %select_n3A_254 : vector<64x128xf32>
    %slice3A_256 = vector.extract_strided_slice %le3A_235 {offsets = [0, 3], sizes = [64, 1], strides = [1, 1]} : vector<64x32xi1> to vector<64x1xi1>
    %slice3A_257 = vector.extract_strided_slice %reshape3A_232 {offsets = [0, 3, 0], sizes = [64, 1, 128], strides = [1, 1, 1]} : vector<64x32x128xf32> to vector<64x1x128xf32>
    %squeeze3A_258 = vector.shape_cast %slice3A_257 : vector<64x1x128xf32> to vector<64x128xf32>
    %jit3A_259 = arith.constant 0.000000e+00 : f32
    %broadcast_in_dim3A_260 = vector.shape_cast %slice3A_256 : vector<64x1xi1> to vector<64x1xi1>
    %broadcast_in_dim3A_261 = vector.broadcast %broadcast_in_dim3A_260 : vector<64x1xi1> to vector<64x128xi1>
    %broadcast_in_dim3A_262 = vector.broadcast %jit3A_259 : f32 to vector<64x128xf32>
    %select_n3A_263 = arith.select %broadcast_in_dim3A_261, %squeeze3A_258, %broadcast_in_dim3A_262 : vector<64x128xi1>, vector<64x128xf32>
    %max3A_264 = arith.maximumf %max3A_255, %select_n3A_263 : vector<64x128xf32>
    %slice3A_265 = vector.extract_strided_slice %le3A_235 {offsets = [0, 4], sizes = [64, 1], strides = [1, 1]} : vector<64x32xi1> to vector<64x1xi1>
    %slice3A_266 = vector.extract_strided_slice %reshape3A_232 {offsets = [0, 4, 0], sizes = [64, 1, 128], strides = [1, 1, 1]} : vector<64x32x128xf32> to vector<64x1x128xf32>
    %squeeze3A_267 = vector.shape_cast %slice3A_266 : vector<64x1x128xf32> to vector<64x128xf32>
    %jit3A_268 = arith.constant 0.000000e+00 : f32
    %broadcast_in_dim3A_269 = vector.shape_cast %slice3A_265 : vector<64x1xi1> to vector<64x1xi1>
    %broadcast_in_dim3A_270 = vector.broadcast %broadcast_in_dim3A_269 : vector<64x1xi1> to vector<64x128xi1>
    %broadcast_in_dim3A_271 = vector.broadcast %jit3A_268 : f32 to vector<64x128xf32>
    %select_n3A_272 = arith.select %broadcast_in_dim3A_270, %squeeze3A_267, %broadcast_in_dim3A_271 : vector<64x128xi1>, vector<64x128xf32>
    %max3A_273 = arith.maximumf %max3A_264, %select_n3A_272 : vector<64x128xf32>
    %slice3A_274 = vector.extract_strided_slice %le3A_235 {offsets = [0, 5], sizes = [64, 1], strides = [1, 1]} : vector<64x32xi1> to vector<64x1xi1>
    %slice3A_275 = vector.extract_strided_slice %reshape3A_232 {offsets = [0, 5, 0], sizes = [64, 1, 128], strides = [1, 1, 1]} : vector<64x32x128xf32> to vector<64x1x128xf32>
    %squeeze3A_276 = vector.shape_cast %slice3A_275 : vector<64x1x128xf32> to vector<64x128xf32>
    %jit3A_277 = arith.constant 0.000000e+00 : f32
    %broadcast_in_dim3A_278 = vector.shape_cast %slice3A_274 : vector<64x1xi1> to vector<64x1xi1>
    %broadcast_in_dim3A_279 = vector.broadcast %broadcast_in_dim3A_278 : vector<64x1xi1> to vector<64x128xi1>
    %broadcast_in_dim3A_280 = vector.broadcast %jit3A_277 : f32 to vector<64x128xf32>
    %select_n3A_281 = arith.select %broadcast_in_dim3A_279, %squeeze3A_276, %broadcast_in_dim3A_280 : vector<64x128xi1>, vector<64x128xf32>
    %max3A_282 = arith.maximumf %max3A_273, %select_n3A_281 : vector<64x128xf32>
    %slice3A_283 = vector.extract_strided_slice %le3A_235 {offsets = [0, 6], sizes = [64, 1], strides = [1, 1]} : vector<64x32xi1> to vector<64x1xi1>
    %slice3A_284 = vector.extract_strided_slice %reshape3A_232 {offsets = [0, 6, 0], sizes = [64, 1, 128], strides = [1, 1, 1]} : vector<64x32x128xf32> to vector<64x1x128xf32>
    %squeeze3A_285 = vector.shape_cast %slice3A_284 : vector<64x1x128xf32> to vector<64x128xf32>
    %jit3A_286 = arith.constant 0.000000e+00 : f32
    %broadcast_in_dim3A_287 = vector.shape_cast %slice3A_283 : vector<64x1xi1> to vector<64x1xi1>
    %broadcast_in_dim3A_288 = vector.broadcast %broadcast_in_dim3A_287 : vector<64x1xi1> to vector<64x128xi1>
    %broadcast_in_dim3A_289 = vector.broadcast %jit3A_286 : f32 to vector<64x128xf32>
    %select_n3A_290 = arith.select %broadcast_in_dim3A_288, %squeeze3A_285, %broadcast_in_dim3A_289 : vector<64x128xi1>, vector<64x128xf32>
    %max3A_291 = arith.maximumf %max3A_282, %select_n3A_290 : vector<64x128xf32>
    %slice3A_292 = vector.extract_strided_slice %le3A_235 {offsets = [0, 7], sizes = [64, 1], strides = [1, 1]} : vector<64x32xi1> to vector<64x1xi1>
    %slice3A_293 = vector.extract_strided_slice %reshape3A_232 {offsets = [0, 7, 0], sizes = [64, 1, 128], strides = [1, 1, 1]} : vector<64x32x128xf32> to vector<64x1x128xf32>
    %squeeze3A_294 = vector.shape_cast %slice3A_293 : vector<64x1x128xf32> to vector<64x128xf32>
    %jit3A_295 = arith.constant 0.000000e+00 : f32
    %broadcast_in_dim3A_296 = vector.shape_cast %slice3A_292 : vector<64x1xi1> to vector<64x1xi1>
    %broadcast_in_dim3A_297 = vector.broadcast %broadcast_in_dim3A_296 : vector<64x1xi1> to vector<64x128xi1>
    %broadcast_in_dim3A_298 = vector.broadcast %jit3A_295 : f32 to vector<64x128xf32>
    %select_n3A_299 = arith.select %broadcast_in_dim3A_297, %squeeze3A_294, %broadcast_in_dim3A_298 : vector<64x128xi1>, vector<64x128xf32>
    %max3A_300 = arith.maximumf %max3A_291, %select_n3A_299 : vector<64x128xf32>
    %slice3A_301 = vector.extract_strided_slice %le3A_235 {offsets = [0, 8], sizes = [64, 1], strides = [1, 1]} : vector<64x32xi1> to vector<64x1xi1>
    %slice3A_302 = vector.extract_strided_slice %reshape3A_232 {offsets = [0, 8, 0], sizes = [64, 1, 128], strides = [1, 1, 1]} : vector<64x32x128xf32> to vector<64x1x128xf32>
    %squeeze3A_303 = vector.shape_cast %slice3A_302 : vector<64x1x128xf32> to vector<64x128xf32>
    %jit3A_304 = arith.constant 0.000000e+00 : f32
    %broadcast_in_dim3A_305 = vector.shape_cast %slice3A_301 : vector<64x1xi1> to vector<64x1xi1>
    %broadcast_in_dim3A_306 = vector.broadcast %broadcast_in_dim3A_305 : vector<64x1xi1> to vector<64x128xi1>
    %broadcast_in_dim3A_307 = vector.broadcast %jit3A_304 : f32 to vector<64x128xf32>
    %select_n3A_308 = arith.select %broadcast_in_dim3A_306, %squeeze3A_303, %broadcast_in_dim3A_307 : vector<64x128xi1>, vector<64x128xf32>
    %max3A_309 = arith.maximumf %max3A_300, %select_n3A_308 : vector<64x128xf32>
    %slice3A_310 = vector.extract_strided_slice %le3A_235 {offsets = [0, 9], sizes = [64, 1], strides = [1, 1]} : vector<64x32xi1> to vector<64x1xi1>
    %slice3A_311 = vector.extract_strided_slice %reshape3A_232 {offsets = [0, 9, 0], sizes = [64, 1, 128], strides = [1, 1, 1]} : vector<64x32x128xf32> to vector<64x1x128xf32>
    %squeeze3A_312 = vector.shape_cast %slice3A_311 : vector<64x1x128xf32> to vector<64x128xf32>
    %jit3A_313 = arith.constant 0.000000e+00 : f32
    %broadcast_in_dim3A_314 = vector.shape_cast %slice3A_310 : vector<64x1xi1> to vector<64x1xi1>
    %broadcast_in_dim3A_315 = vector.broadcast %broadcast_in_dim3A_314 : vector<64x1xi1> to vector<64x128xi1>
    %broadcast_in_dim3A_316 = vector.broadcast %jit3A_313 : f32 to vector<64x128xf32>
    %select_n3A_317 = arith.select %broadcast_in_dim3A_315, %squeeze3A_312, %broadcast_in_dim3A_316 : vector<64x128xi1>, vector<64x128xf32>
    %max3A_318 = arith.maximumf %max3A_309, %select_n3A_317 : vector<64x128xf32>
    %slice3A_319 = vector.extract_strided_slice %le3A_235 {offsets = [0, 10], sizes = [64, 1], strides = [1, 1]} : vector<64x32xi1> to vector<64x1xi1>
    %slice3A_320 = vector.extract_strided_slice %reshape3A_232 {offsets = [0, 10, 0], sizes = [64, 1, 128], strides = [1, 1, 1]} : vector<64x32x128xf32> to vector<64x1x128xf32>
    %squeeze3A_321 = vector.shape_cast %slice3A_320 : vector<64x1x128xf32> to vector<64x128xf32>
    %jit3A_322 = arith.constant 0.000000e+00 : f32
    %broadcast_in_dim3A_323 = vector.shape_cast %slice3A_319 : vector<64x1xi1> to vector<64x1xi1>
    %broadcast_in_dim3A_324 = vector.broadcast %broadcast_in_dim3A_323 : vector<64x1xi1> to vector<64x128xi1>
    %broadcast_in_dim3A_325 = vector.broadcast %jit3A_322 : f32 to vector<64x128xf32>
    %select_n3A_326 = arith.select %broadcast_in_dim3A_324, %squeeze3A_321, %broadcast_in_dim3A_325 : vector<64x128xi1>, vector<64x128xf32>
    %max3A_327 = arith.maximumf %max3A_318, %select_n3A_326 : vector<64x128xf32>
    %slice3A_328 = vector.extract_strided_slice %le3A_235 {offsets = [0, 11], sizes = [64, 1], strides = [1, 1]} : vector<64x32xi1> to vector<64x1xi1>
    %slice3A_329 = vector.extract_strided_slice %reshape3A_232 {offsets = [0, 11, 0], sizes = [64, 1, 128], strides = [1, 1, 1]} : vector<64x32x128xf32> to vector<64x1x128xf32>
    %squeeze3A_330 = vector.shape_cast %slice3A_329 : vector<64x1x128xf32> to vector<64x128xf32>
    %jit3A_331 = arith.constant 0.000000e+00 : f32
    %broadcast_in_dim3A_332 = vector.shape_cast %slice3A_328 : vector<64x1xi1> to vector<64x1xi1>
    %broadcast_in_dim3A_333 = vector.broadcast %broadcast_in_dim3A_332 : vector<64x1xi1> to vector<64x128xi1>
    %broadcast_in_dim3A_334 = vector.broadcast %jit3A_331 : f32 to vector<64x128xf32>
    %select_n3A_335 = arith.select %broadcast_in_dim3A_333, %squeeze3A_330, %broadcast_in_dim3A_334 : vector<64x128xi1>, vector<64x128xf32>
    %max3A_336 = arith.maximumf %max3A_327, %select_n3A_335 : vector<64x128xf32>
    %slice3A_337 = vector.extract_strided_slice %le3A_235 {offsets = [0, 12], sizes = [64, 1], strides = [1, 1]} : vector<64x32xi1> to vector<64x1xi1>
    %slice3A_338 = vector.extract_strided_slice %reshape3A_232 {offsets = [0, 12, 0], sizes = [64, 1, 128], strides = [1, 1, 1]} : vector<64x32x128xf32> to vector<64x1x128xf32>
    %squeeze3A_339 = vector.shape_cast %slice3A_338 : vector<64x1x128xf32> to vector<64x128xf32>
    %jit3A_340 = arith.constant 0.000000e+00 : f32
    %broadcast_in_dim3A_341 = vector.shape_cast %slice3A_337 : vector<64x1xi1> to vector<64x1xi1>
    %broadcast_in_dim3A_342 = vector.broadcast %broadcast_in_dim3A_341 : vector<64x1xi1> to vector<64x128xi1>
    %broadcast_in_dim3A_343 = vector.broadcast %jit3A_340 : f32 to vector<64x128xf32>
    %select_n3A_344 = arith.select %broadcast_in_dim3A_342, %squeeze3A_339, %broadcast_in_dim3A_343 : vector<64x128xi1>, vector<64x128xf32>
    %max3A_345 = arith.maximumf %max3A_336, %select_n3A_344 : vector<64x128xf32>
    %slice3A_346 = vector.extract_strided_slice %le3A_235 {offsets = [0, 13], sizes = [64, 1], strides = [1, 1]} : vector<64x32xi1> to vector<64x1xi1>
    %slice3A_347 = vector.extract_strided_slice %reshape3A_232 {offsets = [0, 13, 0], sizes = [64, 1, 128], strides = [1, 1, 1]} : vector<64x32x128xf32> to vector<64x1x128xf32>
    %squeeze3A_348 = vector.shape_cast %slice3A_347 : vector<64x1x128xf32> to vector<64x128xf32>
    %jit3A_349 = arith.constant 0.000000e+00 : f32
    %broadcast_in_dim3A_350 = vector.shape_cast %slice3A_346 : vector<64x1xi1> to vector<64x1xi1>
    %broadcast_in_dim3A_351 = vector.broadcast %broadcast_in_dim3A_350 : vector<64x1xi1> to vector<64x128xi1>
    %broadcast_in_dim3A_352 = vector.broadcast %jit3A_349 : f32 to vector<64x128xf32>
    %select_n3A_353 = arith.select %broadcast_in_dim3A_351, %squeeze3A_348, %broadcast_in_dim3A_352 : vector<64x128xi1>, vector<64x128xf32>
    %max3A_354 = arith.maximumf %max3A_345, %select_n3A_353 : vector<64x128xf32>
    %slice3A_355 = vector.extract_strided_slice %le3A_235 {offsets = [0, 14], sizes = [64, 1], strides = [1, 1]} : vector<64x32xi1> to vector<64x1xi1>
    %slice3A_356 = vector.extract_strided_slice %reshape3A_232 {offsets = [0, 14, 0], sizes = [64, 1, 128], strides = [1, 1, 1]} : vector<64x32x128xf32> to vector<64x1x128xf32>
    %squeeze3A_357 = vector.shape_cast %slice3A_356 : vector<64x1x128xf32> to vector<64x128xf32>
    %jit3A_358 = arith.constant 0.000000e+00 : f32
    %broadcast_in_dim3A_359 = vector.shape_cast %slice3A_355 : vector<64x1xi1> to vector<64x1xi1>
    %broadcast_in_dim3A_360 = vector.broadcast %broadcast_in_dim3A_359 : vector<64x1xi1> to vector<64x128xi1>
    %broadcast_in_dim3A_361 = vector.broadcast %jit3A_358 : f32 to vector<64x128xf32>
    %select_n3A_362 = arith.select %broadcast_in_dim3A_360, %squeeze3A_357, %broadcast_in_dim3A_361 : vector<64x128xi1>, vector<64x128xf32>
    %max3A_363 = arith.maximumf %max3A_354, %select_n3A_362 : vector<64x128xf32>
    %slice3A_364 = vector.extract_strided_slice %le3A_235 {offsets = [0, 15], sizes = [64, 1], strides = [1, 1]} : vector<64x32xi1> to vector<64x1xi1>
    %slice3A_365 = vector.extract_strided_slice %reshape3A_232 {offsets = [0, 15, 0], sizes = [64, 1, 128], strides = [1, 1, 1]} : vector<64x32x128xf32> to vector<64x1x128xf32>
    %squeeze3A_366 = vector.shape_cast %slice3A_365 : vector<64x1x128xf32> to vector<64x128xf32>
    %jit3A_367 = arith.constant 0.000000e+00 : f32
    %broadcast_in_dim3A_368 = vector.shape_cast %slice3A_364 : vector<64x1xi1> to vector<64x1xi1>
    %broadcast_in_dim3A_369 = vector.broadcast %broadcast_in_dim3A_368 : vector<64x1xi1> to vector<64x128xi1>
    %broadcast_in_dim3A_370 = vector.broadcast %jit3A_367 : f32 to vector<64x128xf32>
    %select_n3A_371 = arith.select %broadcast_in_dim3A_369, %squeeze3A_366, %broadcast_in_dim3A_370 : vector<64x128xi1>, vector<64x128xf32>
    %max3A_372 = arith.maximumf %max3A_363, %select_n3A_371 : vector<64x128xf32>
    %slice3A_373 = vector.extract_strided_slice %le3A_235 {offsets = [0, 16], sizes = [64, 1], strides = [1, 1]} : vector<64x32xi1> to vector<64x1xi1>
    %slice3A_374 = vector.extract_strided_slice %reshape3A_232 {offsets = [0, 16, 0], sizes = [64, 1, 128], strides = [1, 1, 1]} : vector<64x32x128xf32> to vector<64x1x128xf32>
    %squeeze3A_375 = vector.shape_cast %slice3A_374 : vector<64x1x128xf32> to vector<64x128xf32>
    %jit3A_376 = arith.constant 0.000000e+00 : f32
    %broadcast_in_dim3A_377 = vector.shape_cast %slice3A_373 : vector<64x1xi1> to vector<64x1xi1>
    %broadcast_in_dim3A_378 = vector.broadcast %broadcast_in_dim3A_377 : vector<64x1xi1> to vector<64x128xi1>
    %broadcast_in_dim3A_379 = vector.broadcast %jit3A_376 : f32 to vector<64x128xf32>
    %select_n3A_380 = arith.select %broadcast_in_dim3A_378, %squeeze3A_375, %broadcast_in_dim3A_379 : vector<64x128xi1>, vector<64x128xf32>
    %max3A_381 = arith.maximumf %max3A_372, %select_n3A_380 : vector<64x128xf32>
    %slice3A_382 = vector.extract_strided_slice %le3A_235 {offsets = [0, 17], sizes = [64, 1], strides = [1, 1]} : vector<64x32xi1> to vector<64x1xi1>
    %slice3A_383 = vector.extract_strided_slice %reshape3A_232 {offsets = [0, 17, 0], sizes = [64, 1, 128], strides = [1, 1, 1]} : vector<64x32x128xf32> to vector<64x1x128xf32>
    %squeeze3A_384 = vector.shape_cast %slice3A_383 : vector<64x1x128xf32> to vector<64x128xf32>
    %jit3A_385 = arith.constant 0.000000e+00 : f32
    %broadcast_in_dim3A_386 = vector.shape_cast %slice3A_382 : vector<64x1xi1> to vector<64x1xi1>
    %broadcast_in_dim3A_387 = vector.broadcast %broadcast_in_dim3A_386 : vector<64x1xi1> to vector<64x128xi1>
    %broadcast_in_dim3A_388 = vector.broadcast %jit3A_385 : f32 to vector<64x128xf32>
    %select_n3A_389 = arith.select %broadcast_in_dim3A_387, %squeeze3A_384, %broadcast_in_dim3A_388 : vector<64x128xi1>, vector<64x128xf32>
    %max3A_390 = arith.maximumf %max3A_381, %select_n3A_389 : vector<64x128xf32>
    %slice3A_391 = vector.extract_strided_slice %le3A_235 {offsets = [0, 18], sizes = [64, 1], strides = [1, 1]} : vector<64x32xi1> to vector<64x1xi1>
    %slice3A_392 = vector.extract_strided_slice %reshape3A_232 {offsets = [0, 18, 0], sizes = [64, 1, 128], strides = [1, 1, 1]} : vector<64x32x128xf32> to vector<64x1x128xf32>
    %squeeze3A_393 = vector.shape_cast %slice3A_392 : vector<64x1x128xf32> to vector<64x128xf32>
    %jit3A_394 = arith.constant 0.000000e+00 : f32
    %broadcast_in_dim3A_395 = vector.shape_cast %slice3A_391 : vector<64x1xi1> to vector<64x1xi1>
    %broadcast_in_dim3A_396 = vector.broadcast %broadcast_in_dim3A_395 : vector<64x1xi1> to vector<64x128xi1>
    %broadcast_in_dim3A_397 = vector.broadcast %jit3A_394 : f32 to vector<64x128xf32>
    %select_n3A_398 = arith.select %broadcast_in_dim3A_396, %squeeze3A_393, %broadcast_in_dim3A_397 : vector<64x128xi1>, vector<64x128xf32>
    %max3A_399 = arith.maximumf %max3A_390, %select_n3A_398 : vector<64x128xf32>
    %slice3A_400 = vector.extract_strided_slice %le3A_235 {offsets = [0, 19], sizes = [64, 1], strides = [1, 1]} : vector<64x32xi1> to vector<64x1xi1>
    %slice3A_401 = vector.extract_strided_slice %reshape3A_232 {offsets = [0, 19, 0], sizes = [64, 1, 128], strides = [1, 1, 1]} : vector<64x32x128xf32> to vector<64x1x128xf32>
    %squeeze3A_402 = vector.shape_cast %slice3A_401 : vector<64x1x128xf32> to vector<64x128xf32>
    %jit3A_403 = arith.constant 0.000000e+00 : f32
    %broadcast_in_dim3A_404 = vector.shape_cast %slice3A_400 : vector<64x1xi1> to vector<64x1xi1>
    %broadcast_in_dim3A_405 = vector.broadcast %broadcast_in_dim3A_404 : vector<64x1xi1> to vector<64x128xi1>
    %broadcast_in_dim3A_406 = vector.broadcast %jit3A_403 : f32 to vector<64x128xf32>
    %select_n3A_407 = arith.select %broadcast_in_dim3A_405, %squeeze3A_402, %broadcast_in_dim3A_406 : vector<64x128xi1>, vector<64x128xf32>
    %max3A_408 = arith.maximumf %max3A_399, %select_n3A_407 : vector<64x128xf32>
    %slice3A_409 = vector.extract_strided_slice %le3A_235 {offsets = [0, 20], sizes = [64, 1], strides = [1, 1]} : vector<64x32xi1> to vector<64x1xi1>
    %slice3A_410 = vector.extract_strided_slice %reshape3A_232 {offsets = [0, 20, 0], sizes = [64, 1, 128], strides = [1, 1, 1]} : vector<64x32x128xf32> to vector<64x1x128xf32>
    %squeeze3A_411 = vector.shape_cast %slice3A_410 : vector<64x1x128xf32> to vector<64x128xf32>
    %jit3A_412 = arith.constant 0.000000e+00 : f32
    %broadcast_in_dim3A_413 = vector.shape_cast %slice3A_409 : vector<64x1xi1> to vector<64x1xi1>
    %broadcast_in_dim3A_414 = vector.broadcast %broadcast_in_dim3A_413 : vector<64x1xi1> to vector<64x128xi1>
    %broadcast_in_dim3A_415 = vector.broadcast %jit3A_412 : f32 to vector<64x128xf32>
    %select_n3A_416 = arith.select %broadcast_in_dim3A_414, %squeeze3A_411, %broadcast_in_dim3A_415 : vector<64x128xi1>, vector<64x128xf32>
    %max3A_417 = arith.maximumf %max3A_408, %select_n3A_416 : vector<64x128xf32>
    %slice3A_418 = vector.extract_strided_slice %le3A_235 {offsets = [0, 21], sizes = [64, 1], strides = [1, 1]} : vector<64x32xi1> to vector<64x1xi1>
    %slice3A_419 = vector.extract_strided_slice %reshape3A_232 {offsets = [0, 21, 0], sizes = [64, 1, 128], strides = [1, 1, 1]} : vector<64x32x128xf32> to vector<64x1x128xf32>
    %squeeze3A_420 = vector.shape_cast %slice3A_419 : vector<64x1x128xf32> to vector<64x128xf32>
    %jit3A_421 = arith.constant 0.000000e+00 : f32
    %broadcast_in_dim3A_422 = vector.shape_cast %slice3A_418 : vector<64x1xi1> to vector<64x1xi1>
    %broadcast_in_dim3A_423 = vector.broadcast %broadcast_in_dim3A_422 : vector<64x1xi1> to vector<64x128xi1>
    %broadcast_in_dim3A_424 = vector.broadcast %jit3A_421 : f32 to vector<64x128xf32>
    %select_n3A_425 = arith.select %broadcast_in_dim3A_423, %squeeze3A_420, %broadcast_in_dim3A_424 : vector<64x128xi1>, vector<64x128xf32>
    %max3A_426 = arith.maximumf %max3A_417, %select_n3A_425 : vector<64x128xf32>
    %slice3A_427 = vector.extract_strided_slice %le3A_235 {offsets = [0, 22], sizes = [64, 1], strides = [1, 1]} : vector<64x32xi1> to vector<64x1xi1>
    %slice3A_428 = vector.extract_strided_slice %reshape3A_232 {offsets = [0, 22, 0], sizes = [64, 1, 128], strides = [1, 1, 1]} : vector<64x32x128xf32> to vector<64x1x128xf32>
    %squeeze3A_429 = vector.shape_cast %slice3A_428 : vector<64x1x128xf32> to vector<64x128xf32>
    %jit3A_430 = arith.constant 0.000000e+00 : f32
    %broadcast_in_dim3A_431 = vector.shape_cast %slice3A_427 : vector<64x1xi1> to vector<64x1xi1>
    %broadcast_in_dim3A_432 = vector.broadcast %broadcast_in_dim3A_431 : vector<64x1xi1> to vector<64x128xi1>
    %broadcast_in_dim3A_433 = vector.broadcast %jit3A_430 : f32 to vector<64x128xf32>
    %select_n3A_434 = arith.select %broadcast_in_dim3A_432, %squeeze3A_429, %broadcast_in_dim3A_433 : vector<64x128xi1>, vector<64x128xf32>
    %max3A_435 = arith.maximumf %max3A_426, %select_n3A_434 : vector<64x128xf32>
    %slice3A_436 = vector.extract_strided_slice %le3A_235 {offsets = [0, 23], sizes = [64, 1], strides = [1, 1]} : vector<64x32xi1> to vector<64x1xi1>
    %slice3A_437 = vector.extract_strided_slice %reshape3A_232 {offsets = [0, 23, 0], sizes = [64, 1, 128], strides = [1, 1, 1]} : vector<64x32x128xf32> to vector<64x1x128xf32>
    %squeeze3A_438 = vector.shape_cast %slice3A_437 : vector<64x1x128xf32> to vector<64x128xf32>
    %jit3A_439 = arith.constant 0.000000e+00 : f32
    %broadcast_in_dim3A_440 = vector.shape_cast %slice3A_436 : vector<64x1xi1> to vector<64x1xi1>
    %broadcast_in_dim3A_441 = vector.broadcast %broadcast_in_dim3A_440 : vector<64x1xi1> to vector<64x128xi1>
    %broadcast_in_dim3A_442 = vector.broadcast %jit3A_439 : f32 to vector<64x128xf32>
    %select_n3A_443 = arith.select %broadcast_in_dim3A_441, %squeeze3A_438, %broadcast_in_dim3A_442 : vector<64x128xi1>, vector<64x128xf32>
    %max3A_444 = arith.maximumf %max3A_435, %select_n3A_443 : vector<64x128xf32>
    %slice3A_445 = vector.extract_strided_slice %le3A_235 {offsets = [0, 24], sizes = [64, 1], strides = [1, 1]} : vector<64x32xi1> to vector<64x1xi1>
    %slice3A_446 = vector.extract_strided_slice %reshape3A_232 {offsets = [0, 24, 0], sizes = [64, 1, 128], strides = [1, 1, 1]} : vector<64x32x128xf32> to vector<64x1x128xf32>
    %squeeze3A_447 = vector.shape_cast %slice3A_446 : vector<64x1x128xf32> to vector<64x128xf32>
    %jit3A_448 = arith.constant 0.000000e+00 : f32
    %broadcast_in_dim3A_449 = vector.shape_cast %slice3A_445 : vector<64x1xi1> to vector<64x1xi1>
    %broadcast_in_dim3A_450 = vector.broadcast %broadcast_in_dim3A_449 : vector<64x1xi1> to vector<64x128xi1>
    %broadcast_in_dim3A_451 = vector.broadcast %jit3A_448 : f32 to vector<64x128xf32>
    %select_n3A_452 = arith.select %broadcast_in_dim3A_450, %squeeze3A_447, %broadcast_in_dim3A_451 : vector<64x128xi1>, vector<64x128xf32>
    %max3A_453 = arith.maximumf %max3A_444, %select_n3A_452 : vector<64x128xf32>
    %slice3A_454 = vector.extract_strided_slice %le3A_235 {offsets = [0, 25], sizes = [64, 1], strides = [1, 1]} : vector<64x32xi1> to vector<64x1xi1>
    %slice3A_455 = vector.extract_strided_slice %reshape3A_232 {offsets = [0, 25, 0], sizes = [64, 1, 128], strides = [1, 1, 1]} : vector<64x32x128xf32> to vector<64x1x128xf32>
    %squeeze3A_456 = vector.shape_cast %slice3A_455 : vector<64x1x128xf32> to vector<64x128xf32>
    %jit3A_457 = arith.constant 0.000000e+00 : f32
    %broadcast_in_dim3A_458 = vector.shape_cast %slice3A_454 : vector<64x1xi1> to vector<64x1xi1>
    %broadcast_in_dim3A_459 = vector.broadcast %broadcast_in_dim3A_458 : vector<64x1xi1> to vector<64x128xi1>
    %broadcast_in_dim3A_460 = vector.broadcast %jit3A_457 : f32 to vector<64x128xf32>
    %select_n3A_461 = arith.select %broadcast_in_dim3A_459, %squeeze3A_456, %broadcast_in_dim3A_460 : vector<64x128xi1>, vector<64x128xf32>
    %max3A_462 = arith.maximumf %max3A_453, %select_n3A_461 : vector<64x128xf32>
    %slice3A_463 = vector.extract_strided_slice %le3A_235 {offsets = [0, 26], sizes = [64, 1], strides = [1, 1]} : vector<64x32xi1> to vector<64x1xi1>
    %slice3A_464 = vector.extract_strided_slice %reshape3A_232 {offsets = [0, 26, 0], sizes = [64, 1, 128], strides = [1, 1, 1]} : vector<64x32x128xf32> to vector<64x1x128xf32>
    %squeeze3A_465 = vector.shape_cast %slice3A_464 : vector<64x1x128xf32> to vector<64x128xf32>
    %jit3A_466 = arith.constant 0.000000e+00 : f32
    %broadcast_in_dim3A_467 = vector.shape_cast %slice3A_463 : vector<64x1xi1> to vector<64x1xi1>
    %broadcast_in_dim3A_468 = vector.broadcast %broadcast_in_dim3A_467 : vector<64x1xi1> to vector<64x128xi1>
    %broadcast_in_dim3A_469 = vector.broadcast %jit3A_466 : f32 to vector<64x128xf32>
    %select_n3A_470 = arith.select %broadcast_in_dim3A_468, %squeeze3A_465, %broadcast_in_dim3A_469 : vector<64x128xi1>, vector<64x128xf32>
    %max3A_471 = arith.maximumf %max3A_462, %select_n3A_470 : vector<64x128xf32>
    %slice3A_472 = vector.extract_strided_slice %le3A_235 {offsets = [0, 27], sizes = [64, 1], strides = [1, 1]} : vector<64x32xi1> to vector<64x1xi1>
    %slice3A_473 = vector.extract_strided_slice %reshape3A_232 {offsets = [0, 27, 0], sizes = [64, 1, 128], strides = [1, 1, 1]} : vector<64x32x128xf32> to vector<64x1x128xf32>
    %squeeze3A_474 = vector.shape_cast %slice3A_473 : vector<64x1x128xf32> to vector<64x128xf32>
    %jit3A_475 = arith.constant 0.000000e+00 : f32
    %broadcast_in_dim3A_476 = vector.shape_cast %slice3A_472 : vector<64x1xi1> to vector<64x1xi1>
    %broadcast_in_dim3A_477 = vector.broadcast %broadcast_in_dim3A_476 : vector<64x1xi1> to vector<64x128xi1>
    %broadcast_in_dim3A_478 = vector.broadcast %jit3A_475 : f32 to vector<64x128xf32>
    %select_n3A_479 = arith.select %broadcast_in_dim3A_477, %squeeze3A_474, %broadcast_in_dim3A_478 : vector<64x128xi1>, vector<64x128xf32>
    %max3A_480 = arith.maximumf %max3A_471, %select_n3A_479 : vector<64x128xf32>
    %slice3A_481 = vector.extract_strided_slice %le3A_235 {offsets = [0, 28], sizes = [64, 1], strides = [1, 1]} : vector<64x32xi1> to vector<64x1xi1>
    %slice3A_482 = vector.extract_strided_slice %reshape3A_232 {offsets = [0, 28, 0], sizes = [64, 1, 128], strides = [1, 1, 1]} : vector<64x32x128xf32> to vector<64x1x128xf32>
    %squeeze3A_483 = vector.shape_cast %slice3A_482 : vector<64x1x128xf32> to vector<64x128xf32>
    %jit3A_484 = arith.constant 0.000000e+00 : f32
    %broadcast_in_dim3A_485 = vector.shape_cast %slice3A_481 : vector<64x1xi1> to vector<64x1xi1>
    %broadcast_in_dim3A_486 = vector.broadcast %broadcast_in_dim3A_485 : vector<64x1xi1> to vector<64x128xi1>
    %broadcast_in_dim3A_487 = vector.broadcast %jit3A_484 : f32 to vector<64x128xf32>
    %select_n3A_488 = arith.select %broadcast_in_dim3A_486, %squeeze3A_483, %broadcast_in_dim3A_487 : vector<64x128xi1>, vector<64x128xf32>
    %max3A_489 = arith.maximumf %max3A_480, %select_n3A_488 : vector<64x128xf32>
    %slice3A_490 = vector.extract_strided_slice %le3A_235 {offsets = [0, 29], sizes = [64, 1], strides = [1, 1]} : vector<64x32xi1> to vector<64x1xi1>
    %slice3A_491 = vector.extract_strided_slice %reshape3A_232 {offsets = [0, 29, 0], sizes = [64, 1, 128], strides = [1, 1, 1]} : vector<64x32x128xf32> to vector<64x1x128xf32>
    %squeeze3A_492 = vector.shape_cast %slice3A_491 : vector<64x1x128xf32> to vector<64x128xf32>
    %jit3A_493 = arith.constant 0.000000e+00 : f32
    %broadcast_in_dim3A_494 = vector.shape_cast %slice3A_490 : vector<64x1xi1> to vector<64x1xi1>
    %broadcast_in_dim3A_495 = vector.broadcast %broadcast_in_dim3A_494 : vector<64x1xi1> to vector<64x128xi1>
    %broadcast_in_dim3A_496 = vector.broadcast %jit3A_493 : f32 to vector<64x128xf32>
    %select_n3A_497 = arith.select %broadcast_in_dim3A_495, %squeeze3A_492, %broadcast_in_dim3A_496 : vector<64x128xi1>, vector<64x128xf32>
    %max3A_498 = arith.maximumf %max3A_489, %select_n3A_497 : vector<64x128xf32>
    %slice3A_499 = vector.extract_strided_slice %le3A_235 {offsets = [0, 30], sizes = [64, 1], strides = [1, 1]} : vector<64x32xi1> to vector<64x1xi1>
    %slice3A_500 = vector.extract_strided_slice %reshape3A_232 {offsets = [0, 30, 0], sizes = [64, 1, 128], strides = [1, 1, 1]} : vector<64x32x128xf32> to vector<64x1x128xf32>
    %squeeze3A_501 = vector.shape_cast %slice3A_500 : vector<64x1x128xf32> to vector<64x128xf32>
    %jit3A_502 = arith.constant 0.000000e+00 : f32
    %broadcast_in_dim3A_503 = vector.shape_cast %slice3A_499 : vector<64x1xi1> to vector<64x1xi1>
    %broadcast_in_dim3A_504 = vector.broadcast %broadcast_in_dim3A_503 : vector<64x1xi1> to vector<64x128xi1>
    %broadcast_in_dim3A_505 = vector.broadcast %jit3A_502 : f32 to vector<64x128xf32>
    %select_n3A_506 = arith.select %broadcast_in_dim3A_504, %squeeze3A_501, %broadcast_in_dim3A_505 : vector<64x128xi1>, vector<64x128xf32>
    %max3A_507 = arith.maximumf %max3A_498, %select_n3A_506 : vector<64x128xf32>
    %slice3A_508 = vector.extract_strided_slice %le3A_235 {offsets = [0, 31], sizes = [64, 1], strides = [1, 1]} : vector<64x32xi1> to vector<64x1xi1>
    %slice3A_509 = vector.extract_strided_slice %reshape3A_232 {offsets = [0, 31, 0], sizes = [64, 1, 128], strides = [1, 1, 1]} : vector<64x32x128xf32> to vector<64x1x128xf32>
    %squeeze3A_510 = vector.shape_cast %slice3A_509 : vector<64x1x128xf32> to vector<64x128xf32>
    %jit3A_511 = arith.constant 0.000000e+00 : f32
    %broadcast_in_dim3A_512 = vector.shape_cast %slice3A_508 : vector<64x1xi1> to vector<64x1xi1>
    %broadcast_in_dim3A_513 = vector.broadcast %broadcast_in_dim3A_512 : vector<64x1xi1> to vector<64x128xi1>
    %broadcast_in_dim3A_514 = vector.broadcast %jit3A_511 : f32 to vector<64x128xf32>
    %select_n3A_515 = arith.select %broadcast_in_dim3A_513, %squeeze3A_510, %broadcast_in_dim3A_514 : vector<64x128xi1>, vector<64x128xf32>
    %max3A_516 = arith.maximumf %max3A_507, %select_n3A_515 : vector<64x128xf32>
    %concatenate3A_517 = tpu.concatenate %max3A_191, %max3A_516 in 1 : vector<64x128xf32>, vector<64x128xf32> -> vector<64x256xf32>
    %get3A_518 = arith.constant 0 : index
    %get3A_519 = arith.constant 0 : index
    %get3A_520 = vector.load %arg17[%get3A_518, %get3A_519] : memref<256x128xf32, #tpu.memory_space<vmem>>, vector<256x128xf32>
    %get3A_521 = arith.constant 0 : index
    %get3A_522 = arith.constant 0 : index
    %get3A_523 = vector.load %arg18[%get3A_521, %get3A_522] : memref<1x128xf32, #tpu.memory_space<vmem>>, vector<1x128xf32>
    %dot_general3A_524 = arith.constant dense<0.000000e+00> : vector<64x128xf32>
    %dot_general3A_525 = tpu.matmul %concatenate3A_517, %get3A_520, %dot_general3A_524 {dimension_numbers = #tpu.dot_dimension_numbers<[1], [0], [0], [1], [0, 0, 1, 1], [], []>, transpose_lhs_hint = false} : vector<64x256xf32>, vector<256x128xf32>, vector<64x128xf32> -> vector<64x128xf32>
    %add3A_526 = vector.broadcast %get3A_523 : vector<1x128xf32> to vector<64x128xf32>
    %add3A_527 = arith.addf %dot_general3A_525, %add3A_526 : vector<64x128xf32>
    %max3A_528 = arith.constant 0.000000e+00 : f32
    %max3A_529 = vector.broadcast %max3A_528 : f32 to vector<64x128xf32>
    %max3A_530 = arith.maximumf %add3A_527, %max3A_529 : vector<64x128xf32>
    %swap3A = arith.constant 0 : index
    %swap3A_531 = arith.constant 0 : index
    %swap3A_532 = arith.constant 0 : index
    %swap3A_533 = vector.load %arg19[%swap3A, %swap3A_531, %swap3A_532] : memref<1x64x128xf32, #tpu.memory_space<vmem>>, vector<1x64x128xf32>
    %swap3A_534 = vector.shape_cast %swap3A_533 : vector<1x64x128xf32> to vector<64x128xf32>
    %swap3A_535 = vector.shape_cast %max3A_530 : vector<64x128xf32> to vector<1x64x128xf32>
    tpu.vector_store %arg19[%swap3A, %swap3A_531, %swap3A_532], %swap3A_535 {strides = array<i32>} : memref<1x64x128xf32, #tpu.memory_space<vmem>>, vector<1x64x128xf32>,
    return
  }
  func.func @transform_0(%arg0: i32, %arg1: i32) -> (i32, i32, i32, i32) {
    %c0_i32 = arith.constant 0 : i32
    %c0_i32_0 = arith.constant 0 : i32
    %c0_i32_1 = arith.constant 0 : i32
    return %arg0, %arg1, %c0_i32, %c0_i32_0 : i32, i32, i32, i32
  }
  func.func @transform_1(%arg0: i32, %arg1: i32) -> (i32, i32, i32) {
    %c0_i32 = arith.constant 0 : i32
    %c0_i32_0 = arith.constant 0 : i32
    return %arg0, %arg1, %c0_i32 : i32, i32, i32
  }
  func.func @transform_2(%arg0: i32, %arg1: i32) -> (i32, i32, i32) {
    %c0_i32 = arith.constant 0 : i32
    %c0_i32_0 = arith.constant 0 : i32
    return %arg0, %arg1, %c0_i32 : i32, i32, i32
  }
  func.func @transform_3(%arg0: i32, %arg1: i32) -> (i32, i32) {
    %c0_i32 = arith.constant 0 : i32
    %c0_i32_0 = arith.constant 0 : i32
    %c0_i32_1 = arith.constant 0 : i32
    return %c0_i32, %c0_i32_0 : i32, i32
  }
  func.func @transform_4(%arg0: i32, %arg1: i32) -> (i32, i32) {
    %c0_i32 = arith.constant 0 : i32
    %c0_i32_0 = arith.constant 0 : i32
    %c0_i32_1 = arith.constant 0 : i32
    return %c0_i32, %c0_i32_0 : i32, i32
  }
  func.func @transform_5(%arg0: i32, %arg1: i32) -> (i32, i32) {
    %c0_i32 = arith.constant 0 : i32
    %c0_i32_0 = arith.constant 0 : i32
    %c0_i32_1 = arith.constant 0 : i32
    return %c0_i32, %c0_i32_0 : i32, i32
  }
  func.func @transform_6(%arg0: i32, %arg1: i32) -> (i32, i32) {
    %c0_i32 = arith.constant 0 : i32
    %c0_i32_0 = arith.constant 0 : i32
    %c0_i32_1 = arith.constant 0 : i32
    return %c0_i32, %c0_i32_0 : i32, i32
  }
  func.func @transform_7(%arg0: i32, %arg1: i32) -> (i32, i32) {
    %c0_i32 = arith.constant 0 : i32
    %c0_i32_0 = arith.constant 0 : i32
    %c0_i32_1 = arith.constant 0 : i32
    return %c0_i32, %c0_i32_0 : i32, i32
  }
  func.func @transform_8(%arg0: i32, %arg1: i32) -> (i32, i32) {
    %c0_i32 = arith.constant 0 : i32
    %c0_i32_0 = arith.constant 0 : i32
    %c0_i32_1 = arith.constant 0 : i32
    return %c0_i32, %c0_i32_0 : i32, i32
  }
  func.func @transform_9(%arg0: i32, %arg1: i32) -> (i32, i32) {
    %c0_i32 = arith.constant 0 : i32
    %c0_i32_0 = arith.constant 0 : i32
    %c0_i32_1 = arith.constant 0 : i32
    return %c0_i32, %c0_i32_0 : i32, i32
  }
  func.func @transform_10(%arg0: i32, %arg1: i32) -> (i32, i32) {
    %c0_i32 = arith.constant 0 : i32
    %c0_i32_0 = arith.constant 0 : i32
    %c0_i32_1 = arith.constant 0 : i32
    return %c0_i32, %c0_i32_0 : i32, i32
  }
  func.func @transform_11(%arg0: i32, %arg1: i32) -> (i32, i32) {
    %c0_i32 = arith.constant 0 : i32
    %c0_i32_0 = arith.constant 0 : i32
    %c0_i32_1 = arith.constant 0 : i32
    return %c0_i32, %c0_i32_0 : i32, i32
  }
  func.func @transform_12(%arg0: i32, %arg1: i32) -> (i32, i32) {
    %c0_i32 = arith.constant 0 : i32
    %c0_i32_0 = arith.constant 0 : i32
    %c0_i32_1 = arith.constant 0 : i32
    return %c0_i32, %c0_i32_0 : i32, i32
  }
  func.func @transform_13(%arg0: i32, %arg1: i32) -> (i32, i32) {
    %c0_i32 = arith.constant 0 : i32
    %c0_i32_0 = arith.constant 0 : i32
    %c0_i32_1 = arith.constant 0 : i32
    return %c0_i32, %c0_i32_0 : i32, i32
  }
  func.func @transform_14(%arg0: i32, %arg1: i32) -> (i32, i32) {
    %c0_i32 = arith.constant 0 : i32
    %c0_i32_0 = arith.constant 0 : i32
    %c0_i32_1 = arith.constant 0 : i32
    return %c0_i32, %c0_i32_0 : i32, i32
  }
  func.func @transform_15(%arg0: i32, %arg1: i32) -> (i32, i32) {
    %c0_i32 = arith.constant 0 : i32
    %c0_i32_0 = arith.constant 0 : i32
    %c0_i32_1 = arith.constant 0 : i32
    return %c0_i32, %c0_i32_0 : i32, i32
  }
  func.func @transform_16(%arg0: i32, %arg1: i32) -> (i32, i32) {
    %c0_i32 = arith.constant 0 : i32
    %c0_i32_0 = arith.constant 0 : i32
    %c0_i32_1 = arith.constant 0 : i32
    return %c0_i32, %c0_i32_0 : i32, i32
  }
  func.func @transform_17(%arg0: i32, %arg1: i32) -> (i32, i32, i32) {
    %c0_i32 = arith.constant 0 : i32
    %c0_i32_0 = arith.constant 0 : i32
    return %arg0, %arg1, %c0_i32 : i32, i32, i32
  }
}

module attributes {stable_mosaic.version = 14 : i64} {
  func.func @body(%arg0: i32, %arg1: i32, %arg2: memref<1x64x32x144xf32, #tpu.memory_space<vmem>>, %arg3: memref<1x64x3xf32, #tpu.memory_space<vmem>>, %arg4: memref<1x64x32xf32, #tpu.memory_space<vmem>>, %arg5: memref<131x128xf32, #tpu.memory_space<vmem>>, %arg6: memref<1x128xf32, #tpu.memory_space<vmem>>, %arg7: memref<128x128xf32, #tpu.memory_space<vmem>>, %arg8: memref<1x128xf32, #tpu.memory_space<vmem>>, %arg9: memref<128x256xf32, #tpu.memory_space<vmem>>, %arg10: memref<1x256xf32, #tpu.memory_space<vmem>>, %arg11: memref<131x256xf32, #tpu.memory_space<vmem>>, %arg12: memref<1x256xf32, #tpu.memory_space<vmem>>, %arg13: memref<256x256xf32, #tpu.memory_space<vmem>>, %arg14: memref<1x256xf32, #tpu.memory_space<vmem>>, %arg15: memref<256x256xf32, #tpu.memory_space<vmem>>, %arg16: memref<1x256xf32, #tpu.memory_space<vmem>>, %arg17: memref<512x256xf32, #tpu.memory_space<vmem>>, %arg18: memref<1x256xf32, #tpu.memory_space<vmem>>, %arg19: memref<1x64x256xf32, #tpu.memory_space<vmem>>) attributes {dimension_semantics = [#tpu.dimension_semantics<arbitrary>, #tpu.dimension_semantics<arbitrary>], iteration_bounds = array<i64: 2, 4>, scalar_prefetch = 0 : i64, scratch_operands = 0 : i64, tpu.core_type = #tpu.core_type<tc>, window_params = [{transform_indices = @transform_0, window_bounds = array<i64: 1, 64, 32, 144>}, {transform_indices = @transform_1, window_bounds = array<i64: 1, 64, 3>}, {transform_indices = @transform_2, window_bounds = array<i64: 1, 64, 32>}, {pipeline_mode = #tpu.pipeline_mode<synchronous>, transform_indices = @transform_3, window_bounds = array<i64: 131, 128>}, {pipeline_mode = #tpu.pipeline_mode<synchronous>, transform_indices = @transform_4, window_bounds = array<i64: 1, 128>}, {pipeline_mode = #tpu.pipeline_mode<synchronous>, transform_indices = @transform_5, window_bounds = array<i64: 128, 128>}, {pipeline_mode = #tpu.pipeline_mode<synchronous>, transform_indices = @transform_6, window_bounds = array<i64: 1, 128>}, {pipeline_mode = #tpu.pipeline_mode<synchronous>, transform_indices = @transform_7, window_bounds = array<i64: 128, 256>}, {pipeline_mode = #tpu.pipeline_mode<synchronous>, transform_indices = @transform_8, window_bounds = array<i64: 1, 256>}, {pipeline_mode = #tpu.pipeline_mode<synchronous>, transform_indices = @transform_9, window_bounds = array<i64: 131, 256>}, {pipeline_mode = #tpu.pipeline_mode<synchronous>, transform_indices = @transform_10, window_bounds = array<i64: 1, 256>}, {pipeline_mode = #tpu.pipeline_mode<synchronous>, transform_indices = @transform_11, window_bounds = array<i64: 256, 256>}, {pipeline_mode = #tpu.pipeline_mode<synchronous>, transform_indices = @transform_12, window_bounds = array<i64: 1, 256>}, {pipeline_mode = #tpu.pipeline_mode<synchronous>, transform_indices = @transform_13, window_bounds = array<i64: 256, 256>}, {pipeline_mode = #tpu.pipeline_mode<synchronous>, transform_indices = @transform_14, window_bounds = array<i64: 1, 256>}, {pipeline_mode = #tpu.pipeline_mode<synchronous>, transform_indices = @transform_15, window_bounds = array<i64: 512, 256>}, {pipeline_mode = #tpu.pipeline_mode<synchronous>, transform_indices = @transform_16, window_bounds = array<i64: 1, 256>}, {transform_indices = @transform_17, window_bounds = array<i64: 1, 64, 256>}]} {
    %get3A = arith.constant 0 : index
    %get3A_0 = arith.constant 0 : index
    %get3A_1 = arith.constant 0 : index
    %get3A_2 = arith.constant 0 : index
    %get3A_3 = vector.load %arg2[%get3A, %get3A_0, %get3A_1, %get3A_2] : memref<1x64x32x144xf32, #tpu.memory_space<vmem>>, vector<1x64x32x144xf32>
    %get3A_4 = vector.shape_cast %get3A_3 : vector<1x64x32x144xf32> to vector<64x32x144xf32>
    %get3A_5 = arith.constant 0 : index
    %get3A_6 = arith.constant 0 : index
    %get3A_7 = arith.constant 0 : index
    %get3A_8 = vector.load %arg3[%get3A_5, %get3A_6, %get3A_7] : memref<1x64x3xf32, #tpu.memory_space<vmem>>, vector<1x64x3xf32>
    %get3A_9 = vector.shape_cast %get3A_8 : vector<1x64x3xf32> to vector<64x3xf32>
    %get3A_10 = arith.constant 0 : index
    %get3A_11 = arith.constant 0 : index
    %get3A_12 = arith.constant 0 : index
    %get3A_13 = vector.load %arg4[%get3A_10, %get3A_11, %get3A_12] : memref<1x64x32xf32, #tpu.memory_space<vmem>>, vector<1x64x32xf32>
    %get3A_14 = vector.shape_cast %get3A_13 : vector<1x64x32xf32> to vector<64x32xf32>
    %slice3A = vector.extract_strided_slice %get3A_4 {offsets = [0, 0, 0], sizes = [64, 32, 3], strides = [1, 1, 1]} : vector<64x32x144xf32> to vector<64x32x3xf32>
    %broadcast_in_dim3A = vector.shape_cast %get3A_9 : vector<64x3xf32> to vector<64x1x3xf32>
    %sub3A = vector.broadcast %broadcast_in_dim3A : vector<64x1x3xf32> to vector<64x32x3xf32>
    %sub3A_15 = arith.subf %slice3A, %sub3A : vector<64x32x3xf32>
    %slice3A_16 = vector.extract_strided_slice %get3A_4 {offsets = [0, 0, 3], sizes = [64, 32, 128], strides = [1, 1, 1]} : vector<64x32x144xf32> to vector<64x32x128xf32>
    %concatenate3A = tpu.concatenate %sub3A_15, %slice3A_16 in 2 : vector<64x32x3xf32>, vector<64x32x128xf32> -> vector<64x32x131xf32>
    %slice3A_17 = vector.extract_strided_slice %concatenate3A {offsets = [0, 0, 0], sizes = [64, 16, 131], strides = [1, 1, 1]} : vector<64x32x131xf32> to vector<64x16x131xf32>
    %reshape3A = vector.shape_cast %slice3A_17 : vector<64x16x131xf32> to vector<1024x131xf32>
    %get3A_18 = arith.constant 0 : index
    %get3A_19 = arith.constant 0 : index
    %get3A_20 = vector.load %arg5[%get3A_18, %get3A_19] : memref<131x128xf32, #tpu.memory_space<vmem>>, vector<131x128xf32>
    %get3A_21 = arith.constant 0 : index
    %get3A_22 = arith.constant 0 : index
    %get3A_23 = vector.load %arg6[%get3A_21, %get3A_22] : memref<1x128xf32, #tpu.memory_space<vmem>>, vector<1x128xf32>
    %dot_general3A = arith.constant dense<0.000000e+00> : vector<1024x128xf32>
    %dot_general3A_24 = tpu.matmul %reshape3A, %get3A_20, %dot_general3A {dimension_numbers = #tpu.dot_dimension_numbers<[1], [0], [0], [1], [0, 0, 1, 1], [], []>, transpose_lhs_hint = false} : vector<1024x131xf32>, vector<131x128xf32>, vector<1024x128xf32> -> vector<1024x128xf32>
    %add3A = vector.broadcast %get3A_23 : vector<1x128xf32> to vector<1024x128xf32>
    %add3A_25 = arith.addf %dot_general3A_24, %add3A : vector<1024x128xf32>
    %max3A = arith.constant 0.000000e+00 : f32
    %max3A_26 = vector.broadcast %max3A : f32 to vector<1024x128xf32>
    %max3A_27 = arith.maximumf %add3A_25, %max3A_26 : vector<1024x128xf32>
    %get3A_28 = arith.constant 0 : index
    %get3A_29 = arith.constant 0 : index
    %get3A_30 = vector.load %arg7[%get3A_28, %get3A_29] : memref<128x128xf32, #tpu.memory_space<vmem>>, vector<128x128xf32>
    %get3A_31 = arith.constant 0 : index
    %get3A_32 = arith.constant 0 : index
    %get3A_33 = vector.load %arg8[%get3A_31, %get3A_32] : memref<1x128xf32, #tpu.memory_space<vmem>>, vector<1x128xf32>
    %dot_general3A_34 = arith.constant dense<0.000000e+00> : vector<1024x128xf32>
    %dot_general3A_35 = tpu.matmul %max3A_27, %get3A_30, %dot_general3A_34 {dimension_numbers = #tpu.dot_dimension_numbers<[1], [0], [0], [1], [0, 0, 1, 1], [], []>, transpose_lhs_hint = false} : vector<1024x128xf32>, vector<128x128xf32>, vector<1024x128xf32> -> vector<1024x128xf32>
    %add3A_36 = vector.broadcast %get3A_33 : vector<1x128xf32> to vector<1024x128xf32>
    %add3A_37 = arith.addf %dot_general3A_35, %add3A_36 : vector<1024x128xf32>
    %max3A_38 = arith.constant 0.000000e+00 : f32
    %max3A_39 = vector.broadcast %max3A_38 : f32 to vector<1024x128xf32>
    %max3A_40 = arith.maximumf %add3A_37, %max3A_39 : vector<1024x128xf32>
    %get3A_41 = arith.constant 0 : index
    %get3A_42 = arith.constant 0 : index
    %get3A_43 = vector.load %arg9[%get3A_41, %get3A_42] : memref<128x256xf32, #tpu.memory_space<vmem>>, vector<128x256xf32>
    %get3A_44 = arith.constant 0 : index
    %get3A_45 = arith.constant 0 : index
    %get3A_46 = vector.load %arg10[%get3A_44, %get3A_45] : memref<1x256xf32, #tpu.memory_space<vmem>>, vector<1x256xf32>
    %dot_general3A_47 = arith.constant dense<0.000000e+00> : vector<1024x256xf32>
    %dot_general3A_48 = tpu.matmul %max3A_40, %get3A_43, %dot_general3A_47 {dimension_numbers = #tpu.dot_dimension_numbers<[1], [0], [0], [1], [0, 0, 1, 1], [], []>, transpose_lhs_hint = false} : vector<1024x128xf32>, vector<128x256xf32>, vector<1024x256xf32> -> vector<1024x256xf32>
    %add3A_49 = vector.broadcast %get3A_46 : vector<1x256xf32> to vector<1024x256xf32>
    %add3A_50 = arith.addf %dot_general3A_48, %add3A_49 : vector<1024x256xf32>
    %max3A_51 = arith.constant 0.000000e+00 : f32
    %max3A_52 = vector.broadcast %max3A_51 : f32 to vector<1024x256xf32>
    %max3A_53 = arith.maximumf %add3A_50, %max3A_52 : vector<1024x256xf32>
    %reshape3A_54 = vector.shape_cast %max3A_53 : vector<1024x256xf32> to vector<64x16x256xf32>
    %slice3A_55 = vector.extract_strided_slice %get3A_14 {offsets = [0, 0], sizes = [64, 16], strides = [1, 1]} : vector<64x32xf32> to vector<64x16xf32>
    %le3A = arith.constant 2.560000e+00 : f32
    %le3A_56 = vector.broadcast %le3A : f32 to vector<64x16xf32>
    %le3A_57 = arith.cmpf ole, %slice3A_55, %le3A_56 : vector<64x16xf32>
    %slice3A_58 = vector.extract_strided_slice %reshape3A_54 {offsets = [0, 0, 0], sizes = [64, 1, 256], strides = [1, 1, 1]} : vector<64x16x256xf32> to vector<64x1x256xf32>
    %squeeze3A = vector.shape_cast %slice3A_58 : vector<64x1x256xf32> to vector<64x256xf32>
    %slice3A_59 = vector.extract_strided_slice %le3A_57 {offsets = [0, 1], sizes = [64, 1], strides = [1, 1]} : vector<64x16xi1> to vector<64x1xi1>
    %slice3A_60 = vector.extract_strided_slice %reshape3A_54 {offsets = [0, 1, 0], sizes = [64, 1, 256], strides = [1, 1, 1]} : vector<64x16x256xf32> to vector<64x1x256xf32>
    %squeeze3A_61 = vector.shape_cast %slice3A_60 : vector<64x1x256xf32> to vector<64x256xf32>
    %jit3A = arith.constant 0.000000e+00 : f32
    %broadcast_in_dim3A_62 = vector.shape_cast %slice3A_59 : vector<64x1xi1> to vector<64x1xi1>
    %broadcast_in_dim3A_63 = vector.broadcast %broadcast_in_dim3A_62 : vector<64x1xi1> to vector<64x256xi1>
    %broadcast_in_dim3A_64 = vector.broadcast %jit3A : f32 to vector<64x256xf32>
    %select_n3A = arith.select %broadcast_in_dim3A_63, %squeeze3A_61, %broadcast_in_dim3A_64 : vector<64x256xi1>, vector<64x256xf32>
    %max3A_65 = arith.maximumf %squeeze3A, %select_n3A : vector<64x256xf32>
    %slice3A_66 = vector.extract_strided_slice %le3A_57 {offsets = [0, 2], sizes = [64, 1], strides = [1, 1]} : vector<64x16xi1> to vector<64x1xi1>
    %slice3A_67 = vector.extract_strided_slice %reshape3A_54 {offsets = [0, 2, 0], sizes = [64, 1, 256], strides = [1, 1, 1]} : vector<64x16x256xf32> to vector<64x1x256xf32>
    %squeeze3A_68 = vector.shape_cast %slice3A_67 : vector<64x1x256xf32> to vector<64x256xf32>
    %jit3A_69 = arith.constant 0.000000e+00 : f32
    %broadcast_in_dim3A_70 = vector.shape_cast %slice3A_66 : vector<64x1xi1> to vector<64x1xi1>
    %broadcast_in_dim3A_71 = vector.broadcast %broadcast_in_dim3A_70 : vector<64x1xi1> to vector<64x256xi1>
    %broadcast_in_dim3A_72 = vector.broadcast %jit3A_69 : f32 to vector<64x256xf32>
    %select_n3A_73 = arith.select %broadcast_in_dim3A_71, %squeeze3A_68, %broadcast_in_dim3A_72 : vector<64x256xi1>, vector<64x256xf32>
    %max3A_74 = arith.maximumf %max3A_65, %select_n3A_73 : vector<64x256xf32>
    %slice3A_75 = vector.extract_strided_slice %le3A_57 {offsets = [0, 3], sizes = [64, 1], strides = [1, 1]} : vector<64x16xi1> to vector<64x1xi1>
    %slice3A_76 = vector.extract_strided_slice %reshape3A_54 {offsets = [0, 3, 0], sizes = [64, 1, 256], strides = [1, 1, 1]} : vector<64x16x256xf32> to vector<64x1x256xf32>
    %squeeze3A_77 = vector.shape_cast %slice3A_76 : vector<64x1x256xf32> to vector<64x256xf32>
    %jit3A_78 = arith.constant 0.000000e+00 : f32
    %broadcast_in_dim3A_79 = vector.shape_cast %slice3A_75 : vector<64x1xi1> to vector<64x1xi1>
    %broadcast_in_dim3A_80 = vector.broadcast %broadcast_in_dim3A_79 : vector<64x1xi1> to vector<64x256xi1>
    %broadcast_in_dim3A_81 = vector.broadcast %jit3A_78 : f32 to vector<64x256xf32>
    %select_n3A_82 = arith.select %broadcast_in_dim3A_80, %squeeze3A_77, %broadcast_in_dim3A_81 : vector<64x256xi1>, vector<64x256xf32>
    %max3A_83 = arith.maximumf %max3A_74, %select_n3A_82 : vector<64x256xf32>
    %slice3A_84 = vector.extract_strided_slice %le3A_57 {offsets = [0, 4], sizes = [64, 1], strides = [1, 1]} : vector<64x16xi1> to vector<64x1xi1>
    %slice3A_85 = vector.extract_strided_slice %reshape3A_54 {offsets = [0, 4, 0], sizes = [64, 1, 256], strides = [1, 1, 1]} : vector<64x16x256xf32> to vector<64x1x256xf32>
    %squeeze3A_86 = vector.shape_cast %slice3A_85 : vector<64x1x256xf32> to vector<64x256xf32>
    %jit3A_87 = arith.constant 0.000000e+00 : f32
    %broadcast_in_dim3A_88 = vector.shape_cast %slice3A_84 : vector<64x1xi1> to vector<64x1xi1>
    %broadcast_in_dim3A_89 = vector.broadcast %broadcast_in_dim3A_88 : vector<64x1xi1> to vector<64x256xi1>
    %broadcast_in_dim3A_90 = vector.broadcast %jit3A_87 : f32 to vector<64x256xf32>
    %select_n3A_91 = arith.select %broadcast_in_dim3A_89, %squeeze3A_86, %broadcast_in_dim3A_90 : vector<64x256xi1>, vector<64x256xf32>
    %max3A_92 = arith.maximumf %max3A_83, %select_n3A_91 : vector<64x256xf32>
    %slice3A_93 = vector.extract_strided_slice %le3A_57 {offsets = [0, 5], sizes = [64, 1], strides = [1, 1]} : vector<64x16xi1> to vector<64x1xi1>
    %slice3A_94 = vector.extract_strided_slice %reshape3A_54 {offsets = [0, 5, 0], sizes = [64, 1, 256], strides = [1, 1, 1]} : vector<64x16x256xf32> to vector<64x1x256xf32>
    %squeeze3A_95 = vector.shape_cast %slice3A_94 : vector<64x1x256xf32> to vector<64x256xf32>
    %jit3A_96 = arith.constant 0.000000e+00 : f32
    %broadcast_in_dim3A_97 = vector.shape_cast %slice3A_93 : vector<64x1xi1> to vector<64x1xi1>
    %broadcast_in_dim3A_98 = vector.broadcast %broadcast_in_dim3A_97 : vector<64x1xi1> to vector<64x256xi1>
    %broadcast_in_dim3A_99 = vector.broadcast %jit3A_96 : f32 to vector<64x256xf32>
    %select_n3A_100 = arith.select %broadcast_in_dim3A_98, %squeeze3A_95, %broadcast_in_dim3A_99 : vector<64x256xi1>, vector<64x256xf32>
    %max3A_101 = arith.maximumf %max3A_92, %select_n3A_100 : vector<64x256xf32>
    %slice3A_102 = vector.extract_strided_slice %le3A_57 {offsets = [0, 6], sizes = [64, 1], strides = [1, 1]} : vector<64x16xi1> to vector<64x1xi1>
    %slice3A_103 = vector.extract_strided_slice %reshape3A_54 {offsets = [0, 6, 0], sizes = [64, 1, 256], strides = [1, 1, 1]} : vector<64x16x256xf32> to vector<64x1x256xf32>
    %squeeze3A_104 = vector.shape_cast %slice3A_103 : vector<64x1x256xf32> to vector<64x256xf32>
    %jit3A_105 = arith.constant 0.000000e+00 : f32
    %broadcast_in_dim3A_106 = vector.shape_cast %slice3A_102 : vector<64x1xi1> to vector<64x1xi1>
    %broadcast_in_dim3A_107 = vector.broadcast %broadcast_in_dim3A_106 : vector<64x1xi1> to vector<64x256xi1>
    %broadcast_in_dim3A_108 = vector.broadcast %jit3A_105 : f32 to vector<64x256xf32>
    %select_n3A_109 = arith.select %broadcast_in_dim3A_107, %squeeze3A_104, %broadcast_in_dim3A_108 : vector<64x256xi1>, vector<64x256xf32>
    %max3A_110 = arith.maximumf %max3A_101, %select_n3A_109 : vector<64x256xf32>
    %slice3A_111 = vector.extract_strided_slice %le3A_57 {offsets = [0, 7], sizes = [64, 1], strides = [1, 1]} : vector<64x16xi1> to vector<64x1xi1>
    %slice3A_112 = vector.extract_strided_slice %reshape3A_54 {offsets = [0, 7, 0], sizes = [64, 1, 256], strides = [1, 1, 1]} : vector<64x16x256xf32> to vector<64x1x256xf32>
    %squeeze3A_113 = vector.shape_cast %slice3A_112 : vector<64x1x256xf32> to vector<64x256xf32>
    %jit3A_114 = arith.constant 0.000000e+00 : f32
    %broadcast_in_dim3A_115 = vector.shape_cast %slice3A_111 : vector<64x1xi1> to vector<64x1xi1>
    %broadcast_in_dim3A_116 = vector.broadcast %broadcast_in_dim3A_115 : vector<64x1xi1> to vector<64x256xi1>
    %broadcast_in_dim3A_117 = vector.broadcast %jit3A_114 : f32 to vector<64x256xf32>
    %select_n3A_118 = arith.select %broadcast_in_dim3A_116, %squeeze3A_113, %broadcast_in_dim3A_117 : vector<64x256xi1>, vector<64x256xf32>
    %max3A_119 = arith.maximumf %max3A_110, %select_n3A_118 : vector<64x256xf32>
    %slice3A_120 = vector.extract_strided_slice %le3A_57 {offsets = [0, 8], sizes = [64, 1], strides = [1, 1]} : vector<64x16xi1> to vector<64x1xi1>
    %slice3A_121 = vector.extract_strided_slice %reshape3A_54 {offsets = [0, 8, 0], sizes = [64, 1, 256], strides = [1, 1, 1]} : vector<64x16x256xf32> to vector<64x1x256xf32>
    %squeeze3A_122 = vector.shape_cast %slice3A_121 : vector<64x1x256xf32> to vector<64x256xf32>
    %jit3A_123 = arith.constant 0.000000e+00 : f32
    %broadcast_in_dim3A_124 = vector.shape_cast %slice3A_120 : vector<64x1xi1> to vector<64x1xi1>
    %broadcast_in_dim3A_125 = vector.broadcast %broadcast_in_dim3A_124 : vector<64x1xi1> to vector<64x256xi1>
    %broadcast_in_dim3A_126 = vector.broadcast %jit3A_123 : f32 to vector<64x256xf32>
    %select_n3A_127 = arith.select %broadcast_in_dim3A_125, %squeeze3A_122, %broadcast_in_dim3A_126 : vector<64x256xi1>, vector<64x256xf32>
    %max3A_128 = arith.maximumf %max3A_119, %select_n3A_127 : vector<64x256xf32>
    %slice3A_129 = vector.extract_strided_slice %le3A_57 {offsets = [0, 9], sizes = [64, 1], strides = [1, 1]} : vector<64x16xi1> to vector<64x1xi1>
    %slice3A_130 = vector.extract_strided_slice %reshape3A_54 {offsets = [0, 9, 0], sizes = [64, 1, 256], strides = [1, 1, 1]} : vector<64x16x256xf32> to vector<64x1x256xf32>
    %squeeze3A_131 = vector.shape_cast %slice3A_130 : vector<64x1x256xf32> to vector<64x256xf32>
    %jit3A_132 = arith.constant 0.000000e+00 : f32
    %broadcast_in_dim3A_133 = vector.shape_cast %slice3A_129 : vector<64x1xi1> to vector<64x1xi1>
    %broadcast_in_dim3A_134 = vector.broadcast %broadcast_in_dim3A_133 : vector<64x1xi1> to vector<64x256xi1>
    %broadcast_in_dim3A_135 = vector.broadcast %jit3A_132 : f32 to vector<64x256xf32>
    %select_n3A_136 = arith.select %broadcast_in_dim3A_134, %squeeze3A_131, %broadcast_in_dim3A_135 : vector<64x256xi1>, vector<64x256xf32>
    %max3A_137 = arith.maximumf %max3A_128, %select_n3A_136 : vector<64x256xf32>
    %slice3A_138 = vector.extract_strided_slice %le3A_57 {offsets = [0, 10], sizes = [64, 1], strides = [1, 1]} : vector<64x16xi1> to vector<64x1xi1>
    %slice3A_139 = vector.extract_strided_slice %reshape3A_54 {offsets = [0, 10, 0], sizes = [64, 1, 256], strides = [1, 1, 1]} : vector<64x16x256xf32> to vector<64x1x256xf32>
    %squeeze3A_140 = vector.shape_cast %slice3A_139 : vector<64x1x256xf32> to vector<64x256xf32>
    %jit3A_141 = arith.constant 0.000000e+00 : f32
    %broadcast_in_dim3A_142 = vector.shape_cast %slice3A_138 : vector<64x1xi1> to vector<64x1xi1>
    %broadcast_in_dim3A_143 = vector.broadcast %broadcast_in_dim3A_142 : vector<64x1xi1> to vector<64x256xi1>
    %broadcast_in_dim3A_144 = vector.broadcast %jit3A_141 : f32 to vector<64x256xf32>
    %select_n3A_145 = arith.select %broadcast_in_dim3A_143, %squeeze3A_140, %broadcast_in_dim3A_144 : vector<64x256xi1>, vector<64x256xf32>
    %max3A_146 = arith.maximumf %max3A_137, %select_n3A_145 : vector<64x256xf32>
    %slice3A_147 = vector.extract_strided_slice %le3A_57 {offsets = [0, 11], sizes = [64, 1], strides = [1, 1]} : vector<64x16xi1> to vector<64x1xi1>
    %slice3A_148 = vector.extract_strided_slice %reshape3A_54 {offsets = [0, 11, 0], sizes = [64, 1, 256], strides = [1, 1, 1]} : vector<64x16x256xf32> to vector<64x1x256xf32>
    %squeeze3A_149 = vector.shape_cast %slice3A_148 : vector<64x1x256xf32> to vector<64x256xf32>
    %jit3A_150 = arith.constant 0.000000e+00 : f32
    %broadcast_in_dim3A_151 = vector.shape_cast %slice3A_147 : vector<64x1xi1> to vector<64x1xi1>
    %broadcast_in_dim3A_152 = vector.broadcast %broadcast_in_dim3A_151 : vector<64x1xi1> to vector<64x256xi1>
    %broadcast_in_dim3A_153 = vector.broadcast %jit3A_150 : f32 to vector<64x256xf32>
    %select_n3A_154 = arith.select %broadcast_in_dim3A_152, %squeeze3A_149, %broadcast_in_dim3A_153 : vector<64x256xi1>, vector<64x256xf32>
    %max3A_155 = arith.maximumf %max3A_146, %select_n3A_154 : vector<64x256xf32>
    %slice3A_156 = vector.extract_strided_slice %le3A_57 {offsets = [0, 12], sizes = [64, 1], strides = [1, 1]} : vector<64x16xi1> to vector<64x1xi1>
    %slice3A_157 = vector.extract_strided_slice %reshape3A_54 {offsets = [0, 12, 0], sizes = [64, 1, 256], strides = [1, 1, 1]} : vector<64x16x256xf32> to vector<64x1x256xf32>
    %squeeze3A_158 = vector.shape_cast %slice3A_157 : vector<64x1x256xf32> to vector<64x256xf32>
    %jit3A_159 = arith.constant 0.000000e+00 : f32
    %broadcast_in_dim3A_160 = vector.shape_cast %slice3A_156 : vector<64x1xi1> to vector<64x1xi1>
    %broadcast_in_dim3A_161 = vector.broadcast %broadcast_in_dim3A_160 : vector<64x1xi1> to vector<64x256xi1>
    %broadcast_in_dim3A_162 = vector.broadcast %jit3A_159 : f32 to vector<64x256xf32>
    %select_n3A_163 = arith.select %broadcast_in_dim3A_161, %squeeze3A_158, %broadcast_in_dim3A_162 : vector<64x256xi1>, vector<64x256xf32>
    %max3A_164 = arith.maximumf %max3A_155, %select_n3A_163 : vector<64x256xf32>
    %slice3A_165 = vector.extract_strided_slice %le3A_57 {offsets = [0, 13], sizes = [64, 1], strides = [1, 1]} : vector<64x16xi1> to vector<64x1xi1>
    %slice3A_166 = vector.extract_strided_slice %reshape3A_54 {offsets = [0, 13, 0], sizes = [64, 1, 256], strides = [1, 1, 1]} : vector<64x16x256xf32> to vector<64x1x256xf32>
    %squeeze3A_167 = vector.shape_cast %slice3A_166 : vector<64x1x256xf32> to vector<64x256xf32>
    %jit3A_168 = arith.constant 0.000000e+00 : f32
    %broadcast_in_dim3A_169 = vector.shape_cast %slice3A_165 : vector<64x1xi1> to vector<64x1xi1>
    %broadcast_in_dim3A_170 = vector.broadcast %broadcast_in_dim3A_169 : vector<64x1xi1> to vector<64x256xi1>
    %broadcast_in_dim3A_171 = vector.broadcast %jit3A_168 : f32 to vector<64x256xf32>
    %select_n3A_172 = arith.select %broadcast_in_dim3A_170, %squeeze3A_167, %broadcast_in_dim3A_171 : vector<64x256xi1>, vector<64x256xf32>
    %max3A_173 = arith.maximumf %max3A_164, %select_n3A_172 : vector<64x256xf32>
    %slice3A_174 = vector.extract_strided_slice %le3A_57 {offsets = [0, 14], sizes = [64, 1], strides = [1, 1]} : vector<64x16xi1> to vector<64x1xi1>
    %slice3A_175 = vector.extract_strided_slice %reshape3A_54 {offsets = [0, 14, 0], sizes = [64, 1, 256], strides = [1, 1, 1]} : vector<64x16x256xf32> to vector<64x1x256xf32>
    %squeeze3A_176 = vector.shape_cast %slice3A_175 : vector<64x1x256xf32> to vector<64x256xf32>
    %jit3A_177 = arith.constant 0.000000e+00 : f32
    %broadcast_in_dim3A_178 = vector.shape_cast %slice3A_174 : vector<64x1xi1> to vector<64x1xi1>
    %broadcast_in_dim3A_179 = vector.broadcast %broadcast_in_dim3A_178 : vector<64x1xi1> to vector<64x256xi1>
    %broadcast_in_dim3A_180 = vector.broadcast %jit3A_177 : f32 to vector<64x256xf32>
    %select_n3A_181 = arith.select %broadcast_in_dim3A_179, %squeeze3A_176, %broadcast_in_dim3A_180 : vector<64x256xi1>, vector<64x256xf32>
    %max3A_182 = arith.maximumf %max3A_173, %select_n3A_181 : vector<64x256xf32>
    %slice3A_183 = vector.extract_strided_slice %le3A_57 {offsets = [0, 15], sizes = [64, 1], strides = [1, 1]} : vector<64x16xi1> to vector<64x1xi1>
    %slice3A_184 = vector.extract_strided_slice %reshape3A_54 {offsets = [0, 15, 0], sizes = [64, 1, 256], strides = [1, 1, 1]} : vector<64x16x256xf32> to vector<64x1x256xf32>
    %squeeze3A_185 = vector.shape_cast %slice3A_184 : vector<64x1x256xf32> to vector<64x256xf32>
    %jit3A_186 = arith.constant 0.000000e+00 : f32
    %broadcast_in_dim3A_187 = vector.shape_cast %slice3A_183 : vector<64x1xi1> to vector<64x1xi1>
    %broadcast_in_dim3A_188 = vector.broadcast %broadcast_in_dim3A_187 : vector<64x1xi1> to vector<64x256xi1>
    %broadcast_in_dim3A_189 = vector.broadcast %jit3A_186 : f32 to vector<64x256xf32>
    %select_n3A_190 = arith.select %broadcast_in_dim3A_188, %squeeze3A_185, %broadcast_in_dim3A_189 : vector<64x256xi1>, vector<64x256xf32>
    %max3A_191 = arith.maximumf %max3A_182, %select_n3A_190 : vector<64x256xf32>
    %reshape3A_192 = vector.shape_cast %concatenate3A : vector<64x32x131xf32> to vector<2048x131xf32>
    %get3A_193 = arith.constant 0 : index
    %get3A_194 = arith.constant 0 : index
    %get3A_195 = vector.load %arg11[%get3A_193, %get3A_194] : memref<131x256xf32, #tpu.memory_space<vmem>>, vector<131x256xf32>
    %get3A_196 = arith.constant 0 : index
    %get3A_197 = arith.constant 0 : index
    %get3A_198 = vector.load %arg12[%get3A_196, %get3A_197] : memref<1x256xf32, #tpu.memory_space<vmem>>, vector<1x256xf32>
    %dot_general3A_199 = arith.constant dense<0.000000e+00> : vector<2048x256xf32>
    %dot_general3A_200 = tpu.matmul %reshape3A_192, %get3A_195, %dot_general3A_199 {dimension_numbers = #tpu.dot_dimension_numbers<[1], [0], [0], [1], [0, 0, 1, 1], [], []>, transpose_lhs_hint = false} : vector<2048x131xf32>, vector<131x256xf32>, vector<2048x256xf32> -> vector<2048x256xf32>
    %add3A_201 = vector.broadcast %get3A_198 : vector<1x256xf32> to vector<2048x256xf32>
    %add3A_202 = arith.addf %dot_general3A_200, %add3A_201 : vector<2048x256xf32>
    %max3A_203 = arith.constant 0.000000e+00 : f32
    %max3A_204 = vector.broadcast %max3A_203 : f32 to vector<2048x256xf32>
    %max3A_205 = arith.maximumf %add3A_202, %max3A_204 : vector<2048x256xf32>
    %get3A_206 = arith.constant 0 : index
    %get3A_207 = arith.constant 0 : index
    %get3A_208 = vector.load %arg13[%get3A_206, %get3A_207] : memref<256x256xf32, #tpu.memory_space<vmem>>, vector<256x256xf32>
    %get3A_209 = arith.constant 0 : index
    %get3A_210 = arith.constant 0 : index
    %get3A_211 = vector.load %arg14[%get3A_209, %get3A_210] : memref<1x256xf32, #tpu.memory_space<vmem>>, vector<1x256xf32>
    %dot_general3A_212 = arith.constant dense<0.000000e+00> : vector<2048x256xf32>
    %dot_general3A_213 = tpu.matmul %max3A_205, %get3A_208, %dot_general3A_212 {dimension_numbers = #tpu.dot_dimension_numbers<[1], [0], [0], [1], [0, 0, 1, 1], [], []>, transpose_lhs_hint = false} : vector<2048x256xf32>, vector<256x256xf32>, vector<2048x256xf32> -> vector<2048x256xf32>
    %add3A_214 = vector.broadcast %get3A_211 : vector<1x256xf32> to vector<2048x256xf32>
    %add3A_215 = arith.addf %dot_general3A_213, %add3A_214 : vector<2048x256xf32>
    %max3A_216 = arith.constant 0.000000e+00 : f32
    %max3A_217 = vector.broadcast %max3A_216 : f32 to vector<2048x256xf32>
    %max3A_218 = arith.maximumf %add3A_215, %max3A_217 : vector<2048x256xf32>
    %get3A_219 = arith.constant 0 : index
    %get3A_220 = arith.constant 0 : index
    %get3A_221 = vector.load %arg15[%get3A_219, %get3A_220] : memref<256x256xf32, #tpu.memory_space<vmem>>, vector<256x256xf32>
    %get3A_222 = arith.constant 0 : index
    %get3A_223 = arith.constant 0 : index
    %get3A_224 = vector.load %arg16[%get3A_222, %get3A_223] : memref<1x256xf32, #tpu.memory_space<vmem>>, vector<1x256xf32>
    %dot_general3A_225 = arith.constant dense<0.000000e+00> : vector<2048x256xf32>
    %dot_general3A_226 = tpu.matmul %max3A_218, %get3A_221, %dot_general3A_225 {dimension_numbers = #tpu.dot_dimension_numbers<[1], [0], [0], [1], [0, 0, 1, 1], [], []>, transpose_lhs_hint = false} : vector<2048x256xf32>, vector<256x256xf32>, vector<2048x256xf32> -> vector<2048x256xf32>
    %add3A_227 = vector.broadcast %get3A_224 : vector<1x256xf32> to vector<2048x256xf32>
    %add3A_228 = arith.addf %dot_general3A_226, %add3A_227 : vector<2048x256xf32>
    %max3A_229 = arith.constant 0.000000e+00 : f32
    %max3A_230 = vector.broadcast %max3A_229 : f32 to vector<2048x256xf32>
    %max3A_231 = arith.maximumf %add3A_228, %max3A_230 : vector<2048x256xf32>
    %reshape3A_232 = vector.shape_cast %max3A_231 : vector<2048x256xf32> to vector<64x32x256xf32>
    %le3A_233 = arith.constant 2.304000e+01 : f32
    %le3A_234 = vector.broadcast %le3A_233 : f32 to vector<64x32xf32>
    %le3A_235 = arith.cmpf ole, %get3A_14, %le3A_234 : vector<64x32xf32>
    %slice3A_236 = vector.extract_strided_slice %reshape3A_232 {offsets = [0, 0, 0], sizes = [64, 1, 256], strides = [1, 1, 1]} : vector<64x32x256xf32> to vector<64x1x256xf32>
    %squeeze3A_237 = vector.shape_cast %slice3A_236 : vector<64x1x256xf32> to vector<64x256xf32>
    %slice3A_238 = vector.extract_strided_slice %le3A_235 {offsets = [0, 1], sizes = [64, 1], strides = [1, 1]} : vector<64x32xi1> to vector<64x1xi1>
    %slice3A_239 = vector.extract_strided_slice %reshape3A_232 {offsets = [0, 1, 0], sizes = [64, 1, 256], strides = [1, 1, 1]} : vector<64x32x256xf32> to vector<64x1x256xf32>
    %squeeze3A_240 = vector.shape_cast %slice3A_239 : vector<64x1x256xf32> to vector<64x256xf32>
    %jit3A_241 = arith.constant 0.000000e+00 : f32
    %broadcast_in_dim3A_242 = vector.shape_cast %slice3A_238 : vector<64x1xi1> to vector<64x1xi1>
    %broadcast_in_dim3A_243 = vector.broadcast %broadcast_in_dim3A_242 : vector<64x1xi1> to vector<64x256xi1>
    %broadcast_in_dim3A_244 = vector.broadcast %jit3A_241 : f32 to vector<64x256xf32>
    %select_n3A_245 = arith.select %broadcast_in_dim3A_243, %squeeze3A_240, %broadcast_in_dim3A_244 : vector<64x256xi1>, vector<64x256xf32>
    %max3A_246 = arith.maximumf %squeeze3A_237, %select_n3A_245 : vector<64x256xf32>
    %slice3A_247 = vector.extract_strided_slice %le3A_235 {offsets = [0, 2], sizes = [64, 1], strides = [1, 1]} : vector<64x32xi1> to vector<64x1xi1>
    %slice3A_248 = vector.extract_strided_slice %reshape3A_232 {offsets = [0, 2, 0], sizes = [64, 1, 256], strides = [1, 1, 1]} : vector<64x32x256xf32> to vector<64x1x256xf32>
    %squeeze3A_249 = vector.shape_cast %slice3A_248 : vector<64x1x256xf32> to vector<64x256xf32>
    %jit3A_250 = arith.constant 0.000000e+00 : f32
    %broadcast_in_dim3A_251 = vector.shape_cast %slice3A_247 : vector<64x1xi1> to vector<64x1xi1>
    %broadcast_in_dim3A_252 = vector.broadcast %broadcast_in_dim3A_251 : vector<64x1xi1> to vector<64x256xi1>
    %broadcast_in_dim3A_253 = vector.broadcast %jit3A_250 : f32 to vector<64x256xf32>
    %select_n3A_254 = arith.select %broadcast_in_dim3A_252, %squeeze3A_249, %broadcast_in_dim3A_253 : vector<64x256xi1>, vector<64x256xf32>
    %max3A_255 = arith.maximumf %max3A_246, %select_n3A_254 : vector<64x256xf32>
    %slice3A_256 = vector.extract_strided_slice %le3A_235 {offsets = [0, 3], sizes = [64, 1], strides = [1, 1]} : vector<64x32xi1> to vector<64x1xi1>
    %slice3A_257 = vector.extract_strided_slice %reshape3A_232 {offsets = [0, 3, 0], sizes = [64, 1, 256], strides = [1, 1, 1]} : vector<64x32x256xf32> to vector<64x1x256xf32>
    %squeeze3A_258 = vector.shape_cast %slice3A_257 : vector<64x1x256xf32> to vector<64x256xf32>
    %jit3A_259 = arith.constant 0.000000e+00 : f32
    %broadcast_in_dim3A_260 = vector.shape_cast %slice3A_256 : vector<64x1xi1> to vector<64x1xi1>
    %broadcast_in_dim3A_261 = vector.broadcast %broadcast_in_dim3A_260 : vector<64x1xi1> to vector<64x256xi1>
    %broadcast_in_dim3A_262 = vector.broadcast %jit3A_259 : f32 to vector<64x256xf32>
    %select_n3A_263 = arith.select %broadcast_in_dim3A_261, %squeeze3A_258, %broadcast_in_dim3A_262 : vector<64x256xi1>, vector<64x256xf32>
    %max3A_264 = arith.maximumf %max3A_255, %select_n3A_263 : vector<64x256xf32>
    %slice3A_265 = vector.extract_strided_slice %le3A_235 {offsets = [0, 4], sizes = [64, 1], strides = [1, 1]} : vector<64x32xi1> to vector<64x1xi1>
    %slice3A_266 = vector.extract_strided_slice %reshape3A_232 {offsets = [0, 4, 0], sizes = [64, 1, 256], strides = [1, 1, 1]} : vector<64x32x256xf32> to vector<64x1x256xf32>
    %squeeze3A_267 = vector.shape_cast %slice3A_266 : vector<64x1x256xf32> to vector<64x256xf32>
    %jit3A_268 = arith.constant 0.000000e+00 : f32
    %broadcast_in_dim3A_269 = vector.shape_cast %slice3A_265 : vector<64x1xi1> to vector<64x1xi1>
    %broadcast_in_dim3A_270 = vector.broadcast %broadcast_in_dim3A_269 : vector<64x1xi1> to vector<64x256xi1>
    %broadcast_in_dim3A_271 = vector.broadcast %jit3A_268 : f32 to vector<64x256xf32>
    %select_n3A_272 = arith.select %broadcast_in_dim3A_270, %squeeze3A_267, %broadcast_in_dim3A_271 : vector<64x256xi1>, vector<64x256xf32>
    %max3A_273 = arith.maximumf %max3A_264, %select_n3A_272 : vector<64x256xf32>
    %slice3A_274 = vector.extract_strided_slice %le3A_235 {offsets = [0, 5], sizes = [64, 1], strides = [1, 1]} : vector<64x32xi1> to vector<64x1xi1>
    %slice3A_275 = vector.extract_strided_slice %reshape3A_232 {offsets = [0, 5, 0], sizes = [64, 1, 256], strides = [1, 1, 1]} : vector<64x32x256xf32> to vector<64x1x256xf32>
    %squeeze3A_276 = vector.shape_cast %slice3A_275 : vector<64x1x256xf32> to vector<64x256xf32>
    %jit3A_277 = arith.constant 0.000000e+00 : f32
    %broadcast_in_dim3A_278 = vector.shape_cast %slice3A_274 : vector<64x1xi1> to vector<64x1xi1>
    %broadcast_in_dim3A_279 = vector.broadcast %broadcast_in_dim3A_278 : vector<64x1xi1> to vector<64x256xi1>
    %broadcast_in_dim3A_280 = vector.broadcast %jit3A_277 : f32 to vector<64x256xf32>
    %select_n3A_281 = arith.select %broadcast_in_dim3A_279, %squeeze3A_276, %broadcast_in_dim3A_280 : vector<64x256xi1>, vector<64x256xf32>
    %max3A_282 = arith.maximumf %max3A_273, %select_n3A_281 : vector<64x256xf32>
    %slice3A_283 = vector.extract_strided_slice %le3A_235 {offsets = [0, 6], sizes = [64, 1], strides = [1, 1]} : vector<64x32xi1> to vector<64x1xi1>
    %slice3A_284 = vector.extract_strided_slice %reshape3A_232 {offsets = [0, 6, 0], sizes = [64, 1, 256], strides = [1, 1, 1]} : vector<64x32x256xf32> to vector<64x1x256xf32>
    %squeeze3A_285 = vector.shape_cast %slice3A_284 : vector<64x1x256xf32> to vector<64x256xf32>
    %jit3A_286 = arith.constant 0.000000e+00 : f32
    %broadcast_in_dim3A_287 = vector.shape_cast %slice3A_283 : vector<64x1xi1> to vector<64x1xi1>
    %broadcast_in_dim3A_288 = vector.broadcast %broadcast_in_dim3A_287 : vector<64x1xi1> to vector<64x256xi1>
    %broadcast_in_dim3A_289 = vector.broadcast %jit3A_286 : f32 to vector<64x256xf32>
    %select_n3A_290 = arith.select %broadcast_in_dim3A_288, %squeeze3A_285, %broadcast_in_dim3A_289 : vector<64x256xi1>, vector<64x256xf32>
    %max3A_291 = arith.maximumf %max3A_282, %select_n3A_290 : vector<64x256xf32>
    %slice3A_292 = vector.extract_strided_slice %le3A_235 {offsets = [0, 7], sizes = [64, 1], strides = [1, 1]} : vector<64x32xi1> to vector<64x1xi1>
    %slice3A_293 = vector.extract_strided_slice %reshape3A_232 {offsets = [0, 7, 0], sizes = [64, 1, 256], strides = [1, 1, 1]} : vector<64x32x256xf32> to vector<64x1x256xf32>
    %squeeze3A_294 = vector.shape_cast %slice3A_293 : vector<64x1x256xf32> to vector<64x256xf32>
    %jit3A_295 = arith.constant 0.000000e+00 : f32
    %broadcast_in_dim3A_296 = vector.shape_cast %slice3A_292 : vector<64x1xi1> to vector<64x1xi1>
    %broadcast_in_dim3A_297 = vector.broadcast %broadcast_in_dim3A_296 : vector<64x1xi1> to vector<64x256xi1>
    %broadcast_in_dim3A_298 = vector.broadcast %jit3A_295 : f32 to vector<64x256xf32>
    %select_n3A_299 = arith.select %broadcast_in_dim3A_297, %squeeze3A_294, %broadcast_in_dim3A_298 : vector<64x256xi1>, vector<64x256xf32>
    %max3A_300 = arith.maximumf %max3A_291, %select_n3A_299 : vector<64x256xf32>
    %slice3A_301 = vector.extract_strided_slice %le3A_235 {offsets = [0, 8], sizes = [64, 1], strides = [1, 1]} : vector<64x32xi1> to vector<64x1xi1>
    %slice3A_302 = vector.extract_strided_slice %reshape3A_232 {offsets = [0, 8, 0], sizes = [64, 1, 256], strides = [1, 1, 1]} : vector<64x32x256xf32> to vector<64x1x256xf32>
    %squeeze3A_303 = vector.shape_cast %slice3A_302 : vector<64x1x256xf32> to vector<64x256xf32>
    %jit3A_304 = arith.constant 0.000000e+00 : f32
    %broadcast_in_dim3A_305 = vector.shape_cast %slice3A_301 : vector<64x1xi1> to vector<64x1xi1>
    %broadcast_in_dim3A_306 = vector.broadcast %broadcast_in_dim3A_305 : vector<64x1xi1> to vector<64x256xi1>
    %broadcast_in_dim3A_307 = vector.broadcast %jit3A_304 : f32 to vector<64x256xf32>
    %select_n3A_308 = arith.select %broadcast_in_dim3A_306, %squeeze3A_303, %broadcast_in_dim3A_307 : vector<64x256xi1>, vector<64x256xf32>
    %max3A_309 = arith.maximumf %max3A_300, %select_n3A_308 : vector<64x256xf32>
    %slice3A_310 = vector.extract_strided_slice %le3A_235 {offsets = [0, 9], sizes = [64, 1], strides = [1, 1]} : vector<64x32xi1> to vector<64x1xi1>
    %slice3A_311 = vector.extract_strided_slice %reshape3A_232 {offsets = [0, 9, 0], sizes = [64, 1, 256], strides = [1, 1, 1]} : vector<64x32x256xf32> to vector<64x1x256xf32>
    %squeeze3A_312 = vector.shape_cast %slice3A_311 : vector<64x1x256xf32> to vector<64x256xf32>
    %jit3A_313 = arith.constant 0.000000e+00 : f32
    %broadcast_in_dim3A_314 = vector.shape_cast %slice3A_310 : vector<64x1xi1> to vector<64x1xi1>
    %broadcast_in_dim3A_315 = vector.broadcast %broadcast_in_dim3A_314 : vector<64x1xi1> to vector<64x256xi1>
    %broadcast_in_dim3A_316 = vector.broadcast %jit3A_313 : f32 to vector<64x256xf32>
    %select_n3A_317 = arith.select %broadcast_in_dim3A_315, %squeeze3A_312, %broadcast_in_dim3A_316 : vector<64x256xi1>, vector<64x256xf32>
    %max3A_318 = arith.maximumf %max3A_309, %select_n3A_317 : vector<64x256xf32>
    %slice3A_319 = vector.extract_strided_slice %le3A_235 {offsets = [0, 10], sizes = [64, 1], strides = [1, 1]} : vector<64x32xi1> to vector<64x1xi1>
    %slice3A_320 = vector.extract_strided_slice %reshape3A_232 {offsets = [0, 10, 0], sizes = [64, 1, 256], strides = [1, 1, 1]} : vector<64x32x256xf32> to vector<64x1x256xf32>
    %squeeze3A_321 = vector.shape_cast %slice3A_320 : vector<64x1x256xf32> to vector<64x256xf32>
    %jit3A_322 = arith.constant 0.000000e+00 : f32
    %broadcast_in_dim3A_323 = vector.shape_cast %slice3A_319 : vector<64x1xi1> to vector<64x1xi1>
    %broadcast_in_dim3A_324 = vector.broadcast %broadcast_in_dim3A_323 : vector<64x1xi1> to vector<64x256xi1>
    %broadcast_in_dim3A_325 = vector.broadcast %jit3A_322 : f32 to vector<64x256xf32>
    %select_n3A_326 = arith.select %broadcast_in_dim3A_324, %squeeze3A_321, %broadcast_in_dim3A_325 : vector<64x256xi1>, vector<64x256xf32>
    %max3A_327 = arith.maximumf %max3A_318, %select_n3A_326 : vector<64x256xf32>
    %slice3A_328 = vector.extract_strided_slice %le3A_235 {offsets = [0, 11], sizes = [64, 1], strides = [1, 1]} : vector<64x32xi1> to vector<64x1xi1>
    %slice3A_329 = vector.extract_strided_slice %reshape3A_232 {offsets = [0, 11, 0], sizes = [64, 1, 256], strides = [1, 1, 1]} : vector<64x32x256xf32> to vector<64x1x256xf32>
    %squeeze3A_330 = vector.shape_cast %slice3A_329 : vector<64x1x256xf32> to vector<64x256xf32>
    %jit3A_331 = arith.constant 0.000000e+00 : f32
    %broadcast_in_dim3A_332 = vector.shape_cast %slice3A_328 : vector<64x1xi1> to vector<64x1xi1>
    %broadcast_in_dim3A_333 = vector.broadcast %broadcast_in_dim3A_332 : vector<64x1xi1> to vector<64x256xi1>
    %broadcast_in_dim3A_334 = vector.broadcast %jit3A_331 : f32 to vector<64x256xf32>
    %select_n3A_335 = arith.select %broadcast_in_dim3A_333, %squeeze3A_330, %broadcast_in_dim3A_334 : vector<64x256xi1>, vector<64x256xf32>
    %max3A_336 = arith.maximumf %max3A_327, %select_n3A_335 : vector<64x256xf32>
    %slice3A_337 = vector.extract_strided_slice %le3A_235 {offsets = [0, 12], sizes = [64, 1], strides = [1, 1]} : vector<64x32xi1> to vector<64x1xi1>
    %slice3A_338 = vector.extract_strided_slice %reshape3A_232 {offsets = [0, 12, 0], sizes = [64, 1, 256], strides = [1, 1, 1]} : vector<64x32x256xf32> to vector<64x1x256xf32>
    %squeeze3A_339 = vector.shape_cast %slice3A_338 : vector<64x1x256xf32> to vector<64x256xf32>
    %jit3A_340 = arith.constant 0.000000e+00 : f32
    %broadcast_in_dim3A_341 = vector.shape_cast %slice3A_337 : vector<64x1xi1> to vector<64x1xi1>
    %broadcast_in_dim3A_342 = vector.broadcast %broadcast_in_dim3A_341 : vector<64x1xi1> to vector<64x256xi1>
    %broadcast_in_dim3A_343 = vector.broadcast %jit3A_340 : f32 to vector<64x256xf32>
    %select_n3A_344 = arith.select %broadcast_in_dim3A_342, %squeeze3A_339, %broadcast_in_dim3A_343 : vector<64x256xi1>, vector<64x256xf32>
    %max3A_345 = arith.maximumf %max3A_336, %select_n3A_344 : vector<64x256xf32>
    %slice3A_346 = vector.extract_strided_slice %le3A_235 {offsets = [0, 13], sizes = [64, 1], strides = [1, 1]} : vector<64x32xi1> to vector<64x1xi1>
    %slice3A_347 = vector.extract_strided_slice %reshape3A_232 {offsets = [0, 13, 0], sizes = [64, 1, 256], strides = [1, 1, 1]} : vector<64x32x256xf32> to vector<64x1x256xf32>
    %squeeze3A_348 = vector.shape_cast %slice3A_347 : vector<64x1x256xf32> to vector<64x256xf32>
    %jit3A_349 = arith.constant 0.000000e+00 : f32
    %broadcast_in_dim3A_350 = vector.shape_cast %slice3A_346 : vector<64x1xi1> to vector<64x1xi1>
    %broadcast_in_dim3A_351 = vector.broadcast %broadcast_in_dim3A_350 : vector<64x1xi1> to vector<64x256xi1>
    %broadcast_in_dim3A_352 = vector.broadcast %jit3A_349 : f32 to vector<64x256xf32>
    %select_n3A_353 = arith.select %broadcast_in_dim3A_351, %squeeze3A_348, %broadcast_in_dim3A_352 : vector<64x256xi1>, vector<64x256xf32>
    %max3A_354 = arith.maximumf %max3A_345, %select_n3A_353 : vector<64x256xf32>
    %slice3A_355 = vector.extract_strided_slice %le3A_235 {offsets = [0, 14], sizes = [64, 1], strides = [1, 1]} : vector<64x32xi1> to vector<64x1xi1>
    %slice3A_356 = vector.extract_strided_slice %reshape3A_232 {offsets = [0, 14, 0], sizes = [64, 1, 256], strides = [1, 1, 1]} : vector<64x32x256xf32> to vector<64x1x256xf32>
    %squeeze3A_357 = vector.shape_cast %slice3A_356 : vector<64x1x256xf32> to vector<64x256xf32>
    %jit3A_358 = arith.constant 0.000000e+00 : f32
    %broadcast_in_dim3A_359 = vector.shape_cast %slice3A_355 : vector<64x1xi1> to vector<64x1xi1>
    %broadcast_in_dim3A_360 = vector.broadcast %broadcast_in_dim3A_359 : vector<64x1xi1> to vector<64x256xi1>
    %broadcast_in_dim3A_361 = vector.broadcast %jit3A_358 : f32 to vector<64x256xf32>
    %select_n3A_362 = arith.select %broadcast_in_dim3A_360, %squeeze3A_357, %broadcast_in_dim3A_361 : vector<64x256xi1>, vector<64x256xf32>
    %max3A_363 = arith.maximumf %max3A_354, %select_n3A_362 : vector<64x256xf32>
    %slice3A_364 = vector.extract_strided_slice %le3A_235 {offsets = [0, 15], sizes = [64, 1], strides = [1, 1]} : vector<64x32xi1> to vector<64x1xi1>
    %slice3A_365 = vector.extract_strided_slice %reshape3A_232 {offsets = [0, 15, 0], sizes = [64, 1, 256], strides = [1, 1, 1]} : vector<64x32x256xf32> to vector<64x1x256xf32>
    %squeeze3A_366 = vector.shape_cast %slice3A_365 : vector<64x1x256xf32> to vector<64x256xf32>
    %jit3A_367 = arith.constant 0.000000e+00 : f32
    %broadcast_in_dim3A_368 = vector.shape_cast %slice3A_364 : vector<64x1xi1> to vector<64x1xi1>
    %broadcast_in_dim3A_369 = vector.broadcast %broadcast_in_dim3A_368 : vector<64x1xi1> to vector<64x256xi1>
    %broadcast_in_dim3A_370 = vector.broadcast %jit3A_367 : f32 to vector<64x256xf32>
    %select_n3A_371 = arith.select %broadcast_in_dim3A_369, %squeeze3A_366, %broadcast_in_dim3A_370 : vector<64x256xi1>, vector<64x256xf32>
    %max3A_372 = arith.maximumf %max3A_363, %select_n3A_371 : vector<64x256xf32>
    %slice3A_373 = vector.extract_strided_slice %le3A_235 {offsets = [0, 16], sizes = [64, 1], strides = [1, 1]} : vector<64x32xi1> to vector<64x1xi1>
    %slice3A_374 = vector.extract_strided_slice %reshape3A_232 {offsets = [0, 16, 0], sizes = [64, 1, 256], strides = [1, 1, 1]} : vector<64x32x256xf32> to vector<64x1x256xf32>
    %squeeze3A_375 = vector.shape_cast %slice3A_374 : vector<64x1x256xf32> to vector<64x256xf32>
    %jit3A_376 = arith.constant 0.000000e+00 : f32
    %broadcast_in_dim3A_377 = vector.shape_cast %slice3A_373 : vector<64x1xi1> to vector<64x1xi1>
    %broadcast_in_dim3A_378 = vector.broadcast %broadcast_in_dim3A_377 : vector<64x1xi1> to vector<64x256xi1>
    %broadcast_in_dim3A_379 = vector.broadcast %jit3A_376 : f32 to vector<64x256xf32>
    %select_n3A_380 = arith.select %broadcast_in_dim3A_378, %squeeze3A_375, %broadcast_in_dim3A_379 : vector<64x256xi1>, vector<64x256xf32>
    %max3A_381 = arith.maximumf %max3A_372, %select_n3A_380 : vector<64x256xf32>
    %slice3A_382 = vector.extract_strided_slice %le3A_235 {offsets = [0, 17], sizes = [64, 1], strides = [1, 1]} : vector<64x32xi1> to vector<64x1xi1>
    %slice3A_383 = vector.extract_strided_slice %reshape3A_232 {offsets = [0, 17, 0], sizes = [64, 1, 256], strides = [1, 1, 1]} : vector<64x32x256xf32> to vector<64x1x256xf32>
    %squeeze3A_384 = vector.shape_cast %slice3A_383 : vector<64x1x256xf32> to vector<64x256xf32>
    %jit3A_385 = arith.constant 0.000000e+00 : f32
    %broadcast_in_dim3A_386 = vector.shape_cast %slice3A_382 : vector<64x1xi1> to vector<64x1xi1>
    %broadcast_in_dim3A_387 = vector.broadcast %broadcast_in_dim3A_386 : vector<64x1xi1> to vector<64x256xi1>
    %broadcast_in_dim3A_388 = vector.broadcast %jit3A_385 : f32 to vector<64x256xf32>
    %select_n3A_389 = arith.select %broadcast_in_dim3A_387, %squeeze3A_384, %broadcast_in_dim3A_388 : vector<64x256xi1>, vector<64x256xf32>
    %max3A_390 = arith.maximumf %max3A_381, %select_n3A_389 : vector<64x256xf32>
    %slice3A_391 = vector.extract_strided_slice %le3A_235 {offsets = [0, 18], sizes = [64, 1], strides = [1, 1]} : vector<64x32xi1> to vector<64x1xi1>
    %slice3A_392 = vector.extract_strided_slice %reshape3A_232 {offsets = [0, 18, 0], sizes = [64, 1, 256], strides = [1, 1, 1]} : vector<64x32x256xf32> to vector<64x1x256xf32>
    %squeeze3A_393 = vector.shape_cast %slice3A_392 : vector<64x1x256xf32> to vector<64x256xf32>
    %jit3A_394 = arith.constant 0.000000e+00 : f32
    %broadcast_in_dim3A_395 = vector.shape_cast %slice3A_391 : vector<64x1xi1> to vector<64x1xi1>
    %broadcast_in_dim3A_396 = vector.broadcast %broadcast_in_dim3A_395 : vector<64x1xi1> to vector<64x256xi1>
    %broadcast_in_dim3A_397 = vector.broadcast %jit3A_394 : f32 to vector<64x256xf32>
    %select_n3A_398 = arith.select %broadcast_in_dim3A_396, %squeeze3A_393, %broadcast_in_dim3A_397 : vector<64x256xi1>, vector<64x256xf32>
    %max3A_399 = arith.maximumf %max3A_390, %select_n3A_398 : vector<64x256xf32>
    %slice3A_400 = vector.extract_strided_slice %le3A_235 {offsets = [0, 19], sizes = [64, 1], strides = [1, 1]} : vector<64x32xi1> to vector<64x1xi1>
    %slice3A_401 = vector.extract_strided_slice %reshape3A_232 {offsets = [0, 19, 0], sizes = [64, 1, 256], strides = [1, 1, 1]} : vector<64x32x256xf32> to vector<64x1x256xf32>
    %squeeze3A_402 = vector.shape_cast %slice3A_401 : vector<64x1x256xf32> to vector<64x256xf32>
    %jit3A_403 = arith.constant 0.000000e+00 : f32
    %broadcast_in_dim3A_404 = vector.shape_cast %slice3A_400 : vector<64x1xi1> to vector<64x1xi1>
    %broadcast_in_dim3A_405 = vector.broadcast %broadcast_in_dim3A_404 : vector<64x1xi1> to vector<64x256xi1>
    %broadcast_in_dim3A_406 = vector.broadcast %jit3A_403 : f32 to vector<64x256xf32>
    %select_n3A_407 = arith.select %broadcast_in_dim3A_405, %squeeze3A_402, %broadcast_in_dim3A_406 : vector<64x256xi1>, vector<64x256xf32>
    %max3A_408 = arith.maximumf %max3A_399, %select_n3A_407 : vector<64x256xf32>
    %slice3A_409 = vector.extract_strided_slice %le3A_235 {offsets = [0, 20], sizes = [64, 1], strides = [1, 1]} : vector<64x32xi1> to vector<64x1xi1>
    %slice3A_410 = vector.extract_strided_slice %reshape3A_232 {offsets = [0, 20, 0], sizes = [64, 1, 256], strides = [1, 1, 1]} : vector<64x32x256xf32> to vector<64x1x256xf32>
    %squeeze3A_411 = vector.shape_cast %slice3A_410 : vector<64x1x256xf32> to vector<64x256xf32>
    %jit3A_412 = arith.constant 0.000000e+00 : f32
    %broadcast_in_dim3A_413 = vector.shape_cast %slice3A_409 : vector<64x1xi1> to vector<64x1xi1>
    %broadcast_in_dim3A_414 = vector.broadcast %broadcast_in_dim3A_413 : vector<64x1xi1> to vector<64x256xi1>
    %broadcast_in_dim3A_415 = vector.broadcast %jit3A_412 : f32 to vector<64x256xf32>
    %select_n3A_416 = arith.select %broadcast_in_dim3A_414, %squeeze3A_411, %broadcast_in_dim3A_415 : vector<64x256xi1>, vector<64x256xf32>
    %max3A_417 = arith.maximumf %max3A_408, %select_n3A_416 : vector<64x256xf32>
    %slice3A_418 = vector.extract_strided_slice %le3A_235 {offsets = [0, 21], sizes = [64, 1], strides = [1, 1]} : vector<64x32xi1> to vector<64x1xi1>
    %slice3A_419 = vector.extract_strided_slice %reshape3A_232 {offsets = [0, 21, 0], sizes = [64, 1, 256], strides = [1, 1, 1]} : vector<64x32x256xf32> to vector<64x1x256xf32>
    %squeeze3A_420 = vector.shape_cast %slice3A_419 : vector<64x1x256xf32> to vector<64x256xf32>
    %jit3A_421 = arith.constant 0.000000e+00 : f32
    %broadcast_in_dim3A_422 = vector.shape_cast %slice3A_418 : vector<64x1xi1> to vector<64x1xi1>
    %broadcast_in_dim3A_423 = vector.broadcast %broadcast_in_dim3A_422 : vector<64x1xi1> to vector<64x256xi1>
    %broadcast_in_dim3A_424 = vector.broadcast %jit3A_421 : f32 to vector<64x256xf32>
    %select_n3A_425 = arith.select %broadcast_in_dim3A_423, %squeeze3A_420, %broadcast_in_dim3A_424 : vector<64x256xi1>, vector<64x256xf32>
    %max3A_426 = arith.maximumf %max3A_417, %select_n3A_425 : vector<64x256xf32>
    %slice3A_427 = vector.extract_strided_slice %le3A_235 {offsets = [0, 22], sizes = [64, 1], strides = [1, 1]} : vector<64x32xi1> to vector<64x1xi1>
    %slice3A_428 = vector.extract_strided_slice %reshape3A_232 {offsets = [0, 22, 0], sizes = [64, 1, 256], strides = [1, 1, 1]} : vector<64x32x256xf32> to vector<64x1x256xf32>
    %squeeze3A_429 = vector.shape_cast %slice3A_428 : vector<64x1x256xf32> to vector<64x256xf32>
    %jit3A_430 = arith.constant 0.000000e+00 : f32
    %broadcast_in_dim3A_431 = vector.shape_cast %slice3A_427 : vector<64x1xi1> to vector<64x1xi1>
    %broadcast_in_dim3A_432 = vector.broadcast %broadcast_in_dim3A_431 : vector<64x1xi1> to vector<64x256xi1>
    %broadcast_in_dim3A_433 = vector.broadcast %jit3A_430 : f32 to vector<64x256xf32>
    %select_n3A_434 = arith.select %broadcast_in_dim3A_432, %squeeze3A_429, %broadcast_in_dim3A_433 : vector<64x256xi1>, vector<64x256xf32>
    %max3A_435 = arith.maximumf %max3A_426, %select_n3A_434 : vector<64x256xf32>
    %slice3A_436 = vector.extract_strided_slice %le3A_235 {offsets = [0, 23], sizes = [64, 1], strides = [1, 1]} : vector<64x32xi1> to vector<64x1xi1>
    %slice3A_437 = vector.extract_strided_slice %reshape3A_232 {offsets = [0, 23, 0], sizes = [64, 1, 256], strides = [1, 1, 1]} : vector<64x32x256xf32> to vector<64x1x256xf32>
    %squeeze3A_438 = vector.shape_cast %slice3A_437 : vector<64x1x256xf32> to vector<64x256xf32>
    %jit3A_439 = arith.constant 0.000000e+00 : f32
    %broadcast_in_dim3A_440 = vector.shape_cast %slice3A_436 : vector<64x1xi1> to vector<64x1xi1>
    %broadcast_in_dim3A_441 = vector.broadcast %broadcast_in_dim3A_440 : vector<64x1xi1> to vector<64x256xi1>
    %broadcast_in_dim3A_442 = vector.broadcast %jit3A_439 : f32 to vector<64x256xf32>
    %select_n3A_443 = arith.select %broadcast_in_dim3A_441, %squeeze3A_438, %broadcast_in_dim3A_442 : vector<64x256xi1>, vector<64x256xf32>
    %max3A_444 = arith.maximumf %max3A_435, %select_n3A_443 : vector<64x256xf32>
    %slice3A_445 = vector.extract_strided_slice %le3A_235 {offsets = [0, 24], sizes = [64, 1], strides = [1, 1]} : vector<64x32xi1> to vector<64x1xi1>
    %slice3A_446 = vector.extract_strided_slice %reshape3A_232 {offsets = [0, 24, 0], sizes = [64, 1, 256], strides = [1, 1, 1]} : vector<64x32x256xf32> to vector<64x1x256xf32>
    %squeeze3A_447 = vector.shape_cast %slice3A_446 : vector<64x1x256xf32> to vector<64x256xf32>
    %jit3A_448 = arith.constant 0.000000e+00 : f32
    %broadcast_in_dim3A_449 = vector.shape_cast %slice3A_445 : vector<64x1xi1> to vector<64x1xi1>
    %broadcast_in_dim3A_450 = vector.broadcast %broadcast_in_dim3A_449 : vector<64x1xi1> to vector<64x256xi1>
    %broadcast_in_dim3A_451 = vector.broadcast %jit3A_448 : f32 to vector<64x256xf32>
    %select_n3A_452 = arith.select %broadcast_in_dim3A_450, %squeeze3A_447, %broadcast_in_dim3A_451 : vector<64x256xi1>, vector<64x256xf32>
    %max3A_453 = arith.maximumf %max3A_444, %select_n3A_452 : vector<64x256xf32>
    %slice3A_454 = vector.extract_strided_slice %le3A_235 {offsets = [0, 25], sizes = [64, 1], strides = [1, 1]} : vector<64x32xi1> to vector<64x1xi1>
    %slice3A_455 = vector.extract_strided_slice %reshape3A_232 {offsets = [0, 25, 0], sizes = [64, 1, 256], strides = [1, 1, 1]} : vector<64x32x256xf32> to vector<64x1x256xf32>
    %squeeze3A_456 = vector.shape_cast %slice3A_455 : vector<64x1x256xf32> to vector<64x256xf32>
    %jit3A_457 = arith.constant 0.000000e+00 : f32
    %broadcast_in_dim3A_458 = vector.shape_cast %slice3A_454 : vector<64x1xi1> to vector<64x1xi1>
    %broadcast_in_dim3A_459 = vector.broadcast %broadcast_in_dim3A_458 : vector<64x1xi1> to vector<64x256xi1>
    %broadcast_in_dim3A_460 = vector.broadcast %jit3A_457 : f32 to vector<64x256xf32>
    %select_n3A_461 = arith.select %broadcast_in_dim3A_459, %squeeze3A_456, %broadcast_in_dim3A_460 : vector<64x256xi1>, vector<64x256xf32>
    %max3A_462 = arith.maximumf %max3A_453, %select_n3A_461 : vector<64x256xf32>
    %slice3A_463 = vector.extract_strided_slice %le3A_235 {offsets = [0, 26], sizes = [64, 1], strides = [1, 1]} : vector<64x32xi1> to vector<64x1xi1>
    %slice3A_464 = vector.extract_strided_slice %reshape3A_232 {offsets = [0, 26, 0], sizes = [64, 1, 256], strides = [1, 1, 1]} : vector<64x32x256xf32> to vector<64x1x256xf32>
    %squeeze3A_465 = vector.shape_cast %slice3A_464 : vector<64x1x256xf32> to vector<64x256xf32>
    %jit3A_466 = arith.constant 0.000000e+00 : f32
    %broadcast_in_dim3A_467 = vector.shape_cast %slice3A_463 : vector<64x1xi1> to vector<64x1xi1>
    %broadcast_in_dim3A_468 = vector.broadcast %broadcast_in_dim3A_467 : vector<64x1xi1> to vector<64x256xi1>
    %broadcast_in_dim3A_469 = vector.broadcast %jit3A_466 : f32 to vector<64x256xf32>
    %select_n3A_470 = arith.select %broadcast_in_dim3A_468, %squeeze3A_465, %broadcast_in_dim3A_469 : vector<64x256xi1>, vector<64x256xf32>
    %max3A_471 = arith.maximumf %max3A_462, %select_n3A_470 : vector<64x256xf32>
    %slice3A_472 = vector.extract_strided_slice %le3A_235 {offsets = [0, 27], sizes = [64, 1], strides = [1, 1]} : vector<64x32xi1> to vector<64x1xi1>
    %slice3A_473 = vector.extract_strided_slice %reshape3A_232 {offsets = [0, 27, 0], sizes = [64, 1, 256], strides = [1, 1, 1]} : vector<64x32x256xf32> to vector<64x1x256xf32>
    %squeeze3A_474 = vector.shape_cast %slice3A_473 : vector<64x1x256xf32> to vector<64x256xf32>
    %jit3A_475 = arith.constant 0.000000e+00 : f32
    %broadcast_in_dim3A_476 = vector.shape_cast %slice3A_472 : vector<64x1xi1> to vector<64x1xi1>
    %broadcast_in_dim3A_477 = vector.broadcast %broadcast_in_dim3A_476 : vector<64x1xi1> to vector<64x256xi1>
    %broadcast_in_dim3A_478 = vector.broadcast %jit3A_475 : f32 to vector<64x256xf32>
    %select_n3A_479 = arith.select %broadcast_in_dim3A_477, %squeeze3A_474, %broadcast_in_dim3A_478 : vector<64x256xi1>, vector<64x256xf32>
    %max3A_480 = arith.maximumf %max3A_471, %select_n3A_479 : vector<64x256xf32>
    %slice3A_481 = vector.extract_strided_slice %le3A_235 {offsets = [0, 28], sizes = [64, 1], strides = [1, 1]} : vector<64x32xi1> to vector<64x1xi1>
    %slice3A_482 = vector.extract_strided_slice %reshape3A_232 {offsets = [0, 28, 0], sizes = [64, 1, 256], strides = [1, 1, 1]} : vector<64x32x256xf32> to vector<64x1x256xf32>
    %squeeze3A_483 = vector.shape_cast %slice3A_482 : vector<64x1x256xf32> to vector<64x256xf32>
    %jit3A_484 = arith.constant 0.000000e+00 : f32
    %broadcast_in_dim3A_485 = vector.shape_cast %slice3A_481 : vector<64x1xi1> to vector<64x1xi1>
    %broadcast_in_dim3A_486 = vector.broadcast %broadcast_in_dim3A_485 : vector<64x1xi1> to vector<64x256xi1>
    %broadcast_in_dim3A_487 = vector.broadcast %jit3A_484 : f32 to vector<64x256xf32>
    %select_n3A_488 = arith.select %broadcast_in_dim3A_486, %squeeze3A_483, %broadcast_in_dim3A_487 : vector<64x256xi1>, vector<64x256xf32>
    %max3A_489 = arith.maximumf %max3A_480, %select_n3A_488 : vector<64x256xf32>
    %slice3A_490 = vector.extract_strided_slice %le3A_235 {offsets = [0, 29], sizes = [64, 1], strides = [1, 1]} : vector<64x32xi1> to vector<64x1xi1>
    %slice3A_491 = vector.extract_strided_slice %reshape3A_232 {offsets = [0, 29, 0], sizes = [64, 1, 256], strides = [1, 1, 1]} : vector<64x32x256xf32> to vector<64x1x256xf32>
    %squeeze3A_492 = vector.shape_cast %slice3A_491 : vector<64x1x256xf32> to vector<64x256xf32>
    %jit3A_493 = arith.constant 0.000000e+00 : f32
    %broadcast_in_dim3A_494 = vector.shape_cast %slice3A_490 : vector<64x1xi1> to vector<64x1xi1>
    %broadcast_in_dim3A_495 = vector.broadcast %broadcast_in_dim3A_494 : vector<64x1xi1> to vector<64x256xi1>
    %broadcast_in_dim3A_496 = vector.broadcast %jit3A_493 : f32 to vector<64x256xf32>
    %select_n3A_497 = arith.select %broadcast_in_dim3A_495, %squeeze3A_492, %broadcast_in_dim3A_496 : vector<64x256xi1>, vector<64x256xf32>
    %max3A_498 = arith.maximumf %max3A_489, %select_n3A_497 : vector<64x256xf32>
    %slice3A_499 = vector.extract_strided_slice %le3A_235 {offsets = [0, 30], sizes = [64, 1], strides = [1, 1]} : vector<64x32xi1> to vector<64x1xi1>
    %slice3A_500 = vector.extract_strided_slice %reshape3A_232 {offsets = [0, 30, 0], sizes = [64, 1, 256], strides = [1, 1, 1]} : vector<64x32x256xf32> to vector<64x1x256xf32>
    %squeeze3A_501 = vector.shape_cast %slice3A_500 : vector<64x1x256xf32> to vector<64x256xf32>
    %jit3A_502 = arith.constant 0.000000e+00 : f32
    %broadcast_in_dim3A_503 = vector.shape_cast %slice3A_499 : vector<64x1xi1> to vector<64x1xi1>
    %broadcast_in_dim3A_504 = vector.broadcast %broadcast_in_dim3A_503 : vector<64x1xi1> to vector<64x256xi1>
    %broadcast_in_dim3A_505 = vector.broadcast %jit3A_502 : f32 to vector<64x256xf32>
    %select_n3A_506 = arith.select %broadcast_in_dim3A_504, %squeeze3A_501, %broadcast_in_dim3A_505 : vector<64x256xi1>, vector<64x256xf32>
    %max3A_507 = arith.maximumf %max3A_498, %select_n3A_506 : vector<64x256xf32>
    %slice3A_508 = vector.extract_strided_slice %le3A_235 {offsets = [0, 31], sizes = [64, 1], strides = [1, 1]} : vector<64x32xi1> to vector<64x1xi1>
    %slice3A_509 = vector.extract_strided_slice %reshape3A_232 {offsets = [0, 31, 0], sizes = [64, 1, 256], strides = [1, 1, 1]} : vector<64x32x256xf32> to vector<64x1x256xf32>
    %squeeze3A_510 = vector.shape_cast %slice3A_509 : vector<64x1x256xf32> to vector<64x256xf32>
    %jit3A_511 = arith.constant 0.000000e+00 : f32
    %broadcast_in_dim3A_512 = vector.shape_cast %slice3A_508 : vector<64x1xi1> to vector<64x1xi1>
    %broadcast_in_dim3A_513 = vector.broadcast %broadcast_in_dim3A_512 : vector<64x1xi1> to vector<64x256xi1>
    %broadcast_in_dim3A_514 = vector.broadcast %jit3A_511 : f32 to vector<64x256xf32>
    %select_n3A_515 = arith.select %broadcast_in_dim3A_513, %squeeze3A_510, %broadcast_in_dim3A_514 : vector<64x256xi1>, vector<64x256xf32>
    %max3A_516 = arith.maximumf %max3A_507, %select_n3A_515 : vector<64x256xf32>
    %concatenate3A_517 = tpu.concatenate %max3A_191, %max3A_516 in 1 : vector<64x256xf32>, vector<64x256xf32> -> vector<64x512xf32>
    %get3A_518 = arith.constant 0 : index
    %get3A_519 = arith.constant 0 : index
    %get3A_520 = vector.load %arg17[%get3A_518, %get3A_519] : memref<512x256xf32, #tpu.memory_space<vmem>>, vector<512x256xf32>
    %get3A_521 = arith.constant 0 : index
    %get3A_522 = arith.constant 0 : index
    %get3A_523 = vector.load %arg18[%get3A_521, %get3A_522] : memref<1x256xf32, #tpu.memory_space<vmem>>, vector<1x256xf32>
    %dot_general3A_524 = arith.constant dense<0.000000e+00> : vector<64x256xf32>
    %dot_general3A_525 = tpu.matmul %concatenate3A_517, %get3A_520, %dot_general3A_524 {dimension_numbers = #tpu.dot_dimension_numbers<[1], [0], [0], [1], [0, 0, 1, 1], [], []>, transpose_lhs_hint = false} : vector<64x512xf32>, vector<512x256xf32>, vector<64x256xf32> -> vector<64x256xf32>
    %add3A_526 = vector.broadcast %get3A_523 : vector<1x256xf32> to vector<64x256xf32>
    %add3A_527 = arith.addf %dot_general3A_525, %add3A_526 : vector<64x256xf32>
    %max3A_528 = arith.constant 0.000000e+00 : f32
    %max3A_529 = vector.broadcast %max3A_528 : f32 to vector<64x256xf32>
    %max3A_530 = arith.maximumf %add3A_527, %max3A_529 : vector<64x256xf32>
    %swap3A = arith.constant 0 : index
    %swap3A_531 = arith.constant 0 : index
    %swap3A_532 = arith.constant 0 : index
    %swap3A_533 = vector.load %arg19[%swap3A, %swap3A_531, %swap3A_532] : memref<1x64x256xf32, #tpu.memory_space<vmem>>, vector<1x64x256xf32>
    %swap3A_534 = vector.shape_cast %swap3A_533 : vector<1x64x256xf32> to vector<64x256xf32>
    %swap3A_535 = vector.shape_cast %max3A_530 : vector<64x256xf32> to vector<1x64x256xf32>
    tpu.vector_store %arg19[%swap3A, %swap3A_531, %swap3A_532], %swap3A_535 {strides = array<i32>} : memref<1x64x256xf32, #tpu.memory_space<vmem>>, vector<1x64x256xf32>,
    return
  }
  func.func @transform_0(%arg0: i32, %arg1: i32) -> (i32, i32, i32, i32) {
    %c0_i32 = arith.constant 0 : i32
    %c0_i32_0 = arith.constant 0 : i32
    %c0_i32_1 = arith.constant 0 : i32
    return %arg0, %arg1, %c0_i32, %c0_i32_0 : i32, i32, i32, i32
  }
  func.func @transform_1(%arg0: i32, %arg1: i32) -> (i32, i32, i32) {
    %c0_i32 = arith.constant 0 : i32
    %c0_i32_0 = arith.constant 0 : i32
    return %arg0, %arg1, %c0_i32 : i32, i32, i32
  }
  func.func @transform_2(%arg0: i32, %arg1: i32) -> (i32, i32, i32) {
    %c0_i32 = arith.constant 0 : i32
    %c0_i32_0 = arith.constant 0 : i32
    return %arg0, %arg1, %c0_i32 : i32, i32, i32
  }
  func.func @transform_3(%arg0: i32, %arg1: i32) -> (i32, i32) {
    %c0_i32 = arith.constant 0 : i32
    %c0_i32_0 = arith.constant 0 : i32
    %c0_i32_1 = arith.constant 0 : i32
    return %c0_i32, %c0_i32_0 : i32, i32
  }
  func.func @transform_4(%arg0: i32, %arg1: i32) -> (i32, i32) {
    %c0_i32 = arith.constant 0 : i32
    %c0_i32_0 = arith.constant 0 : i32
    %c0_i32_1 = arith.constant 0 : i32
    return %c0_i32, %c0_i32_0 : i32, i32
  }
  func.func @transform_5(%arg0: i32, %arg1: i32) -> (i32, i32) {
    %c0_i32 = arith.constant 0 : i32
    %c0_i32_0 = arith.constant 0 : i32
    %c0_i32_1 = arith.constant 0 : i32
    return %c0_i32, %c0_i32_0 : i32, i32
  }
  func.func @transform_6(%arg0: i32, %arg1: i32) -> (i32, i32) {
    %c0_i32 = arith.constant 0 : i32
    %c0_i32_0 = arith.constant 0 : i32
    %c0_i32_1 = arith.constant 0 : i32
    return %c0_i32, %c0_i32_0 : i32, i32
  }
  func.func @transform_7(%arg0: i32, %arg1: i32) -> (i32, i32) {
    %c0_i32 = arith.constant 0 : i32
    %c0_i32_0 = arith.constant 0 : i32
    %c0_i32_1 = arith.constant 0 : i32
    return %c0_i32, %c0_i32_0 : i32, i32
  }
  func.func @transform_8(%arg0: i32, %arg1: i32) -> (i32, i32) {
    %c0_i32 = arith.constant 0 : i32
    %c0_i32_0 = arith.constant 0 : i32
    %c0_i32_1 = arith.constant 0 : i32
    return %c0_i32, %c0_i32_0 : i32, i32
  }
  func.func @transform_9(%arg0: i32, %arg1: i32) -> (i32, i32) {
    %c0_i32 = arith.constant 0 : i32
    %c0_i32_0 = arith.constant 0 : i32
    %c0_i32_1 = arith.constant 0 : i32
    return %c0_i32, %c0_i32_0 : i32, i32
  }
  func.func @transform_10(%arg0: i32, %arg1: i32) -> (i32, i32) {
    %c0_i32 = arith.constant 0 : i32
    %c0_i32_0 = arith.constant 0 : i32
    %c0_i32_1 = arith.constant 0 : i32
    return %c0_i32, %c0_i32_0 : i32, i32
  }
  func.func @transform_11(%arg0: i32, %arg1: i32) -> (i32, i32) {
    %c0_i32 = arith.constant 0 : i32
    %c0_i32_0 = arith.constant 0 : i32
    %c0_i32_1 = arith.constant 0 : i32
    return %c0_i32, %c0_i32_0 : i32, i32
  }
  func.func @transform_12(%arg0: i32, %arg1: i32) -> (i32, i32) {
    %c0_i32 = arith.constant 0 : i32
    %c0_i32_0 = arith.constant 0 : i32
    %c0_i32_1 = arith.constant 0 : i32
    return %c0_i32, %c0_i32_0 : i32, i32
  }
  func.func @transform_13(%arg0: i32, %arg1: i32) -> (i32, i32) {
    %c0_i32 = arith.constant 0 : i32
    %c0_i32_0 = arith.constant 0 : i32
    %c0_i32_1 = arith.constant 0 : i32
    return %c0_i32, %c0_i32_0 : i32, i32
  }
  func.func @transform_14(%arg0: i32, %arg1: i32) -> (i32, i32) {
    %c0_i32 = arith.constant 0 : i32
    %c0_i32_0 = arith.constant 0 : i32
    %c0_i32_1 = arith.constant 0 : i32
    return %c0_i32, %c0_i32_0 : i32, i32
  }
  func.func @transform_15(%arg0: i32, %arg1: i32) -> (i32, i32) {
    %c0_i32 = arith.constant 0 : i32
    %c0_i32_0 = arith.constant 0 : i32
    %c0_i32_1 = arith.constant 0 : i32
    return %c0_i32, %c0_i32_0 : i32, i32
  }
  func.func @transform_16(%arg0: i32, %arg1: i32) -> (i32, i32) {
    %c0_i32 = arith.constant 0 : i32
    %c0_i32_0 = arith.constant 0 : i32
    %c0_i32_1 = arith.constant 0 : i32
    return %c0_i32, %c0_i32_0 : i32, i32
  }
  func.func @transform_17(%arg0: i32, %arg1: i32) -> (i32, i32, i32) {
    %c0_i32 = arith.constant 0 : i32
    %c0_i32_0 = arith.constant 0 : i32
    return %arg0, %arg1, %c0_i32 : i32, i32, i32
  }
}

module attributes {stable_mosaic.version = 14 : i64} {
  func.func @body(%arg0: i32, %arg1: memref<1x256x3xf32, #tpu.memory_space<vmem>>, %arg2: memref<1x256x256xf32, #tpu.memory_space<vmem>>, %arg3: memref<256x128xf32, #tpu.memory_space<vmem>>, %arg4: memref<1x128xf32, #tpu.memory_space<vmem>>, %arg5: memref<128x3xf32, #tpu.memory_space<vmem>>, %arg6: memref<1x3xf32, #tpu.memory_space<vmem>>, %arg7: memref<1x256x3xf32, #tpu.memory_space<vmem>>, %arg8: memref<1x256x3xf32, #tpu.memory_space<vmem>>) attributes {dimension_semantics = [#tpu.dimension_semantics<arbitrary>], iteration_bounds = array<i64: 2>, scalar_prefetch = 0 : i64, scratch_operands = 0 : i64, tpu.core_type = #tpu.core_type<tc>, window_params = [{transform_indices = @transform_0, window_bounds = array<i64: 1, 256, 3>}, {transform_indices = @transform_1, window_bounds = array<i64: 1, 256, 256>}, {pipeline_mode = #tpu.pipeline_mode<synchronous>, transform_indices = @transform_2, window_bounds = array<i64: 256, 128>}, {pipeline_mode = #tpu.pipeline_mode<synchronous>, transform_indices = @transform_3, window_bounds = array<i64: 1, 128>}, {pipeline_mode = #tpu.pipeline_mode<synchronous>, transform_indices = @transform_4, window_bounds = array<i64: 128, 3>}, {pipeline_mode = #tpu.pipeline_mode<synchronous>, transform_indices = @transform_5, window_bounds = array<i64: 1, 3>}, {transform_indices = @transform_6, window_bounds = array<i64: 1, 256, 3>}, {transform_indices = @transform_7, window_bounds = array<i64: 1, 256, 3>}]} {
    %get3A = arith.constant 0 : index
    %get3A_0 = arith.constant 0 : index
    %get3A_1 = arith.constant 0 : index
    %get3A_2 = vector.load %arg2[%get3A, %get3A_0, %get3A_1] : memref<1x256x256xf32, #tpu.memory_space<vmem>>, vector<1x256x256xf32>
    %get3A_3 = vector.shape_cast %get3A_2 : vector<1x256x256xf32> to vector<256x256xf32>
    %get3A_4 = arith.constant 0 : index
    %get3A_5 = arith.constant 0 : index
    %get3A_6 = vector.load %arg3[%get3A_4, %get3A_5] : memref<256x128xf32, #tpu.memory_space<vmem>>, vector<256x128xf32>
    %dot_general3A = arith.constant dense<0.000000e+00> : vector<256x128xf32>
    %dot_general3A_7 = tpu.matmul %get3A_3, %get3A_6, %dot_general3A {dimension_numbers = #tpu.dot_dimension_numbers<[1], [0], [0], [1], [0, 0, 1, 1], [], []>, transpose_lhs_hint = false} : vector<256x256xf32>, vector<256x128xf32>, vector<256x128xf32> -> vector<256x128xf32>
    %get3A_8 = arith.constant 0 : index
    %get3A_9 = arith.constant 0 : index
    %get3A_10 = vector.load %arg4[%get3A_8, %get3A_9] : memref<1x128xf32, #tpu.memory_space<vmem>>, vector<1x128xf32>
    %add3A = vector.broadcast %get3A_10 : vector<1x128xf32> to vector<256x128xf32>
    %add3A_11 = arith.addf %dot_general3A_7, %add3A : vector<256x128xf32>
    %max3A = arith.constant 0.000000e+00 : f32
    %max3A_12 = vector.broadcast %max3A : f32 to vector<256x128xf32>
    %max3A_13 = arith.maximumf %add3A_11, %max3A_12 : vector<256x128xf32>
    %get3A_14 = arith.constant 0 : index
    %get3A_15 = arith.constant 0 : index
    %get3A_16 = vector.load %arg5[%get3A_14, %get3A_15] : memref<128x3xf32, #tpu.memory_space<vmem>>, vector<128x3xf32>
    %dot_general3A_17 = arith.constant dense<0.000000e+00> : vector<256x3xf32>
    %dot_general3A_18 = tpu.matmul %max3A_13, %get3A_16, %dot_general3A_17 {dimension_numbers = #tpu.dot_dimension_numbers<[1], [0], [0], [1], [0, 0, 1, 1], [], []>, transpose_lhs_hint = false} : vector<256x128xf32>, vector<128x3xf32>, vector<256x3xf32> -> vector<256x3xf32>
    %get3A_19 = arith.constant 0 : index
    %get3A_20 = arith.constant 0 : index
    %get3A_21 = vector.load %arg6[%get3A_19, %get3A_20] : memref<1x3xf32, #tpu.memory_space<vmem>>, vector<1x3xf32>
    %add3A_22 = vector.broadcast %get3A_21 : vector<1x3xf32> to vector<256x3xf32>
    %add3A_23 = arith.addf %dot_general3A_18, %add3A_22 : vector<256x3xf32>
    %iota3A = tpu.iota {dimensions = array<i32: 1>} : vector<1x3xi32>
    %eq3A = arith.constant 2 : i32
    %eq3A_24 = vector.broadcast %eq3A : i32 to vector<1x3xi32>
    %eq3A_25 = arith.cmpi eq, %iota3A, %eq3A_24 : vector<1x3xi32>
    %jit3A = arith.constant 2.000000e+00 : f32
    %jit3A_26 = arith.constant 3.000000e+00 : f32
    %broadcast_in_dim3A = vector.broadcast %jit3A : f32 to vector<1x3xf32>
    %broadcast_in_dim3A_27 = vector.broadcast %jit3A_26 : f32 to vector<1x3xf32>
    %select_n3A = arith.select %eq3A_25, %broadcast_in_dim3A, %broadcast_in_dim3A_27 : vector<1x3xi1>, vector<1x3xf32>
    %neg3A = arith.constant 0.000000e+00 : f32
    %neg3A_28 = vector.broadcast %neg3A : f32 to vector<1x3xf32>
    %neg3A_29 = arith.subf %neg3A_28, %select_n3A : vector<1x3xf32>
    %max3A_30 = vector.broadcast %neg3A_29 : vector<1x3xf32> to vector<256x3xf32>
    %max3A_31 = arith.maximumf %max3A_30, %add3A_23 : vector<256x3xf32>
    %min3A = vector.broadcast %select_n3A : vector<1x3xf32> to vector<256x3xf32>
    %min3A_32 = arith.minimumf %min3A, %max3A_31 : vector<256x3xf32>
    %get3A_33 = arith.constant 0 : index
    %get3A_34 = arith.constant 0 : index
    %get3A_35 = arith.constant 0 : index
    %get3A_36 = vector.load %arg1[%get3A_33, %get3A_34, %get3A_35] : memref<1x256x3xf32, #tpu.memory_space<vmem>>, vector<1x256x3xf32>
    %get3A_37 = vector.shape_cast %get3A_36 : vector<1x256x3xf32> to vector<256x3xf32>
    %add3A_38 = arith.addf %get3A_37, %min3A_32 : vector<256x3xf32>
    %swap3A = arith.constant 0 : index
    %swap3A_39 = arith.constant 0 : index
    %swap3A_40 = arith.constant 0 : index
    %swap3A_41 = vector.load %arg7[%swap3A, %swap3A_39, %swap3A_40] : memref<1x256x3xf32, #tpu.memory_space<vmem>>, vector<1x256x3xf32>
    %swap3A_42 = vector.shape_cast %swap3A_41 : vector<1x256x3xf32> to vector<256x3xf32>
    %swap3A_43 = vector.shape_cast %add3A_38 : vector<256x3xf32> to vector<1x256x3xf32>
    tpu.vector_store %arg7[%swap3A, %swap3A_39, %swap3A_40], %swap3A_43 {strides = array<i32>} : memref<1x256x3xf32, #tpu.memory_space<vmem>>, vector<1x256x3xf32>,
    %swap3A_44 = arith.constant 0 : index
    %swap3A_45 = arith.constant 0 : index
    %swap3A_46 = arith.constant 0 : index
    %swap3A_47 = vector.load %arg8[%swap3A_44, %swap3A_45, %swap3A_46] : memref<1x256x3xf32, #tpu.memory_space<vmem>>, vector<1x256x3xf32>
    %swap3A_48 = vector.shape_cast %swap3A_47 : vector<1x256x3xf32> to vector<256x3xf32>
    %swap3A_49 = vector.shape_cast %add3A_23 : vector<256x3xf32> to vector<1x256x3xf32>
    tpu.vector_store %arg8[%swap3A_44, %swap3A_45, %swap3A_46], %swap3A_49 {strides = array<i32>} : memref<1x256x3xf32, #tpu.memory_space<vmem>>, vector<1x256x3xf32>,
    return
  }
  func.func @transform_0(%arg0: i32) -> (i32, i32, i32) {
    %c0_i32 = arith.constant 0 : i32
    %c0_i32_0 = arith.constant 0 : i32
    %c0_i32_1 = arith.constant 0 : i32
    return %arg0, %c0_i32, %c0_i32_0 : i32, i32, i32
  }
  func.func @transform_1(%arg0: i32) -> (i32, i32, i32) {
    %c0_i32 = arith.constant 0 : i32
    %c0_i32_0 = arith.constant 0 : i32
    %c0_i32_1 = arith.constant 0 : i32
    return %arg0, %c0_i32, %c0_i32_0 : i32, i32, i32
  }
  func.func @transform_2(%arg0: i32) -> (i32, i32) {
    %c0_i32 = arith.constant 0 : i32
    %c0_i32_0 = arith.constant 0 : i32
    %c0_i32_1 = arith.constant 0 : i32
    return %c0_i32, %c0_i32_0 : i32, i32
  }
  func.func @transform_3(%arg0: i32) -> (i32, i32) {
    %c0_i32 = arith.constant 0 : i32
    %c0_i32_0 = arith.constant 0 : i32
    %c0_i32_1 = arith.constant 0 : i32
    return %c0_i32, %c0_i32_0 : i32, i32
  }
  func.func @transform_4(%arg0: i32) -> (i32, i32) {
    %c0_i32 = arith.constant 0 : i32
    %c0_i32_0 = arith.constant 0 : i32
    %c0_i32_1 = arith.constant 0 : i32
    return %c0_i32, %c0_i32_0 : i32, i32
  }
  func.func @transform_5(%arg0: i32) -> (i32, i32) {
    %c0_i32 = arith.constant 0 : i32
    %c0_i32_0 = arith.constant 0 : i32
    %c0_i32_1 = arith.constant 0 : i32
    return %c0_i32, %c0_i32_0 : i32, i32
  }
  func.func @transform_6(%arg0: i32) -> (i32, i32, i32) {
    %c0_i32 = arith.constant 0 : i32
    %c0_i32_0 = arith.constant 0 : i32
    %c0_i32_1 = arith.constant 0 : i32
    return %arg0, %c0_i32, %c0_i32_0 : i32, i32, i32
  }
  func.func @transform_7(%arg0: i32) -> (i32, i32, i32) {
    %c0_i32 = arith.constant 0 : i32
    %c0_i32_0 = arith.constant 0 : i32
    %c0_i32_1 = arith.constant 0 : i32
    return %arg0, %c0_i32, %c0_i32_0 : i32, i32, i32
  }
}

module attributes {stable_mosaic.version = 14 : i64} {
  func.func @body(%arg0: i32, %arg1: i32, %arg2: memref<1x32x3xf32, #tpu.memory_space<vmem>>, %arg3: memref<1x3x256xf32, #tpu.memory_space<vmem>>, %arg4: memref<1x32x32xi32, #tpu.memory_space<vmem>>, %arg5: memref<1x32x32xf32, #tpu.memory_space<vmem>>, %arg6: memref<32x256xf32, #tpu.memory_space<vmem>>) attributes {dimension_semantics = [#tpu.dimension_semantics<arbitrary>, #tpu.dimension_semantics<arbitrary>], iteration_bounds = array<i64: 2, 8>, scalar_prefetch = 0 : i64, scratch_operands = 1 : i64, tpu.core_type = #tpu.core_type<tc>, window_params = [{transform_indices = @transform_0, window_bounds = array<i64: 1, 32, 3>}, {transform_indices = @transform_1, window_bounds = array<i64: 1, 3, 256>}, {transform_indices = @transform_2, window_bounds = array<i64: 1, 32, 32>}, {transform_indices = @transform_3, window_bounds = array<i64: 1, 32, 32>}]} {
    %get3A = arith.constant 0 : index
    %get3A_0 = arith.constant 0 : index
    %get3A_1 = arith.constant 0 : index
    %get3A_2 = vector.load %arg2[%get3A, %get3A_0, %get3A_1] : memref<1x32x3xf32, #tpu.memory_space<vmem>>, vector<1x32x3xf32>
    %get3A_3 = vector.shape_cast %get3A_2 : vector<1x32x3xf32> to vector<32x3xf32>
    %get3A_4 = arith.constant 0 : index
    %get3A_5 = arith.constant 0 : index
    %get3A_6 = arith.constant 0 : index
    %get3A_7 = vector.load %arg3[%get3A_4, %get3A_5, %get3A_6] : memref<1x3x256xf32, #tpu.memory_space<vmem>>, vector<1x1x256xf32>
    %get3A_8 = vector.shape_cast %get3A_7 : vector<1x1x256xf32> to vector<1x256xf32>
    %get3A_9 = arith.constant 0 : index
    %get3A_10 = arith.constant 1 : index
    %get3A_11 = arith.constant 0 : index
    %get3A_12 = vector.load %arg3[%get3A_9, %get3A_10, %get3A_11] : memref<1x3x256xf32, #tpu.memory_space<vmem>>, vector<1x1x256xf32>
    %get3A_13 = vector.shape_cast %get3A_12 : vector<1x1x256xf32> to vector<1x256xf32>
    %get3A_14 = arith.constant 0 : index
    %get3A_15 = arith.constant 2 : index
    %get3A_16 = arith.constant 0 : index
    %get3A_17 = vector.load %arg3[%get3A_14, %get3A_15, %get3A_16] : memref<1x3x256xf32, #tpu.memory_space<vmem>>, vector<1x1x256xf32>
    %get3A_18 = vector.shape_cast %get3A_17 : vector<1x1x256xf32> to vector<1x256xf32>
    %slice3A = vector.extract_strided_slice %get3A_3 {offsets = [0, 0], sizes = [32, 1], strides = [1, 1]} : vector<32x3xf32> to vector<32x1xf32>
    %sub3A = vector.broadcast %slice3A : vector<32x1xf32> to vector<32x256xf32>
    %sub3A_19 = vector.broadcast %get3A_8 : vector<1x256xf32> to vector<32x256xf32>
    %sub3A_20 = arith.subf %sub3A, %sub3A_19 : vector<32x256xf32>
    %integer_pow3A = arith.mulf %sub3A_20, %sub3A_20 : vector<32x256xf32>
    %slice3A_21 = vector.extract_strided_slice %get3A_3 {offsets = [0, 1], sizes = [32, 1], strides = [1, 1]} : vector<32x3xf32> to vector<32x1xf32>
    %sub3A_22 = vector.broadcast %slice3A_21 : vector<32x1xf32> to vector<32x256xf32>
    %sub3A_23 = vector.broadcast %get3A_13 : vector<1x256xf32> to vector<32x256xf32>
    %sub3A_24 = arith.subf %sub3A_22, %sub3A_23 : vector<32x256xf32>
    %integer_pow3A_25 = arith.mulf %sub3A_24, %sub3A_24 : vector<32x256xf32>
    %add3A = arith.addf %integer_pow3A, %integer_pow3A_25 : vector<32x256xf32>
    %slice3A_26 = vector.extract_strided_slice %get3A_3 {offsets = [0, 2], sizes = [32, 1], strides = [1, 1]} : vector<32x3xf32> to vector<32x1xf32>
    %sub3A_27 = vector.broadcast %slice3A_26 : vector<32x1xf32> to vector<32x256xf32>
    %sub3A_28 = vector.broadcast %get3A_18 : vector<1x256xf32> to vector<32x256xf32>
    %sub3A_29 = arith.subf %sub3A_27, %sub3A_28 : vector<32x256xf32>
    %integer_pow3A_30 = arith.mulf %sub3A_29, %sub3A_29 : vector<32x256xf32>
    %add3A_31 = arith.addf %add3A, %integer_pow3A_30 : vector<32x256xf32>
    %swap3A = arith.constant 0 : index
    %swap3A_32 = arith.constant 0 : index
    %swap3A_33 = vector.load %arg6[%swap3A, %swap3A_32] : memref<32x256xf32, #tpu.memory_space<vmem>>, vector<32x256xf32>
    tpu.vector_store %arg6[%swap3A, %swap3A_32], %add3A_31 {strides = array<i32>} : memref<32x256xf32, #tpu.memory_space<vmem>>, vector<32x256xf32>,
    %iota3A = tpu.iota {dimensions = array<i32: 1>} : vector<32x32xi32>
    %iota3A_34 = tpu.iota {dimensions = array<i32: 1>} : vector<32x256xi32>
    %broadcast_in_dim3A = arith.constant 0 : i32
    %broadcast_in_dim3A_35 = vector.broadcast %broadcast_in_dim3A : i32 to vector<32x32xi32>
    %broadcast_in_dim3A_36 = arith.constant 0x7F800000 : f32
    %broadcast_in_dim3A_37 = vector.broadcast %broadcast_in_dim3A_36 : f32 to vector<32x32xf32>
    %broadcast_in_dim3A_38 = arith.constant 0.000000e+00 : f32
    %broadcast_in_dim3A_39 = vector.broadcast %broadcast_in_dim3A_38 : f32 to vector<32x1xf32>
    %while3A = arith.constant 0 : i32
    %while3A_40:4 = scf.while (%while3A_53 = %while3A, %while3A_54 = %broadcast_in_dim3A_35, %while3A_55 = %broadcast_in_dim3A_37, %while3A_56 = %broadcast_in_dim3A_39) : (i32, vector<32x32xi32>, vector<32x32xf32>, vector<32x1xf32>) -> (i32, vector<32x32xi32>, vector<32x32xf32>, vector<32x1xf32>) {
      %lt3A = arith.constant 32 : i32
      %lt3A_57 = arith.cmpi slt, %while3A_53, %lt3A : i32
      %eq3A = arith.constant 0 : i32
      %eq3A_58 = arith.cmpi eq, %while3A_53, %eq3A : i32
      %reduce_min3A = vector.shape_cast %while3A_56 : vector<32x1xf32> to vector<1x32x1xf32>
      %reduce_min3A_59 = arith.constant dense<0x7F800000> : vector<1xf32>
      %reduce_min3A_60 = vector.multi_reduction <minimumf>, %reduce_min3A, %reduce_min3A_59 [1, 2] : vector<1x32x1xf32> to vector<1xf32>
      %reduce_min3A_61 = vector.shape_cast %reduce_min3A_60 : vector<1xf32> to vector<1x1x1xf32>
      %reduce_min3A_62 = vector.extract %reduce_min3A_61[0, 0, 0] : f32 from vector<1x1x1xf32>
      %le3A = arith.constant 4.096000e+01 : f32
      %le3A_63 = arith.cmpf ole, %reduce_min3A_62, %le3A : f32
      %or3A = arith.ori %eq3A_58, %le3A_63 : i1
      %and3A = arith.andi %lt3A_57, %or3A : i1
      scf.condition(%and3A) %while3A_53, %while3A_54, %while3A_55, %while3A_56 : i32, vector<32x32xi32>, vector<32x32xf32>, vector<32x1xf32>
    } do {
    ^bb0(%while3A_53: i32, %while3A_54: vector<32x32xi32>, %while3A_55: vector<32x32xf32>, %while3A_56: vector<32x1xf32>):
      %get3A_57 = arith.constant 0 : index
      %get3A_58 = arith.constant 0 : index
      %get3A_59 = vector.load %arg6[%get3A_57, %get3A_58] : memref<32x256xf32, #tpu.memory_space<vmem>>, vector<32x256xf32>
      %reduce_min3A = arith.constant dense<0x7F800000> : vector<32xf32>
      %reduce_min3A_60 = vector.multi_reduction <minimumf>, %get3A_59, %reduce_min3A [1] : vector<32x256xf32> to vector<32xf32>
      %broadcast_in_dim3A_61 = vector.shape_cast %reduce_min3A_60 : vector<32xf32> to vector<32x1xf32>
      %eq3A = vector.broadcast %broadcast_in_dim3A_61 : vector<32x1xf32> to vector<32x256xf32>
      %eq3A_62 = arith.cmpf oeq, %get3A_59, %eq3A : vector<32x256xf32>
      %jit3A = arith.constant 256 : i32
      %broadcast_in_dim3A_63 = vector.broadcast %jit3A : i32 to vector<32x256xi32>
      %select_n3A = arith.select %eq3A_62, %iota3A_34, %broadcast_in_dim3A_63 : vector<32x256xi1>, vector<32x256xi32>
      %reduce_min3A_64 = arith.constant dense<2147483647> : vector<32xi32>
      %reduce_min3A_65 = vector.multi_reduction <minsi>, %select_n3A, %reduce_min3A_64 [1] : vector<32x256xi32> to vector<32xi32>
      %broadcast_in_dim3A_66 = vector.shape_cast %reduce_min3A_65 : vector<32xi32> to vector<32x1xi32>
      %eq3A_67 = vector.broadcast %while3A_53 : i32 to vector<32x32xi32>
      %eq3A_68 = arith.cmpi eq, %iota3A, %eq3A_67 : vector<32x32xi32>
      %broadcast_in_dim3A_69 = vector.shape_cast %broadcast_in_dim3A_66 : vector<32x1xi32> to vector<32x1xi32>
      %broadcast_in_dim3A_70 = vector.broadcast %broadcast_in_dim3A_69 : vector<32x1xi32> to vector<32x32xi32>
      %select_n3A_71 = arith.select %eq3A_68, %broadcast_in_dim3A_70, %while3A_54 : vector<32x32xi1>, vector<32x32xi32>
      %eq3A_72 = vector.broadcast %while3A_53 : i32 to vector<32x32xi32>
      %eq3A_73 = arith.cmpi eq, %iota3A, %eq3A_72 : vector<32x32xi32>
      %broadcast_in_dim3A_74 = vector.shape_cast %broadcast_in_dim3A_61 : vector<32x1xf32> to vector<32x1xf32>
      %broadcast_in_dim3A_75 = vector.broadcast %broadcast_in_dim3A_74 : vector<32x1xf32> to vector<32x32xf32>
      %select_n3A_76 = arith.select %eq3A_73, %broadcast_in_dim3A_75, %while3A_55 : vector<32x32xi1>, vector<32x32xf32>
      %eq3A_77 = vector.broadcast %broadcast_in_dim3A_66 : vector<32x1xi32> to vector<32x256xi32>
      %eq3A_78 = arith.cmpi eq, %iota3A_34, %eq3A_77 : vector<32x256xi32>
      %jit3A_79 = arith.constant 0x7F800000 : f32
      %broadcast_in_dim3A_80 = vector.broadcast %jit3A_79 : f32 to vector<32x256xf32>
      %select_n3A_81 = arith.select %eq3A_78, %broadcast_in_dim3A_80, %get3A_59 : vector<32x256xi1>, vector<32x256xf32>
      %swap3A_82 = arith.constant 0 : index
      %swap3A_83 = arith.constant 0 : index
      %swap3A_84 = vector.load %arg6[%swap3A_82, %swap3A_83] : memref<32x256xf32, #tpu.memory_space<vmem>>, vector<32x256xf32>
      tpu.vector_store %arg6[%swap3A_82, %swap3A_83], %select_n3A_81 {strides = array<i32>} : memref<32x256xf32, #tpu.memory_space<vmem>>, vector<32x256xf32>,
      %add3A_85 = arith.constant 1 : i32
      %add3A_86 = arith.addi %while3A_53, %add3A_85 : i32
      scf.yield %add3A_86, %select_n3A_71, %select_n3A_76, %broadcast_in_dim3A_61 : i32, vector<32x32xi32>, vector<32x32xf32>, vector<32x1xf32>
    }
    %swap3A_41 = arith.constant 0 : index
    %swap3A_42 = arith.constant 0 : index
    %swap3A_43 = arith.constant 0 : index
    %swap3A_44 = vector.load %arg4[%swap3A_41, %swap3A_42, %swap3A_43] : memref<1x32x32xi32, #tpu.memory_space<vmem>>, vector<1x32x32xi32>
    %swap3A_45 = vector.shape_cast %swap3A_44 : vector<1x32x32xi32> to vector<32x32xi32>
    %swap3A_46 = vector.shape_cast %while3A_40#1 : vector<32x32xi32> to vector<1x32x32xi32>
    tpu.vector_store %arg4[%swap3A_41, %swap3A_42, %swap3A_43], %swap3A_46 {strides = array<i32>} : memref<1x32x32xi32, #tpu.memory_space<vmem>>, vector<1x32x32xi32>,
    %swap3A_47 = arith.constant 0 : index
    %swap3A_48 = arith.constant 0 : index
    %swap3A_49 = arith.constant 0 : index
    %swap3A_50 = vector.load %arg5[%swap3A_47, %swap3A_48, %swap3A_49] : memref<1x32x32xf32, #tpu.memory_space<vmem>>, vector<1x32x32xf32>
    %swap3A_51 = vector.shape_cast %swap3A_50 : vector<1x32x32xf32> to vector<32x32xf32>
    %swap3A_52 = vector.shape_cast %while3A_40#2 : vector<32x32xf32> to vector<1x32x32xf32>
    tpu.vector_store %arg5[%swap3A_47, %swap3A_48, %swap3A_49], %swap3A_52 {strides = array<i32>} : memref<1x32x32xf32, #tpu.memory_space<vmem>>, vector<1x32x32xf32>,
    return
  }
  func.func @transform_0(%arg0: i32, %arg1: i32) -> (i32, i32, i32) {
    %c0_i32 = arith.constant 0 : i32
    %c0_i32_0 = arith.constant 0 : i32
    return %arg0, %arg1, %c0_i32 : i32, i32, i32
  }
  func.func @transform_1(%arg0: i32, %arg1: i32) -> (i32, i32, i32) {
    %c0_i32 = arith.constant 0 : i32
    %c0_i32_0 = arith.constant 0 : i32
    %c0_i32_1 = arith.constant 0 : i32
    return %arg0, %c0_i32, %c0_i32_0 : i32, i32, i32
  }
  func.func @transform_2(%arg0: i32, %arg1: i32) -> (i32, i32, i32) {
    %c0_i32 = arith.constant 0 : i32
    %c0_i32_0 = arith.constant 0 : i32
    return %arg0, %arg1, %c0_i32 : i32, i32, i32
  }
  func.func @transform_3(%arg0: i32, %arg1: i32) -> (i32, i32, i32) {
    %c0_i32 = arith.constant 0 : i32
    %c0_i32_0 = arith.constant 0 : i32
    return %arg0, %arg1, %c0_i32 : i32, i32, i32
  }
}

module attributes {stable_mosaic.version = 14 : i64} {
  func.func @body(%arg0: i32, %arg1: i32, %arg2: memref<1x64x32x272xf32, #tpu.memory_space<vmem>>, %arg3: memref<1x64x3xf32, #tpu.memory_space<vmem>>, %arg4: memref<1x64x32xf32, #tpu.memory_space<vmem>>, %arg5: memref<259x256xf32, #tpu.memory_space<vmem>>, %arg6: memref<1x256xf32, #tpu.memory_space<vmem>>, %arg7: memref<256x256xf32, #tpu.memory_space<vmem>>, %arg8: memref<1x256xf32, #tpu.memory_space<vmem>>, %arg9: memref<256x512xf32, #tpu.memory_space<vmem>>, %arg10: memref<1x512xf32, #tpu.memory_space<vmem>>, %arg11: memref<259x512xf32, #tpu.memory_space<vmem>>, %arg12: memref<1x512xf32, #tpu.memory_space<vmem>>, %arg13: memref<512x512xf32, #tpu.memory_space<vmem>>, %arg14: memref<1x512xf32, #tpu.memory_space<vmem>>, %arg15: memref<512x512xf32, #tpu.memory_space<vmem>>, %arg16: memref<1x512xf32, #tpu.memory_space<vmem>>, %arg17: memref<1024x512xf32, #tpu.memory_space<vmem>>, %arg18: memref<1x512xf32, #tpu.memory_space<vmem>>, %arg19: memref<1x64x512xf32, #tpu.memory_space<vmem>>) attributes {dimension_semantics = [#tpu.dimension_semantics<arbitrary>, #tpu.dimension_semantics<arbitrary>], iteration_bounds = array<i64: 2, 4>, scalar_prefetch = 0 : i64, scratch_operands = 0 : i64, tpu.core_type = #tpu.core_type<tc>, window_params = [{transform_indices = @transform_0, window_bounds = array<i64: 1, 64, 32, 272>}, {transform_indices = @transform_1, window_bounds = array<i64: 1, 64, 3>}, {transform_indices = @transform_2, window_bounds = array<i64: 1, 64, 32>}, {pipeline_mode = #tpu.pipeline_mode<synchronous>, transform_indices = @transform_3, window_bounds = array<i64: 259, 256>}, {pipeline_mode = #tpu.pipeline_mode<synchronous>, transform_indices = @transform_4, window_bounds = array<i64: 1, 256>}, {pipeline_mode = #tpu.pipeline_mode<synchronous>, transform_indices = @transform_5, window_bounds = array<i64: 256, 256>}, {pipeline_mode = #tpu.pipeline_mode<synchronous>, transform_indices = @transform_6, window_bounds = array<i64: 1, 256>}, {pipeline_mode = #tpu.pipeline_mode<synchronous>, transform_indices = @transform_7, window_bounds = array<i64: 256, 512>}, {pipeline_mode = #tpu.pipeline_mode<synchronous>, transform_indices = @transform_8, window_bounds = array<i64: 1, 512>}, {pipeline_mode = #tpu.pipeline_mode<synchronous>, transform_indices = @transform_9, window_bounds = array<i64: 259, 512>}, {pipeline_mode = #tpu.pipeline_mode<synchronous>, transform_indices = @transform_10, window_bounds = array<i64: 1, 512>}, {pipeline_mode = #tpu.pipeline_mode<synchronous>, transform_indices = @transform_11, window_bounds = array<i64: 512, 512>}, {pipeline_mode = #tpu.pipeline_mode<synchronous>, transform_indices = @transform_12, window_bounds = array<i64: 1, 512>}, {pipeline_mode = #tpu.pipeline_mode<synchronous>, transform_indices = @transform_13, window_bounds = array<i64: 512, 512>}, {pipeline_mode = #tpu.pipeline_mode<synchronous>, transform_indices = @transform_14, window_bounds = array<i64: 1, 512>}, {pipeline_mode = #tpu.pipeline_mode<synchronous>, transform_indices = @transform_15, window_bounds = array<i64: 1024, 512>}, {pipeline_mode = #tpu.pipeline_mode<synchronous>, transform_indices = @transform_16, window_bounds = array<i64: 1, 512>}, {transform_indices = @transform_17, window_bounds = array<i64: 1, 64, 512>}]} {
    %get3A = arith.constant 0 : index
    %get3A_0 = arith.constant 0 : index
    %get3A_1 = arith.constant 0 : index
    %get3A_2 = arith.constant 0 : index
    %get3A_3 = vector.load %arg2[%get3A, %get3A_0, %get3A_1, %get3A_2] : memref<1x64x32x272xf32, #tpu.memory_space<vmem>>, vector<1x64x32x272xf32>
    %get3A_4 = vector.shape_cast %get3A_3 : vector<1x64x32x272xf32> to vector<64x32x272xf32>
    %get3A_5 = arith.constant 0 : index
    %get3A_6 = arith.constant 0 : index
    %get3A_7 = arith.constant 0 : index
    %get3A_8 = vector.load %arg3[%get3A_5, %get3A_6, %get3A_7] : memref<1x64x3xf32, #tpu.memory_space<vmem>>, vector<1x64x3xf32>
    %get3A_9 = vector.shape_cast %get3A_8 : vector<1x64x3xf32> to vector<64x3xf32>
    %get3A_10 = arith.constant 0 : index
    %get3A_11 = arith.constant 0 : index
    %get3A_12 = arith.constant 0 : index
    %get3A_13 = vector.load %arg4[%get3A_10, %get3A_11, %get3A_12] : memref<1x64x32xf32, #tpu.memory_space<vmem>>, vector<1x64x32xf32>
    %get3A_14 = vector.shape_cast %get3A_13 : vector<1x64x32xf32> to vector<64x32xf32>
    %slice3A = vector.extract_strided_slice %get3A_4 {offsets = [0, 0, 0], sizes = [64, 32, 3], strides = [1, 1, 1]} : vector<64x32x272xf32> to vector<64x32x3xf32>
    %broadcast_in_dim3A = vector.shape_cast %get3A_9 : vector<64x3xf32> to vector<64x1x3xf32>
    %sub3A = vector.broadcast %broadcast_in_dim3A : vector<64x1x3xf32> to vector<64x32x3xf32>
    %sub3A_15 = arith.subf %slice3A, %sub3A : vector<64x32x3xf32>
    %slice3A_16 = vector.extract_strided_slice %get3A_4 {offsets = [0, 0, 3], sizes = [64, 32, 256], strides = [1, 1, 1]} : vector<64x32x272xf32> to vector<64x32x256xf32>
    %concatenate3A = tpu.concatenate %sub3A_15, %slice3A_16 in 2 : vector<64x32x3xf32>, vector<64x32x256xf32> -> vector<64x32x259xf32>
    %slice3A_17 = vector.extract_strided_slice %concatenate3A {offsets = [0, 0, 0], sizes = [64, 16, 259], strides = [1, 1, 1]} : vector<64x32x259xf32> to vector<64x16x259xf32>
    %reshape3A = vector.shape_cast %slice3A_17 : vector<64x16x259xf32> to vector<1024x259xf32>
    %get3A_18 = arith.constant 0 : index
    %get3A_19 = arith.constant 0 : index
    %get3A_20 = vector.load %arg5[%get3A_18, %get3A_19] : memref<259x256xf32, #tpu.memory_space<vmem>>, vector<259x256xf32>
    %get3A_21 = arith.constant 0 : index
    %get3A_22 = arith.constant 0 : index
    %get3A_23 = vector.load %arg6[%get3A_21, %get3A_22] : memref<1x256xf32, #tpu.memory_space<vmem>>, vector<1x256xf32>
    %dot_general3A = arith.constant dense<0.000000e+00> : vector<1024x256xf32>
    %dot_general3A_24 = tpu.matmul %reshape3A, %get3A_20, %dot_general3A {dimension_numbers = #tpu.dot_dimension_numbers<[1], [0], [0], [1], [0, 0, 1, 1], [], []>, transpose_lhs_hint = false} : vector<1024x259xf32>, vector<259x256xf32>, vector<1024x256xf32> -> vector<1024x256xf32>
    %add3A = vector.broadcast %get3A_23 : vector<1x256xf32> to vector<1024x256xf32>
    %add3A_25 = arith.addf %dot_general3A_24, %add3A : vector<1024x256xf32>
    %max3A = arith.constant 0.000000e+00 : f32
    %max3A_26 = vector.broadcast %max3A : f32 to vector<1024x256xf32>
    %max3A_27 = arith.maximumf %add3A_25, %max3A_26 : vector<1024x256xf32>
    %get3A_28 = arith.constant 0 : index
    %get3A_29 = arith.constant 0 : index
    %get3A_30 = vector.load %arg7[%get3A_28, %get3A_29] : memref<256x256xf32, #tpu.memory_space<vmem>>, vector<256x256xf32>
    %get3A_31 = arith.constant 0 : index
    %get3A_32 = arith.constant 0 : index
    %get3A_33 = vector.load %arg8[%get3A_31, %get3A_32] : memref<1x256xf32, #tpu.memory_space<vmem>>, vector<1x256xf32>
    %dot_general3A_34 = arith.constant dense<0.000000e+00> : vector<1024x256xf32>
    %dot_general3A_35 = tpu.matmul %max3A_27, %get3A_30, %dot_general3A_34 {dimension_numbers = #tpu.dot_dimension_numbers<[1], [0], [0], [1], [0, 0, 1, 1], [], []>, transpose_lhs_hint = false} : vector<1024x256xf32>, vector<256x256xf32>, vector<1024x256xf32> -> vector<1024x256xf32>
    %add3A_36 = vector.broadcast %get3A_33 : vector<1x256xf32> to vector<1024x256xf32>
    %add3A_37 = arith.addf %dot_general3A_35, %add3A_36 : vector<1024x256xf32>
    %max3A_38 = arith.constant 0.000000e+00 : f32
    %max3A_39 = vector.broadcast %max3A_38 : f32 to vector<1024x256xf32>
    %max3A_40 = arith.maximumf %add3A_37, %max3A_39 : vector<1024x256xf32>
    %get3A_41 = arith.constant 0 : index
    %get3A_42 = arith.constant 0 : index
    %get3A_43 = vector.load %arg9[%get3A_41, %get3A_42] : memref<256x512xf32, #tpu.memory_space<vmem>>, vector<256x512xf32>
    %get3A_44 = arith.constant 0 : index
    %get3A_45 = arith.constant 0 : index
    %get3A_46 = vector.load %arg10[%get3A_44, %get3A_45] : memref<1x512xf32, #tpu.memory_space<vmem>>, vector<1x512xf32>
    %dot_general3A_47 = arith.constant dense<0.000000e+00> : vector<1024x512xf32>
    %dot_general3A_48 = tpu.matmul %max3A_40, %get3A_43, %dot_general3A_47 {dimension_numbers = #tpu.dot_dimension_numbers<[1], [0], [0], [1], [0, 0, 1, 1], [], []>, transpose_lhs_hint = false} : vector<1024x256xf32>, vector<256x512xf32>, vector<1024x512xf32> -> vector<1024x512xf32>
    %add3A_49 = vector.broadcast %get3A_46 : vector<1x512xf32> to vector<1024x512xf32>
    %add3A_50 = arith.addf %dot_general3A_48, %add3A_49 : vector<1024x512xf32>
    %max3A_51 = arith.constant 0.000000e+00 : f32
    %max3A_52 = vector.broadcast %max3A_51 : f32 to vector<1024x512xf32>
    %max3A_53 = arith.maximumf %add3A_50, %max3A_52 : vector<1024x512xf32>
    %reshape3A_54 = vector.shape_cast %max3A_53 : vector<1024x512xf32> to vector<64x16x512xf32>
    %slice3A_55 = vector.extract_strided_slice %get3A_14 {offsets = [0, 0], sizes = [64, 16], strides = [1, 1]} : vector<64x32xf32> to vector<64x16xf32>
    %le3A = arith.constant 2.304000e+01 : f32
    %le3A_56 = vector.broadcast %le3A : f32 to vector<64x16xf32>
    %le3A_57 = arith.cmpf ole, %slice3A_55, %le3A_56 : vector<64x16xf32>
    %slice3A_58 = vector.extract_strided_slice %reshape3A_54 {offsets = [0, 0, 0], sizes = [64, 1, 512], strides = [1, 1, 1]} : vector<64x16x512xf32> to vector<64x1x512xf32>
    %squeeze3A = vector.shape_cast %slice3A_58 : vector<64x1x512xf32> to vector<64x512xf32>
    %slice3A_59 = vector.extract_strided_slice %le3A_57 {offsets = [0, 1], sizes = [64, 1], strides = [1, 1]} : vector<64x16xi1> to vector<64x1xi1>
    %slice3A_60 = vector.extract_strided_slice %reshape3A_54 {offsets = [0, 1, 0], sizes = [64, 1, 512], strides = [1, 1, 1]} : vector<64x16x512xf32> to vector<64x1x512xf32>
    %squeeze3A_61 = vector.shape_cast %slice3A_60 : vector<64x1x512xf32> to vector<64x512xf32>
    %jit3A = arith.constant 0.000000e+00 : f32
    %broadcast_in_dim3A_62 = vector.shape_cast %slice3A_59 : vector<64x1xi1> to vector<64x1xi1>
    %broadcast_in_dim3A_63 = vector.broadcast %broadcast_in_dim3A_62 : vector<64x1xi1> to vector<64x512xi1>
    %broadcast_in_dim3A_64 = vector.broadcast %jit3A : f32 to vector<64x512xf32>
    %select_n3A = arith.select %broadcast_in_dim3A_63, %squeeze3A_61, %broadcast_in_dim3A_64 : vector<64x512xi1>, vector<64x512xf32>
    %max3A_65 = arith.maximumf %squeeze3A, %select_n3A : vector<64x512xf32>
    %slice3A_66 = vector.extract_strided_slice %le3A_57 {offsets = [0, 2], sizes = [64, 1], strides = [1, 1]} : vector<64x16xi1> to vector<64x1xi1>
    %slice3A_67 = vector.extract_strided_slice %reshape3A_54 {offsets = [0, 2, 0], sizes = [64, 1, 512], strides = [1, 1, 1]} : vector<64x16x512xf32> to vector<64x1x512xf32>
    %squeeze3A_68 = vector.shape_cast %slice3A_67 : vector<64x1x512xf32> to vector<64x512xf32>
    %jit3A_69 = arith.constant 0.000000e+00 : f32
    %broadcast_in_dim3A_70 = vector.shape_cast %slice3A_66 : vector<64x1xi1> to vector<64x1xi1>
    %broadcast_in_dim3A_71 = vector.broadcast %broadcast_in_dim3A_70 : vector<64x1xi1> to vector<64x512xi1>
    %broadcast_in_dim3A_72 = vector.broadcast %jit3A_69 : f32 to vector<64x512xf32>
    %select_n3A_73 = arith.select %broadcast_in_dim3A_71, %squeeze3A_68, %broadcast_in_dim3A_72 : vector<64x512xi1>, vector<64x512xf32>
    %max3A_74 = arith.maximumf %max3A_65, %select_n3A_73 : vector<64x512xf32>
    %slice3A_75 = vector.extract_strided_slice %le3A_57 {offsets = [0, 3], sizes = [64, 1], strides = [1, 1]} : vector<64x16xi1> to vector<64x1xi1>
    %slice3A_76 = vector.extract_strided_slice %reshape3A_54 {offsets = [0, 3, 0], sizes = [64, 1, 512], strides = [1, 1, 1]} : vector<64x16x512xf32> to vector<64x1x512xf32>
    %squeeze3A_77 = vector.shape_cast %slice3A_76 : vector<64x1x512xf32> to vector<64x512xf32>
    %jit3A_78 = arith.constant 0.000000e+00 : f32
    %broadcast_in_dim3A_79 = vector.shape_cast %slice3A_75 : vector<64x1xi1> to vector<64x1xi1>
    %broadcast_in_dim3A_80 = vector.broadcast %broadcast_in_dim3A_79 : vector<64x1xi1> to vector<64x512xi1>
    %broadcast_in_dim3A_81 = vector.broadcast %jit3A_78 : f32 to vector<64x512xf32>
    %select_n3A_82 = arith.select %broadcast_in_dim3A_80, %squeeze3A_77, %broadcast_in_dim3A_81 : vector<64x512xi1>, vector<64x512xf32>
    %max3A_83 = arith.maximumf %max3A_74, %select_n3A_82 : vector<64x512xf32>
    %slice3A_84 = vector.extract_strided_slice %le3A_57 {offsets = [0, 4], sizes = [64, 1], strides = [1, 1]} : vector<64x16xi1> to vector<64x1xi1>
    %slice3A_85 = vector.extract_strided_slice %reshape3A_54 {offsets = [0, 4, 0], sizes = [64, 1, 512], strides = [1, 1, 1]} : vector<64x16x512xf32> to vector<64x1x512xf32>
    %squeeze3A_86 = vector.shape_cast %slice3A_85 : vector<64x1x512xf32> to vector<64x512xf32>
    %jit3A_87 = arith.constant 0.000000e+00 : f32
    %broadcast_in_dim3A_88 = vector.shape_cast %slice3A_84 : vector<64x1xi1> to vector<64x1xi1>
    %broadcast_in_dim3A_89 = vector.broadcast %broadcast_in_dim3A_88 : vector<64x1xi1> to vector<64x512xi1>
    %broadcast_in_dim3A_90 = vector.broadcast %jit3A_87 : f32 to vector<64x512xf32>
    %select_n3A_91 = arith.select %broadcast_in_dim3A_89, %squeeze3A_86, %broadcast_in_dim3A_90 : vector<64x512xi1>, vector<64x512xf32>
    %max3A_92 = arith.maximumf %max3A_83, %select_n3A_91 : vector<64x512xf32>
    %slice3A_93 = vector.extract_strided_slice %le3A_57 {offsets = [0, 5], sizes = [64, 1], strides = [1, 1]} : vector<64x16xi1> to vector<64x1xi1>
    %slice3A_94 = vector.extract_strided_slice %reshape3A_54 {offsets = [0, 5, 0], sizes = [64, 1, 512], strides = [1, 1, 1]} : vector<64x16x512xf32> to vector<64x1x512xf32>
    %squeeze3A_95 = vector.shape_cast %slice3A_94 : vector<64x1x512xf32> to vector<64x512xf32>
    %jit3A_96 = arith.constant 0.000000e+00 : f32
    %broadcast_in_dim3A_97 = vector.shape_cast %slice3A_93 : vector<64x1xi1> to vector<64x1xi1>
    %broadcast_in_dim3A_98 = vector.broadcast %broadcast_in_dim3A_97 : vector<64x1xi1> to vector<64x512xi1>
    %broadcast_in_dim3A_99 = vector.broadcast %jit3A_96 : f32 to vector<64x512xf32>
    %select_n3A_100 = arith.select %broadcast_in_dim3A_98, %squeeze3A_95, %broadcast_in_dim3A_99 : vector<64x512xi1>, vector<64x512xf32>
    %max3A_101 = arith.maximumf %max3A_92, %select_n3A_100 : vector<64x512xf32>
    %slice3A_102 = vector.extract_strided_slice %le3A_57 {offsets = [0, 6], sizes = [64, 1], strides = [1, 1]} : vector<64x16xi1> to vector<64x1xi1>
    %slice3A_103 = vector.extract_strided_slice %reshape3A_54 {offsets = [0, 6, 0], sizes = [64, 1, 512], strides = [1, 1, 1]} : vector<64x16x512xf32> to vector<64x1x512xf32>
    %squeeze3A_104 = vector.shape_cast %slice3A_103 : vector<64x1x512xf32> to vector<64x512xf32>
    %jit3A_105 = arith.constant 0.000000e+00 : f32
    %broadcast_in_dim3A_106 = vector.shape_cast %slice3A_102 : vector<64x1xi1> to vector<64x1xi1>
    %broadcast_in_dim3A_107 = vector.broadcast %broadcast_in_dim3A_106 : vector<64x1xi1> to vector<64x512xi1>
    %broadcast_in_dim3A_108 = vector.broadcast %jit3A_105 : f32 to vector<64x512xf32>
    %select_n3A_109 = arith.select %broadcast_in_dim3A_107, %squeeze3A_104, %broadcast_in_dim3A_108 : vector<64x512xi1>, vector<64x512xf32>
    %max3A_110 = arith.maximumf %max3A_101, %select_n3A_109 : vector<64x512xf32>
    %slice3A_111 = vector.extract_strided_slice %le3A_57 {offsets = [0, 7], sizes = [64, 1], strides = [1, 1]} : vector<64x16xi1> to vector<64x1xi1>
    %slice3A_112 = vector.extract_strided_slice %reshape3A_54 {offsets = [0, 7, 0], sizes = [64, 1, 512], strides = [1, 1, 1]} : vector<64x16x512xf32> to vector<64x1x512xf32>
    %squeeze3A_113 = vector.shape_cast %slice3A_112 : vector<64x1x512xf32> to vector<64x512xf32>
    %jit3A_114 = arith.constant 0.000000e+00 : f32
    %broadcast_in_dim3A_115 = vector.shape_cast %slice3A_111 : vector<64x1xi1> to vector<64x1xi1>
    %broadcast_in_dim3A_116 = vector.broadcast %broadcast_in_dim3A_115 : vector<64x1xi1> to vector<64x512xi1>
    %broadcast_in_dim3A_117 = vector.broadcast %jit3A_114 : f32 to vector<64x512xf32>
    %select_n3A_118 = arith.select %broadcast_in_dim3A_116, %squeeze3A_113, %broadcast_in_dim3A_117 : vector<64x512xi1>, vector<64x512xf32>
    %max3A_119 = arith.maximumf %max3A_110, %select_n3A_118 : vector<64x512xf32>
    %slice3A_120 = vector.extract_strided_slice %le3A_57 {offsets = [0, 8], sizes = [64, 1], strides = [1, 1]} : vector<64x16xi1> to vector<64x1xi1>
    %slice3A_121 = vector.extract_strided_slice %reshape3A_54 {offsets = [0, 8, 0], sizes = [64, 1, 512], strides = [1, 1, 1]} : vector<64x16x512xf32> to vector<64x1x512xf32>
    %squeeze3A_122 = vector.shape_cast %slice3A_121 : vector<64x1x512xf32> to vector<64x512xf32>
    %jit3A_123 = arith.constant 0.000000e+00 : f32
    %broadcast_in_dim3A_124 = vector.shape_cast %slice3A_120 : vector<64x1xi1> to vector<64x1xi1>
    %broadcast_in_dim3A_125 = vector.broadcast %broadcast_in_dim3A_124 : vector<64x1xi1> to vector<64x512xi1>
    %broadcast_in_dim3A_126 = vector.broadcast %jit3A_123 : f32 to vector<64x512xf32>
    %select_n3A_127 = arith.select %broadcast_in_dim3A_125, %squeeze3A_122, %broadcast_in_dim3A_126 : vector<64x512xi1>, vector<64x512xf32>
    %max3A_128 = arith.maximumf %max3A_119, %select_n3A_127 : vector<64x512xf32>
    %slice3A_129 = vector.extract_strided_slice %le3A_57 {offsets = [0, 9], sizes = [64, 1], strides = [1, 1]} : vector<64x16xi1> to vector<64x1xi1>
    %slice3A_130 = vector.extract_strided_slice %reshape3A_54 {offsets = [0, 9, 0], sizes = [64, 1, 512], strides = [1, 1, 1]} : vector<64x16x512xf32> to vector<64x1x512xf32>
    %squeeze3A_131 = vector.shape_cast %slice3A_130 : vector<64x1x512xf32> to vector<64x512xf32>
    %jit3A_132 = arith.constant 0.000000e+00 : f32
    %broadcast_in_dim3A_133 = vector.shape_cast %slice3A_129 : vector<64x1xi1> to vector<64x1xi1>
    %broadcast_in_dim3A_134 = vector.broadcast %broadcast_in_dim3A_133 : vector<64x1xi1> to vector<64x512xi1>
    %broadcast_in_dim3A_135 = vector.broadcast %jit3A_132 : f32 to vector<64x512xf32>
    %select_n3A_136 = arith.select %broadcast_in_dim3A_134, %squeeze3A_131, %broadcast_in_dim3A_135 : vector<64x512xi1>, vector<64x512xf32>
    %max3A_137 = arith.maximumf %max3A_128, %select_n3A_136 : vector<64x512xf32>
    %slice3A_138 = vector.extract_strided_slice %le3A_57 {offsets = [0, 10], sizes = [64, 1], strides = [1, 1]} : vector<64x16xi1> to vector<64x1xi1>
    %slice3A_139 = vector.extract_strided_slice %reshape3A_54 {offsets = [0, 10, 0], sizes = [64, 1, 512], strides = [1, 1, 1]} : vector<64x16x512xf32> to vector<64x1x512xf32>
    %squeeze3A_140 = vector.shape_cast %slice3A_139 : vector<64x1x512xf32> to vector<64x512xf32>
    %jit3A_141 = arith.constant 0.000000e+00 : f32
    %broadcast_in_dim3A_142 = vector.shape_cast %slice3A_138 : vector<64x1xi1> to vector<64x1xi1>
    %broadcast_in_dim3A_143 = vector.broadcast %broadcast_in_dim3A_142 : vector<64x1xi1> to vector<64x512xi1>
    %broadcast_in_dim3A_144 = vector.broadcast %jit3A_141 : f32 to vector<64x512xf32>
    %select_n3A_145 = arith.select %broadcast_in_dim3A_143, %squeeze3A_140, %broadcast_in_dim3A_144 : vector<64x512xi1>, vector<64x512xf32>
    %max3A_146 = arith.maximumf %max3A_137, %select_n3A_145 : vector<64x512xf32>
    %slice3A_147 = vector.extract_strided_slice %le3A_57 {offsets = [0, 11], sizes = [64, 1], strides = [1, 1]} : vector<64x16xi1> to vector<64x1xi1>
    %slice3A_148 = vector.extract_strided_slice %reshape3A_54 {offsets = [0, 11, 0], sizes = [64, 1, 512], strides = [1, 1, 1]} : vector<64x16x512xf32> to vector<64x1x512xf32>
    %squeeze3A_149 = vector.shape_cast %slice3A_148 : vector<64x1x512xf32> to vector<64x512xf32>
    %jit3A_150 = arith.constant 0.000000e+00 : f32
    %broadcast_in_dim3A_151 = vector.shape_cast %slice3A_147 : vector<64x1xi1> to vector<64x1xi1>
    %broadcast_in_dim3A_152 = vector.broadcast %broadcast_in_dim3A_151 : vector<64x1xi1> to vector<64x512xi1>
    %broadcast_in_dim3A_153 = vector.broadcast %jit3A_150 : f32 to vector<64x512xf32>
    %select_n3A_154 = arith.select %broadcast_in_dim3A_152, %squeeze3A_149, %broadcast_in_dim3A_153 : vector<64x512xi1>, vector<64x512xf32>
    %max3A_155 = arith.maximumf %max3A_146, %select_n3A_154 : vector<64x512xf32>
    %slice3A_156 = vector.extract_strided_slice %le3A_57 {offsets = [0, 12], sizes = [64, 1], strides = [1, 1]} : vector<64x16xi1> to vector<64x1xi1>
    %slice3A_157 = vector.extract_strided_slice %reshape3A_54 {offsets = [0, 12, 0], sizes = [64, 1, 512], strides = [1, 1, 1]} : vector<64x16x512xf32> to vector<64x1x512xf32>
    %squeeze3A_158 = vector.shape_cast %slice3A_157 : vector<64x1x512xf32> to vector<64x512xf32>
    %jit3A_159 = arith.constant 0.000000e+00 : f32
    %broadcast_in_dim3A_160 = vector.shape_cast %slice3A_156 : vector<64x1xi1> to vector<64x1xi1>
    %broadcast_in_dim3A_161 = vector.broadcast %broadcast_in_dim3A_160 : vector<64x1xi1> to vector<64x512xi1>
    %broadcast_in_dim3A_162 = vector.broadcast %jit3A_159 : f32 to vector<64x512xf32>
    %select_n3A_163 = arith.select %broadcast_in_dim3A_161, %squeeze3A_158, %broadcast_in_dim3A_162 : vector<64x512xi1>, vector<64x512xf32>
    %max3A_164 = arith.maximumf %max3A_155, %select_n3A_163 : vector<64x512xf32>
    %slice3A_165 = vector.extract_strided_slice %le3A_57 {offsets = [0, 13], sizes = [64, 1], strides = [1, 1]} : vector<64x16xi1> to vector<64x1xi1>
    %slice3A_166 = vector.extract_strided_slice %reshape3A_54 {offsets = [0, 13, 0], sizes = [64, 1, 512], strides = [1, 1, 1]} : vector<64x16x512xf32> to vector<64x1x512xf32>
    %squeeze3A_167 = vector.shape_cast %slice3A_166 : vector<64x1x512xf32> to vector<64x512xf32>
    %jit3A_168 = arith.constant 0.000000e+00 : f32
    %broadcast_in_dim3A_169 = vector.shape_cast %slice3A_165 : vector<64x1xi1> to vector<64x1xi1>
    %broadcast_in_dim3A_170 = vector.broadcast %broadcast_in_dim3A_169 : vector<64x1xi1> to vector<64x512xi1>
    %broadcast_in_dim3A_171 = vector.broadcast %jit3A_168 : f32 to vector<64x512xf32>
    %select_n3A_172 = arith.select %broadcast_in_dim3A_170, %squeeze3A_167, %broadcast_in_dim3A_171 : vector<64x512xi1>, vector<64x512xf32>
    %max3A_173 = arith.maximumf %max3A_164, %select_n3A_172 : vector<64x512xf32>
    %slice3A_174 = vector.extract_strided_slice %le3A_57 {offsets = [0, 14], sizes = [64, 1], strides = [1, 1]} : vector<64x16xi1> to vector<64x1xi1>
    %slice3A_175 = vector.extract_strided_slice %reshape3A_54 {offsets = [0, 14, 0], sizes = [64, 1, 512], strides = [1, 1, 1]} : vector<64x16x512xf32> to vector<64x1x512xf32>
    %squeeze3A_176 = vector.shape_cast %slice3A_175 : vector<64x1x512xf32> to vector<64x512xf32>
    %jit3A_177 = arith.constant 0.000000e+00 : f32
    %broadcast_in_dim3A_178 = vector.shape_cast %slice3A_174 : vector<64x1xi1> to vector<64x1xi1>
    %broadcast_in_dim3A_179 = vector.broadcast %broadcast_in_dim3A_178 : vector<64x1xi1> to vector<64x512xi1>
    %broadcast_in_dim3A_180 = vector.broadcast %jit3A_177 : f32 to vector<64x512xf32>
    %select_n3A_181 = arith.select %broadcast_in_dim3A_179, %squeeze3A_176, %broadcast_in_dim3A_180 : vector<64x512xi1>, vector<64x512xf32>
    %max3A_182 = arith.maximumf %max3A_173, %select_n3A_181 : vector<64x512xf32>
    %slice3A_183 = vector.extract_strided_slice %le3A_57 {offsets = [0, 15], sizes = [64, 1], strides = [1, 1]} : vector<64x16xi1> to vector<64x1xi1>
    %slice3A_184 = vector.extract_strided_slice %reshape3A_54 {offsets = [0, 15, 0], sizes = [64, 1, 512], strides = [1, 1, 1]} : vector<64x16x512xf32> to vector<64x1x512xf32>
    %squeeze3A_185 = vector.shape_cast %slice3A_184 : vector<64x1x512xf32> to vector<64x512xf32>
    %jit3A_186 = arith.constant 0.000000e+00 : f32
    %broadcast_in_dim3A_187 = vector.shape_cast %slice3A_183 : vector<64x1xi1> to vector<64x1xi1>
    %broadcast_in_dim3A_188 = vector.broadcast %broadcast_in_dim3A_187 : vector<64x1xi1> to vector<64x512xi1>
    %broadcast_in_dim3A_189 = vector.broadcast %jit3A_186 : f32 to vector<64x512xf32>
    %select_n3A_190 = arith.select %broadcast_in_dim3A_188, %squeeze3A_185, %broadcast_in_dim3A_189 : vector<64x512xi1>, vector<64x512xf32>
    %max3A_191 = arith.maximumf %max3A_182, %select_n3A_190 : vector<64x512xf32>
    %reshape3A_192 = vector.shape_cast %concatenate3A : vector<64x32x259xf32> to vector<2048x259xf32>
    %get3A_193 = arith.constant 0 : index
    %get3A_194 = arith.constant 0 : index
    %get3A_195 = vector.load %arg11[%get3A_193, %get3A_194] : memref<259x512xf32, #tpu.memory_space<vmem>>, vector<259x512xf32>
    %get3A_196 = arith.constant 0 : index
    %get3A_197 = arith.constant 0 : index
    %get3A_198 = vector.load %arg12[%get3A_196, %get3A_197] : memref<1x512xf32, #tpu.memory_space<vmem>>, vector<1x512xf32>
    %dot_general3A_199 = arith.constant dense<0.000000e+00> : vector<2048x512xf32>
    %dot_general3A_200 = tpu.matmul %reshape3A_192, %get3A_195, %dot_general3A_199 {dimension_numbers = #tpu.dot_dimension_numbers<[1], [0], [0], [1], [0, 0, 1, 1], [], []>, transpose_lhs_hint = false} : vector<2048x259xf32>, vector<259x512xf32>, vector<2048x512xf32> -> vector<2048x512xf32>
    %add3A_201 = vector.broadcast %get3A_198 : vector<1x512xf32> to vector<2048x512xf32>
    %add3A_202 = arith.addf %dot_general3A_200, %add3A_201 : vector<2048x512xf32>
    %max3A_203 = arith.constant 0.000000e+00 : f32
    %max3A_204 = vector.broadcast %max3A_203 : f32 to vector<2048x512xf32>
    %max3A_205 = arith.maximumf %add3A_202, %max3A_204 : vector<2048x512xf32>
    %get3A_206 = arith.constant 0 : index
    %get3A_207 = arith.constant 0 : index
    %get3A_208 = vector.load %arg13[%get3A_206, %get3A_207] : memref<512x512xf32, #tpu.memory_space<vmem>>, vector<512x512xf32>
    %get3A_209 = arith.constant 0 : index
    %get3A_210 = arith.constant 0 : index
    %get3A_211 = vector.load %arg14[%get3A_209, %get3A_210] : memref<1x512xf32, #tpu.memory_space<vmem>>, vector<1x512xf32>
    %dot_general3A_212 = arith.constant dense<0.000000e+00> : vector<2048x512xf32>
    %dot_general3A_213 = tpu.matmul %max3A_205, %get3A_208, %dot_general3A_212 {dimension_numbers = #tpu.dot_dimension_numbers<[1], [0], [0], [1], [0, 0, 1, 1], [], []>, transpose_lhs_hint = false} : vector<2048x512xf32>, vector<512x512xf32>, vector<2048x512xf32> -> vector<2048x512xf32>
    %add3A_214 = vector.broadcast %get3A_211 : vector<1x512xf32> to vector<2048x512xf32>
    %add3A_215 = arith.addf %dot_general3A_213, %add3A_214 : vector<2048x512xf32>
    %max3A_216 = arith.constant 0.000000e+00 : f32
    %max3A_217 = vector.broadcast %max3A_216 : f32 to vector<2048x512xf32>
    %max3A_218 = arith.maximumf %add3A_215, %max3A_217 : vector<2048x512xf32>
    %get3A_219 = arith.constant 0 : index
    %get3A_220 = arith.constant 0 : index
    %get3A_221 = vector.load %arg15[%get3A_219, %get3A_220] : memref<512x512xf32, #tpu.memory_space<vmem>>, vector<512x512xf32>
    %get3A_222 = arith.constant 0 : index
    %get3A_223 = arith.constant 0 : index
    %get3A_224 = vector.load %arg16[%get3A_222, %get3A_223] : memref<1x512xf32, #tpu.memory_space<vmem>>, vector<1x512xf32>
    %dot_general3A_225 = arith.constant dense<0.000000e+00> : vector<2048x512xf32>
    %dot_general3A_226 = tpu.matmul %max3A_218, %get3A_221, %dot_general3A_225 {dimension_numbers = #tpu.dot_dimension_numbers<[1], [0], [0], [1], [0, 0, 1, 1], [], []>, transpose_lhs_hint = false} : vector<2048x512xf32>, vector<512x512xf32>, vector<2048x512xf32> -> vector<2048x512xf32>
    %add3A_227 = vector.broadcast %get3A_224 : vector<1x512xf32> to vector<2048x512xf32>
    %add3A_228 = arith.addf %dot_general3A_226, %add3A_227 : vector<2048x512xf32>
    %max3A_229 = arith.constant 0.000000e+00 : f32
    %max3A_230 = vector.broadcast %max3A_229 : f32 to vector<2048x512xf32>
    %max3A_231 = arith.maximumf %add3A_228, %max3A_230 : vector<2048x512xf32>
    %reshape3A_232 = vector.shape_cast %max3A_231 : vector<2048x512xf32> to vector<64x32x512xf32>
    %le3A_233 = arith.constant 4.096000e+01 : f32
    %le3A_234 = vector.broadcast %le3A_233 : f32 to vector<64x32xf32>
    %le3A_235 = arith.cmpf ole, %get3A_14, %le3A_234 : vector<64x32xf32>
    %slice3A_236 = vector.extract_strided_slice %reshape3A_232 {offsets = [0, 0, 0], sizes = [64, 1, 512], strides = [1, 1, 1]} : vector<64x32x512xf32> to vector<64x1x512xf32>
    %squeeze3A_237 = vector.shape_cast %slice3A_236 : vector<64x1x512xf32> to vector<64x512xf32>
    %slice3A_238 = vector.extract_strided_slice %le3A_235 {offsets = [0, 1], sizes = [64, 1], strides = [1, 1]} : vector<64x32xi1> to vector<64x1xi1>
    %slice3A_239 = vector.extract_strided_slice %reshape3A_232 {offsets = [0, 1, 0], sizes = [64, 1, 512], strides = [1, 1, 1]} : vector<64x32x512xf32> to vector<64x1x512xf32>
    %squeeze3A_240 = vector.shape_cast %slice3A_239 : vector<64x1x512xf32> to vector<64x512xf32>
    %jit3A_241 = arith.constant 0.000000e+00 : f32
    %broadcast_in_dim3A_242 = vector.shape_cast %slice3A_238 : vector<64x1xi1> to vector<64x1xi1>
    %broadcast_in_dim3A_243 = vector.broadcast %broadcast_in_dim3A_242 : vector<64x1xi1> to vector<64x512xi1>
    %broadcast_in_dim3A_244 = vector.broadcast %jit3A_241 : f32 to vector<64x512xf32>
    %select_n3A_245 = arith.select %broadcast_in_dim3A_243, %squeeze3A_240, %broadcast_in_dim3A_244 : vector<64x512xi1>, vector<64x512xf32>
    %max3A_246 = arith.maximumf %squeeze3A_237, %select_n3A_245 : vector<64x512xf32>
    %slice3A_247 = vector.extract_strided_slice %le3A_235 {offsets = [0, 2], sizes = [64, 1], strides = [1, 1]} : vector<64x32xi1> to vector<64x1xi1>
    %slice3A_248 = vector.extract_strided_slice %reshape3A_232 {offsets = [0, 2, 0], sizes = [64, 1, 512], strides = [1, 1, 1]} : vector<64x32x512xf32> to vector<64x1x512xf32>
    %squeeze3A_249 = vector.shape_cast %slice3A_248 : vector<64x1x512xf32> to vector<64x512xf32>
    %jit3A_250 = arith.constant 0.000000e+00 : f32
    %broadcast_in_dim3A_251 = vector.shape_cast %slice3A_247 : vector<64x1xi1> to vector<64x1xi1>
    %broadcast_in_dim3A_252 = vector.broadcast %broadcast_in_dim3A_251 : vector<64x1xi1> to vector<64x512xi1>
    %broadcast_in_dim3A_253 = vector.broadcast %jit3A_250 : f32 to vector<64x512xf32>
    %select_n3A_254 = arith.select %broadcast_in_dim3A_252, %squeeze3A_249, %broadcast_in_dim3A_253 : vector<64x512xi1>, vector<64x512xf32>
    %max3A_255 = arith.maximumf %max3A_246, %select_n3A_254 : vector<64x512xf32>
    %slice3A_256 = vector.extract_strided_slice %le3A_235 {offsets = [0, 3], sizes = [64, 1], strides = [1, 1]} : vector<64x32xi1> to vector<64x1xi1>
    %slice3A_257 = vector.extract_strided_slice %reshape3A_232 {offsets = [0, 3, 0], sizes = [64, 1, 512], strides = [1, 1, 1]} : vector<64x32x512xf32> to vector<64x1x512xf32>
    %squeeze3A_258 = vector.shape_cast %slice3A_257 : vector<64x1x512xf32> to vector<64x512xf32>
    %jit3A_259 = arith.constant 0.000000e+00 : f32
    %broadcast_in_dim3A_260 = vector.shape_cast %slice3A_256 : vector<64x1xi1> to vector<64x1xi1>
    %broadcast_in_dim3A_261 = vector.broadcast %broadcast_in_dim3A_260 : vector<64x1xi1> to vector<64x512xi1>
    %broadcast_in_dim3A_262 = vector.broadcast %jit3A_259 : f32 to vector<64x512xf32>
    %select_n3A_263 = arith.select %broadcast_in_dim3A_261, %squeeze3A_258, %broadcast_in_dim3A_262 : vector<64x512xi1>, vector<64x512xf32>
    %max3A_264 = arith.maximumf %max3A_255, %select_n3A_263 : vector<64x512xf32>
    %slice3A_265 = vector.extract_strided_slice %le3A_235 {offsets = [0, 4], sizes = [64, 1], strides = [1, 1]} : vector<64x32xi1> to vector<64x1xi1>
    %slice3A_266 = vector.extract_strided_slice %reshape3A_232 {offsets = [0, 4, 0], sizes = [64, 1, 512], strides = [1, 1, 1]} : vector<64x32x512xf32> to vector<64x1x512xf32>
    %squeeze3A_267 = vector.shape_cast %slice3A_266 : vector<64x1x512xf32> to vector<64x512xf32>
    %jit3A_268 = arith.constant 0.000000e+00 : f32
    %broadcast_in_dim3A_269 = vector.shape_cast %slice3A_265 : vector<64x1xi1> to vector<64x1xi1>
    %broadcast_in_dim3A_270 = vector.broadcast %broadcast_in_dim3A_269 : vector<64x1xi1> to vector<64x512xi1>
    %broadcast_in_dim3A_271 = vector.broadcast %jit3A_268 : f32 to vector<64x512xf32>
    %select_n3A_272 = arith.select %broadcast_in_dim3A_270, %squeeze3A_267, %broadcast_in_dim3A_271 : vector<64x512xi1>, vector<64x512xf32>
    %max3A_273 = arith.maximumf %max3A_264, %select_n3A_272 : vector<64x512xf32>
    %slice3A_274 = vector.extract_strided_slice %le3A_235 {offsets = [0, 5], sizes = [64, 1], strides = [1, 1]} : vector<64x32xi1> to vector<64x1xi1>
    %slice3A_275 = vector.extract_strided_slice %reshape3A_232 {offsets = [0, 5, 0], sizes = [64, 1, 512], strides = [1, 1, 1]} : vector<64x32x512xf32> to vector<64x1x512xf32>
    %squeeze3A_276 = vector.shape_cast %slice3A_275 : vector<64x1x512xf32> to vector<64x512xf32>
    %jit3A_277 = arith.constant 0.000000e+00 : f32
    %broadcast_in_dim3A_278 = vector.shape_cast %slice3A_274 : vector<64x1xi1> to vector<64x1xi1>
    %broadcast_in_dim3A_279 = vector.broadcast %broadcast_in_dim3A_278 : vector<64x1xi1> to vector<64x512xi1>
    %broadcast_in_dim3A_280 = vector.broadcast %jit3A_277 : f32 to vector<64x512xf32>
    %select_n3A_281 = arith.select %broadcast_in_dim3A_279, %squeeze3A_276, %broadcast_in_dim3A_280 : vector<64x512xi1>, vector<64x512xf32>
    %max3A_282 = arith.maximumf %max3A_273, %select_n3A_281 : vector<64x512xf32>
    %slice3A_283 = vector.extract_strided_slice %le3A_235 {offsets = [0, 6], sizes = [64, 1], strides = [1, 1]} : vector<64x32xi1> to vector<64x1xi1>
    %slice3A_284 = vector.extract_strided_slice %reshape3A_232 {offsets = [0, 6, 0], sizes = [64, 1, 512], strides = [1, 1, 1]} : vector<64x32x512xf32> to vector<64x1x512xf32>
    %squeeze3A_285 = vector.shape_cast %slice3A_284 : vector<64x1x512xf32> to vector<64x512xf32>
    %jit3A_286 = arith.constant 0.000000e+00 : f32
    %broadcast_in_dim3A_287 = vector.shape_cast %slice3A_283 : vector<64x1xi1> to vector<64x1xi1>
    %broadcast_in_dim3A_288 = vector.broadcast %broadcast_in_dim3A_287 : vector<64x1xi1> to vector<64x512xi1>
    %broadcast_in_dim3A_289 = vector.broadcast %jit3A_286 : f32 to vector<64x512xf32>
    %select_n3A_290 = arith.select %broadcast_in_dim3A_288, %squeeze3A_285, %broadcast_in_dim3A_289 : vector<64x512xi1>, vector<64x512xf32>
    %max3A_291 = arith.maximumf %max3A_282, %select_n3A_290 : vector<64x512xf32>
    %slice3A_292 = vector.extract_strided_slice %le3A_235 {offsets = [0, 7], sizes = [64, 1], strides = [1, 1]} : vector<64x32xi1> to vector<64x1xi1>
    %slice3A_293 = vector.extract_strided_slice %reshape3A_232 {offsets = [0, 7, 0], sizes = [64, 1, 512], strides = [1, 1, 1]} : vector<64x32x512xf32> to vector<64x1x512xf32>
    %squeeze3A_294 = vector.shape_cast %slice3A_293 : vector<64x1x512xf32> to vector<64x512xf32>
    %jit3A_295 = arith.constant 0.000000e+00 : f32
    %broadcast_in_dim3A_296 = vector.shape_cast %slice3A_292 : vector<64x1xi1> to vector<64x1xi1>
    %broadcast_in_dim3A_297 = vector.broadcast %broadcast_in_dim3A_296 : vector<64x1xi1> to vector<64x512xi1>
    %broadcast_in_dim3A_298 = vector.broadcast %jit3A_295 : f32 to vector<64x512xf32>
    %select_n3A_299 = arith.select %broadcast_in_dim3A_297, %squeeze3A_294, %broadcast_in_dim3A_298 : vector<64x512xi1>, vector<64x512xf32>
    %max3A_300 = arith.maximumf %max3A_291, %select_n3A_299 : vector<64x512xf32>
    %slice3A_301 = vector.extract_strided_slice %le3A_235 {offsets = [0, 8], sizes = [64, 1], strides = [1, 1]} : vector<64x32xi1> to vector<64x1xi1>
    %slice3A_302 = vector.extract_strided_slice %reshape3A_232 {offsets = [0, 8, 0], sizes = [64, 1, 512], strides = [1, 1, 1]} : vector<64x32x512xf32> to vector<64x1x512xf32>
    %squeeze3A_303 = vector.shape_cast %slice3A_302 : vector<64x1x512xf32> to vector<64x512xf32>
    %jit3A_304 = arith.constant 0.000000e+00 : f32
    %broadcast_in_dim3A_305 = vector.shape_cast %slice3A_301 : vector<64x1xi1> to vector<64x1xi1>
    %broadcast_in_dim3A_306 = vector.broadcast %broadcast_in_dim3A_305 : vector<64x1xi1> to vector<64x512xi1>
    %broadcast_in_dim3A_307 = vector.broadcast %jit3A_304 : f32 to vector<64x512xf32>
    %select_n3A_308 = arith.select %broadcast_in_dim3A_306, %squeeze3A_303, %broadcast_in_dim3A_307 : vector<64x512xi1>, vector<64x512xf32>
    %max3A_309 = arith.maximumf %max3A_300, %select_n3A_308 : vector<64x512xf32>
    %slice3A_310 = vector.extract_strided_slice %le3A_235 {offsets = [0, 9], sizes = [64, 1], strides = [1, 1]} : vector<64x32xi1> to vector<64x1xi1>
    %slice3A_311 = vector.extract_strided_slice %reshape3A_232 {offsets = [0, 9, 0], sizes = [64, 1, 512], strides = [1, 1, 1]} : vector<64x32x512xf32> to vector<64x1x512xf32>
    %squeeze3A_312 = vector.shape_cast %slice3A_311 : vector<64x1x512xf32> to vector<64x512xf32>
    %jit3A_313 = arith.constant 0.000000e+00 : f32
    %broadcast_in_dim3A_314 = vector.shape_cast %slice3A_310 : vector<64x1xi1> to vector<64x1xi1>
    %broadcast_in_dim3A_315 = vector.broadcast %broadcast_in_dim3A_314 : vector<64x1xi1> to vector<64x512xi1>
    %broadcast_in_dim3A_316 = vector.broadcast %jit3A_313 : f32 to vector<64x512xf32>
    %select_n3A_317 = arith.select %broadcast_in_dim3A_315, %squeeze3A_312, %broadcast_in_dim3A_316 : vector<64x512xi1>, vector<64x512xf32>
    %max3A_318 = arith.maximumf %max3A_309, %select_n3A_317 : vector<64x512xf32>
    %slice3A_319 = vector.extract_strided_slice %le3A_235 {offsets = [0, 10], sizes = [64, 1], strides = [1, 1]} : vector<64x32xi1> to vector<64x1xi1>
    %slice3A_320 = vector.extract_strided_slice %reshape3A_232 {offsets = [0, 10, 0], sizes = [64, 1, 512], strides = [1, 1, 1]} : vector<64x32x512xf32> to vector<64x1x512xf32>
    %squeeze3A_321 = vector.shape_cast %slice3A_320 : vector<64x1x512xf32> to vector<64x512xf32>
    %jit3A_322 = arith.constant 0.000000e+00 : f32
    %broadcast_in_dim3A_323 = vector.shape_cast %slice3A_319 : vector<64x1xi1> to vector<64x1xi1>
    %broadcast_in_dim3A_324 = vector.broadcast %broadcast_in_dim3A_323 : vector<64x1xi1> to vector<64x512xi1>
    %broadcast_in_dim3A_325 = vector.broadcast %jit3A_322 : f32 to vector<64x512xf32>
    %select_n3A_326 = arith.select %broadcast_in_dim3A_324, %squeeze3A_321, %broadcast_in_dim3A_325 : vector<64x512xi1>, vector<64x512xf32>
    %max3A_327 = arith.maximumf %max3A_318, %select_n3A_326 : vector<64x512xf32>
    %slice3A_328 = vector.extract_strided_slice %le3A_235 {offsets = [0, 11], sizes = [64, 1], strides = [1, 1]} : vector<64x32xi1> to vector<64x1xi1>
    %slice3A_329 = vector.extract_strided_slice %reshape3A_232 {offsets = [0, 11, 0], sizes = [64, 1, 512], strides = [1, 1, 1]} : vector<64x32x512xf32> to vector<64x1x512xf32>
    %squeeze3A_330 = vector.shape_cast %slice3A_329 : vector<64x1x512xf32> to vector<64x512xf32>
    %jit3A_331 = arith.constant 0.000000e+00 : f32
    %broadcast_in_dim3A_332 = vector.shape_cast %slice3A_328 : vector<64x1xi1> to vector<64x1xi1>
    %broadcast_in_dim3A_333 = vector.broadcast %broadcast_in_dim3A_332 : vector<64x1xi1> to vector<64x512xi1>
    %broadcast_in_dim3A_334 = vector.broadcast %jit3A_331 : f32 to vector<64x512xf32>
    %select_n3A_335 = arith.select %broadcast_in_dim3A_333, %squeeze3A_330, %broadcast_in_dim3A_334 : vector<64x512xi1>, vector<64x512xf32>
    %max3A_336 = arith.maximumf %max3A_327, %select_n3A_335 : vector<64x512xf32>
    %slice3A_337 = vector.extract_strided_slice %le3A_235 {offsets = [0, 12], sizes = [64, 1], strides = [1, 1]} : vector<64x32xi1> to vector<64x1xi1>
    %slice3A_338 = vector.extract_strided_slice %reshape3A_232 {offsets = [0, 12, 0], sizes = [64, 1, 512], strides = [1, 1, 1]} : vector<64x32x512xf32> to vector<64x1x512xf32>
    %squeeze3A_339 = vector.shape_cast %slice3A_338 : vector<64x1x512xf32> to vector<64x512xf32>
    %jit3A_340 = arith.constant 0.000000e+00 : f32
    %broadcast_in_dim3A_341 = vector.shape_cast %slice3A_337 : vector<64x1xi1> to vector<64x1xi1>
    %broadcast_in_dim3A_342 = vector.broadcast %broadcast_in_dim3A_341 : vector<64x1xi1> to vector<64x512xi1>
    %broadcast_in_dim3A_343 = vector.broadcast %jit3A_340 : f32 to vector<64x512xf32>
    %select_n3A_344 = arith.select %broadcast_in_dim3A_342, %squeeze3A_339, %broadcast_in_dim3A_343 : vector<64x512xi1>, vector<64x512xf32>
    %max3A_345 = arith.maximumf %max3A_336, %select_n3A_344 : vector<64x512xf32>
    %slice3A_346 = vector.extract_strided_slice %le3A_235 {offsets = [0, 13], sizes = [64, 1], strides = [1, 1]} : vector<64x32xi1> to vector<64x1xi1>
    %slice3A_347 = vector.extract_strided_slice %reshape3A_232 {offsets = [0, 13, 0], sizes = [64, 1, 512], strides = [1, 1, 1]} : vector<64x32x512xf32> to vector<64x1x512xf32>
    %squeeze3A_348 = vector.shape_cast %slice3A_347 : vector<64x1x512xf32> to vector<64x512xf32>
    %jit3A_349 = arith.constant 0.000000e+00 : f32
    %broadcast_in_dim3A_350 = vector.shape_cast %slice3A_346 : vector<64x1xi1> to vector<64x1xi1>
    %broadcast_in_dim3A_351 = vector.broadcast %broadcast_in_dim3A_350 : vector<64x1xi1> to vector<64x512xi1>
    %broadcast_in_dim3A_352 = vector.broadcast %jit3A_349 : f32 to vector<64x512xf32>
    %select_n3A_353 = arith.select %broadcast_in_dim3A_351, %squeeze3A_348, %broadcast_in_dim3A_352 : vector<64x512xi1>, vector<64x512xf32>
    %max3A_354 = arith.maximumf %max3A_345, %select_n3A_353 : vector<64x512xf32>
    %slice3A_355 = vector.extract_strided_slice %le3A_235 {offsets = [0, 14], sizes = [64, 1], strides = [1, 1]} : vector<64x32xi1> to vector<64x1xi1>
    %slice3A_356 = vector.extract_strided_slice %reshape3A_232 {offsets = [0, 14, 0], sizes = [64, 1, 512], strides = [1, 1, 1]} : vector<64x32x512xf32> to vector<64x1x512xf32>
    %squeeze3A_357 = vector.shape_cast %slice3A_356 : vector<64x1x512xf32> to vector<64x512xf32>
    %jit3A_358 = arith.constant 0.000000e+00 : f32
    %broadcast_in_dim3A_359 = vector.shape_cast %slice3A_355 : vector<64x1xi1> to vector<64x1xi1>
    %broadcast_in_dim3A_360 = vector.broadcast %broadcast_in_dim3A_359 : vector<64x1xi1> to vector<64x512xi1>
    %broadcast_in_dim3A_361 = vector.broadcast %jit3A_358 : f32 to vector<64x512xf32>
    %select_n3A_362 = arith.select %broadcast_in_dim3A_360, %squeeze3A_357, %broadcast_in_dim3A_361 : vector<64x512xi1>, vector<64x512xf32>
    %max3A_363 = arith.maximumf %max3A_354, %select_n3A_362 : vector<64x512xf32>
    %slice3A_364 = vector.extract_strided_slice %le3A_235 {offsets = [0, 15], sizes = [64, 1], strides = [1, 1]} : vector<64x32xi1> to vector<64x1xi1>
    %slice3A_365 = vector.extract_strided_slice %reshape3A_232 {offsets = [0, 15, 0], sizes = [64, 1, 512], strides = [1, 1, 1]} : vector<64x32x512xf32> to vector<64x1x512xf32>
    %squeeze3A_366 = vector.shape_cast %slice3A_365 : vector<64x1x512xf32> to vector<64x512xf32>
    %jit3A_367 = arith.constant 0.000000e+00 : f32
    %broadcast_in_dim3A_368 = vector.shape_cast %slice3A_364 : vector<64x1xi1> to vector<64x1xi1>
    %broadcast_in_dim3A_369 = vector.broadcast %broadcast_in_dim3A_368 : vector<64x1xi1> to vector<64x512xi1>
    %broadcast_in_dim3A_370 = vector.broadcast %jit3A_367 : f32 to vector<64x512xf32>
    %select_n3A_371 = arith.select %broadcast_in_dim3A_369, %squeeze3A_366, %broadcast_in_dim3A_370 : vector<64x512xi1>, vector<64x512xf32>
    %max3A_372 = arith.maximumf %max3A_363, %select_n3A_371 : vector<64x512xf32>
    %slice3A_373 = vector.extract_strided_slice %le3A_235 {offsets = [0, 16], sizes = [64, 1], strides = [1, 1]} : vector<64x32xi1> to vector<64x1xi1>
    %slice3A_374 = vector.extract_strided_slice %reshape3A_232 {offsets = [0, 16, 0], sizes = [64, 1, 512], strides = [1, 1, 1]} : vector<64x32x512xf32> to vector<64x1x512xf32>
    %squeeze3A_375 = vector.shape_cast %slice3A_374 : vector<64x1x512xf32> to vector<64x512xf32>
    %jit3A_376 = arith.constant 0.000000e+00 : f32
    %broadcast_in_dim3A_377 = vector.shape_cast %slice3A_373 : vector<64x1xi1> to vector<64x1xi1>
    %broadcast_in_dim3A_378 = vector.broadcast %broadcast_in_dim3A_377 : vector<64x1xi1> to vector<64x512xi1>
    %broadcast_in_dim3A_379 = vector.broadcast %jit3A_376 : f32 to vector<64x512xf32>
    %select_n3A_380 = arith.select %broadcast_in_dim3A_378, %squeeze3A_375, %broadcast_in_dim3A_379 : vector<64x512xi1>, vector<64x512xf32>
    %max3A_381 = arith.maximumf %max3A_372, %select_n3A_380 : vector<64x512xf32>
    %slice3A_382 = vector.extract_strided_slice %le3A_235 {offsets = [0, 17], sizes = [64, 1], strides = [1, 1]} : vector<64x32xi1> to vector<64x1xi1>
    %slice3A_383 = vector.extract_strided_slice %reshape3A_232 {offsets = [0, 17, 0], sizes = [64, 1, 512], strides = [1, 1, 1]} : vector<64x32x512xf32> to vector<64x1x512xf32>
    %squeeze3A_384 = vector.shape_cast %slice3A_383 : vector<64x1x512xf32> to vector<64x512xf32>
    %jit3A_385 = arith.constant 0.000000e+00 : f32
    %broadcast_in_dim3A_386 = vector.shape_cast %slice3A_382 : vector<64x1xi1> to vector<64x1xi1>
    %broadcast_in_dim3A_387 = vector.broadcast %broadcast_in_dim3A_386 : vector<64x1xi1> to vector<64x512xi1>
    %broadcast_in_dim3A_388 = vector.broadcast %jit3A_385 : f32 to vector<64x512xf32>
    %select_n3A_389 = arith.select %broadcast_in_dim3A_387, %squeeze3A_384, %broadcast_in_dim3A_388 : vector<64x512xi1>, vector<64x512xf32>
    %max3A_390 = arith.maximumf %max3A_381, %select_n3A_389 : vector<64x512xf32>
    %slice3A_391 = vector.extract_strided_slice %le3A_235 {offsets = [0, 18], sizes = [64, 1], strides = [1, 1]} : vector<64x32xi1> to vector<64x1xi1>
    %slice3A_392 = vector.extract_strided_slice %reshape3A_232 {offsets = [0, 18, 0], sizes = [64, 1, 512], strides = [1, 1, 1]} : vector<64x32x512xf32> to vector<64x1x512xf32>
    %squeeze3A_393 = vector.shape_cast %slice3A_392 : vector<64x1x512xf32> to vector<64x512xf32>
    %jit3A_394 = arith.constant 0.000000e+00 : f32
    %broadcast_in_dim3A_395 = vector.shape_cast %slice3A_391 : vector<64x1xi1> to vector<64x1xi1>
    %broadcast_in_dim3A_396 = vector.broadcast %broadcast_in_dim3A_395 : vector<64x1xi1> to vector<64x512xi1>
    %broadcast_in_dim3A_397 = vector.broadcast %jit3A_394 : f32 to vector<64x512xf32>
    %select_n3A_398 = arith.select %broadcast_in_dim3A_396, %squeeze3A_393, %broadcast_in_dim3A_397 : vector<64x512xi1>, vector<64x512xf32>
    %max3A_399 = arith.maximumf %max3A_390, %select_n3A_398 : vector<64x512xf32>
    %slice3A_400 = vector.extract_strided_slice %le3A_235 {offsets = [0, 19], sizes = [64, 1], strides = [1, 1]} : vector<64x32xi1> to vector<64x1xi1>
    %slice3A_401 = vector.extract_strided_slice %reshape3A_232 {offsets = [0, 19, 0], sizes = [64, 1, 512], strides = [1, 1, 1]} : vector<64x32x512xf32> to vector<64x1x512xf32>
    %squeeze3A_402 = vector.shape_cast %slice3A_401 : vector<64x1x512xf32> to vector<64x512xf32>
    %jit3A_403 = arith.constant 0.000000e+00 : f32
    %broadcast_in_dim3A_404 = vector.shape_cast %slice3A_400 : vector<64x1xi1> to vector<64x1xi1>
    %broadcast_in_dim3A_405 = vector.broadcast %broadcast_in_dim3A_404 : vector<64x1xi1> to vector<64x512xi1>
    %broadcast_in_dim3A_406 = vector.broadcast %jit3A_403 : f32 to vector<64x512xf32>
    %select_n3A_407 = arith.select %broadcast_in_dim3A_405, %squeeze3A_402, %broadcast_in_dim3A_406 : vector<64x512xi1>, vector<64x512xf32>
    %max3A_408 = arith.maximumf %max3A_399, %select_n3A_407 : vector<64x512xf32>
    %slice3A_409 = vector.extract_strided_slice %le3A_235 {offsets = [0, 20], sizes = [64, 1], strides = [1, 1]} : vector<64x32xi1> to vector<64x1xi1>
    %slice3A_410 = vector.extract_strided_slice %reshape3A_232 {offsets = [0, 20, 0], sizes = [64, 1, 512], strides = [1, 1, 1]} : vector<64x32x512xf32> to vector<64x1x512xf32>
    %squeeze3A_411 = vector.shape_cast %slice3A_410 : vector<64x1x512xf32> to vector<64x512xf32>
    %jit3A_412 = arith.constant 0.000000e+00 : f32
    %broadcast_in_dim3A_413 = vector.shape_cast %slice3A_409 : vector<64x1xi1> to vector<64x1xi1>
    %broadcast_in_dim3A_414 = vector.broadcast %broadcast_in_dim3A_413 : vector<64x1xi1> to vector<64x512xi1>
    %broadcast_in_dim3A_415 = vector.broadcast %jit3A_412 : f32 to vector<64x512xf32>
    %select_n3A_416 = arith.select %broadcast_in_dim3A_414, %squeeze3A_411, %broadcast_in_dim3A_415 : vector<64x512xi1>, vector<64x512xf32>
    %max3A_417 = arith.maximumf %max3A_408, %select_n3A_416 : vector<64x512xf32>
    %slice3A_418 = vector.extract_strided_slice %le3A_235 {offsets = [0, 21], sizes = [64, 1], strides = [1, 1]} : vector<64x32xi1> to vector<64x1xi1>
    %slice3A_419 = vector.extract_strided_slice %reshape3A_232 {offsets = [0, 21, 0], sizes = [64, 1, 512], strides = [1, 1, 1]} : vector<64x32x512xf32> to vector<64x1x512xf32>
    %squeeze3A_420 = vector.shape_cast %slice3A_419 : vector<64x1x512xf32> to vector<64x512xf32>
    %jit3A_421 = arith.constant 0.000000e+00 : f32
    %broadcast_in_dim3A_422 = vector.shape_cast %slice3A_418 : vector<64x1xi1> to vector<64x1xi1>
    %broadcast_in_dim3A_423 = vector.broadcast %broadcast_in_dim3A_422 : vector<64x1xi1> to vector<64x512xi1>
    %broadcast_in_dim3A_424 = vector.broadcast %jit3A_421 : f32 to vector<64x512xf32>
    %select_n3A_425 = arith.select %broadcast_in_dim3A_423, %squeeze3A_420, %broadcast_in_dim3A_424 : vector<64x512xi1>, vector<64x512xf32>
    %max3A_426 = arith.maximumf %max3A_417, %select_n3A_425 : vector<64x512xf32>
    %slice3A_427 = vector.extract_strided_slice %le3A_235 {offsets = [0, 22], sizes = [64, 1], strides = [1, 1]} : vector<64x32xi1> to vector<64x1xi1>
    %slice3A_428 = vector.extract_strided_slice %reshape3A_232 {offsets = [0, 22, 0], sizes = [64, 1, 512], strides = [1, 1, 1]} : vector<64x32x512xf32> to vector<64x1x512xf32>
    %squeeze3A_429 = vector.shape_cast %slice3A_428 : vector<64x1x512xf32> to vector<64x512xf32>
    %jit3A_430 = arith.constant 0.000000e+00 : f32
    %broadcast_in_dim3A_431 = vector.shape_cast %slice3A_427 : vector<64x1xi1> to vector<64x1xi1>
    %broadcast_in_dim3A_432 = vector.broadcast %broadcast_in_dim3A_431 : vector<64x1xi1> to vector<64x512xi1>
    %broadcast_in_dim3A_433 = vector.broadcast %jit3A_430 : f32 to vector<64x512xf32>
    %select_n3A_434 = arith.select %broadcast_in_dim3A_432, %squeeze3A_429, %broadcast_in_dim3A_433 : vector<64x512xi1>, vector<64x512xf32>
    %max3A_435 = arith.maximumf %max3A_426, %select_n3A_434 : vector<64x512xf32>
    %slice3A_436 = vector.extract_strided_slice %le3A_235 {offsets = [0, 23], sizes = [64, 1], strides = [1, 1]} : vector<64x32xi1> to vector<64x1xi1>
    %slice3A_437 = vector.extract_strided_slice %reshape3A_232 {offsets = [0, 23, 0], sizes = [64, 1, 512], strides = [1, 1, 1]} : vector<64x32x512xf32> to vector<64x1x512xf32>
    %squeeze3A_438 = vector.shape_cast %slice3A_437 : vector<64x1x512xf32> to vector<64x512xf32>
    %jit3A_439 = arith.constant 0.000000e+00 : f32
    %broadcast_in_dim3A_440 = vector.shape_cast %slice3A_436 : vector<64x1xi1> to vector<64x1xi1>
    %broadcast_in_dim3A_441 = vector.broadcast %broadcast_in_dim3A_440 : vector<64x1xi1> to vector<64x512xi1>
    %broadcast_in_dim3A_442 = vector.broadcast %jit3A_439 : f32 to vector<64x512xf32>
    %select_n3A_443 = arith.select %broadcast_in_dim3A_441, %squeeze3A_438, %broadcast_in_dim3A_442 : vector<64x512xi1>, vector<64x512xf32>
    %max3A_444 = arith.maximumf %max3A_435, %select_n3A_443 : vector<64x512xf32>
    %slice3A_445 = vector.extract_strided_slice %le3A_235 {offsets = [0, 24], sizes = [64, 1], strides = [1, 1]} : vector<64x32xi1> to vector<64x1xi1>
    %slice3A_446 = vector.extract_strided_slice %reshape3A_232 {offsets = [0, 24, 0], sizes = [64, 1, 512], strides = [1, 1, 1]} : vector<64x32x512xf32> to vector<64x1x512xf32>
    %squeeze3A_447 = vector.shape_cast %slice3A_446 : vector<64x1x512xf32> to vector<64x512xf32>
    %jit3A_448 = arith.constant 0.000000e+00 : f32
    %broadcast_in_dim3A_449 = vector.shape_cast %slice3A_445 : vector<64x1xi1> to vector<64x1xi1>
    %broadcast_in_dim3A_450 = vector.broadcast %broadcast_in_dim3A_449 : vector<64x1xi1> to vector<64x512xi1>
    %broadcast_in_dim3A_451 = vector.broadcast %jit3A_448 : f32 to vector<64x512xf32>
    %select_n3A_452 = arith.select %broadcast_in_dim3A_450, %squeeze3A_447, %broadcast_in_dim3A_451 : vector<64x512xi1>, vector<64x512xf32>
    %max3A_453 = arith.maximumf %max3A_444, %select_n3A_452 : vector<64x512xf32>
    %slice3A_454 = vector.extract_strided_slice %le3A_235 {offsets = [0, 25], sizes = [64, 1], strides = [1, 1]} : vector<64x32xi1> to vector<64x1xi1>
    %slice3A_455 = vector.extract_strided_slice %reshape3A_232 {offsets = [0, 25, 0], sizes = [64, 1, 512], strides = [1, 1, 1]} : vector<64x32x512xf32> to vector<64x1x512xf32>
    %squeeze3A_456 = vector.shape_cast %slice3A_455 : vector<64x1x512xf32> to vector<64x512xf32>
    %jit3A_457 = arith.constant 0.000000e+00 : f32
    %broadcast_in_dim3A_458 = vector.shape_cast %slice3A_454 : vector<64x1xi1> to vector<64x1xi1>
    %broadcast_in_dim3A_459 = vector.broadcast %broadcast_in_dim3A_458 : vector<64x1xi1> to vector<64x512xi1>
    %broadcast_in_dim3A_460 = vector.broadcast %jit3A_457 : f32 to vector<64x512xf32>
    %select_n3A_461 = arith.select %broadcast_in_dim3A_459, %squeeze3A_456, %broadcast_in_dim3A_460 : vector<64x512xi1>, vector<64x512xf32>
    %max3A_462 = arith.maximumf %max3A_453, %select_n3A_461 : vector<64x512xf32>
    %slice3A_463 = vector.extract_strided_slice %le3A_235 {offsets = [0, 26], sizes = [64, 1], strides = [1, 1]} : vector<64x32xi1> to vector<64x1xi1>
    %slice3A_464 = vector.extract_strided_slice %reshape3A_232 {offsets = [0, 26, 0], sizes = [64, 1, 512], strides = [1, 1, 1]} : vector<64x32x512xf32> to vector<64x1x512xf32>
    %squeeze3A_465 = vector.shape_cast %slice3A_464 : vector<64x1x512xf32> to vector<64x512xf32>
    %jit3A_466 = arith.constant 0.000000e+00 : f32
    %broadcast_in_dim3A_467 = vector.shape_cast %slice3A_463 : vector<64x1xi1> to vector<64x1xi1>
    %broadcast_in_dim3A_468 = vector.broadcast %broadcast_in_dim3A_467 : vector<64x1xi1> to vector<64x512xi1>
    %broadcast_in_dim3A_469 = vector.broadcast %jit3A_466 : f32 to vector<64x512xf32>
    %select_n3A_470 = arith.select %broadcast_in_dim3A_468, %squeeze3A_465, %broadcast_in_dim3A_469 : vector<64x512xi1>, vector<64x512xf32>
    %max3A_471 = arith.maximumf %max3A_462, %select_n3A_470 : vector<64x512xf32>
    %slice3A_472 = vector.extract_strided_slice %le3A_235 {offsets = [0, 27], sizes = [64, 1], strides = [1, 1]} : vector<64x32xi1> to vector<64x1xi1>
    %slice3A_473 = vector.extract_strided_slice %reshape3A_232 {offsets = [0, 27, 0], sizes = [64, 1, 512], strides = [1, 1, 1]} : vector<64x32x512xf32> to vector<64x1x512xf32>
    %squeeze3A_474 = vector.shape_cast %slice3A_473 : vector<64x1x512xf32> to vector<64x512xf32>
    %jit3A_475 = arith.constant 0.000000e+00 : f32
    %broadcast_in_dim3A_476 = vector.shape_cast %slice3A_472 : vector<64x1xi1> to vector<64x1xi1>
    %broadcast_in_dim3A_477 = vector.broadcast %broadcast_in_dim3A_476 : vector<64x1xi1> to vector<64x512xi1>
    %broadcast_in_dim3A_478 = vector.broadcast %jit3A_475 : f32 to vector<64x512xf32>
    %select_n3A_479 = arith.select %broadcast_in_dim3A_477, %squeeze3A_474, %broadcast_in_dim3A_478 : vector<64x512xi1>, vector<64x512xf32>
    %max3A_480 = arith.maximumf %max3A_471, %select_n3A_479 : vector<64x512xf32>
    %slice3A_481 = vector.extract_strided_slice %le3A_235 {offsets = [0, 28], sizes = [64, 1], strides = [1, 1]} : vector<64x32xi1> to vector<64x1xi1>
    %slice3A_482 = vector.extract_strided_slice %reshape3A_232 {offsets = [0, 28, 0], sizes = [64, 1, 512], strides = [1, 1, 1]} : vector<64x32x512xf32> to vector<64x1x512xf32>
    %squeeze3A_483 = vector.shape_cast %slice3A_482 : vector<64x1x512xf32> to vector<64x512xf32>
    %jit3A_484 = arith.constant 0.000000e+00 : f32
    %broadcast_in_dim3A_485 = vector.shape_cast %slice3A_481 : vector<64x1xi1> to vector<64x1xi1>
    %broadcast_in_dim3A_486 = vector.broadcast %broadcast_in_dim3A_485 : vector<64x1xi1> to vector<64x512xi1>
    %broadcast_in_dim3A_487 = vector.broadcast %jit3A_484 : f32 to vector<64x512xf32>
    %select_n3A_488 = arith.select %broadcast_in_dim3A_486, %squeeze3A_483, %broadcast_in_dim3A_487 : vector<64x512xi1>, vector<64x512xf32>
    %max3A_489 = arith.maximumf %max3A_480, %select_n3A_488 : vector<64x512xf32>
    %slice3A_490 = vector.extract_strided_slice %le3A_235 {offsets = [0, 29], sizes = [64, 1], strides = [1, 1]} : vector<64x32xi1> to vector<64x1xi1>
    %slice3A_491 = vector.extract_strided_slice %reshape3A_232 {offsets = [0, 29, 0], sizes = [64, 1, 512], strides = [1, 1, 1]} : vector<64x32x512xf32> to vector<64x1x512xf32>
    %squeeze3A_492 = vector.shape_cast %slice3A_491 : vector<64x1x512xf32> to vector<64x512xf32>
    %jit3A_493 = arith.constant 0.000000e+00 : f32
    %broadcast_in_dim3A_494 = vector.shape_cast %slice3A_490 : vector<64x1xi1> to vector<64x1xi1>
    %broadcast_in_dim3A_495 = vector.broadcast %broadcast_in_dim3A_494 : vector<64x1xi1> to vector<64x512xi1>
    %broadcast_in_dim3A_496 = vector.broadcast %jit3A_493 : f32 to vector<64x512xf32>
    %select_n3A_497 = arith.select %broadcast_in_dim3A_495, %squeeze3A_492, %broadcast_in_dim3A_496 : vector<64x512xi1>, vector<64x512xf32>
    %max3A_498 = arith.maximumf %max3A_489, %select_n3A_497 : vector<64x512xf32>
    %slice3A_499 = vector.extract_strided_slice %le3A_235 {offsets = [0, 30], sizes = [64, 1], strides = [1, 1]} : vector<64x32xi1> to vector<64x1xi1>
    %slice3A_500 = vector.extract_strided_slice %reshape3A_232 {offsets = [0, 30, 0], sizes = [64, 1, 512], strides = [1, 1, 1]} : vector<64x32x512xf32> to vector<64x1x512xf32>
    %squeeze3A_501 = vector.shape_cast %slice3A_500 : vector<64x1x512xf32> to vector<64x512xf32>
    %jit3A_502 = arith.constant 0.000000e+00 : f32
    %broadcast_in_dim3A_503 = vector.shape_cast %slice3A_499 : vector<64x1xi1> to vector<64x1xi1>
    %broadcast_in_dim3A_504 = vector.broadcast %broadcast_in_dim3A_503 : vector<64x1xi1> to vector<64x512xi1>
    %broadcast_in_dim3A_505 = vector.broadcast %jit3A_502 : f32 to vector<64x512xf32>
    %select_n3A_506 = arith.select %broadcast_in_dim3A_504, %squeeze3A_501, %broadcast_in_dim3A_505 : vector<64x512xi1>, vector<64x512xf32>
    %max3A_507 = arith.maximumf %max3A_498, %select_n3A_506 : vector<64x512xf32>
    %slice3A_508 = vector.extract_strided_slice %le3A_235 {offsets = [0, 31], sizes = [64, 1], strides = [1, 1]} : vector<64x32xi1> to vector<64x1xi1>
    %slice3A_509 = vector.extract_strided_slice %reshape3A_232 {offsets = [0, 31, 0], sizes = [64, 1, 512], strides = [1, 1, 1]} : vector<64x32x512xf32> to vector<64x1x512xf32>
    %squeeze3A_510 = vector.shape_cast %slice3A_509 : vector<64x1x512xf32> to vector<64x512xf32>
    %jit3A_511 = arith.constant 0.000000e+00 : f32
    %broadcast_in_dim3A_512 = vector.shape_cast %slice3A_508 : vector<64x1xi1> to vector<64x1xi1>
    %broadcast_in_dim3A_513 = vector.broadcast %broadcast_in_dim3A_512 : vector<64x1xi1> to vector<64x512xi1>
    %broadcast_in_dim3A_514 = vector.broadcast %jit3A_511 : f32 to vector<64x512xf32>
    %select_n3A_515 = arith.select %broadcast_in_dim3A_513, %squeeze3A_510, %broadcast_in_dim3A_514 : vector<64x512xi1>, vector<64x512xf32>
    %max3A_516 = arith.maximumf %max3A_507, %select_n3A_515 : vector<64x512xf32>
    %concatenate3A_517 = tpu.concatenate %max3A_191, %max3A_516 in 1 : vector<64x512xf32>, vector<64x512xf32> -> vector<64x1024xf32>
    %get3A_518 = arith.constant 0 : index
    %get3A_519 = arith.constant 0 : index
    %get3A_520 = vector.load %arg17[%get3A_518, %get3A_519] : memref<1024x512xf32, #tpu.memory_space<vmem>>, vector<1024x512xf32>
    %get3A_521 = arith.constant 0 : index
    %get3A_522 = arith.constant 0 : index
    %get3A_523 = vector.load %arg18[%get3A_521, %get3A_522] : memref<1x512xf32, #tpu.memory_space<vmem>>, vector<1x512xf32>
    %dot_general3A_524 = arith.constant dense<0.000000e+00> : vector<64x512xf32>
    %dot_general3A_525 = tpu.matmul %concatenate3A_517, %get3A_520, %dot_general3A_524 {dimension_numbers = #tpu.dot_dimension_numbers<[1], [0], [0], [1], [0, 0, 1, 1], [], []>, transpose_lhs_hint = false} : vector<64x1024xf32>, vector<1024x512xf32>, vector<64x512xf32> -> vector<64x512xf32>
    %add3A_526 = vector.broadcast %get3A_523 : vector<1x512xf32> to vector<64x512xf32>
    %add3A_527 = arith.addf %dot_general3A_525, %add3A_526 : vector<64x512xf32>
    %max3A_528 = arith.constant 0.000000e+00 : f32
    %max3A_529 = vector.broadcast %max3A_528 : f32 to vector<64x512xf32>
    %max3A_530 = arith.maximumf %add3A_527, %max3A_529 : vector<64x512xf32>
    %swap3A = arith.constant 0 : index
    %swap3A_531 = arith.constant 0 : index
    %swap3A_532 = arith.constant 0 : index
    %swap3A_533 = vector.load %arg19[%swap3A, %swap3A_531, %swap3A_532] : memref<1x64x512xf32, #tpu.memory_space<vmem>>, vector<1x64x512xf32>
    %swap3A_534 = vector.shape_cast %swap3A_533 : vector<1x64x512xf32> to vector<64x512xf32>
    %swap3A_535 = vector.shape_cast %max3A_530 : vector<64x512xf32> to vector<1x64x512xf32>
    tpu.vector_store %arg19[%swap3A, %swap3A_531, %swap3A_532], %swap3A_535 {strides = array<i32>} : memref<1x64x512xf32, #tpu.memory_space<vmem>>, vector<1x64x512xf32>,
    return
  }
  func.func @transform_0(%arg0: i32, %arg1: i32) -> (i32, i32, i32, i32) {
    %c0_i32 = arith.constant 0 : i32
    %c0_i32_0 = arith.constant 0 : i32
    %c0_i32_1 = arith.constant 0 : i32
    return %arg0, %arg1, %c0_i32, %c0_i32_0 : i32, i32, i32, i32
  }
  func.func @transform_1(%arg0: i32, %arg1: i32) -> (i32, i32, i32) {
    %c0_i32 = arith.constant 0 : i32
    %c0_i32_0 = arith.constant 0 : i32
    return %arg0, %arg1, %c0_i32 : i32, i32, i32
  }
  func.func @transform_2(%arg0: i32, %arg1: i32) -> (i32, i32, i32) {
    %c0_i32 = arith.constant 0 : i32
    %c0_i32_0 = arith.constant 0 : i32
    return %arg0, %arg1, %c0_i32 : i32, i32, i32
  }
  func.func @transform_3(%arg0: i32, %arg1: i32) -> (i32, i32) {
    %c0_i32 = arith.constant 0 : i32
    %c0_i32_0 = arith.constant 0 : i32
    %c0_i32_1 = arith.constant 0 : i32
    return %c0_i32, %c0_i32_0 : i32, i32
  }
  func.func @transform_4(%arg0: i32, %arg1: i32) -> (i32, i32) {
    %c0_i32 = arith.constant 0 : i32
    %c0_i32_0 = arith.constant 0 : i32
    %c0_i32_1 = arith.constant 0 : i32
    return %c0_i32, %c0_i32_0 : i32, i32
  }
  func.func @transform_5(%arg0: i32, %arg1: i32) -> (i32, i32) {
    %c0_i32 = arith.constant 0 : i32
    %c0_i32_0 = arith.constant 0 : i32
    %c0_i32_1 = arith.constant 0 : i32
    return %c0_i32, %c0_i32_0 : i32, i32
  }
  func.func @transform_6(%arg0: i32, %arg1: i32) -> (i32, i32) {
    %c0_i32 = arith.constant 0 : i32
    %c0_i32_0 = arith.constant 0 : i32
    %c0_i32_1 = arith.constant 0 : i32
    return %c0_i32, %c0_i32_0 : i32, i32
  }
  func.func @transform_7(%arg0: i32, %arg1: i32) -> (i32, i32) {
    %c0_i32 = arith.constant 0 : i32
    %c0_i32_0 = arith.constant 0 : i32
    %c0_i32_1 = arith.constant 0 : i32
    return %c0_i32, %c0_i32_0 : i32, i32
  }
  func.func @transform_8(%arg0: i32, %arg1: i32) -> (i32, i32) {
    %c0_i32 = arith.constant 0 : i32
    %c0_i32_0 = arith.constant 0 : i32
    %c0_i32_1 = arith.constant 0 : i32
    return %c0_i32, %c0_i32_0 : i32, i32
  }
  func.func @transform_9(%arg0: i32, %arg1: i32) -> (i32, i32) {
    %c0_i32 = arith.constant 0 : i32
    %c0_i32_0 = arith.constant 0 : i32
    %c0_i32_1 = arith.constant 0 : i32
    return %c0_i32, %c0_i32_0 : i32, i32
  }
  func.func @transform_10(%arg0: i32, %arg1: i32) -> (i32, i32) {
    %c0_i32 = arith.constant 0 : i32
    %c0_i32_0 = arith.constant 0 : i32
    %c0_i32_1 = arith.constant 0 : i32
    return %c0_i32, %c0_i32_0 : i32, i32
  }
  func.func @transform_11(%arg0: i32, %arg1: i32) -> (i32, i32) {
    %c0_i32 = arith.constant 0 : i32
    %c0_i32_0 = arith.constant 0 : i32
    %c0_i32_1 = arith.constant 0 : i32
    return %c0_i32, %c0_i32_0 : i32, i32
  }
  func.func @transform_12(%arg0: i32, %arg1: i32) -> (i32, i32) {
    %c0_i32 = arith.constant 0 : i32
    %c0_i32_0 = arith.constant 0 : i32
    %c0_i32_1 = arith.constant 0 : i32
    return %c0_i32, %c0_i32_0 : i32, i32
  }
  func.func @transform_13(%arg0: i32, %arg1: i32) -> (i32, i32) {
    %c0_i32 = arith.constant 0 : i32
    %c0_i32_0 = arith.constant 0 : i32
    %c0_i32_1 = arith.constant 0 : i32
    return %c0_i32, %c0_i32_0 : i32, i32
  }
  func.func @transform_14(%arg0: i32, %arg1: i32) -> (i32, i32) {
    %c0_i32 = arith.constant 0 : i32
    %c0_i32_0 = arith.constant 0 : i32
    %c0_i32_1 = arith.constant 0 : i32
    return %c0_i32, %c0_i32_0 : i32, i32
  }
  func.func @transform_15(%arg0: i32, %arg1: i32) -> (i32, i32) {
    %c0_i32 = arith.constant 0 : i32
    %c0_i32_0 = arith.constant 0 : i32
    %c0_i32_1 = arith.constant 0 : i32
    return %c0_i32, %c0_i32_0 : i32, i32
  }
  func.func @transform_16(%arg0: i32, %arg1: i32) -> (i32, i32) {
    %c0_i32 = arith.constant 0 : i32
    %c0_i32_0 = arith.constant 0 : i32
    %c0_i32_1 = arith.constant 0 : i32
    return %c0_i32, %c0_i32_0 : i32, i32
  }
  func.func @transform_17(%arg0: i32, %arg1: i32) -> (i32, i32, i32) {
    %c0_i32 = arith.constant 0 : i32
    %c0_i32_0 = arith.constant 0 : i32
    return %arg0, %arg1, %c0_i32 : i32, i32, i32
  }
}

</mosaic_0001>

<sc_bundles>
// kernel: kernel.18.cloned.1.call-start
scs
__scs_entry_jumppad:
0x0: {  	(pc) =	sbr.rel $0x88, $3  }
0x1: {  	(tag) =	ssettag $0x0;
	lr =	simm.s32 $0x1  }
0x2: {  	[smem:$0x3F64] =	sst lr;
	_ =	strace $0xD0000000  }
0x3: {  	_ = 	snop  }
0x4: {  	_ = 	snop  }
0x5: {  	_ = 	snop  }
0x6: {  	_ = 	snop  }
0x7: {  	_ = 	snop  }
__scs_overlays_trampoline_lowered:
0x8: {  	[smem:$0x3F73] =	sst s0  }
0x9: {  	[smem:$0x3F74] =	sst s1  }
0xa: {  	[smem:$0x3F75] =	sst s2  }
0xb: {  	[smem:$0x3F76] =	sst s3  }
0xc: {  	[smem:$0x3F77] =	sst s4  }
0xd: {  	[smem:$0x3F78] =	sst s5  }
0xe: {  	[smem:$0x3F79] =	sst s6  }
0xf: {  	[smem:$0x3F7A] =	sst s7  }
0x10: {  	[smem:$0x3F7B] =	sst s8  }
0x11: {  	[smem:$0x3F7C] =	sst s9;
	s0 =	simm.s32 @!p0 $0x0  }
0x12: {  	s1 =	sld [smem:$0x3F62];
	s0 =	simm.s32 @p0 $0x1  }
0x13: {  	[smem:$0x3F7D] =	sst s0;
	s0 =	simm.s32 @!p1 $0x0  }
0x14: {  	s2 =	sld [smem:$0x3F61];
	s0 =	simm.s32 @p1 $0x1  }
0x15: {  	[smem:$0x3F7E] =	sst s0;
	s0 =	simm.s32 @!p2 $0x0  }
0x16: {  	s3 =	sld [smem:$0x3FDB];
	s0 =	simm.s32 @p2 $0x1  }
0x17: {  	s4 =	simm.s32 $0x1BF5;
	[smem:$0x3F80] =	sst s0  }
0x18: {  	s0 =	sld [smem:$0x3F63];
	_ =	swait.ge [sflag:s4], $0x0  }
0x19: {  	s7 =	sld [smem:$0x3F64]  }
0x1a: {  	s8 =	sadd.s32 $0xFFFFE003, lr  }
0x1b: {  	s9 =	sadd.s32 $0xFFFFFEF7, lr;
	s5 =	simm.s32 $0xFFFFFFFF;
	p2 =	slt.u32 s8, $0xFFFFF086  }
0x1c: {  	p1 =	slt.u32 s9, $0xF7A;
	s5 =	simm.s32 @!p2 $0x0  }
0x1d: {  	s5 =	simm.s32 @p1 $0x1;
	p0 =	seq.s32 s7, s2  }
0x1e: {  	s7 =	smul.u32 @!p0 $0xF7A, s2;
	p2 =	seq.s32 @!p0 s5, $0x0  }
0x1f: {  	s9 =	smul.u32 $0xF7A, s1;
	s8 =	simm.s32 @!p0 $0x1BF5;
	p2 =	por !p2, p0  }
0x20: {  	[sflag:s8] =	ssyncset.s32 @!p0 $0xFFFFF086;
	s6 =	sadd.s32 @!p0 s3, s7;
	s7 =	simm.s32 @!p0 $0x108  }
0x21: {  	s3 =	sadd.s32 s3, s9;
	s6 =	sadd.s32 @!p0 $0x88, s6;
	s7 =	simm.s32 @p2 $0x1082  }
0x22: {  	[simem:s7], [sflag:s8] =	dma.local @!p0 [hbm:s6], $0xF7A  }
0x23: {  	s9 =	sor.u32 $0xD0000000, s2;
	s6 =	simm.s32 $0x108;
	_ =	swait.ge @!p0 [sflag:s8], $0x0  }
0x24: {  	s3 =	sadd.s32 $0x88, s3;
	s6 =	simm.s32 @!p1 $0x1082;
	[sflag:s4] =	ssyncset.s32 $0xFFFFF086  }
0x25: {  	[simem:s6], [sflag:s4] =	dma.local [hbm:s3], $0xF7A  }
0x26: {  	[smem:$0x3F64] =	sst s1;
	(tag) =	ssettag s2;
	_ =	strace s9  }
0x27: {  	s1 =	sld [smem:$0x3F74]  }
0x28: {  	s2 =	sld [smem:$0x3F75]  }
0x29: {  	s4 =	sld [smem:$0x3F77]  }
0x2a: {  	p0 =	seq.s32 s5, $0x0;
	s5 =	sld [smem:$0x3F78]  }
0x2b: {  	s6 =	sld [smem:$0x3F79]  }
0x2c: {  	s7 =	sld [smem:$0x3F7A]  }
0x2d: {  	s3 =	simm.s32 $0x108;
	s8 =	sld [smem:$0x3F7B]  }
0x2e: {  	s3 =	simm.s32 @!p0 $0x1082;
	s9 =	sld [smem:$0x3F7C]  }
0x2f: {  	lr =	sadd.s32 s0, s3;
	s0 =	sld [smem:$0x3F73]  }
0x30: {  	s3 =	sld [smem:$0x3F76]  }
0x31: {  	[smem:$0x3F7F] =	sst s10  }
0x32: {  	s10 =	sld [smem:$0x3F7D];
	_ =	sdelay $0x3  }
0x33: {  	p0 =	seq.s32 s10, $0x1;
	s10 =	sld [smem:$0x3F7F];
	_ =	sdelay $0x3  }
0x34: {  	[smem:$0x3F7F] =	sst s10  }
0x35: {  	s10 =	sld [smem:$0x3F7E];
	_ =	sdelay $0x3  }
0x36: {  	p1 =	seq.s32 s10, $0x1;
	s10 =	sld [smem:$0x3F7F];
	_ =	sdelay $0x3  }
0x37: {  	[smem:$0x3F7F] =	sst s10  }
0x38: {  	s10 =	sld [smem:$0x3F80]  }
0x39: {  	_ = 	snop;
	(pc) =	sbr.ind lr, $3  }
0x3a: {  	_ = 	snop  }
0x3b: {  	_ = 	snop  }
0x3c: {  	p2 =	seq.s32 s10, $0x1;
	s10 =	sld [smem:$0x3F7F]  }
0x3d: {  	_ =	shalt  }
0x3e: {  	_ =	shalt  }
0x3f: {  	_ =	shalt  }
0x40: {  	_ =	shalt  }
0x41: {  	_ =	shalt  }
0x42: {  	_ =	shalt  }
0x43: {  	_ =	shalt  }
0x44: {  	_ =	shalt  }
0x45: {  	_ =	shalt  }
0x46: {  	_ =	shalt  }
0x47: {  	_ =	shalt  }
0x48: {  	_ =	shalt  }
0x49: {  	_ =	shalt  }
0x4a: {  	_ =	shalt  }
0x4b: {  	_ =	shalt  }
0x4c: {  	_ =	shalt  }
0x4d: {  	_ =	shalt  }
0x4e: {  	_ =	shalt  }
0x4f: {  	_ =	shalt  }
0x50: {  	_ =	shalt  }
0x51: {  	_ =	shalt  }
0x52: {  	_ =	shalt  }
0x53: {  	_ =	shalt  }
0x54: {  	_ =	shalt  }
0x55: {  	_ =	shalt  }
0x56: {  	_ =	shalt  }
0x57: {  	_ =	shalt  }
0x58: {  	_ =	shalt  }
0x59: {  	_ =	shalt  }
0x5a: {  	_ =	shalt  }
0x5b: {  	_ =	shalt  }
0x5c: {  	_ =	shalt  }
0x5d: {  	_ =	shalt  }
0x5e: {  	_ =	shalt  }
0x5f: {  	_ =	shalt  }
0x60: {  	_ =	shalt  }
0x61: {  	_ =	shalt  }
0x62: {  	_ =	shalt  }
0x63: {  	_ =	shalt  }
0x64: {  	_ =	shalt  }
0x65: {  	_ =	shalt  }
0x66: {  	_ =	shalt  }
0x67: {  	_ =	shalt  }
0x68: {  	_ =	shalt  }
0x69: {  	_ =	shalt  }
0x6a: {  	_ =	shalt  }
0x6b: {  	_ =	shalt  }
0x6c: {  	_ =	shalt  }
0x6d: {  	_ =	shalt  }
0x6e: {  	_ =	shalt  }
0x6f: {  	_ =	shalt  }
0x70: {  	_ =	shalt  }
0x71: {  	_ =	shalt  }
0x72: {  	_ =	shalt  }
0x73: {  	_ =	shalt  }
0x74: {  	_ =	shalt  }
0x75: {  	_ =	shalt  }
0x76: {  	_ =	shalt  }
0x77: {  	_ =	shalt  }
0x78: {  	_ =	shalt  }
0x79: {  	_ =	shalt  }
0x7a: {  	_ =	shalt  }
0x7b: {  	_ =	shalt  }
0x7c: {  	_ =	shalt  }
0x7d: {  	_ =	shalt  }
0x7e: {  	_ =	shalt  }
0x7f: {  	_ =	shalt  }
0x80: {  	_ =	shalt  }
0x81: {  	_ =	shalt  }
0x82: {  	_ =	shalt  }
0x83: {  	_ =	shalt  }
0x84: {  	_ =	shalt  }
0x85: {  	_ =	shalt  }
0x86: {  	_ =	shalt  }
0x87: {  	_ =	shalt  }
.Lfunc_end0:
.L_simem_size_0:
called_computation_lowered:
.L_overlay_start_0:
0x88: {  	s2 =	sld [smem:$0x3FD9]  }
0x89: {  	s3 =	sld [smem:$0x3FFE];
	_ =	sdelay $0x1  }
0x8a: {  	s1 =	srdreg.scid  }
0x8b: {  	s0 =	sand.u32 $0x1, s1  }
0x8c: {  	s14 =	sshll.u32 s0, $0xA;
	s2 =	sadd.s32 s3, s2  }
0x8d: {  	s2 =	sadd.s32 s2, s14  }
0x8e: {  	[smem:$0x3F8B] =	sst s2  }
0x8f: {  	_ = 	snop  }
0x90: {  	s2 =	sld [smem:$0x3FD0];
	_ =	sdelay $0x2  }
0x91: {  	s15 =	simm.s32 $0xA;
	s4 =	simm.s32 $0x10  }
0x92: {  	[smem:s4], [sflag:s15] =	dma.local [hbm:s2], $0x1  }
0x93: {  	_ =	swait.eq [sflag:s15], $0x1  }
0x94: {  	[sflag:s15] =	ssyncset.done $0x0  }
0x95: {  	[sflag:s15] =	ssyncadd.s32 $0xFFFFFFFF  }
0x96: {  	s16 =	sld [smem:$0x13];
	(tm) =	ssettm $0x1  }
0x97: {  	s17 =	sld [smem:$0x3FFB];
	_ =	sdelay $0x3  }
0x98: {  	_ =	strace s17  }
0x99: {  	s3 =	sld [smem:$0x3FFC];
	_ =	sdelay $0x3  }
0x9a: {  	_ =	strace s3  }
0x9b: {  	s3 =	sld [smem:$0x3FFD];
	_ =	sdelay $0x3  }
0x9c: {  	_ =	strace s3  }
0x9d: {  	_ =	strace $0x8FFFFFFF  }
0x9e: {  	s18 =	sld [smem:$0x3FDB];
	_ =	sdelay $0x1  }
0x9f: {  	s19 =	simm.s32 $_scs_section_size  }
0xa0: {  	s5 =	simm.s32 $_size__tile_overlayer_lowered;
	s6 =	simm.s32 $_tile_overlayer_lowered  }
0xa1: {  	s22 =	simm.s32 $0x1BFF;
	s21 =	sshll.u32 s6, $0x1;
	s3 =	sadd.s32 s19, s18  }
0xa2: {  	s7 =	simm.s32 $0x0;
	s20 =	sshll.u32 s5, $0x1;
	s5 =	sadd.s32 s21, s3  }
0xa3: {  	[timem:s7], [sflag:s22] =	dma.local [hbm:s5], s20  }
0xa4: {  	_ =	swait.ge [sflag:s22], s20  }
0xa5: {  	s4 =	ssub.s32 $0x0, s20;
	[sflag:s22] =	ssyncset.done $0x0  }
0xa6: {  	[sflag:s22] =	ssyncadd.s32 s4;
	_ =	sdelay $0x1  }
0xa7: {  	s23 =	simm.s32 $0x1B8B  }
0xa8: {  	_ =	swait.ge [sflag:s23], $0x1  }
0xa9: {  	[sflag:s23] =	ssyncset.done $0x0  }
0xaa: {  	s25 =	simm.s32 $0x1B8E;
	s24 =	sld [smem:$0x3FFE];
	[sflag:s23] =	ssyncadd.s32 $0xFFFFFFFF  }
0xab: {  	s26 =	simm.s32 $execute0_lowered;
	[smem:$0x3FD2] =	sst s25  }
0xac: {  	s5 =	sshll.u32 s26, $0x1;
	_ =	strace $0x80000046;
	[dreg:$0x1] =	wrdreg $0xFFFFFFFF  }
0xad: {  	s28 =	simm.s32 $_size_execute0_lowered;
	s3 =	sadd.s32 s3, s5;
	[dreg:$0x0] =	wrdreg $0x0  }
0xae: {  	s5 =	sshll.u32 s28, $0x1;
	[dreg:$0x2] =	wrdreg s3  }
0xaf: {  	[dreg:$0x3] =	wrdreg s5  }
0xb0: {  	[dreg:$0x4] =	wrdreg $0xC0  }
0xb1: {  	_ =	task [dreg:s7], $0x5FFFF  }
0xb2: {  	[dreg:$0x1] =	wrdreg $0xFFFFFFFF  }
0xb3: {  	[dreg:$0x0] =	wrdreg $0x60  }
0xb4: {  	[dreg:$0x2] =	wrdreg s16  }
0xb5: {  	[dreg:$0x3] =	wrdreg s24  }
0xb6: {  	[dreg:$0x4] =	wrdreg $0x9  }
0xb7: {  	_ =	task.clear_ibuf [dreg:s7], $0x5FFFF;
	_ =	strace $0x90000046  }
0xb8: {  	s29 =	simm.s32 $0x9;
	_ =	strace $0x80000048  }
0xb9: {  	_ =	swait.ge [sflag:s29], $0x1  }
0xba: {  	[sflag:s29] =	ssyncadd.s32 $0xFFFFFFFF  }
0xbb: {  	_ =	strace $0x90000048  }
0xbc: {  	_ =	sfence  }
0xbd: {  	s30 =	sld [smem:$0x0];
	_ =	sdelay $0x2  }
0xbe: {  	s31 =	sshll.u32 s1, $0xD;
	s1 =	sshrl.u32 s1, $0x2  }
0xbf: {  	s3 =	sand.u32 $0x4000, s31;
	s1 =	sadd.s32 s1, s30  }
0xc0: {  	s0 =	sor.u32 s3, s0;
	s1 =	sshll.u32 s1, $0x11  }
0xc1: {  	s0 =	sor.u32 s1, s0  }
0xc2: {  	s0 =	sadd.s32 $0x8F2B, s0  }
0xc3: {  	[sflag:s0] =	ssyncadd.remote.s32 $0x1  }
0xc4: {  	_ =	sfence.sel $0xFFFF  }
0xc5: {  	[dreg:$0x0] =	wrdreg $0xFFFFFFFF;
	(pc) =	sbr.abs _section_cstart, $3  }
0xc6: {  	[dreg:$0x1] =	wrdreg $0xFFFFFFFF  }
0xc7: {  	_ =	task.clear_ibuf [dreg:s7], $0x2FFFF;
	_ =	strace $0x9FFFFFFF  }
0xc8: {  	(tm) =	ssettm $0x7FFFFFFF  }
0xc9: {  	_ =	shalt  }
tec
execute0_lowered:
.L_overlay_start_1:
0x0: {  	(tag) =	ssettag $0x1  }
0x1: {  	s1 =	rddreg [dreg:$0x0]  }
0x2: {  	s4 =	rddreg [dreg:$0x1]  }
0x3: {  	s0 =	rddreg [dreg:$0x2];
	s5 =	srdreg.scid  }
0x4: {  	s3 =	simm.s32 $0x0;
	s2 =	stileid.u32;
	s10 =	simm.s32 $0x0  }
0x5: {  	s5 =	sand.u32 $0x1, s5;
	[smem:$0x7FF] =	sst s3;
	s6 =	sshll.u32 s2, $0xD  }
0x6: {  	s8 =	sshll.u32 s2, $0xE;
	s7 =	sshll.u32 s5, $0xC;
	_ =	strace $0x80000047  }
0x7: {  	s31 =	ssub.s32 $0x2, s5;
	s8 =	sadd.s32 s8, s4;
	s5 =	sshll.u32 s5, $0xD  }
0x8: {  	s6 =	sor.u32 s7, s6;
	s9 =	sshrl.u32 s31, $0x1;
	s5 =	sadd.s32 s5, s8  }
0x9: {  	s8 =	simm.s32 $0x80;
	s6 =	sshrl.u32 s6, $0x3;
	s7 =	ssub.s32 s31, s9  }
0xa: {  	s5 =	sadd.s32 $0xD600, s5;
	s9 =	simm.s32 $0x1;
	s6 =	sadd.s32 s6, s4  }
0xb: {  	s4 =	smax.u32 s7, $0x1;
	s7 =	simm.s32 $0x2;
	s6 =	sadd.s32 $0x9600, s6  }
.LBB2_1:
0xc: {  	s11 =	sadd.s32 $0x0, s6  }
0xd: {  	[tilespmem:s3], [sflag:$0x2] =	stream.linear.gather [hbm4b:s11+s3], $0x80, $0x38;
	[tilespmem:$0x880] =	vst v63  }
0xe: {  	_ =	swait.ge [sflag:s7], $0x80  }
0xf: {  	[sflag:s7] =	ssyncset.done $0x0  }
0x10: {  	[sflag:s7] =	ssyncadd.s32 $0xFFFFFF80  }
0x11: {  	[tilespmem:s8], [sflag:$0x1] =	stream.indirect.gather [hbm4b:s1+s8], $0x10, s3, s8, $0xb8;
	[tilespmem:$0x880] =	vst v63  }
0x12: {  	_ =	swait.ge [sflag:s9], $0x800  }
0x13: {  	[sflag:s9] =	ssyncset.done $0x0  }
0x14: {  	[sflag:s9] =	ssyncadd.s32 $0xFFFFF800  }
0x15: {  	[hbm4b:s5+s3] =	stream.linear.scatter [tilespmem:s8], [sflag:$0x2], $0x800, $0x38;
	[tilespmem:$0x880] =	vst v63  }
0x16: {  	s12 =	simm.s32 $0x10;
	_ =	swait.ge [sflag:s7], $0x800  }
0x17: {  	s13 =	simm.s32 $0x20;
	s11 =	sadd.s32 $0x100, s5;
	[sflag:s7] =	ssyncset.done $0x0  }
.LBB2_2:
0x18: {  	s14 =	sadd.s32 s12, s6  }
0x19: {  	[sflag:s7] =	ssyncadd.s32 $0xFFFFF800;
	s12 =	smov.u32 s13;
	s15 =	sadd.s32 $0x10, s13  }
0x1a: {  	[tilespmem:s3], [sflag:$0x2] =	stream.linear.gather [hbm4b:s14+s3], $0x80, $0x38;
	[tilespmem:$0x880] =	vst v63  }
0x1b: {  	p0 =	sne.s32 s13, $0x1F0;
	_ =	swait.ge [sflag:s7], $0x80  }
0x1c: {  	[sflag:s7] =	ssyncset.done $0x0  }
0x1d: {  	[sflag:s7] =	ssyncadd.s32 $0xFFFFFF80  }
0x1e: {  	[tilespmem:s8], [sflag:$0x1] =	stream.indirect.gather [hbm4b:s1+s8], $0x10, s3, s8, $0xb8;
	[tilespmem:$0x880] =	vst v63  }
0x1f: {  	_ =	swait.ge [sflag:s9], $0x800  }
.Ltmp0:
0x20: {  	[sflag:s9] =	ssyncset.done $0x0;
	(pc) =	sbr.rel @p0 .LBB2_2-.Ltmp0, $4  }
0x21: {  	[sflag:s9] =	ssyncadd.s32 $0xFFFFF800  }
0x22: {  	[hbm4b:s11+s3] =	stream.linear.scatter [tilespmem:s8], [sflag:$0x2], $0x800, $0x38;
	[tilespmem:$0x880] =	vst v63  }
0x23: {  	_ =	swait.ge [sflag:s7], $0x800  }
0x24: {  	s13 =	smov.u32 s15;
	s11 =	sadd.s32 $0x100, s11;
	[sflag:s7] =	ssyncset.done $0x0  }
0x25: {  	s12 =	sadd.s32 s12, s6;
	[sflag:s7] =	ssyncadd.s32 $0xFFFFF800  }
0x26: {  	[tilespmem:s3], [sflag:$0x2] =	stream.linear.gather [hbm4b:s12+s3], $0x80, $0x38;
	[tilespmem:$0x880] =	vst v63  }
0x27: {  	_ =	swait.ge [sflag:s7], $0x80  }
0x28: {  	[sflag:s7] =	ssyncset.done $0x0  }
0x29: {  	[sflag:s7] =	ssyncadd.s32 $0xFFFFFF80  }
0x2a: {  	[tilespmem:s8], [sflag:$0x1] =	stream.indirect.gather [hbm4b:s1+s8], $0x10, s3, s8, $0xb8;
	[tilespmem:$0x880] =	vst v63  }
0x2b: {  	s10 =	sadd.s32 $0x1, s10;
	_ =	swait.ge [sflag:s9], $0x800  }
0x2c: {  	p0 =	sne.s32 s10, s4;
	[sflag:s9] =	ssyncset.done $0x0  }
.Ltmp1:
0x2d: {  	[sflag:s9] =	ssyncadd.s32 $0xFFFFF800;
	(pc) =	sbr.rel @p0 .LBB2_1-.Ltmp1, $4  }
0x2e: {  	[hbm4b:s11+s3] =	stream.linear.scatter [tilespmem:s8], [sflag:$0x2], $0x800, $0x38;
	[tilespmem:$0x880] =	vst v63  }
0x2f: {  	_ =	swait.ge [sflag:s7], $0x800  }
0x30: {  	[sflag:s7] =	ssyncset.done $0x0  }
0x31: {  	[sflag:s7] =	ssyncadd.s32 $0xFFFFF800  }
0x32: {  	_ =	sfence.sel $0x180000  }
0x33: {  	[bflag:$0x0] =	sbarrier.arrive $0xFFFF  }
0x34: {  	p0 =	sne.s32 s2, $0x0;
	_ =	strace $0x90000047  }
0x35: {  	s0 =	sadd.s32 @!p0 $0x100000, s0;
	[bflag:$0x2] =	sbarrier.arrive $0xFFFF  }
0x36: {  	[sflag:s0] =	ssyncadd.tile.s32 @!p0 $0x1;
	_ =	shalt  }
.Lfunc_end2:
_tile_overlayer_lowered:
.L_overlay_start_2:
0x37: {  	(tag) =	ssettag $0x2  }
0x38: {  	s0 =	rddreg [dreg:$0x0];
	s2 =	stileid.u32  }
0x39: {  	s1 =	rddreg [dreg:$0x1];
	p0 =	sne.s32 s2, $0x0  }
0x3a: {  	s3 =	rddreg [dreg:$0x2];
	[bflag:$0x3] =	sbarrier.arrive $0xFFFF;
	s2 =	simm.s32 @!p0 $0x1C02  }
0x3b: {  	[timem:s3], [sflag:s2] =	dma.local @!p0 [hbm:s0], s1  }
0x3c: {  	s0 =	simm.s32 @!p0 $0x2  }
0x3d: {  	_ =	swait.ge @!p0 [sflag:s0], s1  }
0x3e: {  	s1 =	ssub.s32 @!p0 $0x0, s1;
	[sflag:s0] =	ssyncset.done @!p0 $0x0  }
0x3f: {  	[sflag:s0] =	ssyncadd.s32 @!p0 s1  }
0x40: {  	[bflag:$0x3] =	sbarrier.arrive $0xFFFF  }
0x41: {  	_ =	shalt  }

// kernel: kernel.21.cloned.1.call-start
scs
__scs_entry_jumppad:
0x0: {  	(pc) =	sbr.rel $0x88, $3  }
0x1: {  	(tag) =	ssettag $0x0;
	lr =	simm.s32 $0x1  }
0x2: {  	[smem:$0x3F64] =	sst lr;
	_ =	strace $0xD0000000  }
0x3: {  	_ = 	snop  }
0x4: {  	_ = 	snop  }
0x5: {  	_ = 	snop  }
0x6: {  	_ = 	snop  }
0x7: {  	_ = 	snop  }
__scs_overlays_trampoline_lowered:
0x8: {  	[smem:$0x3F73] =	sst s0  }
0x9: {  	[smem:$0x3F74] =	sst s1  }
0xa: {  	[smem:$0x3F75] =	sst s2  }
0xb: {  	[smem:$0x3F76] =	sst s3  }
0xc: {  	[smem:$0x3F77] =	sst s4  }
0xd: {  	[smem:$0x3F78] =	sst s5  }
0xe: {  	[smem:$0x3F79] =	sst s6  }
0xf: {  	[smem:$0x3F7A] =	sst s7  }
0x10: {  	[smem:$0x3F7B] =	sst s8  }
0x11: {  	[smem:$0x3F7C] =	sst s9;
	s0 =	simm.s32 @!p0 $0x0  }
0x12: {  	s1 =	sld [smem:$0x3F62];
	s0 =	simm.s32 @p0 $0x1  }
0x13: {  	[smem:$0x3F7D] =	sst s0;
	s0 =	simm.s32 @!p1 $0x0  }
0x14: {  	s2 =	sld [smem:$0x3F61];
	s0 =	simm.s32 @p1 $0x1  }
0x15: {  	[smem:$0x3F7E] =	sst s0;
	s0 =	simm.s32 @!p2 $0x0  }
0x16: {  	s3 =	sld [smem:$0x3FDB];
	s0 =	simm.s32 @p2 $0x1  }
0x17: {  	s4 =	simm.s32 $0x1BF5;
	[smem:$0x3F80] =	sst s0  }
0x18: {  	s0 =	sld [smem:$0x3F63];
	_ =	swait.ge [sflag:s4], $0x0  }
0x19: {  	s7 =	sld [smem:$0x3F64]  }
0x1a: {  	s8 =	sadd.s32 $0xFFFFE003, lr  }
0x1b: {  	s9 =	sadd.s32 $0xFFFFFEF7, lr;
	s5 =	simm.s32 $0xFFFFFFFF;
	p2 =	slt.u32 s8, $0xFFFFF086  }
0x1c: {  	p1 =	slt.u32 s9, $0xF7A;
	s5 =	simm.s32 @!p2 $0x0  }
0x1d: {  	s5 =	simm.s32 @p1 $0x1;
	p0 =	seq.s32 s7, s2  }
0x1e: {  	s7 =	smul.u32 @!p0 $0xF7A, s2;
	p2 =	seq.s32 @!p0 s5, $0x0  }
0x1f: {  	s9 =	smul.u32 $0xF7A, s1;
	s8 =	simm.s32 @!p0 $0x1BF5;
	p2 =	por !p2, p0  }
0x20: {  	[sflag:s8] =	ssyncset.s32 @!p0 $0xFFFFF086;
	s6 =	sadd.s32 @!p0 s3, s7;
	s7 =	simm.s32 @!p0 $0x108  }
0x21: {  	s3 =	sadd.s32 s3, s9;
	s6 =	sadd.s32 @!p0 $0x88, s6;
	s7 =	simm.s32 @p2 $0x1082  }
0x22: {  	[simem:s7], [sflag:s8] =	dma.local @!p0 [hbm:s6], $0xF7A  }
0x23: {  	s9 =	sor.u32 $0xD0000000, s2;
	s6 =	simm.s32 $0x108;
	_ =	swait.ge @!p0 [sflag:s8], $0x0  }
0x24: {  	s3 =	sadd.s32 $0x88, s3;
	s6 =	simm.s32 @!p1 $0x1082;
	[sflag:s4] =	ssyncset.s32 $0xFFFFF086  }
0x25: {  	[simem:s6], [sflag:s4] =	dma.local [hbm:s3], $0xF7A  }
0x26: {  	[smem:$0x3F64] =	sst s1;
	(tag) =	ssettag s2;
	_ =	strace s9  }
0x27: {  	s1 =	sld [smem:$0x3F74]  }
0x28: {  	s2 =	sld [smem:$0x3F75]  }
0x29: {  	s4 =	sld [smem:$0x3F77]  }
0x2a: {  	p0 =	seq.s32 s5, $0x0;
	s5 =	sld [smem:$0x3F78]  }
0x2b: {  	s6 =	sld [smem:$0x3F79]  }
0x2c: {  	s7 =	sld [smem:$0x3F7A]  }
0x2d: {  	s3 =	simm.s32 $0x108;
	s8 =	sld [smem:$0x3F7B]  }
0x2e: {  	s3 =	simm.s32 @!p0 $0x1082;
	s9 =	sld [smem:$0x3F7C]  }
0x2f: {  	lr =	sadd.s32 s0, s3;
	s0 =	sld [smem:$0x3F73]  }
0x30: {  	s3 =	sld [smem:$0x3F76]  }
0x31: {  	[smem:$0x3F7F] =	sst s10  }
0x32: {  	s10 =	sld [smem:$0x3F7D];
	_ =	sdelay $0x3  }
0x33: {  	p0 =	seq.s32 s10, $0x1;
	s10 =	sld [smem:$0x3F7F];
	_ =	sdelay $0x3  }
0x34: {  	[smem:$0x3F7F] =	sst s10  }
0x35: {  	s10 =	sld [smem:$0x3F7E];
	_ =	sdelay $0x3  }
0x36: {  	p1 =	seq.s32 s10, $0x1;
	s10 =	sld [smem:$0x3F7F];
	_ =	sdelay $0x3  }
0x37: {  	[smem:$0x3F7F] =	sst s10  }
0x38: {  	s10 =	sld [smem:$0x3F80]  }
0x39: {  	_ = 	snop;
	(pc) =	sbr.ind lr, $3  }
0x3a: {  	_ = 	snop  }
0x3b: {  	_ = 	snop  }
0x3c: {  	p2 =	seq.s32 s10, $0x1;
	s10 =	sld [smem:$0x3F7F]  }
0x3d: {  	_ =	shalt  }
0x3e: {  	_ =	shalt  }
0x3f: {  	_ =	shalt  }
0x40: {  	_ =	shalt  }
0x41: {  	_ =	shalt  }
0x42: {  	_ =	shalt  }
0x43: {  	_ =	shalt  }
0x44: {  	_ =	shalt  }
0x45: {  	_ =	shalt  }
0x46: {  	_ =	shalt  }
0x47: {  	_ =	shalt  }
0x48: {  	_ =	shalt  }
0x49: {  	_ =	shalt  }
0x4a: {  	_ =	shalt  }
0x4b: {  	_ =	shalt  }
0x4c: {  	_ =	shalt  }
0x4d: {  	_ =	shalt  }
0x4e: {  	_ =	shalt  }
0x4f: {  	_ =	shalt  }
0x50: {  	_ =	shalt  }
0x51: {  	_ =	shalt  }
0x52: {  	_ =	shalt  }
0x53: {  	_ =	shalt  }
0x54: {  	_ =	shalt  }
0x55: {  	_ =	shalt  }
0x56: {  	_ =	shalt  }
0x57: {  	_ =	shalt  }
0x58: {  	_ =	shalt  }
0x59: {  	_ =	shalt  }
0x5a: {  	_ =	shalt  }
0x5b: {  	_ =	shalt  }
0x5c: {  	_ =	shalt  }
0x5d: {  	_ =	shalt  }
0x5e: {  	_ =	shalt  }
0x5f: {  	_ =	shalt  }
0x60: {  	_ =	shalt  }
0x61: {  	_ =	shalt  }
0x62: {  	_ =	shalt  }
0x63: {  	_ =	shalt  }
0x64: {  	_ =	shalt  }
0x65: {  	_ =	shalt  }
0x66: {  	_ =	shalt  }
0x67: {  	_ =	shalt  }
0x68: {  	_ =	shalt  }
0x69: {  	_ =	shalt  }
0x6a: {  	_ =	shalt  }
0x6b: {  	_ =	shalt  }
0x6c: {  	_ =	shalt  }
0x6d: {  	_ =	shalt  }
0x6e: {  	_ =	shalt  }
0x6f: {  	_ =	shalt  }
0x70: {  	_ =	shalt  }
0x71: {  	_ =	shalt  }
0x72: {  	_ =	shalt  }
0x73: {  	_ =	shalt  }
0x74: {  	_ =	shalt  }
0x75: {  	_ =	shalt  }
0x76: {  	_ =	shalt  }
0x77: {  	_ =	shalt  }
0x78: {  	_ =	shalt  }
0x79: {  	_ =	shalt  }
0x7a: {  	_ =	shalt  }
0x7b: {  	_ =	shalt  }
0x7c: {  	_ =	shalt  }
0x7d: {  	_ =	shalt  }
0x7e: {  	_ =	shalt  }
0x7f: {  	_ =	shalt  }
0x80: {  	_ =	shalt  }
0x81: {  	_ =	shalt  }
0x82: {  	_ =	shalt  }
0x83: {  	_ =	shalt  }
0x84: {  	_ =	shalt  }
0x85: {  	_ =	shalt  }
0x86: {  	_ =	shalt  }
0x87: {  	_ =	shalt  }
.Lfunc_end0:
.L_simem_size_0:
called_computation.1_lowered:
.L_overlay_start_0:
0x88: {  	s2 =	sld [smem:$0x3FD9]  }
0x89: {  	s3 =	sld [smem:$0x3FFE];
	_ =	sdelay $0x1  }
0x8a: {  	s1 =	srdreg.scid  }
0x8b: {  	s0 =	sand.u32 $0x1, s1  }
0x8c: {  	s16 =	sshll.u32 s0, $0xA;
	s2 =	sadd.s32 s3, s2  }
0x8d: {  	s2 =	sadd.s32 s2, s16  }
0x8e: {  	[smem:$0x3F8B] =	sst s2  }
0x8f: {  	_ = 	snop  }
0x90: {  	(tm) =	ssettm $0x1  }
0x91: {  	s17 =	sld [smem:$0x3FFB];
	_ =	sdelay $0x3  }
0x92: {  	_ =	strace s17  }
0x93: {  	s2 =	sld [smem:$0x3FFC];
	_ =	sdelay $0x3  }
0x94: {  	_ =	strace s2  }
0x95: {  	s2 =	sld [smem:$0x3FFD];
	_ =	sdelay $0x3  }
0x96: {  	_ =	strace s2  }
0x97: {  	_ =	strace $0x8FFFFFFF  }
0x98: {  	s18 =	sld [smem:$0x3FDB];
	_ =	sdelay $0x1  }
0x99: {  	s19 =	simm.s32 $_scs_section_size  }
0x9a: {  	s4 =	simm.s32 $_size__tile_overlayer_lowered;
	s5 =	simm.s32 $_tile_overlayer_lowered  }
0x9b: {  	s22 =	simm.s32 $0x1BFF;
	s21 =	sshll.u32 s5, $0x1;
	s2 =	sadd.s32 s19, s18  }
0x9c: {  	s6 =	simm.s32 $0x0;
	s20 =	sshll.u32 s4, $0x1;
	s4 =	sadd.s32 s21, s2  }
0x9d: {  	[timem:s6], [sflag:s22] =	dma.local [hbm:s4], s20  }
0x9e: {  	_ =	swait.ge [sflag:s22], s20  }
0x9f: {  	s3 =	ssub.s32 $0x0, s20;
	[sflag:s22] =	ssyncset.done $0x0  }
0xa0: {  	[sflag:s22] =	ssyncadd.s32 s3;
	_ =	sdelay $0x1  }
0xa1: {  	s23 =	simm.s32 $0x1B8B  }
0xa2: {  	_ =	swait.ge [sflag:s23], $0x1  }
0xa3: {  	[sflag:s23] =	ssyncset.done $0x0  }
0xa4: {  	s25 =	simm.s32 $0x1B8E;
	s24 =	sld [smem:$0x3FFE];
	[sflag:s23] =	ssyncadd.s32 $0xFFFFFFFF  }
0xa5: {  	s26 =	simm.s32 $execute0_lowered;
	[smem:$0x3FD2] =	sst s25  }
0xa6: {  	s4 =	sshll.u32 s26, $0x1;
	_ =	strace $0x80000049;
	[dreg:$0x1] =	wrdreg $0xFFFFFFFF  }
0xa7: {  	s28 =	simm.s32 $_size_execute0_lowered;
	s2 =	sadd.s32 s2, s4;
	[dreg:$0x0] =	wrdreg $0x0  }
0xa8: {  	s4 =	sshll.u32 s28, $0x1;
	[dreg:$0x2] =	wrdreg s2  }
0xa9: {  	[dreg:$0x3] =	wrdreg s4  }
0xaa: {  	[dreg:$0x4] =	wrdreg $0xC0  }
0xab: {  	_ =	task [dreg:s6], $0x5FFFF  }
0xac: {  	[dreg:$0x1] =	wrdreg $0xFFFFFFFF  }
0xad: {  	[dreg:$0x0] =	wrdreg $0x60  }
0xae: {  	[dreg:$0x2] =	wrdreg s24  }
0xaf: {  	[dreg:$0x3] =	wrdreg $0x9  }
0xb0: {  	_ =	task.clear_ibuf [dreg:s6], $0x4FFFF;
	_ =	strace $0x90000049  }
0xb1: {  	s29 =	simm.s32 $0x9;
	_ =	strace $0x8000004B  }
0xb2: {  	_ =	swait.ge [sflag:s29], $0x1  }
0xb3: {  	[sflag:s29] =	ssyncadd.s32 $0xFFFFFFFF  }
0xb4: {  	_ =	strace $0x9000004B  }
0xb5: {  	_ =	sfence  }
0xb6: {  	s30 =	sld [smem:$0x0];
	_ =	sdelay $0x2  }
0xb7: {  	s31 =	sshll.u32 s1, $0xD;
	s1 =	sshrl.u32 s1, $0x2  }
0xb8: {  	s3 =	sand.u32 $0x4000, s31;
	s1 =	sadd.s32 s1, s30  }
0xb9: {  	s0 =	sor.u32 s3, s0;
	s1 =	sshll.u32 s1, $0x11  }
0xba: {  	s0 =	sor.u32 s1, s0  }
0xbb: {  	s0 =	sadd.s32 $0x8F2B, s0  }
0xbc: {  	[sflag:s0] =	ssyncadd.remote.s32 $0x1  }
0xbd: {  	_ =	sfence.sel $0xFFFF  }
0xbe: {  	[dreg:$0x0] =	wrdreg $0xFFFFFFFF;
	(pc) =	sbr.abs _section_cstart, $3  }
0xbf: {  	[dreg:$0x1] =	wrdreg $0xFFFFFFFF  }
0xc0: {  	_ =	task.clear_ibuf [dreg:s6], $0x2FFFF;
	_ =	strace $0x9FFFFFFF  }
0xc1: {  	(tm) =	ssettm $0x7FFFFFFF  }
tec
execute0_lowered:
.L_overlay_start_1:
0x0: {  	(tag) =	ssettag $0x1  }
0x1: {  	s4 =	rddreg [dreg:$0x0]  }
0x2: {  	s0 =	rddreg [dreg:$0x1];
	s2 =	simm.s32 $0x0;
	s5 =	srdreg.scid  }
0x3: {  	s1 =	stileid.u32;
	s10 =	simm.s32 $0x0;
	[smem:$0x7FF] =	sst s2  }
0x4: {  	s3 =	sadd.s32 $0x9600, s4;
	s5 =	sand.u32 $0x1, s5;
	s6 =	sshll.u32 s1, $0xB  }
0x5: {  	s8 =	smul.u32 $0x5000, s1;
	_ =	strace $0x8000004A;
	s7 =	sshll.u32 s5, $0xA  }
0x6: {  	s9 =	ssub.s32 $0x2, s5;
	s5 =	smul.u32 $0x2800, s5;
	s6 =	sor.u32 s7, s6  }
0x7: {  	s30 =	sshrl.u32 s9, $0x1;
	s8 =	sadd.s32 s8, s4;
	s6 =	sshrl.u32 s6, $0x3  }
0x8: {  	s7 =	ssub.s32 s9, s30;
	s31 =	sadd.s32 s5, s8;
	s8 =	simm.s32 $0x80  }
0x9: {  	s9 =	simm.s32 $0x1;
	s6 =	sadd.s32 s6, s4;
	s4 =	smax.u32 s7, $0x1  }
0xa: {  	s7 =	simm.s32 $0x2;
	s5 =	sadd.s32 $0x4D600, s6;
	s6 =	sadd.s32 $0x4E600, s31  }
.LBB2_1:
0xb: {  	s11 =	sadd.s32 $0x0, s5  }
0xc: {  	[tilespmem:s2], [sflag:$0x2] =	stream.linear.gather [hbm4b:s11+s2], $0x80, $0x38;
	[tilespmem:$0x2880] =	vst v63  }
0xd: {  	_ =	swait.ge [sflag:s7], $0x80  }
0xe: {  	[sflag:s7] =	ssyncset.done $0x0  }
0xf: {  	[sflag:s7] =	ssyncadd.s32 $0xFFFFFF80  }
0x10: {  	[tilespmem:s8], [sflag:$0x1] =	stream.indirect.gather [hbm4b:s3+s8], $0x50, s2, s8, $0xb8;
	[tilespmem:$0x2880] =	vst v63  }
0x11: {  	_ =	swait.ge [sflag:s9], $0x2800  }
0x12: {  	[sflag:s9] =	ssyncset.done $0x0  }
0x13: {  	[sflag:s9] =	ssyncadd.s32 $0xFFFFD800  }
0x14: {  	[hbm4b:s6+s2] =	stream.linear.scatter [tilespmem:s8], [sflag:$0x2], $0x2800, $0x38;
	[tilespmem:$0x2880] =	vst v63  }
0x15: {  	s12 =	simm.s32 $0x10;
	_ =	swait.ge [sflag:s7], $0x2800  }
0x16: {  	s13 =	simm.s32 $0x20;
	s11 =	sadd.s32 $0x500, s6;
	[sflag:s7] =	ssyncset.done $0x0  }
.LBB2_2:
0x17: {  	s14 =	sadd.s32 s12, s5  }
0x18: {  	[sflag:s7] =	ssyncadd.s32 $0xFFFFD800;
	s12 =	smov.u32 s13;
	s15 =	sadd.s32 $0x10, s13  }
0x19: {  	[tilespmem:s2], [sflag:$0x2] =	stream.linear.gather [hbm4b:s14+s2], $0x80, $0x38;
	[tilespmem:$0x2880] =	vst v63  }
0x1a: {  	p0 =	sne.s32 s13, $0x70;
	_ =	swait.ge [sflag:s7], $0x80  }
0x1b: {  	[sflag:s7] =	ssyncset.done $0x0  }
0x1c: {  	[sflag:s7] =	ssyncadd.s32 $0xFFFFFF80  }
0x1d: {  	[tilespmem:s8], [sflag:$0x1] =	stream.indirect.gather [hbm4b:s3+s8], $0x50, s2, s8, $0xb8;
	[tilespmem:$0x2880] =	vst v63  }
0x1e: {  	_ =	swait.ge [sflag:s9], $0x2800  }
.Ltmp0:
0x1f: {  	[sflag:s9] =	ssyncset.done $0x0;
	(pc) =	sbr.rel @p0 .LBB2_2-.Ltmp0, $4  }
0x20: {  	[sflag:s9] =	ssyncadd.s32 $0xFFFFD800  }
0x21: {  	[hbm4b:s11+s2] =	stream.linear.scatter [tilespmem:s8], [sflag:$0x2], $0x2800, $0x38;
	[tilespmem:$0x2880] =	vst v63  }
0x22: {  	_ =	swait.ge [sflag:s7], $0x2800  }
0x23: {  	s13 =	smov.u32 s15;
	s11 =	sadd.s32 $0x500, s11;
	[sflag:s7] =	ssyncset.done $0x0  }
0x24: {  	s12 =	sadd.s32 s12, s5;
	[sflag:s7] =	ssyncadd.s32 $0xFFFFD800  }
0x25: {  	[tilespmem:s2], [sflag:$0x2] =	stream.linear.gather [hbm4b:s12+s2], $0x80, $0x38;
	[tilespmem:$0x2880] =	vst v63  }
0x26: {  	_ =	swait.ge [sflag:s7], $0x80  }
0x27: {  	[sflag:s7] =	ssyncset.done $0x0  }
0x28: {  	[sflag:s7] =	ssyncadd.s32 $0xFFFFFF80  }
0x29: {  	[tilespmem:s8], [sflag:$0x1] =	stream.indirect.gather [hbm4b:s3+s8], $0x50, s2, s8, $0xb8;
	[tilespmem:$0x2880] =	vst v63  }
0x2a: {  	s10 =	sadd.s32 $0x1, s10;
	_ =	swait.ge [sflag:s9], $0x2800  }
0x2b: {  	p0 =	sne.s32 s10, s4;
	[sflag:s9] =	ssyncset.done $0x0  }
.Ltmp1:
0x2c: {  	[sflag:s9] =	ssyncadd.s32 $0xFFFFD800;
	(pc) =	sbr.rel @p0 .LBB2_1-.Ltmp1, $4  }
0x2d: {  	[hbm4b:s11+s2] =	stream.linear.scatter [tilespmem:s8], [sflag:$0x2], $0x2800, $0x38;
	[tilespmem:$0x2880] =	vst v63  }
0x2e: {  	_ =	swait.ge [sflag:s7], $0x2800  }
0x2f: {  	[sflag:s7] =	ssyncset.done $0x0  }
0x30: {  	[sflag:s7] =	ssyncadd.s32 $0xFFFFD800  }
0x31: {  	_ =	sfence.sel $0x180000  }
0x32: {  	[bflag:$0x0] =	sbarrier.arrive $0xFFFF  }
0x33: {  	p0 =	sne.s32 s1, $0x0;
	_ =	strace $0x9000004A  }
0x34: {  	s0 =	sadd.s32 @!p0 $0x100000, s0;
	[bflag:$0x2] =	sbarrier.arrive $0xFFFF  }
0x35: {  	[sflag:s0] =	ssyncadd.tile.s32 @!p0 $0x1;
	_ =	shalt  }
.Lfunc_end2:
_tile_overlayer_lowered:
.L_overlay_start_2:
0x36: {  	(tag) =	ssettag $0x2  }
0x37: {  	s0 =	rddreg [dreg:$0x0];
	s2 =	stileid.u32  }
0x38: {  	s1 =	rddreg [dreg:$0x1];
	p0 =	sne.s32 s2, $0x0  }
0x39: {  	s3 =	rddreg [dreg:$0x2];
	[bflag:$0x3] =	sbarrier.arrive $0xFFFF;
	s2 =	simm.s32 @!p0 $0x1C02  }
0x3a: {  	[timem:s3], [sflag:s2] =	dma.local @!p0 [hbm:s0], s1  }
0x3b: {  	s0 =	simm.s32 @!p0 $0x2  }
0x3c: {  	_ =	swait.ge @!p0 [sflag:s0], s1  }
0x3d: {  	s1 =	ssub.s32 @!p0 $0x0, s1;
	[sflag:s0] =	ssyncset.done @!p0 $0x0  }
0x3e: {  	[sflag:s0] =	ssyncadd.s32 @!p0 s1  }
0x3f: {  	[bflag:$0x3] =	sbarrier.arrive $0xFFFF  }
0x40: {  	_ =	shalt  }

// kernel: kernel.24.cloned.1.call-start
scs
__scs_entry_jumppad:
0x0: {  	(pc) =	sbr.rel $0x88, $3  }
0x1: {  	(tag) =	ssettag $0x0;
	lr =	simm.s32 $0x1  }
0x2: {  	[smem:$0x3F64] =	sst lr;
	_ =	strace $0xD0000000  }
0x3: {  	_ = 	snop  }
0x4: {  	_ = 	snop  }
0x5: {  	_ = 	snop  }
0x6: {  	_ = 	snop  }
0x7: {  	_ = 	snop  }
__scs_overlays_trampoline_lowered:
0x8: {  	[smem:$0x3F73] =	sst s0  }
0x9: {  	[smem:$0x3F74] =	sst s1  }
0xa: {  	[smem:$0x3F75] =	sst s2  }
0xb: {  	[smem:$0x3F76] =	sst s3  }
0xc: {  	[smem:$0x3F77] =	sst s4  }
0xd: {  	[smem:$0x3F78] =	sst s5  }
0xe: {  	[smem:$0x3F79] =	sst s6  }
0xf: {  	[smem:$0x3F7A] =	sst s7  }
0x10: {  	[smem:$0x3F7B] =	sst s8  }
0x11: {  	[smem:$0x3F7C] =	sst s9;
	s0 =	simm.s32 @!p0 $0x0  }
0x12: {  	s1 =	sld [smem:$0x3F62];
	s0 =	simm.s32 @p0 $0x1  }
0x13: {  	[smem:$0x3F7D] =	sst s0;
	s0 =	simm.s32 @!p1 $0x0  }
0x14: {  	s2 =	sld [smem:$0x3F61];
	s0 =	simm.s32 @p1 $0x1  }
0x15: {  	[smem:$0x3F7E] =	sst s0;
	s0 =	simm.s32 @!p2 $0x0  }
0x16: {  	s3 =	sld [smem:$0x3FDB];
	s0 =	simm.s32 @p2 $0x1  }
0x17: {  	s4 =	simm.s32 $0x1BF5;
	[smem:$0x3F80] =	sst s0  }
0x18: {  	s0 =	sld [smem:$0x3F63];
	_ =	swait.ge [sflag:s4], $0x0  }
0x19: {  	s7 =	sld [smem:$0x3F64]  }
0x1a: {  	s8 =	sadd.s32 $0xFFFFE003, lr  }
0x1b: {  	s9 =	sadd.s32 $0xFFFFFEF7, lr;
	s5 =	simm.s32 $0xFFFFFFFF;
	p2 =	slt.u32 s8, $0xFFFFF086  }
0x1c: {  	p1 =	slt.u32 s9, $0xF7A;
	s5 =	simm.s32 @!p2 $0x0  }
0x1d: {  	s5 =	simm.s32 @p1 $0x1;
	p0 =	seq.s32 s7, s2  }
0x1e: {  	s7 =	smul.u32 @!p0 $0xF7A, s2;
	p2 =	seq.s32 @!p0 s5, $0x0  }
0x1f: {  	s9 =	smul.u32 $0xF7A, s1;
	s8 =	simm.s32 @!p0 $0x1BF5;
	p2 =	por !p2, p0  }
0x20: {  	[sflag:s8] =	ssyncset.s32 @!p0 $0xFFFFF086;
	s6 =	sadd.s32 @!p0 s3, s7;
	s7 =	simm.s32 @!p0 $0x108  }
0x21: {  	s3 =	sadd.s32 s3, s9;
	s6 =	sadd.s32 @!p0 $0x88, s6;
	s7 =	simm.s32 @p2 $0x1082  }
0x22: {  	[simem:s7], [sflag:s8] =	dma.local @!p0 [hbm:s6], $0xF7A  }
0x23: {  	s9 =	sor.u32 $0xD0000000, s2;
	s6 =	simm.s32 $0x108;
	_ =	swait.ge @!p0 [sflag:s8], $0x0  }
0x24: {  	s3 =	sadd.s32 $0x88, s3;
	s6 =	simm.s32 @!p1 $0x1082;
	[sflag:s4] =	ssyncset.s32 $0xFFFFF086  }
0x25: {  	[simem:s6], [sflag:s4] =	dma.local [hbm:s3], $0xF7A  }
0x26: {  	[smem:$0x3F64] =	sst s1;
	(tag) =	ssettag s2;
	_ =	strace s9  }
0x27: {  	s1 =	sld [smem:$0x3F74]  }
0x28: {  	s2 =	sld [smem:$0x3F75]  }
0x29: {  	s4 =	sld [smem:$0x3F77]  }
0x2a: {  	p0 =	seq.s32 s5, $0x0;
	s5 =	sld [smem:$0x3F78]  }
0x2b: {  	s6 =	sld [smem:$0x3F79]  }
0x2c: {  	s7 =	sld [smem:$0x3F7A]  }
0x2d: {  	s3 =	simm.s32 $0x108;
	s8 =	sld [smem:$0x3F7B]  }
0x2e: {  	s3 =	simm.s32 @!p0 $0x1082;
	s9 =	sld [smem:$0x3F7C]  }
0x2f: {  	lr =	sadd.s32 s0, s3;
	s0 =	sld [smem:$0x3F73]  }
0x30: {  	s3 =	sld [smem:$0x3F76]  }
0x31: {  	[smem:$0x3F7F] =	sst s10  }
0x32: {  	s10 =	sld [smem:$0x3F7D];
	_ =	sdelay $0x3  }
0x33: {  	p0 =	seq.s32 s10, $0x1;
	s10 =	sld [smem:$0x3F7F];
	_ =	sdelay $0x3  }
0x34: {  	[smem:$0x3F7F] =	sst s10  }
0x35: {  	s10 =	sld [smem:$0x3F7E];
	_ =	sdelay $0x3  }
0x36: {  	p1 =	seq.s32 s10, $0x1;
	s10 =	sld [smem:$0x3F7F];
	_ =	sdelay $0x3  }
0x37: {  	[smem:$0x3F7F] =	sst s10  }
0x38: {  	s10 =	sld [smem:$0x3F80]  }
0x39: {  	_ = 	snop;
	(pc) =	sbr.ind lr, $3  }
0x3a: {  	_ = 	snop  }
0x3b: {  	_ = 	snop  }
0x3c: {  	p2 =	seq.s32 s10, $0x1;
	s10 =	sld [smem:$0x3F7F]  }
0x3d: {  	_ =	shalt  }
0x3e: {  	_ =	shalt  }
0x3f: {  	_ =	shalt  }
0x40: {  	_ =	shalt  }
0x41: {  	_ =	shalt  }
0x42: {  	_ =	shalt  }
0x43: {  	_ =	shalt  }
0x44: {  	_ =	shalt  }
0x45: {  	_ =	shalt  }
0x46: {  	_ =	shalt  }
0x47: {  	_ =	shalt  }
0x48: {  	_ =	shalt  }
0x49: {  	_ =	shalt  }
0x4a: {  	_ =	shalt  }
0x4b: {  	_ =	shalt  }
0x4c: {  	_ =	shalt  }
0x4d: {  	_ =	shalt  }
0x4e: {  	_ =	shalt  }
0x4f: {  	_ =	shalt  }
0x50: {  	_ =	shalt  }
0x51: {  	_ =	shalt  }
0x52: {  	_ =	shalt  }
0x53: {  	_ =	shalt  }
0x54: {  	_ =	shalt  }
0x55: {  	_ =	shalt  }
0x56: {  	_ =	shalt  }
0x57: {  	_ =	shalt  }
0x58: {  	_ =	shalt  }
0x59: {  	_ =	shalt  }
0x5a: {  	_ =	shalt  }
0x5b: {  	_ =	shalt  }
0x5c: {  	_ =	shalt  }
0x5d: {  	_ =	shalt  }
0x5e: {  	_ =	shalt  }
0x5f: {  	_ =	shalt  }
0x60: {  	_ =	shalt  }
0x61: {  	_ =	shalt  }
0x62: {  	_ =	shalt  }
0x63: {  	_ =	shalt  }
0x64: {  	_ =	shalt  }
0x65: {  	_ =	shalt  }
0x66: {  	_ =	shalt  }
0x67: {  	_ =	shalt  }
0x68: {  	_ =	shalt  }
0x69: {  	_ =	shalt  }
0x6a: {  	_ =	shalt  }
0x6b: {  	_ =	shalt  }
0x6c: {  	_ =	shalt  }
0x6d: {  	_ =	shalt  }
0x6e: {  	_ =	shalt  }
0x6f: {  	_ =	shalt  }
0x70: {  	_ =	shalt  }
0x71: {  	_ =	shalt  }
0x72: {  	_ =	shalt  }
0x73: {  	_ =	shalt  }
0x74: {  	_ =	shalt  }
0x75: {  	_ =	shalt  }
0x76: {  	_ =	shalt  }
0x77: {  	_ =	shalt  }
0x78: {  	_ =	shalt  }
0x79: {  	_ =	shalt  }
0x7a: {  	_ =	shalt  }
0x7b: {  	_ =	shalt  }
0x7c: {  	_ =	shalt  }
0x7d: {  	_ =	shalt  }
0x7e: {  	_ =	shalt  }
0x7f: {  	_ =	shalt  }
0x80: {  	_ =	shalt  }
0x81: {  	_ =	shalt  }
0x82: {  	_ =	shalt  }
0x83: {  	_ =	shalt  }
0x84: {  	_ =	shalt  }
0x85: {  	_ =	shalt  }
0x86: {  	_ =	shalt  }
0x87: {  	_ =	shalt  }
.Lfunc_end0:
.L_simem_size_0:
called_computation.2_lowered:
.L_overlay_start_0:
0x88: {  	s2 =	sld [smem:$0x3FD9]  }
0x89: {  	s3 =	sld [smem:$0x3FFE];
	_ =	sdelay $0x1  }
0x8a: {  	s1 =	srdreg.scid  }
0x8b: {  	s0 =	sand.u32 $0x1, s1  }
0x8c: {  	s14 =	sshll.u32 s0, $0xA;
	s2 =	sadd.s32 s3, s2  }
0x8d: {  	s2 =	sadd.s32 s2, s14  }
0x8e: {  	[smem:$0x3F8B] =	sst s2  }
0x8f: {  	_ = 	snop  }
0x90: {  	s2 =	sld [smem:$0x3FD0];
	_ =	sdelay $0x2  }
0x91: {  	s15 =	simm.s32 $0xA;
	s4 =	simm.s32 $0x10  }
0x92: {  	[smem:s4], [sflag:s15] =	dma.local [hbm:s2], $0x1  }
0x93: {  	_ =	swait.eq [sflag:s15], $0x1  }
0x94: {  	[sflag:s15] =	ssyncset.done $0x0  }
0x95: {  	[sflag:s15] =	ssyncadd.s32 $0xFFFFFFFF  }
0x96: {  	s16 =	sld [smem:$0x13];
	(tm) =	ssettm $0x1  }
0x97: {  	s17 =	sld [smem:$0x3FFB];
	_ =	sdelay $0x3  }
0x98: {  	_ =	strace s17  }
0x99: {  	s3 =	sld [smem:$0x3FFC];
	_ =	sdelay $0x3  }
0x9a: {  	_ =	strace s3  }
0x9b: {  	s3 =	sld [smem:$0x3FFD];
	_ =	sdelay $0x3  }
0x9c: {  	_ =	strace s3  }
0x9d: {  	_ =	strace $0x8FFFFFFF  }
0x9e: {  	s18 =	sld [smem:$0x3FDB];
	_ =	sdelay $0x1  }
0x9f: {  	s19 =	simm.s32 $_scs_section_size  }
0xa0: {  	s5 =	simm.s32 $_size__tile_overlayer_lowered;
	s6 =	simm.s32 $_tile_overlayer_lowered  }
0xa1: {  	s22 =	simm.s32 $0x1BFF;
	s21 =	sshll.u32 s6, $0x1;
	s3 =	sadd.s32 s19, s18  }
0xa2: {  	s7 =	simm.s32 $0x0;
	s20 =	sshll.u32 s5, $0x1;
	s5 =	sadd.s32 s21, s3  }
0xa3: {  	[timem:s7], [sflag:s22] =	dma.local [hbm:s5], s20  }
0xa4: {  	_ =	swait.ge [sflag:s22], s20  }
0xa5: {  	s4 =	ssub.s32 $0x0, s20;
	[sflag:s22] =	ssyncset.done $0x0  }
0xa6: {  	[sflag:s22] =	ssyncadd.s32 s4;
	_ =	sdelay $0x1  }
0xa7: {  	s23 =	simm.s32 $0x1B8B  }
0xa8: {  	_ =	swait.ge [sflag:s23], $0x1  }
0xa9: {  	[sflag:s23] =	ssyncset.done $0x0  }
0xaa: {  	s25 =	simm.s32 $0x1B8E;
	s24 =	sld [smem:$0x3FFE];
	[sflag:s23] =	ssyncadd.s32 $0xFFFFFFFF  }
0xab: {  	s26 =	simm.s32 $execute0_lowered;
	[smem:$0x3FD2] =	sst s25  }
0xac: {  	s5 =	sshll.u32 s26, $0x1;
	_ =	strace $0x8000004C;
	[dreg:$0x1] =	wrdreg $0xFFFFFFFF  }
0xad: {  	s28 =	simm.s32 $_size_execute0_lowered;
	s3 =	sadd.s32 s3, s5;
	[dreg:$0x0] =	wrdreg $0x0  }
0xae: {  	s5 =	sshll.u32 s28, $0x1;
	[dreg:$0x2] =	wrdreg s3  }
0xaf: {  	[dreg:$0x3] =	wrdreg s5  }
0xb0: {  	[dreg:$0x4] =	wrdreg $0xC0  }
0xb1: {  	_ =	task [dreg:s7], $0x5FFFF  }
0xb2: {  	[dreg:$0x1] =	wrdreg $0xFFFFFFFF  }
0xb3: {  	[dreg:$0x0] =	wrdreg $0x60  }
0xb4: {  	[dreg:$0x2] =	wrdreg s16  }
0xb5: {  	[dreg:$0x3] =	wrdreg s24  }
0xb6: {  	[dreg:$0x4] =	wrdreg $0x9  }
0xb7: {  	_ =	task.clear_ibuf [dreg:s7], $0x5FFFF;
	_ =	strace $0x9000004C  }
0xb8: {  	s29 =	simm.s32 $0x9;
	_ =	strace $0x8000004E  }
0xb9: {  	_ =	swait.ge [sflag:s29], $0x1  }
0xba: {  	[sflag:s29] =	ssyncadd.s32 $0xFFFFFFFF  }
0xbb: {  	_ =	strace $0x9000004E  }
0xbc: {  	_ =	sfence  }
0xbd: {  	s30 =	sld [smem:$0x0];
	_ =	sdelay $0x2  }
0xbe: {  	s31 =	sshll.u32 s1, $0xD;
	s1 =	sshrl.u32 s1, $0x2  }
0xbf: {  	s3 =	sand.u32 $0x4000, s31;
	s1 =	sadd.s32 s1, s30  }
0xc0: {  	s0 =	sor.u32 s3, s0;
	s1 =	sshll.u32 s1, $0x11  }
0xc1: {  	s0 =	sor.u32 s1, s0  }
0xc2: {  	s0 =	sadd.s32 $0x8F2B, s0  }
0xc3: {  	[sflag:s0] =	ssyncadd.remote.s32 $0x1  }
0xc4: {  	_ =	sfence.sel $0xFFFF  }
0xc5: {  	[dreg:$0x0] =	wrdreg $0xFFFFFFFF;
	(pc) =	sbr.abs _section_cstart, $3  }
0xc6: {  	[dreg:$0x1] =	wrdreg $0xFFFFFFFF  }
0xc7: {  	_ =	task.clear_ibuf [dreg:s7], $0x2FFFF;
	_ =	strace $0x9FFFFFFF  }
0xc8: {  	(tm) =	ssettm $0x7FFFFFFF  }
0xc9: {  	_ =	shalt  }
tec
execute0_lowered:
.L_overlay_start_1:
0x0: {  	(tag) =	ssettag $0x1  }
0x1: {  	s1 =	srdreg.scid  }
0x2: {  	s2 =	rddreg [dreg:$0x0];
	s0 =	stileid.u32;
	s14 =	sand.u32 $0x1, s1  }
0x3: {  	s8 =	rddreg [dreg:$0x1];
	s4 =	sshll.u32 s0, $0xA;
	s5 =	sshll.u32 s14, $0x9  }
0x4: {  	s3 =	simm.s32 $0x0;
	s1 =	rddreg [dreg:$0x2];
	s13 =	sor.u32 s5, s4  }
0x5: {  	[smem:$0x7FF] =	sst s3;
	s15 =	sadd.s32 $0x13600, s8;
	s4 =	sshrl.u32 s13, $0x3  }
0x6: {  	_ =	strace $0x8000004D;
	s5 =	sadd.s32 s15, s4;
	s4 =	simm.s32 $0x2  }
0x7: {  	[tilespmem:s3], [sflag:$0x2] =	stream.linear.gather [hbm4b:s5+s3], $0x80, $0x38;
	[tilespmem:$0x4880] =	vst v63  }
0x8: {  	_ =	swait.ge [sflag:s4], $0x80  }
0x9: {  	[sflag:s4] =	ssyncset.done $0x0  }
0xa: {  	s6 =	simm.s32 $0x80;
	s7 =	simm.s32 $0x1;
	[sflag:s4] =	ssyncadd.s32 $0xFFFFFF80  }
0xb: {  	[tilespmem:s6], [sflag:$0x1] =	stream.indirect.gather [hbm4b:s2+s6], $0x90, s3, s6, $0xb8;
	[tilespmem:$0x4880] =	vst v63  }
0xc: {  	s9 =	smul.u32 $0x12, s13;
	_ =	swait.ge [sflag:s7], $0x4800  }
0xd: {  	s16 =	sadd.s32 $0x13E00, s8;
	[sflag:s7] =	ssyncset.done $0x0  }
0xe: {  	s8 =	sadd.s32 s16, s9;
	[sflag:s7] =	ssyncadd.s32 $0xFFFFB800  }
0xf: {  	[hbm4b:s8+s3] =	stream.linear.scatter [tilespmem:s6], [sflag:$0x2], $0x4800, $0x38;
	[tilespmem:$0x4880] =	vst v63  }
0x10: {  	s10 =	sor.u32 $0x80, s13;
	_ =	swait.ge [sflag:s4], $0x4800  }
0x11: {  	s30 =	sshrl.u32 s10, $0x3;
	[sflag:s4] =	ssyncset.done $0x0  }
0x12: {  	s9 =	sadd.s32 s15, s30;
	[sflag:s4] =	ssyncadd.s32 $0xFFFFB800  }
0x13: {  	[tilespmem:s3], [sflag:$0x2] =	stream.linear.gather [hbm4b:s9+s3], $0x80, $0x38;
	[tilespmem:$0x4880] =	vst v63  }
0x14: {  	_ =	swait.ge [sflag:s4], $0x80  }
0x15: {  	[sflag:s4] =	ssyncset.done $0x0  }
0x16: {  	[sflag:s4] =	ssyncadd.s32 $0xFFFFFF80  }
0x17: {  	[tilespmem:s6], [sflag:$0x1] =	stream.indirect.gather [hbm4b:s2+s6], $0x90, s3, s6, $0xb8;
	[tilespmem:$0x4880] =	vst v63  }
0x18: {  	s10 =	smul.u32 $0x12, s10;
	_ =	swait.ge [sflag:s7], $0x4800  }
0x19: {  	[sflag:s7] =	ssyncset.done $0x0  }
0x1a: {  	s10 =	sadd.s32 s16, s10;
	[sflag:s7] =	ssyncadd.s32 $0xFFFFB800  }
0x1b: {  	[hbm4b:s10+s3] =	stream.linear.scatter [tilespmem:s6], [sflag:$0x2], $0x4800, $0x38;
	[tilespmem:$0x4880] =	vst v63  }
0x1c: {  	s12 =	sor.u32 $0x100, s13;
	_ =	swait.ge [sflag:s4], $0x4800  }
0x1d: {  	s11 =	sshrl.u32 s12, $0x3;
	[sflag:s4] =	ssyncset.done $0x0  }
0x1e: {  	s11 =	sadd.s32 s15, s11;
	[sflag:s4] =	ssyncadd.s32 $0xFFFFB800  }
0x1f: {  	[tilespmem:s3], [sflag:$0x2] =	stream.linear.gather [hbm4b:s11+s3], $0x80, $0x38;
	[tilespmem:$0x4880] =	vst v63  }
0x20: {  	_ =	swait.ge [sflag:s4], $0x80  }
0x21: {  	[sflag:s4] =	ssyncset.done $0x0  }
0x22: {  	[sflag:s4] =	ssyncadd.s32 $0xFFFFFF80  }
0x23: {  	[tilespmem:s6], [sflag:$0x1] =	stream.indirect.gather [hbm4b:s2+s6], $0x90, s3, s6, $0xb8;
	[tilespmem:$0x4880] =	vst v63  }
0x24: {  	s12 =	smul.u32 $0x12, s12;
	_ =	swait.ge [sflag:s7], $0x4800  }
0x25: {  	[sflag:s7] =	ssyncset.done $0x0  }
0x26: {  	s12 =	sadd.s32 s16, s12;
	[sflag:s7] =	ssyncadd.s32 $0xFFFFB800  }
0x27: {  	[hbm4b:s12+s3] =	stream.linear.scatter [tilespmem:s6], [sflag:$0x2], $0x4800, $0x38;
	[tilespmem:$0x4880] =	vst v63  }
0x28: {  	s17 =	sor.u32 $0x180, s13;
	_ =	swait.ge [sflag:s4], $0x4800  }
0x29: {  	s13 =	sshrl.u32 s17, $0x3;
	[sflag:s4] =	ssyncset.done $0x0  }
0x2a: {  	s14 =	ssub.s32 $0x2, s14;
	s13 =	sadd.s32 s15, s13;
	[sflag:s4] =	ssyncadd.s32 $0xFFFFB800  }
0x2b: {  	[tilespmem:s3], [sflag:$0x2] =	stream.linear.gather [hbm4b:s13+s3], $0x80, $0x38;
	[tilespmem:$0x4880] =	vst v63  }
0x2c: {  	s31 =	sshrl.u32 s14, $0x1;
	_ =	swait.ge [sflag:s4], $0x80  }
0x2d: {  	s15 =	ssub.s32 s14, s31;
	[sflag:s4] =	ssyncset.done $0x0  }
0x2e: {  	s15 =	smax.u32 s15, $0x1;
	[sflag:s4] =	ssyncadd.s32 $0xFFFFFF80  }
0x2f: {  	[tilespmem:s6], [sflag:$0x1] =	stream.indirect.gather [hbm4b:s2+s6], $0x90, s3, s6, $0xb8;
	[tilespmem:$0x4880] =	vst v63  }
0x30: {  	s17 =	smul.u32 $0x12, s17;
	p0 =	sne.s32 s15, $0x1;
	_ =	swait.ge [sflag:s7], $0x4800  }
.Ltmp0:
0x31: {  	[sflag:s7] =	ssyncset.done $0x0;
	(pc) =	sbr.rel @!p0 .LBB2_2-.Ltmp0, $4  }
0x32: {  	s14 =	sadd.s32 s16, s17;
	[sflag:s7] =	ssyncadd.s32 $0xFFFFB800  }
0x33: {  	[hbm4b:s14+s3] =	stream.linear.scatter [tilespmem:s6], [sflag:$0x2], $0x4800, $0x38;
	[tilespmem:$0x4880] =	vst v63  }
0x34: {  	_ =	swait.ge [sflag:s4], $0x4800  }
0x35: {  	s15 =	sadd.s32 $0xFFFFFFFF, s15;
	[sflag:s4] =	ssyncset.done $0x0  }
.LBB2_1:
0x36: {  	p0 =	sne.s32 s15, $0x1;
	s15 =	sadd.s32 $0xFFFFFFFF, s15;
	[sflag:s4] =	ssyncadd.s32 $0xFFFFB800  }
0x37: {  	[tilespmem:s3], [sflag:$0x2] =	stream.linear.gather [hbm4b:s5+s3], $0x80, $0x38;
	[tilespmem:$0x4880] =	vst v63  }
0x38: {  	_ =	swait.ge [sflag:s4], $0x80  }
0x39: {  	[sflag:s4] =	ssyncset.done $0x0  }
0x3a: {  	[sflag:s4] =	ssyncadd.s32 $0xFFFFFF80  }
0x3b: {  	[tilespmem:s6], [sflag:$0x1] =	stream.indirect.gather [hbm4b:s2+s6], $0x90, s3, s6, $0xb8;
	[tilespmem:$0x4880] =	vst v63  }
0x3c: {  	_ =	swait.ge [sflag:s7], $0x4800  }
0x3d: {  	[sflag:s7] =	ssyncset.done $0x0  }
0x3e: {  	[sflag:s7] =	ssyncadd.s32 $0xFFFFB800  }
0x3f: {  	[hbm4b:s8+s3] =	stream.linear.scatter [tilespmem:s6], [sflag:$0x2], $0x4800, $0x38;
	[tilespmem:$0x4880] =	vst v63  }
0x40: {  	_ =	swait.ge [sflag:s4], $0x4800  }
0x41: {  	[sflag:s4] =	ssyncset.done $0x0  }
0x42: {  	[sflag:s4] =	ssyncadd.s32 $0xFFFFB800  }
0x43: {  	[tilespmem:s3], [sflag:$0x2] =	stream.linear.gather [hbm4b:s9+s3], $0x80, $0x38;
	[tilespmem:$0x4880] =	vst v63  }
0x44: {  	_ =	swait.ge [sflag:s4], $0x80  }
0x45: {  	[sflag:s4] =	ssyncset.done $0x0  }
0x46: {  	[sflag:s4] =	ssyncadd.s32 $0xFFFFFF80  }
0x47: {  	[tilespmem:s6], [sflag:$0x1] =	stream.indirect.gather [hbm4b:s2+s6], $0x90, s3, s6, $0xb8;
	[tilespmem:$0x4880] =	vst v63  }
0x48: {  	_ =	swait.ge [sflag:s7], $0x4800  }
0x49: {  	[sflag:s7] =	ssyncset.done $0x0  }
0x4a: {  	[sflag:s7] =	ssyncadd.s32 $0xFFFFB800  }
0x4b: {  	[hbm4b:s10+s3] =	stream.linear.scatter [tilespmem:s6], [sflag:$0x2], $0x4800, $0x38;
	[tilespmem:$0x4880] =	vst v63  }
0x4c: {  	_ =	swait.ge [sflag:s4], $0x4800  }
0x4d: {  	[sflag:s4] =	ssyncset.done $0x0  }
0x4e: {  	[sflag:s4] =	ssyncadd.s32 $0xFFFFB800  }
0x4f: {  	[tilespmem:s3], [sflag:$0x2] =	stream.linear.gather [hbm4b:s11+s3], $0x80, $0x38;
	[tilespmem:$0x4880] =	vst v63  }
0x50: {  	_ =	swait.ge [sflag:s4], $0x80  }
0x51: {  	[sflag:s4] =	ssyncset.done $0x0  }
0x52: {  	[sflag:s4] =	ssyncadd.s32 $0xFFFFFF80  }
0x53: {  	[tilespmem:s6], [sflag:$0x1] =	stream.indirect.gather [hbm4b:s2+s6], $0x90, s3, s6, $0xb8;
	[tilespmem:$0x4880] =	vst v63  }
0x54: {  	_ =	swait.ge [sflag:s7], $0x4800  }
0x55: {  	[sflag:s7] =	ssyncset.done $0x0  }
0x56: {  	[sflag:s7] =	ssyncadd.s32 $0xFFFFB800  }
0x57: {  	[hbm4b:s12+s3] =	stream.linear.scatter [tilespmem:s6], [sflag:$0x2], $0x4800, $0x38;
	[tilespmem:$0x4880] =	vst v63  }
0x58: {  	_ =	swait.ge [sflag:s4], $0x4800  }
0x59: {  	[sflag:s4] =	ssyncset.done $0x0  }
0x5a: {  	[sflag:s4] =	ssyncadd.s32 $0xFFFFB800  }
0x5b: {  	[tilespmem:s3], [sflag:$0x2] =	stream.linear.gather [hbm4b:s13+s3], $0x80, $0x38;
	[tilespmem:$0x4880] =	vst v63  }
0x5c: {  	_ =	swait.ge [sflag:s4], $0x80  }
0x5d: {  	[sflag:s4] =	ssyncset.done $0x0  }
0x5e: {  	[sflag:s4] =	ssyncadd.s32 $0xFFFFFF80  }
0x5f: {  	[tilespmem:s6], [sflag:$0x1] =	stream.indirect.gather [hbm4b:s2+s6], $0x90, s3, s6, $0xb8;
	[tilespmem:$0x4880] =	vst v63  }
0x60: {  	_ =	swait.ge [sflag:s7], $0x4800  }
.Ltmp1:
0x61: {  	[sflag:s7] =	ssyncset.done $0x0;
	(pc) =	sbr.rel @p0 .LBB2_1-.Ltmp1, $4  }
0x62: {  	[sflag:s7] =	ssyncadd.s32 $0xFFFFB800  }
0x63: {  	[hbm4b:s14+s3] =	stream.linear.scatter [tilespmem:s6], [sflag:$0x2], $0x4800, $0x38;
	[tilespmem:$0x4880] =	vst v63  }
0x64: {  	_ =	swait.ge [sflag:s4], $0x4800  }
0x65: {  	[sflag:s4] =	ssyncset.done $0x0  }
.LBB2_2:
0x66: {  	[sflag:s4] =	ssyncadd.s32 $0xFFFFB800  }
0x67: {  	_ =	sfence.sel $0x180000  }
0x68: {  	[bflag:$0x0] =	sbarrier.arrive $0xFFFF  }
0x69: {  	p0 =	sne.s32 s0, $0x0;
	_ =	strace $0x9000004D  }
0x6a: {  	s0 =	sadd.s32 @!p0 $0x100000, s1;
	[bflag:$0x2] =	sbarrier.arrive $0xFFFF  }
0x6b: {  	[sflag:s0] =	ssyncadd.tile.s32 @!p0 $0x1;
	_ =	shalt  }
.Lfunc_end2:
_tile_overlayer_lowered:
.L_overlay_start_2:
0x6c: {  	(tag) =	ssettag $0x2  }
0x6d: {  	s0 =	rddreg [dreg:$0x0];
	s2 =	stileid.u32  }
0x6e: {  	s1 =	rddreg [dreg:$0x1];
	p0 =	sne.s32 s2, $0x0  }
0x6f: {  	s3 =	rddreg [dreg:$0x2];
	[bflag:$0x3] =	sbarrier.arrive $0xFFFF;
	s2 =	simm.s32 @!p0 $0x1C02  }
0x70: {  	[timem:s3], [sflag:s2] =	dma.local @!p0 [hbm:s0], s1  }
0x71: {  	s0 =	simm.s32 @!p0 $0x2  }
0x72: {  	_ =	swait.ge @!p0 [sflag:s0], s1  }
0x73: {  	s1 =	ssub.s32 @!p0 $0x0, s1;
	[sflag:s0] =	ssyncset.done @!p0 $0x0  }
0x74: {  	[sflag:s0] =	ssyncadd.s32 @!p0 s1  }
0x75: {  	[bflag:$0x3] =	sbarrier.arrive $0xFFFF  }
0x76: {  	_ =	shalt  }

// kernel: kernel.27.cloned.1.call-start
scs
__scs_entry_jumppad:
0x0: {  	(pc) =	sbr.rel $0x88, $3  }
0x1: {  	(tag) =	ssettag $0x0;
	lr =	simm.s32 $0x1  }
0x2: {  	[smem:$0x3F64] =	sst lr;
	_ =	strace $0xD0000000  }
0x3: {  	_ = 	snop  }
0x4: {  	_ = 	snop  }
0x5: {  	_ = 	snop  }
0x6: {  	_ = 	snop  }
0x7: {  	_ = 	snop  }
__scs_overlays_trampoline_lowered:
0x8: {  	[smem:$0x3F73] =	sst s0  }
0x9: {  	[smem:$0x3F74] =	sst s1  }
0xa: {  	[smem:$0x3F75] =	sst s2  }
0xb: {  	[smem:$0x3F76] =	sst s3  }
0xc: {  	[smem:$0x3F77] =	sst s4  }
0xd: {  	[smem:$0x3F78] =	sst s5  }
0xe: {  	[smem:$0x3F79] =	sst s6  }
0xf: {  	[smem:$0x3F7A] =	sst s7  }
0x10: {  	[smem:$0x3F7B] =	sst s8  }
0x11: {  	[smem:$0x3F7C] =	sst s9;
	s0 =	simm.s32 @!p0 $0x0  }
0x12: {  	s1 =	sld [smem:$0x3F62];
	s0 =	simm.s32 @p0 $0x1  }
0x13: {  	[smem:$0x3F7D] =	sst s0;
	s0 =	simm.s32 @!p1 $0x0  }
0x14: {  	s2 =	sld [smem:$0x3F61];
	s0 =	simm.s32 @p1 $0x1  }
0x15: {  	[smem:$0x3F7E] =	sst s0;
	s0 =	simm.s32 @!p2 $0x0  }
0x16: {  	s3 =	sld [smem:$0x3FDB];
	s0 =	simm.s32 @p2 $0x1  }
0x17: {  	s4 =	simm.s32 $0x1BF5;
	[smem:$0x3F80] =	sst s0  }
0x18: {  	s0 =	sld [smem:$0x3F63];
	_ =	swait.ge [sflag:s4], $0x0  }
0x19: {  	s7 =	sld [smem:$0x3F64]  }
0x1a: {  	s8 =	sadd.s32 $0xFFFFE003, lr  }
0x1b: {  	s9 =	sadd.s32 $0xFFFFFEF7, lr;
	s5 =	simm.s32 $0xFFFFFFFF;
	p2 =	slt.u32 s8, $0xFFFFF086  }
0x1c: {  	p1 =	slt.u32 s9, $0xF7A;
	s5 =	simm.s32 @!p2 $0x0  }
0x1d: {  	s5 =	simm.s32 @p1 $0x1;
	p0 =	seq.s32 s7, s2  }
0x1e: {  	s7 =	smul.u32 @!p0 $0xF7A, s2;
	p2 =	seq.s32 @!p0 s5, $0x0  }
0x1f: {  	s9 =	smul.u32 $0xF7A, s1;
	s8 =	simm.s32 @!p0 $0x1BF5;
	p2 =	por !p2, p0  }
0x20: {  	[sflag:s8] =	ssyncset.s32 @!p0 $0xFFFFF086;
	s6 =	sadd.s32 @!p0 s3, s7;
	s7 =	simm.s32 @!p0 $0x108  }
0x21: {  	s3 =	sadd.s32 s3, s9;
	s6 =	sadd.s32 @!p0 $0x88, s6;
	s7 =	simm.s32 @p2 $0x1082  }
0x22: {  	[simem:s7], [sflag:s8] =	dma.local @!p0 [hbm:s6], $0xF7A  }
0x23: {  	s9 =	sor.u32 $0xD0000000, s2;
	s6 =	simm.s32 $0x108;
	_ =	swait.ge @!p0 [sflag:s8], $0x0  }
0x24: {  	s3 =	sadd.s32 $0x88, s3;
	s6 =	simm.s32 @!p1 $0x1082;
	[sflag:s4] =	ssyncset.s32 $0xFFFFF086  }
0x25: {  	[simem:s6], [sflag:s4] =	dma.local [hbm:s3], $0xF7A  }
0x26: {  	[smem:$0x3F64] =	sst s1;
	(tag) =	ssettag s2;
	_ =	strace s9  }
0x27: {  	s1 =	sld [smem:$0x3F74]  }
0x28: {  	s2 =	sld [smem:$0x3F75]  }
0x29: {  	s4 =	sld [smem:$0x3F77]  }
0x2a: {  	p0 =	seq.s32 s5, $0x0;
	s5 =	sld [smem:$0x3F78]  }
0x2b: {  	s6 =	sld [smem:$0x3F79]  }
0x2c: {  	s7 =	sld [smem:$0x3F7A]  }
0x2d: {  	s3 =	simm.s32 $0x108;
	s8 =	sld [smem:$0x3F7B]  }
0x2e: {  	s3 =	simm.s32 @!p0 $0x1082;
	s9 =	sld [smem:$0x3F7C]  }
0x2f: {  	lr =	sadd.s32 s0, s3;
	s0 =	sld [smem:$0x3F73]  }
0x30: {  	s3 =	sld [smem:$0x3F76]  }
0x31: {  	[smem:$0x3F7F] =	sst s10  }
0x32: {  	s10 =	sld [smem:$0x3F7D];
	_ =	sdelay $0x3  }
0x33: {  	p0 =	seq.s32 s10, $0x1;
	s10 =	sld [smem:$0x3F7F];
	_ =	sdelay $0x3  }
0x34: {  	[smem:$0x3F7F] =	sst s10  }
0x35: {  	s10 =	sld [smem:$0x3F7E];
	_ =	sdelay $0x3  }
0x36: {  	p1 =	seq.s32 s10, $0x1;
	s10 =	sld [smem:$0x3F7F];
	_ =	sdelay $0x3  }
0x37: {  	[smem:$0x3F7F] =	sst s10  }
0x38: {  	s10 =	sld [smem:$0x3F80]  }
0x39: {  	_ = 	snop;
	(pc) =	sbr.ind lr, $3  }
0x3a: {  	_ = 	snop  }
0x3b: {  	_ = 	snop  }
0x3c: {  	p2 =	seq.s32 s10, $0x1;
	s10 =	sld [smem:$0x3F7F]  }
0x3d: {  	_ =	shalt  }
0x3e: {  	_ =	shalt  }
0x3f: {  	_ =	shalt  }
0x40: {  	_ =	shalt  }
0x41: {  	_ =	shalt  }
0x42: {  	_ =	shalt  }
0x43: {  	_ =	shalt  }
0x44: {  	_ =	shalt  }
0x45: {  	_ =	shalt  }
0x46: {  	_ =	shalt  }
0x47: {  	_ =	shalt  }
0x48: {  	_ =	shalt  }
0x49: {  	_ =	shalt  }
0x4a: {  	_ =	shalt  }
0x4b: {  	_ =	shalt  }
0x4c: {  	_ =	shalt  }
0x4d: {  	_ =	shalt  }
0x4e: {  	_ =	shalt  }
0x4f: {  	_ =	shalt  }
0x50: {  	_ =	shalt  }
0x51: {  	_ =	shalt  }
0x52: {  	_ =	shalt  }
0x53: {  	_ =	shalt  }
0x54: {  	_ =	shalt  }
0x55: {  	_ =	shalt  }
0x56: {  	_ =	shalt  }
0x57: {  	_ =	shalt  }
0x58: {  	_ =	shalt  }
0x59: {  	_ =	shalt  }
0x5a: {  	_ =	shalt  }
0x5b: {  	_ =	shalt  }
0x5c: {  	_ =	shalt  }
0x5d: {  	_ =	shalt  }
0x5e: {  	_ =	shalt  }
0x5f: {  	_ =	shalt  }
0x60: {  	_ =	shalt  }
0x61: {  	_ =	shalt  }
0x62: {  	_ =	shalt  }
0x63: {  	_ =	shalt  }
0x64: {  	_ =	shalt  }
0x65: {  	_ =	shalt  }
0x66: {  	_ =	shalt  }
0x67: {  	_ =	shalt  }
0x68: {  	_ =	shalt  }
0x69: {  	_ =	shalt  }
0x6a: {  	_ =	shalt  }
0x6b: {  	_ =	shalt  }
0x6c: {  	_ =	shalt  }
0x6d: {  	_ =	shalt  }
0x6e: {  	_ =	shalt  }
0x6f: {  	_ =	shalt  }
0x70: {  	_ =	shalt  }
0x71: {  	_ =	shalt  }
0x72: {  	_ =	shalt  }
0x73: {  	_ =	shalt  }
0x74: {  	_ =	shalt  }
0x75: {  	_ =	shalt  }
0x76: {  	_ =	shalt  }
0x77: {  	_ =	shalt  }
0x78: {  	_ =	shalt  }
0x79: {  	_ =	shalt  }
0x7a: {  	_ =	shalt  }
0x7b: {  	_ =	shalt  }
0x7c: {  	_ =	shalt  }
0x7d: {  	_ =	shalt  }
0x7e: {  	_ =	shalt  }
0x7f: {  	_ =	shalt  }
0x80: {  	_ =	shalt  }
0x81: {  	_ =	shalt  }
0x82: {  	_ =	shalt  }
0x83: {  	_ =	shalt  }
0x84: {  	_ =	shalt  }
0x85: {  	_ =	shalt  }
0x86: {  	_ =	shalt  }
0x87: {  	_ =	shalt  }
.Lfunc_end0:
.L_simem_size_0:
called_computation.3_lowered:
.L_overlay_start_0:
0x88: {  	s2 =	sld [smem:$0x3FD9]  }
0x89: {  	s3 =	sld [smem:$0x3FFE];
	_ =	sdelay $0x1  }
0x8a: {  	s1 =	srdreg.scid  }
0x8b: {  	s0 =	sand.u32 $0x1, s1  }
0x8c: {  	s14 =	sshll.u32 s0, $0xA;
	s2 =	sadd.s32 s3, s2  }
0x8d: {  	s2 =	sadd.s32 s2, s14  }
0x8e: {  	[smem:$0x3F8B] =	sst s2  }
0x8f: {  	_ = 	snop  }
0x90: {  	s2 =	sld [smem:$0x3FD0];
	_ =	sdelay $0x2  }
0x91: {  	s15 =	simm.s32 $0xA;
	s4 =	simm.s32 $0x10  }
0x92: {  	[smem:s4], [sflag:s15] =	dma.local [hbm:s2], $0x1  }
0x93: {  	_ =	swait.eq [sflag:s15], $0x1  }
0x94: {  	[sflag:s15] =	ssyncset.done $0x0  }
0x95: {  	[sflag:s15] =	ssyncadd.s32 $0xFFFFFFFF  }
0x96: {  	s16 =	sld [smem:$0x13];
	(tm) =	ssettm $0x1  }
0x97: {  	s17 =	sld [smem:$0x3FFB];
	_ =	sdelay $0x3  }
0x98: {  	_ =	strace s17  }
0x99: {  	s3 =	sld [smem:$0x3FFC];
	_ =	sdelay $0x3  }
0x9a: {  	_ =	strace s3  }
0x9b: {  	s3 =	sld [smem:$0x3FFD];
	_ =	sdelay $0x3  }
0x9c: {  	_ =	strace s3  }
0x9d: {  	_ =	strace $0x8FFFFFFF  }
0x9e: {  	s18 =	sld [smem:$0x3FDB];
	_ =	sdelay $0x1  }
0x9f: {  	s19 =	simm.s32 $_scs_section_size  }
0xa0: {  	s5 =	simm.s32 $_size__tile_overlayer_lowered;
	s6 =	simm.s32 $_tile_overlayer_lowered  }
0xa1: {  	s22 =	simm.s32 $0x1BFF;
	s21 =	sshll.u32 s6, $0x1;
	s3 =	sadd.s32 s19, s18  }
0xa2: {  	s7 =	simm.s32 $0x0;
	s20 =	sshll.u32 s5, $0x1;
	s5 =	sadd.s32 s21, s3  }
0xa3: {  	[timem:s7], [sflag:s22] =	dma.local [hbm:s5], s20  }
0xa4: {  	_ =	swait.ge [sflag:s22], s20  }
0xa5: {  	s4 =	ssub.s32 $0x0, s20;
	[sflag:s22] =	ssyncset.done $0x0  }
0xa6: {  	[sflag:s22] =	ssyncadd.s32 s4;
	_ =	sdelay $0x1  }
0xa7: {  	s23 =	simm.s32 $0x1B8B  }
0xa8: {  	_ =	swait.ge [sflag:s23], $0x1  }
0xa9: {  	[sflag:s23] =	ssyncset.done $0x0  }
0xaa: {  	s25 =	simm.s32 $0x1B8E;
	s24 =	sld [smem:$0x3FFE];
	[sflag:s23] =	ssyncadd.s32 $0xFFFFFFFF  }
0xab: {  	s26 =	simm.s32 $execute0_lowered;
	[smem:$0x3FD2] =	sst s25  }
0xac: {  	s5 =	sshll.u32 s26, $0x1;
	_ =	strace $0x8000004F;
	[dreg:$0x1] =	wrdreg $0xFFFFFFFF  }
0xad: {  	s28 =	simm.s32 $_size_execute0_lowered;
	s3 =	sadd.s32 s3, s5;
	[dreg:$0x0] =	wrdreg $0x0  }
0xae: {  	s5 =	sshll.u32 s28, $0x1;
	[dreg:$0x2] =	wrdreg s3  }
0xaf: {  	[dreg:$0x3] =	wrdreg s5  }
0xb0: {  	[dreg:$0x4] =	wrdreg $0xC0  }
0xb1: {  	_ =	task [dreg:s7], $0x5FFFF  }
0xb2: {  	[dreg:$0x1] =	wrdreg $0xFFFFFFFF  }
0xb3: {  	[dreg:$0x0] =	wrdreg $0x60  }
0xb4: {  	[dreg:$0x2] =	wrdreg s16  }
0xb5: {  	[dreg:$0x3] =	wrdreg s24  }
0xb6: {  	[dreg:$0x4] =	wrdreg $0x9  }
0xb7: {  	_ =	task.clear_ibuf [dreg:s7], $0x5FFFF;
	_ =	strace $0x9000004F  }
0xb8: {  	s29 =	simm.s32 $0x9;
	_ =	strace $0x80000051  }
0xb9: {  	_ =	swait.ge [sflag:s29], $0x1  }
0xba: {  	[sflag:s29] =	ssyncadd.s32 $0xFFFFFFFF  }
0xbb: {  	_ =	strace $0x90000051  }
0xbc: {  	_ =	sfence  }
0xbd: {  	s30 =	sld [smem:$0x0];
	_ =	sdelay $0x2  }
0xbe: {  	s31 =	sshll.u32 s1, $0xD;
	s1 =	sshrl.u32 s1, $0x2  }
0xbf: {  	s3 =	sand.u32 $0x4000, s31;
	s1 =	sadd.s32 s1, s30  }
0xc0: {  	s0 =	sor.u32 s3, s0;
	s1 =	sshll.u32 s1, $0x11  }
0xc1: {  	s0 =	sor.u32 s1, s0  }
0xc2: {  	s0 =	sadd.s32 $0x8F2B, s0  }
0xc3: {  	[sflag:s0] =	ssyncadd.remote.s32 $0x1  }
0xc4: {  	_ =	sfence.sel $0xFFFF  }
0xc5: {  	[dreg:$0x0] =	wrdreg $0xFFFFFFFF;
	(pc) =	sbr.abs _section_cstart, $3  }
0xc6: {  	[dreg:$0x1] =	wrdreg $0xFFFFFFFF  }
0xc7: {  	_ =	task.clear_ibuf [dreg:s7], $0x2FFFF;
	_ =	strace $0x9FFFFFFF  }
0xc8: {  	(tm) =	ssettm $0x7FFFFFFF  }
0xc9: {  	_ =	shalt  }
tec
execute0_lowered:
.L_overlay_start_1:
0x0: {  	(tag) =	ssettag $0x1  }
0x1: {  	s1 =	srdreg.scid  }
0x2: {  	s2 =	rddreg [dreg:$0x0];
	s0 =	stileid.u32;
	s14 =	sand.u32 $0x1, s1  }
0x3: {  	s8 =	rddreg [dreg:$0x1];
	s4 =	sshll.u32 s0, $0xA;
	s5 =	sshll.u32 s14, $0x9  }
0x4: {  	s3 =	simm.s32 $0x0;
	s1 =	rddreg [dreg:$0x2];
	s13 =	sor.u32 s5, s4  }
0x5: {  	[smem:$0x7FF] =	sst s3;
	s15 =	sadd.s32 $0x9600, s8;
	s4 =	sshrl.u32 s13, $0x3  }
0x6: {  	_ =	strace $0x80000050;
	s5 =	sadd.s32 s15, s4;
	s4 =	simm.s32 $0x2  }
0x7: {  	[tilespmem:s3], [sflag:$0x2] =	stream.linear.gather [hbm4b:s5+s3], $0x80, $0x38;
	[tilespmem:$0x8880] =	vst v63  }
0x8: {  	_ =	swait.ge [sflag:s4], $0x80  }
0x9: {  	[sflag:s4] =	ssyncset.done $0x0  }
0xa: {  	s6 =	simm.s32 $0x80;
	s7 =	simm.s32 $0x1;
	[sflag:s4] =	ssyncadd.s32 $0xFFFFFF80  }
0xb: {  	[tilespmem:s6], [sflag:$0x1] =	stream.indirect.gather [hbm4b:s2+s6], $0x110, s3, s6, $0xb8;
	[tilespmem:$0x8880] =	vst v63  }
0xc: {  	s9 =	smul.u32 $0x22, s13;
	_ =	swait.ge [sflag:s7], $0x8800  }
0xd: {  	s16 =	sadd.s32 $0x9E00, s8;
	[sflag:s7] =	ssyncset.done $0x0  }
0xe: {  	s8 =	sadd.s32 s16, s9;
	[sflag:s7] =	ssyncadd.s32 $0xFFFF7800  }
0xf: {  	[hbm4b:s8+s3] =	stream.linear.scatter [tilespmem:s6], [sflag:$0x2], $0x8800, $0x38;
	[tilespmem:$0x8880] =	vst v63  }
0x10: {  	s10 =	sor.u32 $0x80, s13;
	_ =	swait.ge [sflag:s4], $0x8800  }
0x11: {  	s30 =	sshrl.u32 s10, $0x3;
	[sflag:s4] =	ssyncset.done $0x0  }
0x12: {  	s9 =	sadd.s32 s15, s30;
	[sflag:s4] =	ssyncadd.s32 $0xFFFF7800  }
0x13: {  	[tilespmem:s3], [sflag:$0x2] =	stream.linear.gather [hbm4b:s9+s3], $0x80, $0x38;
	[tilespmem:$0x8880] =	vst v63  }
0x14: {  	_ =	swait.ge [sflag:s4], $0x80  }
0x15: {  	[sflag:s4] =	ssyncset.done $0x0  }
0x16: {  	[sflag:s4] =	ssyncadd.s32 $0xFFFFFF80  }
0x17: {  	[tilespmem:s6], [sflag:$0x1] =	stream.indirect.gather [hbm4b:s2+s6], $0x110, s3, s6, $0xb8;
	[tilespmem:$0x8880] =	vst v63  }
0x18: {  	s10 =	smul.u32 $0x22, s10;
	_ =	swait.ge [sflag:s7], $0x8800  }
0x19: {  	[sflag:s7] =	ssyncset.done $0x0  }
0x1a: {  	s10 =	sadd.s32 s16, s10;
	[sflag:s7] =	ssyncadd.s32 $0xFFFF7800  }
0x1b: {  	[hbm4b:s10+s3] =	stream.linear.scatter [tilespmem:s6], [sflag:$0x2], $0x8800, $0x38;
	[tilespmem:$0x8880] =	vst v63  }
0x1c: {  	s12 =	sor.u32 $0x100, s13;
	_ =	swait.ge [sflag:s4], $0x8800  }
0x1d: {  	s11 =	sshrl.u32 s12, $0x3;
	[sflag:s4] =	ssyncset.done $0x0  }
0x1e: {  	s11 =	sadd.s32 s15, s11;
	[sflag:s4] =	ssyncadd.s32 $0xFFFF7800  }
0x1f: {  	[tilespmem:s3], [sflag:$0x2] =	stream.linear.gather [hbm4b:s11+s3], $0x80, $0x38;
	[tilespmem:$0x8880] =	vst v63  }
0x20: {  	_ =	swait.ge [sflag:s4], $0x80  }
0x21: {  	[sflag:s4] =	ssyncset.done $0x0  }
0x22: {  	[sflag:s4] =	ssyncadd.s32 $0xFFFFFF80  }
0x23: {  	[tilespmem:s6], [sflag:$0x1] =	stream.indirect.gather [hbm4b:s2+s6], $0x110, s3, s6, $0xb8;
	[tilespmem:$0x8880] =	vst v63  }
0x24: {  	s12 =	smul.u32 $0x22, s12;
	_ =	swait.ge [sflag:s7], $0x8800  }
0x25: {  	[sflag:s7] =	ssyncset.done $0x0  }
0x26: {  	s12 =	sadd.s32 s16, s12;
	[sflag:s7] =	ssyncadd.s32 $0xFFFF7800  }
0x27: {  	[hbm4b:s12+s3] =	stream.linear.scatter [tilespmem:s6], [sflag:$0x2], $0x8800, $0x38;
	[tilespmem:$0x8880] =	vst v63  }
0x28: {  	s17 =	sor.u32 $0x180, s13;
	_ =	swait.ge [sflag:s4], $0x8800  }
0x29: {  	s13 =	sshrl.u32 s17, $0x3;
	[sflag:s4] =	ssyncset.done $0x0  }
0x2a: {  	s14 =	ssub.s32 $0x2, s14;
	s13 =	sadd.s32 s15, s13;
	[sflag:s4] =	ssyncadd.s32 $0xFFFF7800  }
0x2b: {  	[tilespmem:s3], [sflag:$0x2] =	stream.linear.gather [hbm4b:s13+s3], $0x80, $0x38;
	[tilespmem:$0x8880] =	vst v63  }
0x2c: {  	s31 =	sshrl.u32 s14, $0x1;
	_ =	swait.ge [sflag:s4], $0x80  }
0x2d: {  	s15 =	ssub.s32 s14, s31;
	[sflag:s4] =	ssyncset.done $0x0  }
0x2e: {  	s15 =	smax.u32 s15, $0x1;
	[sflag:s4] =	ssyncadd.s32 $0xFFFFFF80  }
0x2f: {  	[tilespmem:s6], [sflag:$0x1] =	stream.indirect.gather [hbm4b:s2+s6], $0x110, s3, s6, $0xb8;
	[tilespmem:$0x8880] =	vst v63  }
0x30: {  	s17 =	smul.u32 $0x22, s17;
	p0 =	sne.s32 s15, $0x1;
	_ =	swait.ge [sflag:s7], $0x8800  }
.Ltmp0:
0x31: {  	[sflag:s7] =	ssyncset.done $0x0;
	(pc) =	sbr.rel @!p0 .LBB2_2-.Ltmp0, $4  }
0x32: {  	s14 =	sadd.s32 s16, s17;
	[sflag:s7] =	ssyncadd.s32 $0xFFFF7800  }
0x33: {  	[hbm4b:s14+s3] =	stream.linear.scatter [tilespmem:s6], [sflag:$0x2], $0x8800, $0x38;
	[tilespmem:$0x8880] =	vst v63  }
0x34: {  	_ =	swait.ge [sflag:s4], $0x8800  }
0x35: {  	s15 =	sadd.s32 $0xFFFFFFFF, s15;
	[sflag:s4] =	ssyncset.done $0x0  }
.LBB2_1:
0x36: {  	p0 =	sne.s32 s15, $0x1;
	s15 =	sadd.s32 $0xFFFFFFFF, s15;
	[sflag:s4] =	ssyncadd.s32 $0xFFFF7800  }
0x37: {  	[tilespmem:s3], [sflag:$0x2] =	stream.linear.gather [hbm4b:s5+s3], $0x80, $0x38;
	[tilespmem:$0x8880] =	vst v63  }
0x38: {  	_ =	swait.ge [sflag:s4], $0x80  }
0x39: {  	[sflag:s4] =	ssyncset.done $0x0  }
0x3a: {  	[sflag:s4] =	ssyncadd.s32 $0xFFFFFF80  }
0x3b: {  	[tilespmem:s6], [sflag:$0x1] =	stream.indirect.gather [hbm4b:s2+s6], $0x110, s3, s6, $0xb8;
	[tilespmem:$0x8880] =	vst v63  }
0x3c: {  	_ =	swait.ge [sflag:s7], $0x8800  }
0x3d: {  	[sflag:s7] =	ssyncset.done $0x0  }
0x3e: {  	[sflag:s7] =	ssyncadd.s32 $0xFFFF7800  }
0x3f: {  	[hbm4b:s8+s3] =	stream.linear.scatter [tilespmem:s6], [sflag:$0x2], $0x8800, $0x38;
	[tilespmem:$0x8880] =	vst v63  }
0x40: {  	_ =	swait.ge [sflag:s4], $0x8800  }
0x41: {  	[sflag:s4] =	ssyncset.done $0x0  }
0x42: {  	[sflag:s4] =	ssyncadd.s32 $0xFFFF7800  }
0x43: {  	[tilespmem:s3], [sflag:$0x2] =	stream.linear.gather [hbm4b:s9+s3], $0x80, $0x38;
	[tilespmem:$0x8880] =	vst v63  }
0x44: {  	_ =	swait.ge [sflag:s4], $0x80  }
0x45: {  	[sflag:s4] =	ssyncset.done $0x0  }
0x46: {  	[sflag:s4] =	ssyncadd.s32 $0xFFFFFF80  }
0x47: {  	[tilespmem:s6], [sflag:$0x1] =	stream.indirect.gather [hbm4b:s2+s6], $0x110, s3, s6, $0xb8;
	[tilespmem:$0x8880] =	vst v63  }
0x48: {  	_ =	swait.ge [sflag:s7], $0x8800  }
0x49: {  	[sflag:s7] =	ssyncset.done $0x0  }
0x4a: {  	[sflag:s7] =	ssyncadd.s32 $0xFFFF7800  }
0x4b: {  	[hbm4b:s10+s3] =	stream.linear.scatter [tilespmem:s6], [sflag:$0x2], $0x8800, $0x38;
	[tilespmem:$0x8880] =	vst v63  }
0x4c: {  	_ =	swait.ge [sflag:s4], $0x8800  }
0x4d: {  	[sflag:s4] =	ssyncset.done $0x0  }
0x4e: {  	[sflag:s4] =	ssyncadd.s32 $0xFFFF7800  }
0x4f: {  	[tilespmem:s3], [sflag:$0x2] =	stream.linear.gather [hbm4b:s11+s3], $0x80, $0x38;
	[tilespmem:$0x8880] =	vst v63  }
0x50: {  	_ =	swait.ge [sflag:s4], $0x80  }
0x51: {  	[sflag:s4] =	ssyncset.done $0x0  }
0x52: {  	[sflag:s4] =	ssyncadd.s32 $0xFFFFFF80  }
0x53: {  	[tilespmem:s6], [sflag:$0x1] =	stream.indirect.gather [hbm4b:s2+s6], $0x110, s3, s6, $0xb8;
	[tilespmem:$0x8880] =	vst v63  }
0x54: {  	_ =	swait.ge [sflag:s7], $0x8800  }
0x55: {  	[sflag:s7] =	ssyncset.done $0x0  }
0x56: {  	[sflag:s7] =	ssyncadd.s32 $0xFFFF7800  }
0x57: {  	[hbm4b:s12+s3] =	stream.linear.scatter [tilespmem:s6], [sflag:$0x2], $0x8800, $0x38;
	[tilespmem:$0x8880] =	vst v63  }
0x58: {  	_ =	swait.ge [sflag:s4], $0x8800  }
0x59: {  	[sflag:s4] =	ssyncset.done $0x0  }
0x5a: {  	[sflag:s4] =	ssyncadd.s32 $0xFFFF7800  }
0x5b: {  	[tilespmem:s3], [sflag:$0x2] =	stream.linear.gather [hbm4b:s13+s3], $0x80, $0x38;
	[tilespmem:$0x8880] =	vst v63  }
0x5c: {  	_ =	swait.ge [sflag:s4], $0x80  }
0x5d: {  	[sflag:s4] =	ssyncset.done $0x0  }
0x5e: {  	[sflag:s4] =	ssyncadd.s32 $0xFFFFFF80  }
0x5f: {  	[tilespmem:s6], [sflag:$0x1] =	stream.indirect.gather [hbm4b:s2+s6], $0x110, s3, s6, $0xb8;
	[tilespmem:$0x8880] =	vst v63  }
0x60: {  	_ =	swait.ge [sflag:s7], $0x8800  }
.Ltmp1:
0x61: {  	[sflag:s7] =	ssyncset.done $0x0;
	(pc) =	sbr.rel @p0 .LBB2_1-.Ltmp1, $4  }
0x62: {  	[sflag:s7] =	ssyncadd.s32 $0xFFFF7800  }
0x63: {  	[hbm4b:s14+s3] =	stream.linear.scatter [tilespmem:s6], [sflag:$0x2], $0x8800, $0x38;
	[tilespmem:$0x8880] =	vst v63  }
0x64: {  	_ =	swait.ge [sflag:s4], $0x8800  }
0x65: {  	[sflag:s4] =	ssyncset.done $0x0  }
.LBB2_2:
0x66: {  	[sflag:s4] =	ssyncadd.s32 $0xFFFF7800  }
0x67: {  	_ =	sfence.sel $0x180000  }
0x68: {  	[bflag:$0x0] =	sbarrier.arrive $0xFFFF  }
0x69: {  	p0 =	sne.s32 s0, $0x0;
	_ =	strace $0x90000050  }
0x6a: {  	s0 =	sadd.s32 @!p0 $0x100000, s1;
	[bflag:$0x2] =	sbarrier.arrive $0xFFFF  }
0x6b: {  	[sflag:s0] =	ssyncadd.tile.s32 @!p0 $0x1;
	_ =	shalt  }
.Lfunc_end2:
_tile_overlayer_lowered:
.L_overlay_start_2:
0x6c: {  	(tag) =	ssettag $0x2  }
0x6d: {  	s0 =	rddreg [dreg:$0x0];
	s2 =	stileid.u32  }
0x6e: {  	s1 =	rddreg [dreg:$0x1];
	p0 =	sne.s32 s2, $0x0  }
0x6f: {  	s3 =	rddreg [dreg:$0x2];
	[bflag:$0x3] =	sbarrier.arrive $0xFFFF;
	s2 =	simm.s32 @!p0 $0x1C02  }
0x70: {  	[timem:s3], [sflag:s2] =	dma.local @!p0 [hbm:s0], s1  }
0x71: {  	s0 =	simm.s32 @!p0 $0x2  }
0x72: {  	_ =	swait.ge @!p0 [sflag:s0], s1  }
0x73: {  	s1 =	ssub.s32 @!p0 $0x0, s1;
	[sflag:s0] =	ssyncset.done @!p0 $0x0  }
0x74: {  	[sflag:s0] =	ssyncadd.s32 @!p0 s1  }
0x75: {  	[bflag:$0x3] =	sbarrier.arrive $0xFFFF  }
0x76: {  	_ =	shalt  }

</sc_bundles>
